<compile_context>
chip_gen: v7x
topology: tpu7x:2x2x1
jax: 0.10.2.dev20260603
libtpu: 0.0.44.dev20260713+nightly
codegen_flags: <defaults>
</compile_context>

<pallas_src>
import functools

import jax
import jax.numpy as jnp
from jax import lax
from jax.experimental import pallas as pl
from jax.experimental.pallas import tpu as pltpu
from jax.experimental.pallas import tpu_sc as plsc

G = 128
C_CH = 12800
K = 128
SA = 2048
NC = 2
NS = 16


def _ceil_to(x, m):
    return ((x + m - 1) // m) * m


def _vgather(x, idx):
    dnums = lax.GatherDimensionNumbers(
        offset_dims=(), collapsed_slice_dims=(0,), start_index_map=(0,))
    return lax.gather(x, idx[:, None], dnums, (1,),
                      mode=lax.GatherScatterMode.PROMISE_IN_BOUNDS)


def _make_deg(eall, hsz):
    ept = eall // (NC * NS)
    nstrips = ept // SA
    mesh = plsc.VectorSubcoreMesh(core_axis_name="c", subcore_axis_name="s")

    def body(dstall, part, hist, dstage):
        c = lax.axis_index("c")
        s = lax.axis_index("s")
        wid = s * NC + c
        z16 = jnp.zeros((16,), jnp.float32)

        def zb(i, _):
            hist[pl.ds(i * 16, 16)] = z16
            return 0

        lax.fori_loop(0, hsz // 16, zb, 0)
        io = lax.iota(jnp.int32, 16)

        def strip(st, _):
            pltpu.sync_copy(dstall.at[pl.ds(wid * ept + st * SA, SA)], dstage)

            def bb(b, _):
                d = dstage[pl.ds(b * 16, 16)]
                sd = jnp.sort(d)
                prev = _vgather(sd, jnp.maximum(io - 1, 0))
                nxt = _vgather(sd, jnp.minimum(io + 1, 15))
                first = (io == 0) | (sd != prev)
                last = (io == 15) | (sd != nxt)
                startpos = plsc.cummax(jnp.where(first, io, 0))
                cnt = (io + 1 - startpos).astype(jnp.float32)
                plsc.addupdate_scatter(hist, [sd], cnt, mask=last)
                return 0

            lax.fori_loop(0, SA // 16, bb, 0)
            return 0

        lax.fori_loop(0, nstrips, strip, 0)
        pltpu.sync_copy(hist, part.at[wid])

    return pl.kernel(
        body,
        out_type=jax.ShapeDtypeStruct((NC * NS, hsz), jnp.float32),
        mesh=mesh,
        compiler_params=pltpu.CompilerParams(needs_layout_passes=False),
        scratch_types=[
            pltpu.VMEM((hsz,), jnp.float32),
            pltpu.VMEM((SA,), jnp.int32),
        ],
    )


def _make_dinv(hsz, nrows):
    rows = nrows // (NC * NS)
    mesh = plsc.VectorSubcoreMesh(core_axis_name="c", subcore_axis_name="s")

    def body(part, dinv, acc, tbuf):
        c = lax.axis_index("c")
        s = lax.axis_index("s")
        wid = s * NC + c
        base = wid * rows
        pltpu.sync_copy(part.at[0, pl.ds(base, rows)], acc)
        for t in range(1, NC * NS):
            pltpu.sync_copy(part.at[t, pl.ds(base, rows)], tbuf)

            def ab(i, _):
                sl = pl.ds(i * 16, 16)
                acc[sl] = acc[sl] + tbuf[sl]
                return 0

            lax.fori_loop(0, rows // 16, ab, 0)

        def db(i, _):
            sl = pl.ds(i * 16, 16)
            deg = acc[sl] + 1.0
            ih = jnp.int32(0x5F3759DF) - (plsc.bitcast(deg, jnp.int32) >> 1)
            y = plsc.bitcast(ih, jnp.float32)
            y = y * (1.5 - 0.5 * deg * y * y)
            y = y * (1.5 - 0.5 * deg * y * y)
            y = y * (1.5 - 0.5 * deg * y * y)
            acc[sl] = y
            return 0

        lax.fori_loop(0, rows // 16, db, 0)
        pltpu.sync_copy(acc, dinv.at[pl.ds(base, rows)])

    return pl.kernel(
        body,
        out_type=jax.ShapeDtypeStruct((nrows,), jnp.float32),
        mesh=mesh,
        compiler_params=pltpu.CompilerParams(needs_layout_passes=False),
        scratch_types=[
            pltpu.VMEM((rows,), jnp.float32),
            pltpu.VMEM((rows,), jnp.float32),
        ],
    )


def _make_agg(eall, h, npass, nrows_out):
    etc = eall // NS
    nstrips = etc // SA
    rows_pt = C_CH // NS
    mesh = plsc.VectorSubcoreMesh(core_axis_name="c", subcore_axis_name="s")

    def body(g, srcall, dstall, out, acc, dstage, sstage, srcbuf,
             offbuf, stage, sem):
        c = lax.axis_index("c")
        s = lax.axis_index("s")
        io = lax.iota(jnp.int32, 16)
        zv = jnp.zeros((16,), jnp.float32)

        def ploop(p, _):
            lo = (NC * p + c) * C_CH

            def zb(i, _):
                stage[i >> 3, pl.ds((i & 7) * 16, 16)] = zv
                return 0

            lax.fori_loop(0, K * (h // 16), zb, 0)
            nfull = rows_pt // K
            for j in range(nfull):
                pltpu.sync_copy(stage, acc.at[pl.ds(s * rows_pt + j * K, K)])
            tail = rows_pt - nfull * K
            if tail:
                pltpu.sync_copy(stage.at[pl.ds(0, tail)],
                                acc.at[pl.ds(s * rows_pt + nfull * K, tail)])

            @pl.when(s == 0)
            def _():
                pltpu.sync_copy(stage.at[pl.ds(0, 16)], acc.at[pl.ds(C_CH, 16)])

            plsc.subcore_barrier()

            def strip(st, _):
                ebase = s * etc + st * SA
                pltpu.sync_copy(dstall.at[pl.ds(ebase, SA)], dstage)
                pltpu.sync_copy(srcall.at[pl.ds(ebase, SA)], sstage)

                def sb(b, nacc):
                    d = dstage[pl.ds(b * 16, 16)]
                    sv = sstage[pl.ds(b * 16, 16)]
                    m = (d >= lo) & (d < lo + C_CH)
                    mi = m.astype(jnp.int32)
                    cs = plsc.cumsum(mi)
                    pos = nacc + cs - 1
                    plsc.store_scatter(srcbuf, [pos], sv, mask=m)
                    plsc.store_scatter(offbuf, [pos], d - lo, mask=m)
                    return nacc + jnp.sum(mi)

                nmatch = lax.fori_loop(0, SA // 16, sb, jnp.int32(0))
                nb = (nmatch + (K - 1)) // K
                safe = io * 64 + (s * NC + c) * 16
                for j in range(K // 16):
                    pp = nmatch + j * 16 + io
                    pm = pp < nb * K
                    plsc.store_scatter(offbuf, [pp], C_CH + io, mask=pm)
                    plsc.store_scatter(srcbuf, [pp], safe, mask=pm)

                def drain(j, _):
                    cp = pltpu.async_copy(
                        g.at[srcbuf.at[pl.ds(j * K, K)]], stage, sem)
                    cp.wait()
                    pltpu.sync_copy(stage,
                                    acc.at[offbuf.at[pl.ds(j * K, K)]],
                                    add=True)
                    return 0

                lax.fori_loop(0, nb, drain, 0)
                return 0

            lax.fori_loop(0, nstrips, strip, 0)

            plsc.subcore_barrier()
            pltpu.sync_copy(acc.at[pl.ds(s * rows_pt, rows_pt)],
                            out.at[pl.ds(lo + s * rows_pt, rows_pt)])
            plsc.subcore_barrier()
            return 0

        lax.fori_loop(0, npass, ploop, 0)

    return pl.kernel(
        body,
        out_type=jax.ShapeDtypeStruct((nrows_out, h), jnp.float32),
        mesh=mesh,
        compiler_params=pltpu.CompilerParams(needs_layout_passes=False),
        scratch_types=[
            pltpu.VMEM_SHARED((C_CH + 16, h), jnp.float32),
            pltpu.VMEM((SA,), jnp.int32),
            pltpu.VMEM((SA,), jnp.int32),
            pltpu.VMEM((SA,), jnp.int32),
            pltpu.VMEM((SA,), jnp.int32),
            pltpu.VMEM((K, h), jnp.float32),
            pltpu.SemaphoreType.DMA,
        ],
    )


def _g1_body(x_ref, w_ref, dinv_ref, o_ref):
    hm = jnp.dot(x_ref[...], w_ref[...], preferred_element_type=jnp.float32)
    o_ref[...] = hm * dinv_ref[...]


def _y1g2_body(agg_ref, g1_ref, dinv_ref, b1_ref, w2_ref, o_ref):
    dv = dinv_ref[...]
    y1 = jnp.maximum(dv * (agg_ref[...] + g1_ref[...]) + b1_ref[...], 0.0)
    o_ref[...] = jnp.dot(y1, w2_ref[...],
                         preferred_element_type=jnp.float32) * dv


def _make_pool(r, h, gsplit):
    def body(agg_ref, g2_ref, dinv_ref, b2_ref, batch_ref, pooled_ref,
             cnt_ref):
        i = pl.program_id(0)
        z = dinv_ref[...] * (agg_ref[...] + g2_ref[...]) + b2_ref[...]
        seg = batch_ref[...] + jnp.where(i >= gsplit, G, 0)
        oh = (seg == lax.broadcasted_iota(jnp.int32, (1, 2 * G), 1)
              ).astype(jnp.float32)
        ps = lax.dot_general(oh, z, (((0,), (0,)), ((), ())),
                             preferred_element_type=jnp.float32)
        cs = lax.dot_general(oh, jnp.ones((r, 8), jnp.float32),
                             (((0,), (0,)), ((), ())),
                             preferred_element_type=jnp.float32)

        @pl.when(i == 0)
        def _():
            pooled_ref[...] = ps
            cnt_ref[...] = cs

        @pl.when(i > 0)
        def _():
            pooled_ref[...] = pooled_ref[...] + ps
            cnt_ref[...] = cnt_ref[...] + cs

    return body


def _mlp_body(pooled_ref, cnt_ref, wl1_ref, bl1_ref, wl2_ref, bl2_ref, o_ref):
    cnt = jnp.maximum(cnt_ref[...][:, 0:1], 1.0)
    emb = pooled_ref[...] / cnt
    comb = jnp.concatenate([emb[0:G], emb[G:2 * G]], axis=1)
    hm = jnp.maximum(
        jnp.dot(comb, wl1_ref[...], preferred_element_type=jnp.float32)
        + bl1_ref[...], 0.0)
    o_ref[...] = (jnp.dot(hm, wl2_ref[...], preferred_element_type=jnp.float32)
                  + bl2_ref[...])


def kernel(x1, edge_index1, batch1, x2, edge_index2, batch2,
           Wc1, bc1, Wc2, bc2, Wl1, bl1, Wl2, bl2):
    n = x1.shape[0]
    e = edge_index1.shape[1]
    h = Wc1.shape[1]
    n2 = 2 * n
    npass = -(-n2 // (NC * C_CH))
    nrows_out = npass * NC * C_CH
    padv = nrows_out
    hsz = padv + 16
    epad = _ceil_to(e, NC * NS * SA)

    padlen = epad - e
    padsrc = (jnp.arange(padlen, dtype=jnp.int32) * 37) % n
    paddst = jnp.full((padlen,), padv, jnp.int32)
    srcall = jnp.concatenate(
        [edge_index1[0], padsrc, edge_index2[0] + n, padsrc + n])
    dstall = jnp.concatenate(
        [edge_index1[1], paddst, edge_index2[1] + n, paddst])
    xcat = jnp.pad(jnp.concatenate([x1, x2], 0), ((0, 0), (0, 2)))
    wc1p = jnp.pad(Wc1, ((0, 2), (0, 0)))
    batchcat = jnp.concatenate([batch1, batch2]).reshape(n2, 1)
    bc1r = bc1.reshape(1, h)
    bc2r = bc2.reshape(1, h)
    bl1r = bl1.reshape(1, h)
    bl2r = bl2.reshape(1, 1)

    part = _make_deg(2 * epad, hsz)(dstall)
    dinv = _make_dinv(hsz, nrows_out)(part).reshape(nrows_out, 1)

    r = 1000
    nblk = n2 // r
    g1 = pl.pallas_call(
        _g1_body,
        grid=(nblk,),
        in_specs=[
            pl.BlockSpec((r, 8), lambda i: (i, 0)),
            pl.BlockSpec((8, h), lambda i: (0, 0)),
            pl.BlockSpec((r, 1), lambda i: (i, 0)),
        ],
        out_specs=pl.BlockSpec((r, h), lambda i: (i, 0)),
        out_shape=jax.ShapeDtypeStruct((n2, h), jnp.float32),
    )(xcat, wc1p, dinv)

    agg_fn = _make_agg(2 * epad, h, npass, nrows_out)
    agg1 = agg_fn(g1, srcall, dstall)

    g2 = pl.pallas_call(
        _y1g2_body,
        grid=(nblk,),
        in_specs=[
            pl.BlockSpec((r, h), lambda i: (i, 0)),
            pl.BlockSpec((r, h), lambda i: (i, 0)),
            pl.BlockSpec((r, 1), lambda i: (i, 0)),
            pl.BlockSpec((1, h), lambda i: (0, 0)),
            pl.BlockSpec((h, h), lambda i: (0, 0)),
        ],
        out_specs=pl.BlockSpec((r, h), lambda i: (i, 0)),
        out_shape=jax.ShapeDtypeStruct((n2, h), jnp.float32),
    )(agg1, g1, dinv, bc1r, Wc2)

    agg2 = agg_fn(g2, srcall, dstall)

    pooled, cnt = pl.pallas_call(
        _make_pool(r, h, n // r),
        grid=(nblk,),
        in_specs=[
            pl.BlockSpec((r, h), lambda i: (i, 0)),
            pl.BlockSpec((r, h), lambda i: (i, 0)),
            pl.BlockSpec((r, 1), lambda i: (i, 0)),
            pl.BlockSpec((1, h), lambda i: (0, 0)),
            pl.BlockSpec((r, 1), lambda i: (i, 0)),
        ],
        out_specs=[
            pl.BlockSpec((2 * G, h), lambda i: (0, 0)),
            pl.BlockSpec((2 * G, 8), lambda i: (0, 0)),
        ],
        out_shape=[
            jax.ShapeDtypeStruct((2 * G, h), jnp.float32),
            jax.ShapeDtypeStruct((2 * G, 8), jnp.float32),
        ],
    )(agg2, g2, dinv, bc2r, batchcat)

    out = pl.pallas_call(
        _mlp_body,
        grid=(1,),
        in_specs=[
            pl.BlockSpec((2 * G, h), lambda i: (0, 0)),
            pl.BlockSpec((2 * G, 8), lambda i: (0, 0)),
            pl.BlockSpec((2 * h, h), lambda i: (0, 0)),
            pl.BlockSpec((1, h), lambda i: (0, 0)),
            pl.BlockSpec((h, 1), lambda i: (0, 0)),
            pl.BlockSpec((1, 1), lambda i: (0, 0)),
        ],
        out_specs=pl.BlockSpec((G, 1), lambda i: (0, 0)),
        out_shape=jax.ShapeDtypeStruct((G, 1), jnp.float32),
    )(pooled, cnt, Wl1, bl1r, Wl2, bl2r)
    return out

# --- scband reference (transcript-rebuilt; emitter-appended) ---
"""Pipeline reference for scband-interaction-predictor-84000970375719 (READ-ONLY COPY).

The authoritative reference and input builder live on the scoring server;
editing this copy changes nothing except your own understanding.
"""

import jax, jax.numpy as jnp
import numpy as np

N = 50000
E = 800000
G = 128
H = 128


def _gcn_conv(x, src, dst, W, b, n_nodes):
    loop = jnp.arange(n_nodes, dtype=src.dtype)
    s = jnp.concatenate([src, loop])
    d = jnp.concatenate([dst, loop])
    deg = jnp.zeros((n_nodes,), jnp.float32).at[d].add(1.0)
    dinv = jnp.where(deg > 0, jax.lax.rsqrt(jnp.maximum(deg, 1e-12)), 0.0)
    norm = dinv[s] * dinv[d]
    h = x @ W
    msg = h[s] * norm[:, None]
    out = jnp.zeros((n_nodes, W.shape[1]), jnp.float32).at[d].add(msg)
    return out + b


def _encoder(x, edge_index, batch, Wc1, bc1, Wc2, bc2):
    src, dst = edge_index[0], edge_index[1]
    n = x.shape[0]
    h = _gcn_conv(x, src, dst, Wc1, bc1, n)
    h = jax.nn.relu(h)
    h = _gcn_conv(h, src, dst, Wc2, bc2, n)
    s = jax.ops.segment_sum(h, batch, num_segments=G)
    cnt = jax.ops.segment_sum(jnp.ones((n,), jnp.float32), batch, num_segments=G)
    return s / jnp.maximum(cnt, 1.0)[:, None]


def setup_inputs(seed: int = 0):
    key = jax.random.key(seed)
    ks = jax.random.split(key, 14)
    inp = {}
    inp['x1'] = jax.random.normal(ks[0], (N, 6), jnp.float32)
    inp['edge_index1'] = jax.random.randint(ks[1], (2, E), 0, N, jnp.int32)
    inp['batch1'] = jnp.sort(jax.random.randint(ks[2], (N,), 0, G, jnp.int32))
    inp['x2'] = jax.random.normal(ks[3], (N, 6), jnp.float32)
    inp['edge_index2'] = jax.random.randint(ks[4], (2, E), 0, N, jnp.int32)
    inp['batch2'] = jnp.sort(jax.random.randint(ks[5], (N,), 0, G, jnp.int32))
    inp['Wc1'] = jax.random.normal(ks[6], (6, H), jnp.float32) * 0.3
    inp['bc1'] = jnp.zeros((H,), jnp.float32)
    inp['Wc2'] = jax.random.normal(ks[7], (H, H), jnp.float32) * (1.0 / np.sqrt(H))
    inp['bc2'] = jnp.zeros((H,), jnp.float32)
    inp['Wl1'] = jax.random.normal(ks[8], (2 * H, H), jnp.float32) * (1.0 / np.sqrt(2 * H))
    inp['bl1'] = jnp.zeros((H,), jnp.float32)
    inp['Wl2'] = jax.random.normal(ks[9], (H, 1), jnp.float32) * (1.0 / np.sqrt(H))
    inp['bl2'] = jnp.zeros((1,), jnp.float32)
    return inp


def reference(x1, edge_index1, batch1, x2, edge_index2, batch2, Wc1, bc1, Wc2, bc2, Wl1, bl1, Wl2, bl2):
    emb1 = _encoder(x1, edge_index1, batch1, Wc1, bc1, Wc2, bc2)
    emb2 = _encoder(x2, edge_index2, batch2, Wc1, bc1, Wc2, bc2)
    combined = jnp.concatenate([emb1, emb2], axis=1)
    h = jax.nn.relu(combined @ Wl1 + bl1)
    out = h @ Wl2 + bl2
    return out

if __name__ == "__main__":
    import jax
    _d = setup_inputs()
    print(jax.jit(kernel)(*tuple(_d.values())))

</pallas_src>

<mosaic_0001>
#map = affine_map<(d0, d1) -> (0, 0)>
#map1 = affine_map<(d0, d1) -> (0)>
module attributes {stable_mosaic.version = 14 : i64} {
  func.func @body(%arg0: i32, %arg1: i32, %arg2: memref<100000x128xf32, #tpu.memory_space<hbm>>, %arg3: memref<1703936xi32, #tpu.memory_space<hbm>>, %arg4: memref<1703936xi32, #tpu.memory_space<hbm>>, %arg5: memref<102400x128xf32, #tpu.memory_space<hbm>>, %arg6: memref<12816x128xf32, #tpu.memory_space<vmem_shared>>, %arg7: memref<2048xi32, #tpu.memory_space<vmem>>, %arg8: memref<2048xi32, #tpu.memory_space<vmem>>, %arg9: memref<2048xi32, #tpu.memory_space<vmem>>, %arg10: memref<2048xi32, #tpu.memory_space<vmem>>, %arg11: memref<128x128xf32, #tpu.memory_space<vmem>>, %arg12: memref<!tpu.dma_semaphore, #tpu.memory_space<semaphore_mem>>) attributes {dimension_semantics = [#tpu.dimension_semantics<core_parallel>, #tpu.dimension_semantics<subcore_parallel>], iteration_bounds = array<i64: 2, 16>, scalar_prefetch = 0 : i64, scratch_operands = 7 : i64, tpu.core_type = #tpu.core_type<sc_vector_subcore>, window_params = [{transform_indices = #map}, {transform_indices = #map1}, {transform_indices = #map1}, {transform_indices = #map}]} {
    %iota3A = tpu.iota {dimensions = array<i32: 0>} : vector<16xi32>
    %broadcast_in_dim3A = arith.constant 0.000000e+00 : f32
    %broadcast_in_dim3A_0 = vector.broadcast %broadcast_in_dim3A : f32 to vector<16xf32>
    %scan3A = arith.constant 0 : i32
    %scan3A_1 = arith.constant 0 : i32
    %scan3A_2 = arith.constant 4 : i32
    %scan3A_3 = arith.addi %scan3A_1, %scan3A_2 : i32
    %scan3A_4 = arith.constant 1 : i32
    %scan3A_5 = scf.for %scan3A_7 = %scan3A_1 to %scan3A_3 step %scan3A_4 iter_args(%scan3A_8 = %scan3A) -> (i32)  : i32 {
      %mul3A = arith.constant 2 : i32
      %mul3A_9 = arith.muli %mul3A, %scan3A_7 : i32
      %add3A = arith.addi %mul3A_9, %arg0 : i32
      %mul3A_10 = arith.constant 12800 : i32
      %mul3A_11 = arith.muli %add3A, %mul3A_10 : i32
      %scan3A_12 = arith.constant 0 : i32
      %scan3A_13 = arith.constant 0 : i32
      %scan3A_14 = arith.constant 1024 : i32
      %scan3A_15 = arith.addi %scan3A_13, %scan3A_14 : i32
      %scan3A_16 = arith.constant 1 : i32
      %scan3A_17 = scf.for %scan3A_64 = %scan3A_13 to %scan3A_15 step %scan3A_16 iter_args(%scan3A_65 = %scan3A_12) -> (i32)  : i32 {
        %shift_right_arithmetic3A = arith.constant 3 : i32
        %shift_right_arithmetic3A_66 = arith.shrsi %scan3A_64, %shift_right_arithmetic3A : i32
        %and3A = arith.constant 7 : i32
        %and3A_67 = arith.andi %scan3A_64, %and3A : i32
        %mul3A_68 = arith.constant 16 : i32
        %mul3A_69 = arith.muli %and3A_67, %mul3A_68 : i32
        %swap3A = arith.index_cast %shift_right_arithmetic3A_66 : i32 to index
        %swap3A_70 = arith.index_cast %mul3A_69 : i32 to index
        %swap3A_71 = tpu.vector_load %arg11[%swap3A, %swap3A_70] {strides = array<i32>} : memref<128x128xf32, #tpu.memory_space<vmem>>, vector<16xf32>,
        tpu.vector_store %arg11[%swap3A, %swap3A_70], %broadcast_in_dim3A_0 {strides = array<i32>} : memref<128x128xf32, #tpu.memory_space<vmem>>, vector<16xf32>,
        %scan3A_72 = arith.constant 0 : i32
        scf.yield %scan3A_72 : i32
      }
      %scan3A_18 = arith.constant 1024 : i32
      %mul3A_19 = arith.constant 800 : i32
      %mul3A_20 = arith.muli %arg1, %mul3A_19 : i32
      %add3A_21 = arith.constant 0 : i32
      %add3A_22 = arith.addi %mul3A_20, %add3A_21 : i32
      "tpu.region"() ({
        %run_scoped3A = tpu.sem_alloc : memref<!tpu.dma_semaphore, #tpu.memory_space<semaphore_mem>>
        %dma_start3A = arith.constant 0 : i32
        %dma_start3A_64 = tpu.memref_slice %arg6[%add3A_22, %dma_start3A] : memref<12816x128xf32, #tpu.memory_space<vmem_shared>> -> memref<128x128xf32, #tpu.memory_space<vmem_shared>>
        %dma_start3A_65 = arith.constant 0 : i32
        %dma_start3A_66 = tpu.memref_slice %arg6[%add3A_22, %dma_start3A_65] : memref<12816x128xf32, #tpu.memory_space<vmem_shared>> -> memref<128x128xf32, #tpu.memory_space<vmem_shared>>
        tpu.enqueue_dma source(%arg11 : memref<128x128xf32, #tpu.memory_space<vmem>>) target(%dma_start3A_66 : memref<128x128xf32, #tpu.memory_space<vmem_shared>>) target_semaphore(%run_scoped3A : memref<!tpu.dma_semaphore, #tpu.memory_space<semaphore_mem>>)
        %dma_wait3A = arith.constant 0 : i32
        %dma_wait3A_67 = tpu.memref_slice %arg6[%add3A_22, %dma_wait3A] : memref<12816x128xf32, #tpu.memory_space<vmem_shared>> -> memref<128x128xf32, #tpu.memory_space<vmem_shared>>
        %dma_wait3A_68 = arith.constant 0 : i32
        %dma_wait3A_69 = tpu.memref_slice %arg6[%add3A_22, %dma_wait3A_68] : memref<12816x128xf32, #tpu.memory_space<vmem_shared>> -> memref<128x128xf32, #tpu.memory_space<vmem_shared>>
        tpu.wait_dma2 semaphore(%run_scoped3A : memref<!tpu.dma_semaphore, #tpu.memory_space<semaphore_mem>>) src(%arg11 : memref<128x128xf32, #tpu.memory_space<vmem>>) dst(%dma_wait3A_69 : memref<128x128xf32, #tpu.memory_space<vmem_shared>>)
        tpu.yield
      }) : () -> ()
      %mul3A_23 = arith.constant 800 : i32
      %mul3A_24 = arith.muli %arg1, %mul3A_23 : i32
      %add3A_25 = arith.constant 128 : i32
      %add3A_26 = arith.addi %mul3A_24, %add3A_25 : i32
      "tpu.region"() ({
        %run_scoped3A = tpu.sem_alloc : memref<!tpu.dma_semaphore, #tpu.memory_space<semaphore_mem>>
        %dma_start3A = arith.constant 0 : i32
        %dma_start3A_64 = tpu.memref_slice %arg6[%add3A_26, %dma_start3A] : memref<12816x128xf32, #tpu.memory_space<vmem_shared>> -> memref<128x128xf32, #tpu.memory_space<vmem_shared>>
        %dma_start3A_65 = arith.constant 0 : i32
        %dma_start3A_66 = tpu.memref_slice %arg6[%add3A_26, %dma_start3A_65] : memref<12816x128xf32, #tpu.memory_space<vmem_shared>> -> memref<128x128xf32, #tpu.memory_space<vmem_shared>>
        tpu.enqueue_dma source(%arg11 : memref<128x128xf32, #tpu.memory_space<vmem>>) target(%dma_start3A_66 : memref<128x128xf32, #tpu.memory_space<vmem_shared>>) target_semaphore(%run_scoped3A : memref<!tpu.dma_semaphore, #tpu.memory_space<semaphore_mem>>)
        %dma_wait3A = arith.constant 0 : i32
        %dma_wait3A_67 = tpu.memref_slice %arg6[%add3A_26, %dma_wait3A] : memref<12816x128xf32, #tpu.memory_space<vmem_shared>> -> memref<128x128xf32, #tpu.memory_space<vmem_shared>>
        %dma_wait3A_68 = arith.constant 0 : i32
        %dma_wait3A_69 = tpu.memref_slice %arg6[%add3A_26, %dma_wait3A_68] : memref<12816x128xf32, #tpu.memory_space<vmem_shared>> -> memref<128x128xf32, #tpu.memory_space<vmem_shared>>
        tpu.wait_dma2 semaphore(%run_scoped3A : memref<!tpu.dma_semaphore, #tpu.memory_space<semaphore_mem>>) src(%arg11 : memref<128x128xf32, #tpu.memory_space<vmem>>) dst(%dma_wait3A_69 : memref<128x128xf32, #tpu.memory_space<vmem_shared>>)
        tpu.yield
      }) : () -> ()
      %mul3A_27 = arith.constant 800 : i32
      %mul3A_28 = arith.muli %arg1, %mul3A_27 : i32
      %add3A_29 = arith.constant 256 : i32
      %add3A_30 = arith.addi %mul3A_28, %add3A_29 : i32
      "tpu.region"() ({
        %run_scoped3A = tpu.sem_alloc : memref<!tpu.dma_semaphore, #tpu.memory_space<semaphore_mem>>
        %dma_start3A = arith.constant 0 : i32
        %dma_start3A_64 = tpu.memref_slice %arg6[%add3A_30, %dma_start3A] : memref<12816x128xf32, #tpu.memory_space<vmem_shared>> -> memref<128x128xf32, #tpu.memory_space<vmem_shared>>
        %dma_start3A_65 = arith.constant 0 : i32
        %dma_start3A_66 = tpu.memref_slice %arg6[%add3A_30, %dma_start3A_65] : memref<12816x128xf32, #tpu.memory_space<vmem_shared>> -> memref<128x128xf32, #tpu.memory_space<vmem_shared>>
        tpu.enqueue_dma source(%arg11 : memref<128x128xf32, #tpu.memory_space<vmem>>) target(%dma_start3A_66 : memref<128x128xf32, #tpu.memory_space<vmem_shared>>) target_semaphore(%run_scoped3A : memref<!tpu.dma_semaphore, #tpu.memory_space<semaphore_mem>>)
        %dma_wait3A = arith.constant 0 : i32
        %dma_wait3A_67 = tpu.memref_slice %arg6[%add3A_30, %dma_wait3A] : memref<12816x128xf32, #tpu.memory_space<vmem_shared>> -> memref<128x128xf32, #tpu.memory_space<vmem_shared>>
        %dma_wait3A_68 = arith.constant 0 : i32
        %dma_wait3A_69 = tpu.memref_slice %arg6[%add3A_30, %dma_wait3A_68] : memref<12816x128xf32, #tpu.memory_space<vmem_shared>> -> memref<128x128xf32, #tpu.memory_space<vmem_shared>>
        tpu.wait_dma2 semaphore(%run_scoped3A : memref<!tpu.dma_semaphore, #tpu.memory_space<semaphore_mem>>) src(%arg11 : memref<128x128xf32, #tpu.memory_space<vmem>>) dst(%dma_wait3A_69 : memref<128x128xf32, #tpu.memory_space<vmem_shared>>)
        tpu.yield
      }) : () -> ()
      %mul3A_31 = arith.constant 800 : i32
      %mul3A_32 = arith.muli %arg1, %mul3A_31 : i32
      %add3A_33 = arith.constant 384 : i32
      %add3A_34 = arith.addi %mul3A_32, %add3A_33 : i32
      "tpu.region"() ({
        %run_scoped3A = tpu.sem_alloc : memref<!tpu.dma_semaphore, #tpu.memory_space<semaphore_mem>>
        %dma_start3A = arith.constant 0 : i32
        %dma_start3A_64 = tpu.memref_slice %arg6[%add3A_34, %dma_start3A] : memref<12816x128xf32, #tpu.memory_space<vmem_shared>> -> memref<128x128xf32, #tpu.memory_space<vmem_shared>>
        %dma_start3A_65 = arith.constant 0 : i32
        %dma_start3A_66 = tpu.memref_slice %arg6[%add3A_34, %dma_start3A_65] : memref<12816x128xf32, #tpu.memory_space<vmem_shared>> -> memref<128x128xf32, #tpu.memory_space<vmem_shared>>
        tpu.enqueue_dma source(%arg11 : memref<128x128xf32, #tpu.memory_space<vmem>>) target(%dma_start3A_66 : memref<128x128xf32, #tpu.memory_space<vmem_shared>>) target_semaphore(%run_scoped3A : memref<!tpu.dma_semaphore, #tpu.memory_space<semaphore_mem>>)
        %dma_wait3A = arith.constant 0 : i32
        %dma_wait3A_67 = tpu.memref_slice %arg6[%add3A_34, %dma_wait3A] : memref<12816x128xf32, #tpu.memory_space<vmem_shared>> -> memref<128x128xf32, #tpu.memory_space<vmem_shared>>
        %dma_wait3A_68 = arith.constant 0 : i32
        %dma_wait3A_69 = tpu.memref_slice %arg6[%add3A_34, %dma_wait3A_68] : memref<12816x128xf32, #tpu.memory_space<vmem_shared>> -> memref<128x128xf32, #tpu.memory_space<vmem_shared>>
        tpu.wait_dma2 semaphore(%run_scoped3A : memref<!tpu.dma_semaphore, #tpu.memory_space<semaphore_mem>>) src(%arg11 : memref<128x128xf32, #tpu.memory_space<vmem>>) dst(%dma_wait3A_69 : memref<128x128xf32, #tpu.memory_space<vmem_shared>>)
        tpu.yield
      }) : () -> ()
      %mul3A_35 = arith.constant 800 : i32
      %mul3A_36 = arith.muli %arg1, %mul3A_35 : i32
      %add3A_37 = arith.constant 512 : i32
      %add3A_38 = arith.addi %mul3A_36, %add3A_37 : i32
      "tpu.region"() ({
        %run_scoped3A = tpu.sem_alloc : memref<!tpu.dma_semaphore, #tpu.memory_space<semaphore_mem>>
        %dma_start3A = arith.constant 0 : i32
        %dma_start3A_64 = tpu.memref_slice %arg6[%add3A_38, %dma_start3A] : memref<12816x128xf32, #tpu.memory_space<vmem_shared>> -> memref<128x128xf32, #tpu.memory_space<vmem_shared>>
        %dma_start3A_65 = arith.constant 0 : i32
        %dma_start3A_66 = tpu.memref_slice %arg6[%add3A_38, %dma_start3A_65] : memref<12816x128xf32, #tpu.memory_space<vmem_shared>> -> memref<128x128xf32, #tpu.memory_space<vmem_shared>>
        tpu.enqueue_dma source(%arg11 : memref<128x128xf32, #tpu.memory_space<vmem>>) target(%dma_start3A_66 : memref<128x128xf32, #tpu.memory_space<vmem_shared>>) target_semaphore(%run_scoped3A : memref<!tpu.dma_semaphore, #tpu.memory_space<semaphore_mem>>)
        %dma_wait3A = arith.constant 0 : i32
        %dma_wait3A_67 = tpu.memref_slice %arg6[%add3A_38, %dma_wait3A] : memref<12816x128xf32, #tpu.memory_space<vmem_shared>> -> memref<128x128xf32, #tpu.memory_space<vmem_shared>>
        %dma_wait3A_68 = arith.constant 0 : i32
        %dma_wait3A_69 = tpu.memref_slice %arg6[%add3A_38, %dma_wait3A_68] : memref<12816x128xf32, #tpu.memory_space<vmem_shared>> -> memref<128x128xf32, #tpu.memory_space<vmem_shared>>
        tpu.wait_dma2 semaphore(%run_scoped3A : memref<!tpu.dma_semaphore, #tpu.memory_space<semaphore_mem>>) src(%arg11 : memref<128x128xf32, #tpu.memory_space<vmem>>) dst(%dma_wait3A_69 : memref<128x128xf32, #tpu.memory_space<vmem_shared>>)
        tpu.yield
      }) : () -> ()
      %mul3A_39 = arith.constant 800 : i32
      %mul3A_40 = arith.muli %arg1, %mul3A_39 : i32
      %add3A_41 = arith.constant 640 : i32
      %add3A_42 = arith.addi %mul3A_40, %add3A_41 : i32
      "tpu.region"() ({
        %run_scoped3A = tpu.sem_alloc : memref<!tpu.dma_semaphore, #tpu.memory_space<semaphore_mem>>
        %dma_start3A = arith.constant 0 : i32
        %dma_start3A_64 = tpu.memref_slice %arg6[%add3A_42, %dma_start3A] : memref<12816x128xf32, #tpu.memory_space<vmem_shared>> -> memref<128x128xf32, #tpu.memory_space<vmem_shared>>
        %dma_start3A_65 = arith.constant 0 : i32
        %dma_start3A_66 = tpu.memref_slice %arg6[%add3A_42, %dma_start3A_65] : memref<12816x128xf32, #tpu.memory_space<vmem_shared>> -> memref<128x128xf32, #tpu.memory_space<vmem_shared>>
        tpu.enqueue_dma source(%arg11 : memref<128x128xf32, #tpu.memory_space<vmem>>) target(%dma_start3A_66 : memref<128x128xf32, #tpu.memory_space<vmem_shared>>) target_semaphore(%run_scoped3A : memref<!tpu.dma_semaphore, #tpu.memory_space<semaphore_mem>>)
        %dma_wait3A = arith.constant 0 : i32
        %dma_wait3A_67 = tpu.memref_slice %arg6[%add3A_42, %dma_wait3A] : memref<12816x128xf32, #tpu.memory_space<vmem_shared>> -> memref<128x128xf32, #tpu.memory_space<vmem_shared>>
        %dma_wait3A_68 = arith.constant 0 : i32
        %dma_wait3A_69 = tpu.memref_slice %arg6[%add3A_42, %dma_wait3A_68] : memref<12816x128xf32, #tpu.memory_space<vmem_shared>> -> memref<128x128xf32, #tpu.memory_space<vmem_shared>>
        tpu.wait_dma2 semaphore(%run_scoped3A : memref<!tpu.dma_semaphore, #tpu.memory_space<semaphore_mem>>) src(%arg11 : memref<128x128xf32, #tpu.memory_space<vmem>>) dst(%dma_wait3A_69 : memref<128x128xf32, #tpu.memory_space<vmem_shared>>)
        tpu.yield
      }) : () -> ()
      %mul3A_43 = arith.constant 800 : i32
      %mul3A_44 = arith.muli %arg1, %mul3A_43 : i32
      %add3A_45 = arith.constant 768 : i32
      %add3A_46 = arith.addi %mul3A_44, %add3A_45 : i32
      "tpu.region"() ({
        %run_scoped3A = tpu.sem_alloc : memref<!tpu.dma_semaphore, #tpu.memory_space<semaphore_mem>>
        %dma_start3A = arith.constant 0 : i32
        %dma_start3A_64 = arith.constant 0 : i32
        %dma_start3A_65 = tpu.memref_slice %arg11[%dma_start3A, %dma_start3A_64] : memref<128x128xf32, #tpu.memory_space<vmem>> -> memref<32x128xf32, #tpu.memory_space<vmem>>
        %dma_start3A_66 = arith.constant 0 : i32
        %dma_start3A_67 = tpu.memref_slice %arg6[%add3A_46, %dma_start3A_66] : memref<12816x128xf32, #tpu.memory_space<vmem_shared>> -> memref<32x128xf32, #tpu.memory_space<vmem_shared>>
        %dma_start3A_68 = arith.constant 0 : i32
        %dma_start3A_69 = tpu.memref_slice %arg6[%add3A_46, %dma_start3A_68] : memref<12816x128xf32, #tpu.memory_space<vmem_shared>> -> memref<32x128xf32, #tpu.memory_space<vmem_shared>>
        %dma_start3A_70 = arith.constant 0 : i32
        %dma_start3A_71 = arith.constant 0 : i32
        %dma_start3A_72 = tpu.memref_slice %arg11[%dma_start3A_70, %dma_start3A_71] : memref<128x128xf32, #tpu.memory_space<vmem>> -> memref<32x128xf32, #tpu.memory_space<vmem>>
        tpu.enqueue_dma source(%dma_start3A_72 : memref<32x128xf32, #tpu.memory_space<vmem>>) target(%dma_start3A_69 : memref<32x128xf32, #tpu.memory_space<vmem_shared>>) target_semaphore(%run_scoped3A : memref<!tpu.dma_semaphore, #tpu.memory_space<semaphore_mem>>)
        %dma_wait3A = arith.constant 0 : i32
        %dma_wait3A_73 = arith.constant 0 : i32
        %dma_wait3A_74 = tpu.memref_slice %arg11[%dma_wait3A, %dma_wait3A_73] : memref<128x128xf32, #tpu.memory_space<vmem>> -> memref<32x128xf32, #tpu.memory_space<vmem>>
        %dma_wait3A_75 = arith.constant 0 : i32
        %dma_wait3A_76 = tpu.memref_slice %arg6[%add3A_46, %dma_wait3A_75] : memref<12816x128xf32, #tpu.memory_space<vmem_shared>> -> memref<32x128xf32, #tpu.memory_space<vmem_shared>>
        %dma_wait3A_77 = arith.constant 0 : i32
        %dma_wait3A_78 = tpu.memref_slice %arg6[%add3A_46, %dma_wait3A_77] : memref<12816x128xf32, #tpu.memory_space<vmem_shared>> -> memref<32x128xf32, #tpu.memory_space<vmem_shared>>
        %dma_wait3A_79 = arith.constant 0 : i32
        %dma_wait3A_80 = arith.constant 0 : i32
        %dma_wait3A_81 = tpu.memref_slice %arg11[%dma_wait3A_79, %dma_wait3A_80] : memref<128x128xf32, #tpu.memory_space<vmem>> -> memref<32x128xf32, #tpu.memory_space<vmem>>
        tpu.wait_dma2 semaphore(%run_scoped3A : memref<!tpu.dma_semaphore, #tpu.memory_space<semaphore_mem>>) src(%dma_wait3A_81 : memref<32x128xf32, #tpu.memory_space<vmem>>) dst(%dma_wait3A_78 : memref<32x128xf32, #tpu.memory_space<vmem_shared>>)
        tpu.yield
      }) : () -> ()
      %eq3A = arith.constant 0 : i32
      %eq3A_47 = arith.cmpi eq, %arg1, %eq3A : i32
      %convert_element_type3A = arith.extui %eq3A_47 : i1 to i32
      %cond3A = arith.constant 0 : i32
      %cond3A_48 = arith.cmpi ne, %convert_element_type3A, %cond3A : i32
      scf.if %cond3A_48 {
        "tpu.region"() ({
          %run_scoped3A = tpu.sem_alloc : memref<!tpu.dma_semaphore, #tpu.memory_space<semaphore_mem>>
          %dma_start3A = arith.constant 0 : i32
          %dma_start3A_64 = arith.constant 0 : i32
          %dma_start3A_65 = tpu.memref_slice %arg11[%dma_start3A, %dma_start3A_64] : memref<128x128xf32, #tpu.memory_space<vmem>> -> memref<16x128xf32, #tpu.memory_space<vmem>>
          %dma_start3A_66 = arith.constant 12800 : i32
          %dma_start3A_67 = arith.constant 0 : i32
          %dma_start3A_68 = tpu.memref_slice %arg6[%dma_start3A_66, %dma_start3A_67] : memref<12816x128xf32, #tpu.memory_space<vmem_shared>> -> memref<16x128xf32, #tpu.memory_space<vmem_shared>>
          %dma_start3A_69 = arith.constant 12800 : i32
          %dma_start3A_70 = arith.constant 0 : i32
          %dma_start3A_71 = tpu.memref_slice %arg6[%dma_start3A_69, %dma_start3A_70] : memref<12816x128xf32, #tpu.memory_space<vmem_shared>> -> memref<16x128xf32, #tpu.memory_space<vmem_shared>>
          %dma_start3A_72 = arith.constant 0 : i32
          %dma_start3A_73 = arith.constant 0 : i32
          %dma_start3A_74 = tpu.memref_slice %arg11[%dma_start3A_72, %dma_start3A_73] : memref<128x128xf32, #tpu.memory_space<vmem>> -> memref<16x128xf32, #tpu.memory_space<vmem>>
          tpu.enqueue_dma source(%dma_start3A_74 : memref<16x128xf32, #tpu.memory_space<vmem>>) target(%dma_start3A_71 : memref<16x128xf32, #tpu.memory_space<vmem_shared>>) target_semaphore(%run_scoped3A : memref<!tpu.dma_semaphore, #tpu.memory_space<semaphore_mem>>)
          %dma_wait3A = arith.constant 0 : i32
          %dma_wait3A_75 = arith.constant 0 : i32
          %dma_wait3A_76 = tpu.memref_slice %arg11[%dma_wait3A, %dma_wait3A_75] : memref<128x128xf32, #tpu.memory_space<vmem>> -> memref<16x128xf32, #tpu.memory_space<vmem>>
          %dma_wait3A_77 = arith.constant 12800 : i32
          %dma_wait3A_78 = arith.constant 0 : i32
          %dma_wait3A_79 = tpu.memref_slice %arg6[%dma_wait3A_77, %dma_wait3A_78] : memref<12816x128xf32, #tpu.memory_space<vmem_shared>> -> memref<16x128xf32, #tpu.memory_space<vmem_shared>>
          %dma_wait3A_80 = arith.constant 12800 : i32
          %dma_wait3A_81 = arith.constant 0 : i32
          %dma_wait3A_82 = tpu.memref_slice %arg6[%dma_wait3A_80, %dma_wait3A_81] : memref<12816x128xf32, #tpu.memory_space<vmem_shared>> -> memref<16x128xf32, #tpu.memory_space<vmem_shared>>
          %dma_wait3A_83 = arith.constant 0 : i32
          %dma_wait3A_84 = arith.constant 0 : i32
          %dma_wait3A_85 = tpu.memref_slice %arg11[%dma_wait3A_83, %dma_wait3A_84] : memref<128x128xf32, #tpu.memory_space<vmem>> -> memref<16x128xf32, #tpu.memory_space<vmem>>
          tpu.wait_dma2 semaphore(%run_scoped3A : memref<!tpu.dma_semaphore, #tpu.memory_space<semaphore_mem>>) src(%dma_wait3A_85 : memref<16x128xf32, #tpu.memory_space<vmem>>) dst(%dma_wait3A_82 : memref<16x128xf32, #tpu.memory_space<vmem_shared>>)
          tpu.yield
        }) : () -> ()
      } else {
      }
      %barrier3A = arith.constant 0 : index
      tpu.barrier barrier_id(%barrier3A)
      %scan3A_49 = arith.constant 0 : i32
      %scan3A_50 = arith.constant 0 : i32
      %scan3A_51 = arith.constant 52 : i32
      %scan3A_52 = arith.addi %scan3A_50, %scan3A_51 : i32
      %scan3A_53 = arith.constant 1 : i32
      %scan3A_54 = scf.for %scan3A_64 = %scan3A_50 to %scan3A_52 step %scan3A_53 iter_args(%scan3A_65 = %scan3A_49) -> (i32)  : i32 {
        %mul3A_66 = arith.constant 106496 : i32
        %mul3A_67 = arith.muli %arg1, %mul3A_66 : i32
        %mul3A_68 = arith.constant 2048 : i32
        %mul3A_69 = arith.muli %scan3A_64, %mul3A_68 : i32
        %add3A_70 = arith.addi %mul3A_67, %mul3A_69 : i32
        "tpu.region"() ({
          %run_scoped3A = tpu.sem_alloc : memref<!tpu.dma_semaphore, #tpu.memory_space<semaphore_mem>>
          %dma_start3A = tpu.memref_slice %arg4[%add3A_70] : memref<1703936xi32, #tpu.memory_space<hbm>> -> memref<2048xi32, #tpu.memory_space<hbm>>
          %dma_start3A_205 = tpu.memref_slice %arg4[%add3A_70] : memref<1703936xi32, #tpu.memory_space<hbm>> -> memref<2048xi32, #tpu.memory_space<hbm>>
          tpu.enqueue_dma source(%dma_start3A_205 : memref<2048xi32, #tpu.memory_space<hbm>>) target(%arg7 : memref<2048xi32, #tpu.memory_space<vmem>>) target_semaphore(%run_scoped3A : memref<!tpu.dma_semaphore, #tpu.memory_space<semaphore_mem>>)
          %dma_wait3A = tpu.memref_slice %arg4[%add3A_70] : memref<1703936xi32, #tpu.memory_space<hbm>> -> memref<2048xi32, #tpu.memory_space<hbm>>
          %dma_wait3A_206 = tpu.memref_slice %arg4[%add3A_70] : memref<1703936xi32, #tpu.memory_space<hbm>> -> memref<2048xi32, #tpu.memory_space<hbm>>
          tpu.wait_dma2 semaphore(%run_scoped3A : memref<!tpu.dma_semaphore, #tpu.memory_space<semaphore_mem>>) src(%dma_wait3A_206 : memref<2048xi32, #tpu.memory_space<hbm>>) dst(%arg7 : memref<2048xi32, #tpu.memory_space<vmem>>)
          tpu.yield
        }) : () -> ()
        "tpu.region"() ({
          %run_scoped3A = tpu.sem_alloc : memref<!tpu.dma_semaphore, #tpu.memory_space<semaphore_mem>>
          %dma_start3A = tpu.memref_slice %arg3[%add3A_70] : memref<1703936xi32, #tpu.memory_space<hbm>> -> memref<2048xi32, #tpu.memory_space<hbm>>
          %dma_start3A_205 = tpu.memref_slice %arg3[%add3A_70] : memref<1703936xi32, #tpu.memory_space<hbm>> -> memref<2048xi32, #tpu.memory_space<hbm>>
          tpu.enqueue_dma source(%dma_start3A_205 : memref<2048xi32, #tpu.memory_space<hbm>>) target(%arg8 : memref<2048xi32, #tpu.memory_space<vmem>>) target_semaphore(%run_scoped3A : memref<!tpu.dma_semaphore, #tpu.memory_space<semaphore_mem>>)
          %dma_wait3A = tpu.memref_slice %arg3[%add3A_70] : memref<1703936xi32, #tpu.memory_space<hbm>> -> memref<2048xi32, #tpu.memory_space<hbm>>
          %dma_wait3A_206 = tpu.memref_slice %arg3[%add3A_70] : memref<1703936xi32, #tpu.memory_space<hbm>> -> memref<2048xi32, #tpu.memory_space<hbm>>
          tpu.wait_dma2 semaphore(%run_scoped3A : memref<!tpu.dma_semaphore, #tpu.memory_space<semaphore_mem>>) src(%dma_wait3A_206 : memref<2048xi32, #tpu.memory_space<hbm>>) dst(%arg8 : memref<2048xi32, #tpu.memory_space<vmem>>)
          tpu.yield
        }) : () -> ()
        %scan3A_71 = arith.constant 0 : i32
        %scan3A_72 = arith.constant 0 : i32
        %scan3A_73 = arith.constant 128 : i32
        %scan3A_74 = arith.addi %scan3A_72, %scan3A_73 : i32
        %scan3A_75 = arith.constant 1 : i32
        %scan3A_76 = scf.for %scan3A_205 = %scan3A_72 to %scan3A_74 step %scan3A_75 iter_args(%scan3A_206 = %scan3A_71) -> (i32)  : i32 {
          %mul3A_207 = arith.constant 16 : i32
          %mul3A_208 = arith.muli %scan3A_205, %mul3A_207 : i32
          %get3A = arith.index_cast %mul3A_208 : i32 to index
          %get3A_209 = tpu.vector_load %arg7[%get3A] {strides = array<i32>} : memref<2048xi32, #tpu.memory_space<vmem>>, vector<16xi32>,
          %mul3A_210 = arith.constant 16 : i32
          %mul3A_211 = arith.muli %scan3A_205, %mul3A_210 : i32
          %get3A_212 = arith.index_cast %mul3A_211 : i32 to index
          %get3A_213 = tpu.vector_load %arg8[%get3A_212] {strides = array<i32>} : memref<2048xi32, #tpu.memory_space<vmem>>, vector<16xi32>,
          %ge3A = vector.broadcast %mul3A_11 : i32 to vector<16xi32>
          %ge3A_214 = arith.cmpi sge, %get3A_209, %ge3A : vector<16xi32>
          %add3A_215 = arith.constant 12800 : i32
          %add3A_216 = arith.addi %mul3A_11, %add3A_215 : i32
          %lt3A_217 = vector.broadcast %add3A_216 : i32 to vector<16xi32>
          %lt3A_218 = arith.cmpi slt, %get3A_209, %lt3A_217 : vector<16xi32>
          %and3A_219 = arith.andi %ge3A_214, %lt3A_218 : vector<16xi1>
          %convert_element_type3A_220 = arith.extui %and3A_219 : vector<16xi1> to vector<16xi32>
          %broadcast_in_dim3A_221 = arith.constant true
          %broadcast_in_dim3A_222 = vector.broadcast %broadcast_in_dim3A_221 : i1 to vector<16xi1>
          %masked_cumsum3A = tpu.scan <sum>, %convert_element_type3A_220 masked %broadcast_in_dim3A_222 : vector<16xi32>, vector<16xi1> -> vector<16xi32>
          %add3A_223 = vector.broadcast %scan3A_206 : i32 to vector<16xi32>
          %add3A_224 = arith.addi %add3A_223, %masked_cumsum3A : vector<16xi32>
          %sub3A_225 = arith.constant 1 : i32
          %sub3A_226 = vector.broadcast %sub3A_225 : i32 to vector<16xi32>
          %sub3A_227 = arith.subi %add3A_224, %sub3A_226 : vector<16xi32>
          tpu.vector_store_idx %arg9[%sub3A_227], %get3A_213 masked %and3A_219 : memref<2048xi32, #tpu.memory_space<vmem>>[vector<16xi32>], vector<16xi32>, vector<16xi1>
          %sub3A_228 = vector.broadcast %mul3A_11 : i32 to vector<16xi32>
          %sub3A_229 = arith.subi %get3A_209, %sub3A_228 : vector<16xi32>
          tpu.vector_store_idx %arg10[%sub3A_227], %sub3A_229 masked %and3A_219 : memref<2048xi32, #tpu.memory_space<vmem>>[vector<16xi32>], vector<16xi32>, vector<16xi1>
          %reduce_sum3A = arith.constant true
          %reduce_sum3A_230 = vector.broadcast %reduce_sum3A : i1 to vector<16xi1>
          %reduce_sum3A_231 = tpu.scan <sum>, %convert_element_type3A_220 masked %reduce_sum3A_230 : vector<16xi32>, vector<16xi1> -> vector<16xi32>
          %reduce_sum3A_232 = vector.extract %reduce_sum3A_231[15] : i32 from vector<16xi32>
          %add3A_233 = arith.addi %scan3A_206, %reduce_sum3A_232 : i32
          scf.yield %add3A_233 : i32
        }
        %scan3A_77 = arith.constant 128 : i32
        %add3A_78 = arith.constant 127 : i32
        %add3A_79 = arith.addi %scan3A_76, %add3A_78 : i32
        %jit3A = arith.constant 128 : i32
        %div3A = arith.divsi %add3A_79, %jit3A : i32
        %sign3A = arith.constant 0 : i32
        %sign3A_80 = arith.cmpi sgt, %add3A_79, %sign3A : i32
        %sign3A_81 = arith.extui %sign3A_80 : i1 to i32
        %sign3A_82 = arith.constant 0 : i32
        %sign3A_83 = arith.cmpi slt, %add3A_79, %sign3A_82 : i32
        %sign3A_84 = arith.extui %sign3A_83 : i1 to i32
        %sign3A_85 = arith.subi %sign3A_81, %sign3A_84 : i32
        %sign3A_86 = arith.constant 0 : i32
        %sign3A_87 = arith.cmpi sgt, %jit3A, %sign3A_86 : i32
        %sign3A_88 = arith.extui %sign3A_87 : i1 to i32
        %sign3A_89 = arith.constant 0 : i32
        %sign3A_90 = arith.cmpi slt, %jit3A, %sign3A_89 : i32
        %sign3A_91 = arith.extui %sign3A_90 : i1 to i32
        %sign3A_92 = arith.subi %sign3A_88, %sign3A_91 : i32
        %ne3A = arith.cmpi ne, %sign3A_85, %sign3A_92 : i32
        %rem3A = arith.remsi %add3A_79, %jit3A : i32
        %ne3A_93 = arith.constant 0 : i32
        %ne3A_94 = arith.cmpi ne, %rem3A, %ne3A_93 : i32
        %and3A = arith.andi %ne3A, %ne3A_94 : i1
        %sub3A = arith.constant 1 : i32
        %sub3A_95 = arith.subi %div3A, %sub3A : i32
        %select_n3A = arith.select %and3A, %sub3A_95, %div3A : i32
        %mul3A_96 = arith.constant 64 : i32
        %mul3A_97 = vector.broadcast %mul3A_96 : i32 to vector<16xi32>
        %mul3A_98 = arith.muli %iota3A, %mul3A_97 : vector<16xi32>
        %mul3A_99 = arith.constant 2 : i32
        %mul3A_100 = arith.muli %arg1, %mul3A_99 : i32
        %add3A_101 = arith.addi %mul3A_100, %arg0 : i32
        %mul3A_102 = arith.constant 16 : i32
        %mul3A_103 = arith.muli %add3A_101, %mul3A_102 : i32
        %add3A_104 = vector.broadcast %mul3A_103 : i32 to vector<16xi32>
        %add3A_105 = arith.addi %mul3A_98, %add3A_104 : vector<16xi32>
        %add3A_106 = arith.constant 0 : i32
        %add3A_107 = arith.addi %scan3A_76, %add3A_106 : i32
        %add3A_108 = vector.broadcast %add3A_107 : i32 to vector<16xi32>
        %add3A_109 = arith.addi %add3A_108, %iota3A : vector<16xi32>
        %mul3A_110 = arith.constant 128 : i32
        %mul3A_111 = arith.muli %select_n3A, %mul3A_110 : i32
        %lt3A = vector.broadcast %mul3A_111 : i32 to vector<16xi32>
        %lt3A_112 = arith.cmpi slt, %add3A_109, %lt3A : vector<16xi32>
        %add3A_113 = arith.constant 12800 : i32
        %add3A_114 = vector.broadcast %add3A_113 : i32 to vector<16xi32>
        %add3A_115 = arith.addi %add3A_114, %iota3A : vector<16xi32>
        tpu.vector_store_idx %arg10[%add3A_109], %add3A_115 masked %lt3A_112 : memref<2048xi32, #tpu.memory_space<vmem>>[vector<16xi32>], vector<16xi32>, vector<16xi1>
        tpu.vector_store_idx %arg9[%add3A_109], %add3A_105 masked %lt3A_112 : memref<2048xi32, #tpu.memory_space<vmem>>[vector<16xi32>], vector<16xi32>, vector<16xi1>
        %add3A_116 = arith.constant 16 : i32
        %add3A_117 = arith.addi %scan3A_76, %add3A_116 : i32
        %add3A_118 = vector.broadcast %add3A_117 : i32 to vector<16xi32>
        %add3A_119 = arith.addi %add3A_118, %iota3A : vector<16xi32>
        %mul3A_120 = arith.constant 128 : i32
        %mul3A_121 = arith.muli %select_n3A, %mul3A_120 : i32
        %lt3A_122 = vector.broadcast %mul3A_121 : i32 to vector<16xi32>
        %lt3A_123 = arith.cmpi slt, %add3A_119, %lt3A_122 : vector<16xi32>
        %add3A_124 = arith.constant 12800 : i32
        %add3A_125 = vector.broadcast %add3A_124 : i32 to vector<16xi32>
        %add3A_126 = arith.addi %add3A_125, %iota3A : vector<16xi32>
        tpu.vector_store_idx %arg10[%add3A_119], %add3A_126 masked %lt3A_123 : memref<2048xi32, #tpu.memory_space<vmem>>[vector<16xi32>], vector<16xi32>, vector<16xi1>
        tpu.vector_store_idx %arg9[%add3A_119], %add3A_105 masked %lt3A_123 : memref<2048xi32, #tpu.memory_space<vmem>>[vector<16xi32>], vector<16xi32>, vector<16xi1>
        %add3A_127 = arith.constant 32 : i32
        %add3A_128 = arith.addi %scan3A_76, %add3A_127 : i32
        %add3A_129 = vector.broadcast %add3A_128 : i32 to vector<16xi32>
        %add3A_130 = arith.addi %add3A_129, %iota3A : vector<16xi32>
        %mul3A_131 = arith.constant 128 : i32
        %mul3A_132 = arith.muli %select_n3A, %mul3A_131 : i32
        %lt3A_133 = vector.broadcast %mul3A_132 : i32 to vector<16xi32>
        %lt3A_134 = arith.cmpi slt, %add3A_130, %lt3A_133 : vector<16xi32>
        %add3A_135 = arith.constant 12800 : i32
        %add3A_136 = vector.broadcast %add3A_135 : i32 to vector<16xi32>
        %add3A_137 = arith.addi %add3A_136, %iota3A : vector<16xi32>
        tpu.vector_store_idx %arg10[%add3A_130], %add3A_137 masked %lt3A_134 : memref<2048xi32, #tpu.memory_space<vmem>>[vector<16xi32>], vector<16xi32>, vector<16xi1>
        tpu.vector_store_idx %arg9[%add3A_130], %add3A_105 masked %lt3A_134 : memref<2048xi32, #tpu.memory_space<vmem>>[vector<16xi32>], vector<16xi32>, vector<16xi1>
        %add3A_138 = arith.constant 48 : i32
        %add3A_139 = arith.addi %scan3A_76, %add3A_138 : i32
        %add3A_140 = vector.broadcast %add3A_139 : i32 to vector<16xi32>
        %add3A_141 = arith.addi %add3A_140, %iota3A : vector<16xi32>
        %mul3A_142 = arith.constant 128 : i32
        %mul3A_143 = arith.muli %select_n3A, %mul3A_142 : i32
        %lt3A_144 = vector.broadcast %mul3A_143 : i32 to vector<16xi32>
        %lt3A_145 = arith.cmpi slt, %add3A_141, %lt3A_144 : vector<16xi32>
        %add3A_146 = arith.constant 12800 : i32
        %add3A_147 = vector.broadcast %add3A_146 : i32 to vector<16xi32>
        %add3A_148 = arith.addi %add3A_147, %iota3A : vector<16xi32>
        tpu.vector_store_idx %arg10[%add3A_141], %add3A_148 masked %lt3A_145 : memref<2048xi32, #tpu.memory_space<vmem>>[vector<16xi32>], vector<16xi32>, vector<16xi1>
        tpu.vector_store_idx %arg9[%add3A_141], %add3A_105 masked %lt3A_145 : memref<2048xi32, #tpu.memory_space<vmem>>[vector<16xi32>], vector<16xi32>, vector<16xi1>
        %add3A_149 = arith.constant 64 : i32
        %add3A_150 = arith.addi %scan3A_76, %add3A_149 : i32
        %add3A_151 = vector.broadcast %add3A_150 : i32 to vector<16xi32>
        %add3A_152 = arith.addi %add3A_151, %iota3A : vector<16xi32>
        %mul3A_153 = arith.constant 128 : i32
        %mul3A_154 = arith.muli %select_n3A, %mul3A_153 : i32
        %lt3A_155 = vector.broadcast %mul3A_154 : i32 to vector<16xi32>
        %lt3A_156 = arith.cmpi slt, %add3A_152, %lt3A_155 : vector<16xi32>
        %add3A_157 = arith.constant 12800 : i32
        %add3A_158 = vector.broadcast %add3A_157 : i32 to vector<16xi32>
        %add3A_159 = arith.addi %add3A_158, %iota3A : vector<16xi32>
        tpu.vector_store_idx %arg10[%add3A_152], %add3A_159 masked %lt3A_156 : memref<2048xi32, #tpu.memory_space<vmem>>[vector<16xi32>], vector<16xi32>, vector<16xi1>
        tpu.vector_store_idx %arg9[%add3A_152], %add3A_105 masked %lt3A_156 : memref<2048xi32, #tpu.memory_space<vmem>>[vector<16xi32>], vector<16xi32>, vector<16xi1>
        %add3A_160 = arith.constant 80 : i32
        %add3A_161 = arith.addi %scan3A_76, %add3A_160 : i32
        %add3A_162 = vector.broadcast %add3A_161 : i32 to vector<16xi32>
        %add3A_163 = arith.addi %add3A_162, %iota3A : vector<16xi32>
        %mul3A_164 = arith.constant 128 : i32
        %mul3A_165 = arith.muli %select_n3A, %mul3A_164 : i32
        %lt3A_166 = vector.broadcast %mul3A_165 : i32 to vector<16xi32>
        %lt3A_167 = arith.cmpi slt, %add3A_163, %lt3A_166 : vector<16xi32>
        %add3A_168 = arith.constant 12800 : i32
        %add3A_169 = vector.broadcast %add3A_168 : i32 to vector<16xi32>
        %add3A_170 = arith.addi %add3A_169, %iota3A : vector<16xi32>
        tpu.vector_store_idx %arg10[%add3A_163], %add3A_170 masked %lt3A_167 : memref<2048xi32, #tpu.memory_space<vmem>>[vector<16xi32>], vector<16xi32>, vector<16xi1>
        tpu.vector_store_idx %arg9[%add3A_163], %add3A_105 masked %lt3A_167 : memref<2048xi32, #tpu.memory_space<vmem>>[vector<16xi32>], vector<16xi32>, vector<16xi1>
        %add3A_171 = arith.constant 96 : i32
        %add3A_172 = arith.addi %scan3A_76, %add3A_171 : i32
        %add3A_173 = vector.broadcast %add3A_172 : i32 to vector<16xi32>
        %add3A_174 = arith.addi %add3A_173, %iota3A : vector<16xi32>
        %mul3A_175 = arith.constant 128 : i32
        %mul3A_176 = arith.muli %select_n3A, %mul3A_175 : i32
        %lt3A_177 = vector.broadcast %mul3A_176 : i32 to vector<16xi32>
        %lt3A_178 = arith.cmpi slt, %add3A_174, %lt3A_177 : vector<16xi32>
        %add3A_179 = arith.constant 12800 : i32
        %add3A_180 = vector.broadcast %add3A_179 : i32 to vector<16xi32>
        %add3A_181 = arith.addi %add3A_180, %iota3A : vector<16xi32>
        tpu.vector_store_idx %arg10[%add3A_174], %add3A_181 masked %lt3A_178 : memref<2048xi32, #tpu.memory_space<vmem>>[vector<16xi32>], vector<16xi32>, vector<16xi1>
        tpu.vector_store_idx %arg9[%add3A_174], %add3A_105 masked %lt3A_178 : memref<2048xi32, #tpu.memory_space<vmem>>[vector<16xi32>], vector<16xi32>, vector<16xi1>
        %add3A_182 = arith.constant 112 : i32
        %add3A_183 = arith.addi %scan3A_76, %add3A_182 : i32
        %add3A_184 = vector.broadcast %add3A_183 : i32 to vector<16xi32>
        %add3A_185 = arith.addi %add3A_184, %iota3A : vector<16xi32>
        %mul3A_186 = arith.constant 128 : i32
        %mul3A_187 = arith.muli %select_n3A, %mul3A_186 : i32
        %lt3A_188 = vector.broadcast %mul3A_187 : i32 to vector<16xi32>
        %lt3A_189 = arith.cmpi slt, %add3A_185, %lt3A_188 : vector<16xi32>
        %add3A_190 = arith.constant 12800 : i32
        %add3A_191 = vector.broadcast %add3A_190 : i32 to vector<16xi32>
        %add3A_192 = arith.addi %add3A_191, %iota3A : vector<16xi32>
        tpu.vector_store_idx %arg10[%add3A_185], %add3A_192 masked %lt3A_189 : memref<2048xi32, #tpu.memory_space<vmem>>[vector<16xi32>], vector<16xi32>, vector<16xi1>
        tpu.vector_store_idx %arg9[%add3A_185], %add3A_105 masked %lt3A_189 : memref<2048xi32, #tpu.memory_space<vmem>>[vector<16xi32>], vector<16xi32>, vector<16xi1>
        %while3A = arith.constant 0 : i32
        %while3A_193 = arith.constant 0 : i32
        %while3A_194 = arith.subi %select_n3A, %while3A : i32
        %while3A_195 = arith.addi %while3A, %while3A_194 : i32
        %while3A_196 = arith.constant 1 : i32
        %while3A_197 = arith.divsi %while3A_194, %while3A_196 : i32
        %while3A_198 = arith.muli %while3A_197, %while3A_196 : i32
        %while3A_199 = arith.addi %while3A, %while3A_198 : i32
        %while3A_200 = arith.constant 1 : i32
        %while3A_201 = scf.for %while3A_205 = %while3A to %while3A_199 step %while3A_200 iter_args(%while3A_206 = %while3A_193) -> (i32)  : i32 {
          %mul3A_207 = arith.constant 128 : i32
          %mul3A_208 = arith.muli %while3A_205, %mul3A_207 : i32
          %dma_start3A = tpu.memref_slice %arg9[%mul3A_208] : memref<2048xi32, #tpu.memory_space<vmem>> -> memref<128xi32, #tpu.memory_space<vmem>>
          %dma_start3A_209 = arith.constant 0 : i32
          %dma_start3A_210 = arith.constant 0 : i32
          %dma_start3A_211 = tpu.memref_slice %arg2[%dma_start3A_209, %dma_start3A_210] : memref<100000x128xf32, #tpu.memory_space<hbm>> -> memref<100000x128xf32, #tpu.memory_space<hbm>>
          tpu.enqueue_indirect_dma source(%dma_start3A_211 : memref<100000x128xf32, #tpu.memory_space<hbm>>) target(%arg11 : memref<128x128xf32, #tpu.memory_space<vmem>>) offsets(%dma_start3A : memref<128xi32, #tpu.memory_space<vmem>>) semaphore(%arg12 : memref<!tpu.dma_semaphore, #tpu.memory_space<semaphore_mem>>)
          %dma_wait3A = tpu.memref_slice %arg9[%mul3A_208] : memref<2048xi32, #tpu.memory_space<vmem>> -> memref<128xi32, #tpu.memory_space<vmem>>
          %dma_wait3A_212 = arith.constant 0 : i32
          %dma_wait3A_213 = arith.constant 0 : i32
          %dma_wait3A_214 = tpu.memref_slice %arg2[%dma_wait3A_212, %dma_wait3A_213] : memref<100000x128xf32, #tpu.memory_space<hbm>> -> memref<100000x128xf32, #tpu.memory_space<hbm>>
          tpu.wait_indirect_dma semaphore(%arg12 : memref<!tpu.dma_semaphore, #tpu.memory_space<semaphore_mem>>) src(%dma_wait3A_214 : memref<100000x128xf32, #tpu.memory_space<hbm>>) dst(%arg11 : memref<128x128xf32, #tpu.memory_space<vmem>>)
          %mul3A_215 = arith.constant 128 : i32
          %mul3A_216 = arith.muli %while3A_205, %mul3A_215 : i32
          "tpu.region"() ({
            %run_scoped3A = tpu.sem_alloc : memref<!tpu.dma_semaphore, #tpu.memory_space<semaphore_mem>>
            %dma_start3A_218 = tpu.memref_slice %arg10[%mul3A_216] : memref<2048xi32, #tpu.memory_space<vmem>> -> memref<128xi32, #tpu.memory_space<vmem>>
            %dma_start3A_219 = arith.constant 0 : i32
            %dma_start3A_220 = arith.constant 0 : i32
            %dma_start3A_221 = tpu.memref_slice %arg6[%dma_start3A_219, %dma_start3A_220] : memref<12816x128xf32, #tpu.memory_space<vmem_shared>> -> memref<12816x128xf32, #tpu.memory_space<vmem_shared>>
            tpu.enqueue_indirect_dma source(%arg11 : memref<128x128xf32, #tpu.memory_space<vmem>>) target(%dma_start3A_221 : memref<12816x128xf32, #tpu.memory_space<vmem_shared>>) offsets(%dma_start3A_218 : memref<128xi32, #tpu.memory_space<vmem>>) semaphore(%run_scoped3A : memref<!tpu.dma_semaphore, #tpu.memory_space<semaphore_mem>>) {add = true}
            %dma_wait3A_222 = tpu.memref_slice %arg10[%mul3A_216] : memref<2048xi32, #tpu.memory_space<vmem>> -> memref<128xi32, #tpu.memory_space<vmem>>
            %dma_wait3A_223 = arith.constant 0 : i32
            %dma_wait3A_224 = arith.constant 0 : i32
            %dma_wait3A_225 = tpu.memref_slice %arg6[%dma_wait3A_223, %dma_wait3A_224] : memref<12816x128xf32, #tpu.memory_space<vmem_shared>> -> memref<12816x128xf32, #tpu.memory_space<vmem_shared>>
            tpu.wait_indirect_dma semaphore(%run_scoped3A : memref<!tpu.dma_semaphore, #tpu.memory_space<semaphore_mem>>) src(%arg11 : memref<128x128xf32, #tpu.memory_space<vmem>>) dst(%dma_wait3A_225 : memref<12816x128xf32, #tpu.memory_space<vmem_shared>>)
            tpu.yield
          }) : () -> ()
          %while3A_217 = arith.constant 0 : i32
          scf.yield %while3A_217 : i32
        }
        %while3A_202 = arith.constant 1 : i32
        %while3A_203 = scf.for %while3A_205 = %while3A_199 to %while3A_195 step %while3A_202 iter_args(%while3A_206 = %while3A_201) -> (i32)  : i32 {
          %mul3A_207 = arith.constant 128 : i32
          %mul3A_208 = arith.muli %while3A_205, %mul3A_207 : i32
          %dma_start3A = tpu.memref_slice %arg9[%mul3A_208] : memref<2048xi32, #tpu.memory_space<vmem>> -> memref<128xi32, #tpu.memory_space<vmem>>
          %dma_start3A_209 = arith.constant 0 : i32
          %dma_start3A_210 = arith.constant 0 : i32
          %dma_start3A_211 = tpu.memref_slice %arg2[%dma_start3A_209, %dma_start3A_210] : memref<100000x128xf32, #tpu.memory_space<hbm>> -> memref<100000x128xf32, #tpu.memory_space<hbm>>
          tpu.enqueue_indirect_dma source(%dma_start3A_211 : memref<100000x128xf32, #tpu.memory_space<hbm>>) target(%arg11 : memref<128x128xf32, #tpu.memory_space<vmem>>) offsets(%dma_start3A : memref<128xi32, #tpu.memory_space<vmem>>) semaphore(%arg12 : memref<!tpu.dma_semaphore, #tpu.memory_space<semaphore_mem>>)
          %dma_wait3A = tpu.memref_slice %arg9[%mul3A_208] : memref<2048xi32, #tpu.memory_space<vmem>> -> memref<128xi32, #tpu.memory_space<vmem>>
          %dma_wait3A_212 = arith.constant 0 : i32
          %dma_wait3A_213 = arith.constant 0 : i32
          %dma_wait3A_214 = tpu.memref_slice %arg2[%dma_wait3A_212, %dma_wait3A_213] : memref<100000x128xf32, #tpu.memory_space<hbm>> -> memref<100000x128xf32, #tpu.memory_space<hbm>>
          tpu.wait_indirect_dma semaphore(%arg12 : memref<!tpu.dma_semaphore, #tpu.memory_space<semaphore_mem>>) src(%dma_wait3A_214 : memref<100000x128xf32, #tpu.memory_space<hbm>>) dst(%arg11 : memref<128x128xf32, #tpu.memory_space<vmem>>)
          %mul3A_215 = arith.constant 128 : i32
          %mul3A_216 = arith.muli %while3A_205, %mul3A_215 : i32
          "tpu.region"() ({
            %run_scoped3A = tpu.sem_alloc : memref<!tpu.dma_semaphore, #tpu.memory_space<semaphore_mem>>
            %dma_start3A_218 = tpu.memref_slice %arg10[%mul3A_216] : memref<2048xi32, #tpu.memory_space<vmem>> -> memref<128xi32, #tpu.memory_space<vmem>>
            %dma_start3A_219 = arith.constant 0 : i32
            %dma_start3A_220 = arith.constant 0 : i32
            %dma_start3A_221 = tpu.memref_slice %arg6[%dma_start3A_219, %dma_start3A_220] : memref<12816x128xf32, #tpu.memory_space<vmem_shared>> -> memref<12816x128xf32, #tpu.memory_space<vmem_shared>>
            tpu.enqueue_indirect_dma source(%arg11 : memref<128x128xf32, #tpu.memory_space<vmem>>) target(%dma_start3A_221 : memref<12816x128xf32, #tpu.memory_space<vmem_shared>>) offsets(%dma_start3A_218 : memref<128xi32, #tpu.memory_space<vmem>>) semaphore(%run_scoped3A : memref<!tpu.dma_semaphore, #tpu.memory_space<semaphore_mem>>) {add = true}
            %dma_wait3A_222 = tpu.memref_slice %arg10[%mul3A_216] : memref<2048xi32, #tpu.memory_space<vmem>> -> memref<128xi32, #tpu.memory_space<vmem>>
            %dma_wait3A_223 = arith.constant 0 : i32
            %dma_wait3A_224 = arith.constant 0 : i32
            %dma_wait3A_225 = tpu.memref_slice %arg6[%dma_wait3A_223, %dma_wait3A_224] : memref<12816x128xf32, #tpu.memory_space<vmem_shared>> -> memref<12816x128xf32, #tpu.memory_space<vmem_shared>>
            tpu.wait_indirect_dma semaphore(%run_scoped3A : memref<!tpu.dma_semaphore, #tpu.memory_space<semaphore_mem>>) src(%arg11 : memref<128x128xf32, #tpu.memory_space<vmem>>) dst(%dma_wait3A_225 : memref<12816x128xf32, #tpu.memory_space<vmem_shared>>)
            tpu.yield
          }) : () -> ()
          %while3A_217 = arith.constant 0 : i32
          scf.yield %while3A_217 : i32
        }
        %scan3A_204 = arith.constant 0 : i32
        scf.yield %scan3A_204 : i32
      }
      %scan3A_55 = arith.constant 52 : i32
      %barrier3A_56 = arith.constant 0 : index
      tpu.barrier barrier_id(%barrier3A_56)
      %mul3A_57 = arith.constant 800 : i32
      %mul3A_58 = arith.muli %arg1, %mul3A_57 : i32
      %mul3A_59 = arith.constant 800 : i32
      %mul3A_60 = arith.muli %arg1, %mul3A_59 : i32
      %add3A_61 = arith.addi %mul3A_11, %mul3A_60 : i32
      "tpu.region"() ({
        %run_scoped3A = tpu.sem_alloc : memref<!tpu.dma_semaphore, #tpu.memory_space<semaphore_mem>>
        %dma_start3A = arith.constant 0 : i32
        %dma_start3A_64 = tpu.memref_slice %arg5[%add3A_61, %dma_start3A] : memref<102400x128xf32, #tpu.memory_space<hbm>> -> memref<800x128xf32, #tpu.memory_space<hbm>>
        %dma_start3A_65 = arith.constant 0 : i32
        %dma_start3A_66 = tpu.memref_slice %arg6[%mul3A_58, %dma_start3A_65] : memref<12816x128xf32, #tpu.memory_space<vmem_shared>> -> memref<800x128xf32, #tpu.memory_space<vmem_shared>>
        tpu.enqueue_dma source(%dma_start3A_66 : memref<800x128xf32, #tpu.memory_space<vmem_shared>>) target(%dma_start3A_64 : memref<800x128xf32, #tpu.memory_space<hbm>>) target_semaphore(%run_scoped3A : memref<!tpu.dma_semaphore, #tpu.memory_space<semaphore_mem>>)
        %dma_wait3A = arith.constant 0 : i32
        %dma_wait3A_67 = tpu.memref_slice %arg5[%add3A_61, %dma_wait3A] : memref<102400x128xf32, #tpu.memory_space<hbm>> -> memref<800x128xf32, #tpu.memory_space<hbm>>
        %dma_wait3A_68 = arith.constant 0 : i32
        %dma_wait3A_69 = tpu.memref_slice %arg6[%mul3A_58, %dma_wait3A_68] : memref<12816x128xf32, #tpu.memory_space<vmem_shared>> -> memref<800x128xf32, #tpu.memory_space<vmem_shared>>
        tpu.wait_dma2 semaphore(%run_scoped3A : memref<!tpu.dma_semaphore, #tpu.memory_space<semaphore_mem>>) src(%dma_wait3A_69 : memref<800x128xf32, #tpu.memory_space<vmem_shared>>) dst(%dma_wait3A_67 : memref<800x128xf32, #tpu.memory_space<hbm>>)
        tpu.yield
      }) : () -> ()
      %barrier3A_62 = arith.constant 0 : index
      tpu.barrier barrier_id(%barrier3A_62)
      %scan3A_63 = arith.constant 0 : i32
      scf.yield %scan3A_63 : i32
    }
    %scan3A_6 = arith.constant 4 : i32
    return
  }
}

#map = affine_map<(d0, d1) -> (0)>
#map1 = affine_map<(d0, d1) -> (0, 0)>
module attributes {stable_mosaic.version = 14 : i64} {
  func.func @body(%arg0: i32, %arg1: i32, %arg2: memref<1703936xi32, #tpu.memory_space<hbm>>, %arg3: memref<32x102416xf32, #tpu.memory_space<hbm>>, %arg4: memref<102416xf32, #tpu.memory_space<vmem>>, %arg5: memref<2048xi32, #tpu.memory_space<vmem>>) attributes {dimension_semantics = [#tpu.dimension_semantics<core_parallel>, #tpu.dimension_semantics<subcore_parallel>], iteration_bounds = array<i64: 2, 16>, scalar_prefetch = 0 : i64, scratch_operands = 2 : i64, tpu.core_type = #tpu.core_type<sc_vector_subcore>, window_params = [{transform_indices = #map}, {transform_indices = #map1}]} {
    %mul3A = arith.constant 2 : i32
    %mul3A_0 = arith.muli %arg1, %mul3A : i32
    %add3A = arith.addi %mul3A_0, %arg0 : i32
    %broadcast_in_dim3A = arith.constant 0.000000e+00 : f32
    %broadcast_in_dim3A_1 = vector.broadcast %broadcast_in_dim3A : f32 to vector<16xf32>
    %scan3A = arith.constant 0 : i32
    %scan3A_2 = arith.constant 0 : i32
    %scan3A_3 = arith.constant 6401 : i32
    %scan3A_4 = arith.addi %scan3A_2, %scan3A_3 : i32
    %scan3A_5 = arith.constant 1 : i32
    %scan3A_6 = scf.for %scan3A_15 = %scan3A_2 to %scan3A_4 step %scan3A_5 iter_args(%scan3A_16 = %scan3A) -> (i32)  : i32 {
      %mul3A_17 = arith.constant 16 : i32
      %mul3A_18 = arith.muli %scan3A_15, %mul3A_17 : i32
      %swap3A = arith.index_cast %mul3A_18 : i32 to index
      %swap3A_19 = tpu.vector_load %arg4[%swap3A] {strides = array<i32>} : memref<102416xf32, #tpu.memory_space<vmem>>, vector<16xf32>,
      tpu.vector_store %arg4[%swap3A], %broadcast_in_dim3A_1 {strides = array<i32>} : memref<102416xf32, #tpu.memory_space<vmem>>, vector<16xf32>,
      %scan3A_20 = arith.constant 0 : i32
      scf.yield %scan3A_20 : i32
    }
    %scan3A_7 = arith.constant 6401 : i32
    %iota3A = tpu.iota {dimensions = array<i32: 0>} : vector<16xi32>
    %scan3A_8 = arith.constant 0 : i32
    %scan3A_9 = arith.constant 0 : i32
    %scan3A_10 = arith.constant 26 : i32
    %scan3A_11 = arith.addi %scan3A_9, %scan3A_10 : i32
    %scan3A_12 = arith.constant 1 : i32
    %scan3A_13 = scf.for %scan3A_15 = %scan3A_9 to %scan3A_11 step %scan3A_12 iter_args(%scan3A_16 = %scan3A_8) -> (i32)  : i32 {
      %mul3A_17 = arith.constant 53248 : i32
      %mul3A_18 = arith.muli %add3A, %mul3A_17 : i32
      %mul3A_19 = arith.constant 2048 : i32
      %mul3A_20 = arith.muli %scan3A_15, %mul3A_19 : i32
      %add3A_21 = arith.addi %mul3A_18, %mul3A_20 : i32
      "tpu.region"() ({
        %run_scoped3A = tpu.sem_alloc : memref<!tpu.dma_semaphore, #tpu.memory_space<semaphore_mem>>
        %dma_start3A = tpu.memref_slice %arg2[%add3A_21] : memref<1703936xi32, #tpu.memory_space<hbm>> -> memref<2048xi32, #tpu.memory_space<hbm>>
        %dma_start3A_30 = tpu.memref_slice %arg2[%add3A_21] : memref<1703936xi32, #tpu.memory_space<hbm>> -> memref<2048xi32, #tpu.memory_space<hbm>>
        tpu.enqueue_dma source(%dma_start3A_30 : memref<2048xi32, #tpu.memory_space<hbm>>) target(%arg5 : memref<2048xi32, #tpu.memory_space<vmem>>) target_semaphore(%run_scoped3A : memref<!tpu.dma_semaphore, #tpu.memory_space<semaphore_mem>>)
        %dma_wait3A = tpu.memref_slice %arg2[%add3A_21] : memref<1703936xi32, #tpu.memory_space<hbm>> -> memref<2048xi32, #tpu.memory_space<hbm>>
        %dma_wait3A_31 = tpu.memref_slice %arg2[%add3A_21] : memref<1703936xi32, #tpu.memory_space<hbm>> -> memref<2048xi32, #tpu.memory_space<hbm>>
        tpu.wait_dma2 semaphore(%run_scoped3A : memref<!tpu.dma_semaphore, #tpu.memory_space<semaphore_mem>>) src(%dma_wait3A_31 : memref<2048xi32, #tpu.memory_space<hbm>>) dst(%arg5 : memref<2048xi32, #tpu.memory_space<vmem>>)
        tpu.yield
      }) : () -> ()
      %scan3A_22 = arith.constant 0 : i32
      %scan3A_23 = arith.constant 0 : i32
      %scan3A_24 = arith.constant 128 : i32
      %scan3A_25 = arith.addi %scan3A_23, %scan3A_24 : i32
      %scan3A_26 = arith.constant 1 : i32
      %scan3A_27 = scf.for %scan3A_30 = %scan3A_23 to %scan3A_25 step %scan3A_26 iter_args(%scan3A_31 = %scan3A_22) -> (i32)  : i32 {
        %mul3A_32 = arith.constant 16 : i32
        %mul3A_33 = arith.muli %scan3A_30, %mul3A_32 : i32
        %get3A = arith.index_cast %mul3A_33 : i32 to index
        %get3A_34 = tpu.vector_load %arg5[%get3A] {strides = array<i32>} : memref<2048xi32, #tpu.memory_space<vmem>>, vector<16xi32>,
        %sort3A = arith.constant dense<true> : vector<16xi1>
        %sort3A_35, %sort3A_36, %sort3A_37 = tpu.sort %get3A_34, %get3A_34 masked %sort3A : (vector<16xi32>, vector<16xi32>, vector<16xi1>) -> (vector<16xi1>, vector<16xi32>, vector<16xi32>)
        %sub3A = arith.constant 1 : i32
        %sub3A_38 = vector.broadcast %sub3A : i32 to vector<16xi32>
        %sub3A_39 = arith.subi %iota3A, %sub3A_38 : vector<16xi32>
        %max3A = arith.constant 0 : i32
        %max3A_40 = vector.broadcast %max3A : i32 to vector<16xi32>
        %max3A_41 = arith.maxsi %sub3A_39, %max3A_40 : vector<16xi32>
        %broadcast_in_dim3A_42 = vector.shape_cast %max3A_41 : vector<16xi32> to vector<16x1xi32>
        %gather3A = vector.shape_cast %broadcast_in_dim3A_42 : vector<16x1xi32> to vector<16xi32>
        %gather3A_43 = tpu.dynamic_gather %sort3A_36[%gather3A] in [0] : vector<16xi32>, vector<16xi32> -> vector<16xi32>
        %add3A_44 = arith.constant 1 : i32
        %add3A_45 = vector.broadcast %add3A_44 : i32 to vector<16xi32>
        %add3A_46 = arith.addi %iota3A, %add3A_45 : vector<16xi32>
        %min3A = arith.constant 15 : i32
        %min3A_47 = vector.broadcast %min3A : i32 to vector<16xi32>
        %min3A_48 = arith.minsi %add3A_46, %min3A_47 : vector<16xi32>
        %broadcast_in_dim3A_49 = vector.shape_cast %min3A_48 : vector<16xi32> to vector<16x1xi32>
        %gather3A_50 = vector.shape_cast %broadcast_in_dim3A_49 : vector<16x1xi32> to vector<16xi32>
        %gather3A_51 = tpu.dynamic_gather %sort3A_36[%gather3A_50] in [0] : vector<16xi32>, vector<16xi32> -> vector<16xi32>
        %eq3A = arith.constant 0 : i32
        %eq3A_52 = vector.broadcast %eq3A : i32 to vector<16xi32>
        %eq3A_53 = arith.cmpi eq, %iota3A, %eq3A_52 : vector<16xi32>
        %ne3A = arith.cmpi ne, %sort3A_36, %gather3A_43 : vector<16xi32>
        %or3A = arith.ori %eq3A_53, %ne3A : vector<16xi1>
        %eq3A_54 = arith.constant 15 : i32
        %eq3A_55 = vector.broadcast %eq3A_54 : i32 to vector<16xi32>
        %eq3A_56 = arith.cmpi eq, %iota3A, %eq3A_55 : vector<16xi32>
        %ne3A_57 = arith.cmpi ne, %sort3A_36, %gather3A_51 : vector<16xi32>
        %or3A_58 = arith.ori %eq3A_56, %ne3A_57 : vector<16xi1>
        %jit3A = arith.constant 0 : i32
        %broadcast_in_dim3A_59 = vector.broadcast %jit3A : i32 to vector<16xi32>
        %select_n3A = arith.select %or3A, %iota3A, %broadcast_in_dim3A_59 : vector<16xi1>, vector<16xi32>
        %broadcast_in_dim3A_60 = arith.constant true
        %broadcast_in_dim3A_61 = vector.broadcast %broadcast_in_dim3A_60 : i1 to vector<16xi1>
        %masked_cummax3A = arith.constant -2147483648 : i32
        %masked_cummax3A_62 = vector.broadcast %masked_cummax3A : i32 to vector<16xi32>
        %masked_cummax3A_63 = arith.xori %select_n3A, %masked_cummax3A_62 : vector<16xi32>
        %masked_cummax3A_64 = tpu.scan <max>, %masked_cummax3A_63 masked %broadcast_in_dim3A_61 : vector<16xi32>, vector<16xi1> -> vector<16xi32>
        %masked_cummax3A_65 = arith.xori %masked_cummax3A_64, %masked_cummax3A_62 : vector<16xi32>
        %add3A_66 = arith.constant 1 : i32
        %add3A_67 = vector.broadcast %add3A_66 : i32 to vector<16xi32>
        %add3A_68 = arith.addi %iota3A, %add3A_67 : vector<16xi32>
        %sub3A_69 = arith.subi %add3A_68, %masked_cummax3A_65 : vector<16xi32>
        %convert_element_type3A = arith.sitofp %sub3A_69 : vector<16xi32> to vector<16xf32>
        tpu.vector_store_idx %arg4[%sort3A_36], %convert_element_type3A masked %or3A_58 {add = true} : memref<102416xf32, #tpu.memory_space<vmem>>[vector<16xi32>], vector<16xf32>, vector<16xi1>
        %scan3A_70 = arith.constant 0 : i32
        scf.yield %scan3A_70 : i32
      }
      %scan3A_28 = arith.constant 128 : i32
      %scan3A_29 = arith.constant 0 : i32
      scf.yield %scan3A_29 : i32
    }
    %scan3A_14 = arith.constant 26 : i32
    "tpu.region"() ({
      %run_scoped3A = tpu.sem_alloc : memref<!tpu.dma_semaphore, #tpu.memory_space<semaphore_mem>>
      %dma_start3A = arith.constant 0 : i32
      %dma_start3A_15 = tpu.memref_slice %arg3[%add3A, %dma_start3A] : memref<32x102416xf32, #tpu.memory_space<hbm>> -> memref<1x102416xf32, #tpu.memory_space<hbm>>
      %dma_start3A_16 = tpu.memref_squeeze %dma_start3A_15 : memref<1x102416xf32, #tpu.memory_space<hbm>> -> memref<102416xf32, #tpu.memory_space<hbm>>
      %dma_start3A_17 = arith.constant 0 : i32
      %dma_start3A_18 = tpu.memref_slice %arg3[%add3A, %dma_start3A_17] : memref<32x102416xf32, #tpu.memory_space<hbm>> -> memref<1x102416xf32, #tpu.memory_space<hbm>>
      %dma_start3A_19 = tpu.memref_squeeze %dma_start3A_18 : memref<1x102416xf32, #tpu.memory_space<hbm>> -> memref<102416xf32, #tpu.memory_space<hbm>>
      tpu.enqueue_dma source(%arg4 : memref<102416xf32, #tpu.memory_space<vmem>>) target(%dma_start3A_19 : memref<102416xf32, #tpu.memory_space<hbm>>) target_semaphore(%run_scoped3A : memref<!tpu.dma_semaphore, #tpu.memory_space<semaphore_mem>>)
      %dma_wait3A = arith.constant 0 : i32
      %dma_wait3A_20 = tpu.memref_slice %arg3[%add3A, %dma_wait3A] : memref<32x102416xf32, #tpu.memory_space<hbm>> -> memref<1x102416xf32, #tpu.memory_space<hbm>>
      %dma_wait3A_21 = tpu.memref_squeeze %dma_wait3A_20 : memref<1x102416xf32, #tpu.memory_space<hbm>> -> memref<102416xf32, #tpu.memory_space<hbm>>
      %dma_wait3A_22 = arith.constant 0 : i32
      %dma_wait3A_23 = tpu.memref_slice %arg3[%add3A, %dma_wait3A_22] : memref<32x102416xf32, #tpu.memory_space<hbm>> -> memref<1x102416xf32, #tpu.memory_space<hbm>>
      %dma_wait3A_24 = tpu.memref_squeeze %dma_wait3A_23 : memref<1x102416xf32, #tpu.memory_space<hbm>> -> memref<102416xf32, #tpu.memory_space<hbm>>
      tpu.wait_dma2 semaphore(%run_scoped3A : memref<!tpu.dma_semaphore, #tpu.memory_space<semaphore_mem>>) src(%arg4 : memref<102416xf32, #tpu.memory_space<vmem>>) dst(%dma_wait3A_24 : memref<102416xf32, #tpu.memory_space<hbm>>)
      tpu.yield
    }) : () -> ()
    return
  }
}

#map = affine_map<(d0, d1) -> (0, 0)>
#map1 = affine_map<(d0, d1) -> (0)>
module attributes {stable_mosaic.version = 14 : i64} {
  func.func @body(%arg0: i32, %arg1: i32, %arg2: memref<32x102416xf32, #tpu.memory_space<hbm>>, %arg3: memref<102400xf32, #tpu.memory_space<hbm>>, %arg4: memref<3200xf32, #tpu.memory_space<vmem>>, %arg5: memref<3200xf32, #tpu.memory_space<vmem>>) attributes {dimension_semantics = [#tpu.dimension_semantics<core_parallel>, #tpu.dimension_semantics<subcore_parallel>], iteration_bounds = array<i64: 2, 16>, scalar_prefetch = 0 : i64, scratch_operands = 2 : i64, tpu.core_type = #tpu.core_type<sc_vector_subcore>, window_params = [{transform_indices = #map}, {transform_indices = #map1}]} {
    %mul3A = arith.constant 2 : i32
    %mul3A_0 = arith.muli %arg1, %mul3A : i32
    %add3A = arith.addi %mul3A_0, %arg0 : i32
    %mul3A_1 = arith.constant 3200 : i32
    %mul3A_2 = arith.muli %add3A, %mul3A_1 : i32
    %run_scoped3A = arith.constant 0 : i32
    "tpu.region"() ({
      %run_scoped3A_257 = tpu.sem_alloc : memref<!tpu.dma_semaphore, #tpu.memory_space<semaphore_mem>>
      %dma_start3A = tpu.memref_slice %arg2[%run_scoped3A, %mul3A_2] : memref<32x102416xf32, #tpu.memory_space<hbm>> -> memref<1x3200xf32, #tpu.memory_space<hbm>>
      %dma_start3A_258 = tpu.memref_squeeze %dma_start3A : memref<1x3200xf32, #tpu.memory_space<hbm>> -> memref<3200xf32, #tpu.memory_space<hbm>>
      %dma_start3A_259 = tpu.memref_slice %arg2[%run_scoped3A, %mul3A_2] : memref<32x102416xf32, #tpu.memory_space<hbm>> -> memref<1x3200xf32, #tpu.memory_space<hbm>>
      %dma_start3A_260 = tpu.memref_squeeze %dma_start3A_259 : memref<1x3200xf32, #tpu.memory_space<hbm>> -> memref<3200xf32, #tpu.memory_space<hbm>>
      tpu.enqueue_dma source(%dma_start3A_260 : memref<3200xf32, #tpu.memory_space<hbm>>) target(%arg4 : memref<3200xf32, #tpu.memory_space<vmem>>) target_semaphore(%run_scoped3A_257 : memref<!tpu.dma_semaphore, #tpu.memory_space<semaphore_mem>>)
      %dma_wait3A = tpu.memref_slice %arg2[%run_scoped3A, %mul3A_2] : memref<32x102416xf32, #tpu.memory_space<hbm>> -> memref<1x3200xf32, #tpu.memory_space<hbm>>
      %dma_wait3A_261 = tpu.memref_squeeze %dma_wait3A : memref<1x3200xf32, #tpu.memory_space<hbm>> -> memref<3200xf32, #tpu.memory_space<hbm>>
      %dma_wait3A_262 = tpu.memref_slice %arg2[%run_scoped3A, %mul3A_2] : memref<32x102416xf32, #tpu.memory_space<hbm>> -> memref<1x3200xf32, #tpu.memory_space<hbm>>
      %dma_wait3A_263 = tpu.memref_squeeze %dma_wait3A_262 : memref<1x3200xf32, #tpu.memory_space<hbm>> -> memref<3200xf32, #tpu.memory_space<hbm>>
      tpu.wait_dma2 semaphore(%run_scoped3A_257 : memref<!tpu.dma_semaphore, #tpu.memory_space<semaphore_mem>>) src(%dma_wait3A_263 : memref<3200xf32, #tpu.memory_space<hbm>>) dst(%arg4 : memref<3200xf32, #tpu.memory_space<vmem>>)
      tpu.yield
    }) : () -> ()
    %run_scoped3A_3 = arith.constant 1 : i32
    "tpu.region"() ({
      %run_scoped3A_257 = tpu.sem_alloc : memref<!tpu.dma_semaphore, #tpu.memory_space<semaphore_mem>>
      %dma_start3A = tpu.memref_slice %arg2[%run_scoped3A_3, %mul3A_2] : memref<32x102416xf32, #tpu.memory_space<hbm>> -> memref<1x3200xf32, #tpu.memory_space<hbm>>
      %dma_start3A_258 = tpu.memref_squeeze %dma_start3A : memref<1x3200xf32, #tpu.memory_space<hbm>> -> memref<3200xf32, #tpu.memory_space<hbm>>
      %dma_start3A_259 = tpu.memref_slice %arg2[%run_scoped3A_3, %mul3A_2] : memref<32x102416xf32, #tpu.memory_space<hbm>> -> memref<1x3200xf32, #tpu.memory_space<hbm>>
      %dma_start3A_260 = tpu.memref_squeeze %dma_start3A_259 : memref<1x3200xf32, #tpu.memory_space<hbm>> -> memref<3200xf32, #tpu.memory_space<hbm>>
      tpu.enqueue_dma source(%dma_start3A_260 : memref<3200xf32, #tpu.memory_space<hbm>>) target(%arg5 : memref<3200xf32, #tpu.memory_space<vmem>>) target_semaphore(%run_scoped3A_257 : memref<!tpu.dma_semaphore, #tpu.memory_space<semaphore_mem>>)
      %dma_wait3A = tpu.memref_slice %arg2[%run_scoped3A_3, %mul3A_2] : memref<32x102416xf32, #tpu.memory_space<hbm>> -> memref<1x3200xf32, #tpu.memory_space<hbm>>
      %dma_wait3A_261 = tpu.memref_squeeze %dma_wait3A : memref<1x3200xf32, #tpu.memory_space<hbm>> -> memref<3200xf32, #tpu.memory_space<hbm>>
      %dma_wait3A_262 = tpu.memref_slice %arg2[%run_scoped3A_3, %mul3A_2] : memref<32x102416xf32, #tpu.memory_space<hbm>> -> memref<1x3200xf32, #tpu.memory_space<hbm>>
      %dma_wait3A_263 = tpu.memref_squeeze %dma_wait3A_262 : memref<1x3200xf32, #tpu.memory_space<hbm>> -> memref<3200xf32, #tpu.memory_space<hbm>>
      tpu.wait_dma2 semaphore(%run_scoped3A_257 : memref<!tpu.dma_semaphore, #tpu.memory_space<semaphore_mem>>) src(%dma_wait3A_263 : memref<3200xf32, #tpu.memory_space<hbm>>) dst(%arg5 : memref<3200xf32, #tpu.memory_space<vmem>>)
      tpu.yield
    }) : () -> ()
    %scan3A = arith.constant 0 : i32
    %scan3A_4 = arith.constant 0 : i32
    %scan3A_5 = arith.constant 200 : i32
    %scan3A_6 = arith.addi %scan3A_4, %scan3A_5 : i32
    %scan3A_7 = arith.constant 1 : i32
    %scan3A_8 = scf.for %scan3A_257 = %scan3A_4 to %scan3A_6 step %scan3A_7 iter_args(%scan3A_258 = %scan3A) -> (i32)  : i32 {
      %mul3A_259 = arith.constant 16 : i32
      %mul3A_260 = arith.muli %scan3A_257, %mul3A_259 : i32
      %get3A = arith.index_cast %mul3A_260 : i32 to index
      %get3A_261 = tpu.vector_load %arg4[%get3A] {strides = array<i32>} : memref<3200xf32, #tpu.memory_space<vmem>>, vector<16xf32>,
      %get3A_262 = arith.index_cast %mul3A_260 : i32 to index
      %get3A_263 = tpu.vector_load %arg5[%get3A_262] {strides = array<i32>} : memref<3200xf32, #tpu.memory_space<vmem>>, vector<16xf32>,
      %add3A_264 = arith.addf %get3A_261, %get3A_263 : vector<16xf32>
      %swap3A = arith.index_cast %mul3A_260 : i32 to index
      %swap3A_265 = tpu.vector_load %arg4[%swap3A] {strides = array<i32>} : memref<3200xf32, #tpu.memory_space<vmem>>, vector<16xf32>,
      tpu.vector_store %arg4[%swap3A], %add3A_264 {strides = array<i32>} : memref<3200xf32, #tpu.memory_space<vmem>>, vector<16xf32>,
      %scan3A_266 = arith.constant 0 : i32
      scf.yield %scan3A_266 : i32
    }
    %scan3A_9 = arith.constant 200 : i32
    %run_scoped3A_10 = arith.constant 2 : i32
    "tpu.region"() ({
      %run_scoped3A_257 = tpu.sem_alloc : memref<!tpu.dma_semaphore, #tpu.memory_space<semaphore_mem>>
      %dma_start3A = tpu.memref_slice %arg2[%run_scoped3A_10, %mul3A_2] : memref<32x102416xf32, #tpu.memory_space<hbm>> -> memref<1x3200xf32, #tpu.memory_space<hbm>>
      %dma_start3A_258 = tpu.memref_squeeze %dma_start3A : memref<1x3200xf32, #tpu.memory_space<hbm>> -> memref<3200xf32, #tpu.memory_space<hbm>>
      %dma_start3A_259 = tpu.memref_slice %arg2[%run_scoped3A_10, %mul3A_2] : memref<32x102416xf32, #tpu.memory_space<hbm>> -> memref<1x3200xf32, #tpu.memory_space<hbm>>
      %dma_start3A_260 = tpu.memref_squeeze %dma_start3A_259 : memref<1x3200xf32, #tpu.memory_space<hbm>> -> memref<3200xf32, #tpu.memory_space<hbm>>
      tpu.enqueue_dma source(%dma_start3A_260 : memref<3200xf32, #tpu.memory_space<hbm>>) target(%arg5 : memref<3200xf32, #tpu.memory_space<vmem>>) target_semaphore(%run_scoped3A_257 : memref<!tpu.dma_semaphore, #tpu.memory_space<semaphore_mem>>)
      %dma_wait3A = tpu.memref_slice %arg2[%run_scoped3A_10, %mul3A_2] : memref<32x102416xf32, #tpu.memory_space<hbm>> -> memref<1x3200xf32, #tpu.memory_space<hbm>>
      %dma_wait3A_261 = tpu.memref_squeeze %dma_wait3A : memref<1x3200xf32, #tpu.memory_space<hbm>> -> memref<3200xf32, #tpu.memory_space<hbm>>
      %dma_wait3A_262 = tpu.memref_slice %arg2[%run_scoped3A_10, %mul3A_2] : memref<32x102416xf32, #tpu.memory_space<hbm>> -> memref<1x3200xf32, #tpu.memory_space<hbm>>
      %dma_wait3A_263 = tpu.memref_squeeze %dma_wait3A_262 : memref<1x3200xf32, #tpu.memory_space<hbm>> -> memref<3200xf32, #tpu.memory_space<hbm>>
      tpu.wait_dma2 semaphore(%run_scoped3A_257 : memref<!tpu.dma_semaphore, #tpu.memory_space<semaphore_mem>>) src(%dma_wait3A_263 : memref<3200xf32, #tpu.memory_space<hbm>>) dst(%arg5 : memref<3200xf32, #tpu.memory_space<vmem>>)
      tpu.yield
    }) : () -> ()
    %scan3A_11 = arith.constant 0 : i32
    %scan3A_12 = arith.constant 0 : i32
    %scan3A_13 = arith.constant 200 : i32
    %scan3A_14 = arith.addi %scan3A_12, %scan3A_13 : i32
    %scan3A_15 = arith.constant 1 : i32
    %scan3A_16 = scf.for %scan3A_257 = %scan3A_12 to %scan3A_14 step %scan3A_15 iter_args(%scan3A_258 = %scan3A_11) -> (i32)  : i32 {
      %mul3A_259 = arith.constant 16 : i32
      %mul3A_260 = arith.muli %scan3A_257, %mul3A_259 : i32
      %get3A = arith.index_cast %mul3A_260 : i32 to index
      %get3A_261 = tpu.vector_load %arg4[%get3A] {strides = array<i32>} : memref<3200xf32, #tpu.memory_space<vmem>>, vector<16xf32>,
      %get3A_262 = arith.index_cast %mul3A_260 : i32 to index
      %get3A_263 = tpu.vector_load %arg5[%get3A_262] {strides = array<i32>} : memref<3200xf32, #tpu.memory_space<vmem>>, vector<16xf32>,
      %add3A_264 = arith.addf %get3A_261, %get3A_263 : vector<16xf32>
      %swap3A = arith.index_cast %mul3A_260 : i32 to index
      %swap3A_265 = tpu.vector_load %arg4[%swap3A] {strides = array<i32>} : memref<3200xf32, #tpu.memory_space<vmem>>, vector<16xf32>,
      tpu.vector_store %arg4[%swap3A], %add3A_264 {strides = array<i32>} : memref<3200xf32, #tpu.memory_space<vmem>>, vector<16xf32>,
      %scan3A_266 = arith.constant 0 : i32
      scf.yield %scan3A_266 : i32
    }
    %scan3A_17 = arith.constant 200 : i32
    %run_scoped3A_18 = arith.constant 3 : i32
    "tpu.region"() ({
      %run_scoped3A_257 = tpu.sem_alloc : memref<!tpu.dma_semaphore, #tpu.memory_space<semaphore_mem>>
      %dma_start3A = tpu.memref_slice %arg2[%run_scoped3A_18, %mul3A_2] : memref<32x102416xf32, #tpu.memory_space<hbm>> -> memref<1x3200xf32, #tpu.memory_space<hbm>>
      %dma_start3A_258 = tpu.memref_squeeze %dma_start3A : memref<1x3200xf32, #tpu.memory_space<hbm>> -> memref<3200xf32, #tpu.memory_space<hbm>>
      %dma_start3A_259 = tpu.memref_slice %arg2[%run_scoped3A_18, %mul3A_2] : memref<32x102416xf32, #tpu.memory_space<hbm>> -> memref<1x3200xf32, #tpu.memory_space<hbm>>
      %dma_start3A_260 = tpu.memref_squeeze %dma_start3A_259 : memref<1x3200xf32, #tpu.memory_space<hbm>> -> memref<3200xf32, #tpu.memory_space<hbm>>
      tpu.enqueue_dma source(%dma_start3A_260 : memref<3200xf32, #tpu.memory_space<hbm>>) target(%arg5 : memref<3200xf32, #tpu.memory_space<vmem>>) target_semaphore(%run_scoped3A_257 : memref<!tpu.dma_semaphore, #tpu.memory_space<semaphore_mem>>)
      %dma_wait3A = tpu.memref_slice %arg2[%run_scoped3A_18, %mul3A_2] : memref<32x102416xf32, #tpu.memory_space<hbm>> -> memref<1x3200xf32, #tpu.memory_space<hbm>>
      %dma_wait3A_261 = tpu.memref_squeeze %dma_wait3A : memref<1x3200xf32, #tpu.memory_space<hbm>> -> memref<3200xf32, #tpu.memory_space<hbm>>
      %dma_wait3A_262 = tpu.memref_slice %arg2[%run_scoped3A_18, %mul3A_2] : memref<32x102416xf32, #tpu.memory_space<hbm>> -> memref<1x3200xf32, #tpu.memory_space<hbm>>
      %dma_wait3A_263 = tpu.memref_squeeze %dma_wait3A_262 : memref<1x3200xf32, #tpu.memory_space<hbm>> -> memref<3200xf32, #tpu.memory_space<hbm>>
      tpu.wait_dma2 semaphore(%run_scoped3A_257 : memref<!tpu.dma_semaphore, #tpu.memory_space<semaphore_mem>>) src(%dma_wait3A_263 : memref<3200xf32, #tpu.memory_space<hbm>>) dst(%arg5 : memref<3200xf32, #tpu.memory_space<vmem>>)
      tpu.yield
    }) : () -> ()
    %scan3A_19 = arith.constant 0 : i32
    %scan3A_20 = arith.constant 0 : i32
    %scan3A_21 = arith.constant 200 : i32
    %scan3A_22 = arith.addi %scan3A_20, %scan3A_21 : i32
    %scan3A_23 = arith.constant 1 : i32
    %scan3A_24 = scf.for %scan3A_257 = %scan3A_20 to %scan3A_22 step %scan3A_23 iter_args(%scan3A_258 = %scan3A_19) -> (i32)  : i32 {
      %mul3A_259 = arith.constant 16 : i32
      %mul3A_260 = arith.muli %scan3A_257, %mul3A_259 : i32
      %get3A = arith.index_cast %mul3A_260 : i32 to index
      %get3A_261 = tpu.vector_load %arg4[%get3A] {strides = array<i32>} : memref<3200xf32, #tpu.memory_space<vmem>>, vector<16xf32>,
      %get3A_262 = arith.index_cast %mul3A_260 : i32 to index
      %get3A_263 = tpu.vector_load %arg5[%get3A_262] {strides = array<i32>} : memref<3200xf32, #tpu.memory_space<vmem>>, vector<16xf32>,
      %add3A_264 = arith.addf %get3A_261, %get3A_263 : vector<16xf32>
      %swap3A = arith.index_cast %mul3A_260 : i32 to index
      %swap3A_265 = tpu.vector_load %arg4[%swap3A] {strides = array<i32>} : memref<3200xf32, #tpu.memory_space<vmem>>, vector<16xf32>,
      tpu.vector_store %arg4[%swap3A], %add3A_264 {strides = array<i32>} : memref<3200xf32, #tpu.memory_space<vmem>>, vector<16xf32>,
      %scan3A_266 = arith.constant 0 : i32
      scf.yield %scan3A_266 : i32
    }
    %scan3A_25 = arith.constant 200 : i32
    %run_scoped3A_26 = arith.constant 4 : i32
    "tpu.region"() ({
      %run_scoped3A_257 = tpu.sem_alloc : memref<!tpu.dma_semaphore, #tpu.memory_space<semaphore_mem>>
      %dma_start3A = tpu.memref_slice %arg2[%run_scoped3A_26, %mul3A_2] : memref<32x102416xf32, #tpu.memory_space<hbm>> -> memref<1x3200xf32, #tpu.memory_space<hbm>>
      %dma_start3A_258 = tpu.memref_squeeze %dma_start3A : memref<1x3200xf32, #tpu.memory_space<hbm>> -> memref<3200xf32, #tpu.memory_space<hbm>>
      %dma_start3A_259 = tpu.memref_slice %arg2[%run_scoped3A_26, %mul3A_2] : memref<32x102416xf32, #tpu.memory_space<hbm>> -> memref<1x3200xf32, #tpu.memory_space<hbm>>
      %dma_start3A_260 = tpu.memref_squeeze %dma_start3A_259 : memref<1x3200xf32, #tpu.memory_space<hbm>> -> memref<3200xf32, #tpu.memory_space<hbm>>
      tpu.enqueue_dma source(%dma_start3A_260 : memref<3200xf32, #tpu.memory_space<hbm>>) target(%arg5 : memref<3200xf32, #tpu.memory_space<vmem>>) target_semaphore(%run_scoped3A_257 : memref<!tpu.dma_semaphore, #tpu.memory_space<semaphore_mem>>)
      %dma_wait3A = tpu.memref_slice %arg2[%run_scoped3A_26, %mul3A_2] : memref<32x102416xf32, #tpu.memory_space<hbm>> -> memref<1x3200xf32, #tpu.memory_space<hbm>>
      %dma_wait3A_261 = tpu.memref_squeeze %dma_wait3A : memref<1x3200xf32, #tpu.memory_space<hbm>> -> memref<3200xf32, #tpu.memory_space<hbm>>
      %dma_wait3A_262 = tpu.memref_slice %arg2[%run_scoped3A_26, %mul3A_2] : memref<32x102416xf32, #tpu.memory_space<hbm>> -> memref<1x3200xf32, #tpu.memory_space<hbm>>
      %dma_wait3A_263 = tpu.memref_squeeze %dma_wait3A_262 : memref<1x3200xf32, #tpu.memory_space<hbm>> -> memref<3200xf32, #tpu.memory_space<hbm>>
      tpu.wait_dma2 semaphore(%run_scoped3A_257 : memref<!tpu.dma_semaphore, #tpu.memory_space<semaphore_mem>>) src(%dma_wait3A_263 : memref<3200xf32, #tpu.memory_space<hbm>>) dst(%arg5 : memref<3200xf32, #tpu.memory_space<vmem>>)
      tpu.yield
    }) : () -> ()
    %scan3A_27 = arith.constant 0 : i32
    %scan3A_28 = arith.constant 0 : i32
    %scan3A_29 = arith.constant 200 : i32
    %scan3A_30 = arith.addi %scan3A_28, %scan3A_29 : i32
    %scan3A_31 = arith.constant 1 : i32
    %scan3A_32 = scf.for %scan3A_257 = %scan3A_28 to %scan3A_30 step %scan3A_31 iter_args(%scan3A_258 = %scan3A_27) -> (i32)  : i32 {
      %mul3A_259 = arith.constant 16 : i32
      %mul3A_260 = arith.muli %scan3A_257, %mul3A_259 : i32
      %get3A = arith.index_cast %mul3A_260 : i32 to index
      %get3A_261 = tpu.vector_load %arg4[%get3A] {strides = array<i32>} : memref<3200xf32, #tpu.memory_space<vmem>>, vector<16xf32>,
      %get3A_262 = arith.index_cast %mul3A_260 : i32 to index
      %get3A_263 = tpu.vector_load %arg5[%get3A_262] {strides = array<i32>} : memref<3200xf32, #tpu.memory_space<vmem>>, vector<16xf32>,
      %add3A_264 = arith.addf %get3A_261, %get3A_263 : vector<16xf32>
      %swap3A = arith.index_cast %mul3A_260 : i32 to index
      %swap3A_265 = tpu.vector_load %arg4[%swap3A] {strides = array<i32>} : memref<3200xf32, #tpu.memory_space<vmem>>, vector<16xf32>,
      tpu.vector_store %arg4[%swap3A], %add3A_264 {strides = array<i32>} : memref<3200xf32, #tpu.memory_space<vmem>>, vector<16xf32>,
      %scan3A_266 = arith.constant 0 : i32
      scf.yield %scan3A_266 : i32
    }
    %scan3A_33 = arith.constant 200 : i32
    %run_scoped3A_34 = arith.constant 5 : i32
    "tpu.region"() ({
      %run_scoped3A_257 = tpu.sem_alloc : memref<!tpu.dma_semaphore, #tpu.memory_space<semaphore_mem>>
      %dma_start3A = tpu.memref_slice %arg2[%run_scoped3A_34, %mul3A_2] : memref<32x102416xf32, #tpu.memory_space<hbm>> -> memref<1x3200xf32, #tpu.memory_space<hbm>>
      %dma_start3A_258 = tpu.memref_squeeze %dma_start3A : memref<1x3200xf32, #tpu.memory_space<hbm>> -> memref<3200xf32, #tpu.memory_space<hbm>>
      %dma_start3A_259 = tpu.memref_slice %arg2[%run_scoped3A_34, %mul3A_2] : memref<32x102416xf32, #tpu.memory_space<hbm>> -> memref<1x3200xf32, #tpu.memory_space<hbm>>
      %dma_start3A_260 = tpu.memref_squeeze %dma_start3A_259 : memref<1x3200xf32, #tpu.memory_space<hbm>> -> memref<3200xf32, #tpu.memory_space<hbm>>
      tpu.enqueue_dma source(%dma_start3A_260 : memref<3200xf32, #tpu.memory_space<hbm>>) target(%arg5 : memref<3200xf32, #tpu.memory_space<vmem>>) target_semaphore(%run_scoped3A_257 : memref<!tpu.dma_semaphore, #tpu.memory_space<semaphore_mem>>)
      %dma_wait3A = tpu.memref_slice %arg2[%run_scoped3A_34, %mul3A_2] : memref<32x102416xf32, #tpu.memory_space<hbm>> -> memref<1x3200xf32, #tpu.memory_space<hbm>>
      %dma_wait3A_261 = tpu.memref_squeeze %dma_wait3A : memref<1x3200xf32, #tpu.memory_space<hbm>> -> memref<3200xf32, #tpu.memory_space<hbm>>
      %dma_wait3A_262 = tpu.memref_slice %arg2[%run_scoped3A_34, %mul3A_2] : memref<32x102416xf32, #tpu.memory_space<hbm>> -> memref<1x3200xf32, #tpu.memory_space<hbm>>
      %dma_wait3A_263 = tpu.memref_squeeze %dma_wait3A_262 : memref<1x3200xf32, #tpu.memory_space<hbm>> -> memref<3200xf32, #tpu.memory_space<hbm>>
      tpu.wait_dma2 semaphore(%run_scoped3A_257 : memref<!tpu.dma_semaphore, #tpu.memory_space<semaphore_mem>>) src(%dma_wait3A_263 : memref<3200xf32, #tpu.memory_space<hbm>>) dst(%arg5 : memref<3200xf32, #tpu.memory_space<vmem>>)
      tpu.yield
    }) : () -> ()
    %scan3A_35 = arith.constant 0 : i32
    %scan3A_36 = arith.constant 0 : i32
    %scan3A_37 = arith.constant 200 : i32
    %scan3A_38 = arith.addi %scan3A_36, %scan3A_37 : i32
    %scan3A_39 = arith.constant 1 : i32
    %scan3A_40 = scf.for %scan3A_257 = %scan3A_36 to %scan3A_38 step %scan3A_39 iter_args(%scan3A_258 = %scan3A_35) -> (i32)  : i32 {
      %mul3A_259 = arith.constant 16 : i32
      %mul3A_260 = arith.muli %scan3A_257, %mul3A_259 : i32
      %get3A = arith.index_cast %mul3A_260 : i32 to index
      %get3A_261 = tpu.vector_load %arg4[%get3A] {strides = array<i32>} : memref<3200xf32, #tpu.memory_space<vmem>>, vector<16xf32>,
      %get3A_262 = arith.index_cast %mul3A_260 : i32 to index
      %get3A_263 = tpu.vector_load %arg5[%get3A_262] {strides = array<i32>} : memref<3200xf32, #tpu.memory_space<vmem>>, vector<16xf32>,
      %add3A_264 = arith.addf %get3A_261, %get3A_263 : vector<16xf32>
      %swap3A = arith.index_cast %mul3A_260 : i32 to index
      %swap3A_265 = tpu.vector_load %arg4[%swap3A] {strides = array<i32>} : memref<3200xf32, #tpu.memory_space<vmem>>, vector<16xf32>,
      tpu.vector_store %arg4[%swap3A], %add3A_264 {strides = array<i32>} : memref<3200xf32, #tpu.memory_space<vmem>>, vector<16xf32>,
      %scan3A_266 = arith.constant 0 : i32
      scf.yield %scan3A_266 : i32
    }
    %scan3A_41 = arith.constant 200 : i32
    %run_scoped3A_42 = arith.constant 6 : i32
    "tpu.region"() ({
      %run_scoped3A_257 = tpu.sem_alloc : memref<!tpu.dma_semaphore, #tpu.memory_space<semaphore_mem>>
      %dma_start3A = tpu.memref_slice %arg2[%run_scoped3A_42, %mul3A_2] : memref<32x102416xf32, #tpu.memory_space<hbm>> -> memref<1x3200xf32, #tpu.memory_space<hbm>>
      %dma_start3A_258 = tpu.memref_squeeze %dma_start3A : memref<1x3200xf32, #tpu.memory_space<hbm>> -> memref<3200xf32, #tpu.memory_space<hbm>>
      %dma_start3A_259 = tpu.memref_slice %arg2[%run_scoped3A_42, %mul3A_2] : memref<32x102416xf32, #tpu.memory_space<hbm>> -> memref<1x3200xf32, #tpu.memory_space<hbm>>
      %dma_start3A_260 = tpu.memref_squeeze %dma_start3A_259 : memref<1x3200xf32, #tpu.memory_space<hbm>> -> memref<3200xf32, #tpu.memory_space<hbm>>
      tpu.enqueue_dma source(%dma_start3A_260 : memref<3200xf32, #tpu.memory_space<hbm>>) target(%arg5 : memref<3200xf32, #tpu.memory_space<vmem>>) target_semaphore(%run_scoped3A_257 : memref<!tpu.dma_semaphore, #tpu.memory_space<semaphore_mem>>)
      %dma_wait3A = tpu.memref_slice %arg2[%run_scoped3A_42, %mul3A_2] : memref<32x102416xf32, #tpu.memory_space<hbm>> -> memref<1x3200xf32, #tpu.memory_space<hbm>>
      %dma_wait3A_261 = tpu.memref_squeeze %dma_wait3A : memref<1x3200xf32, #tpu.memory_space<hbm>> -> memref<3200xf32, #tpu.memory_space<hbm>>
      %dma_wait3A_262 = tpu.memref_slice %arg2[%run_scoped3A_42, %mul3A_2] : memref<32x102416xf32, #tpu.memory_space<hbm>> -> memref<1x3200xf32, #tpu.memory_space<hbm>>
      %dma_wait3A_263 = tpu.memref_squeeze %dma_wait3A_262 : memref<1x3200xf32, #tpu.memory_space<hbm>> -> memref<3200xf32, #tpu.memory_space<hbm>>
      tpu.wait_dma2 semaphore(%run_scoped3A_257 : memref<!tpu.dma_semaphore, #tpu.memory_space<semaphore_mem>>) src(%dma_wait3A_263 : memref<3200xf32, #tpu.memory_space<hbm>>) dst(%arg5 : memref<3200xf32, #tpu.memory_space<vmem>>)
      tpu.yield
    }) : () -> ()
    %scan3A_43 = arith.constant 0 : i32
    %scan3A_44 = arith.constant 0 : i32
    %scan3A_45 = arith.constant 200 : i32
    %scan3A_46 = arith.addi %scan3A_44, %scan3A_45 : i32
    %scan3A_47 = arith.constant 1 : i32
    %scan3A_48 = scf.for %scan3A_257 = %scan3A_44 to %scan3A_46 step %scan3A_47 iter_args(%scan3A_258 = %scan3A_43) -> (i32)  : i32 {
      %mul3A_259 = arith.constant 16 : i32
      %mul3A_260 = arith.muli %scan3A_257, %mul3A_259 : i32
      %get3A = arith.index_cast %mul3A_260 : i32 to index
      %get3A_261 = tpu.vector_load %arg4[%get3A] {strides = array<i32>} : memref<3200xf32, #tpu.memory_space<vmem>>, vector<16xf32>,
      %get3A_262 = arith.index_cast %mul3A_260 : i32 to index
      %get3A_263 = tpu.vector_load %arg5[%get3A_262] {strides = array<i32>} : memref<3200xf32, #tpu.memory_space<vmem>>, vector<16xf32>,
      %add3A_264 = arith.addf %get3A_261, %get3A_263 : vector<16xf32>
      %swap3A = arith.index_cast %mul3A_260 : i32 to index
      %swap3A_265 = tpu.vector_load %arg4[%swap3A] {strides = array<i32>} : memref<3200xf32, #tpu.memory_space<vmem>>, vector<16xf32>,
      tpu.vector_store %arg4[%swap3A], %add3A_264 {strides = array<i32>} : memref<3200xf32, #tpu.memory_space<vmem>>, vector<16xf32>,
      %scan3A_266 = arith.constant 0 : i32
      scf.yield %scan3A_266 : i32
    }
    %scan3A_49 = arith.constant 200 : i32
    %run_scoped3A_50 = arith.constant 7 : i32
    "tpu.region"() ({
      %run_scoped3A_257 = tpu.sem_alloc : memref<!tpu.dma_semaphore, #tpu.memory_space<semaphore_mem>>
      %dma_start3A = tpu.memref_slice %arg2[%run_scoped3A_50, %mul3A_2] : memref<32x102416xf32, #tpu.memory_space<hbm>> -> memref<1x3200xf32, #tpu.memory_space<hbm>>
      %dma_start3A_258 = tpu.memref_squeeze %dma_start3A : memref<1x3200xf32, #tpu.memory_space<hbm>> -> memref<3200xf32, #tpu.memory_space<hbm>>
      %dma_start3A_259 = tpu.memref_slice %arg2[%run_scoped3A_50, %mul3A_2] : memref<32x102416xf32, #tpu.memory_space<hbm>> -> memref<1x3200xf32, #tpu.memory_space<hbm>>
      %dma_start3A_260 = tpu.memref_squeeze %dma_start3A_259 : memref<1x3200xf32, #tpu.memory_space<hbm>> -> memref<3200xf32, #tpu.memory_space<hbm>>
      tpu.enqueue_dma source(%dma_start3A_260 : memref<3200xf32, #tpu.memory_space<hbm>>) target(%arg5 : memref<3200xf32, #tpu.memory_space<vmem>>) target_semaphore(%run_scoped3A_257 : memref<!tpu.dma_semaphore, #tpu.memory_space<semaphore_mem>>)
      %dma_wait3A = tpu.memref_slice %arg2[%run_scoped3A_50, %mul3A_2] : memref<32x102416xf32, #tpu.memory_space<hbm>> -> memref<1x3200xf32, #tpu.memory_space<hbm>>
      %dma_wait3A_261 = tpu.memref_squeeze %dma_wait3A : memref<1x3200xf32, #tpu.memory_space<hbm>> -> memref<3200xf32, #tpu.memory_space<hbm>>
      %dma_wait3A_262 = tpu.memref_slice %arg2[%run_scoped3A_50, %mul3A_2] : memref<32x102416xf32, #tpu.memory_space<hbm>> -> memref<1x3200xf32, #tpu.memory_space<hbm>>
      %dma_wait3A_263 = tpu.memref_squeeze %dma_wait3A_262 : memref<1x3200xf32, #tpu.memory_space<hbm>> -> memref<3200xf32, #tpu.memory_space<hbm>>
      tpu.wait_dma2 semaphore(%run_scoped3A_257 : memref<!tpu.dma_semaphore, #tpu.memory_space<semaphore_mem>>) src(%dma_wait3A_263 : memref<3200xf32, #tpu.memory_space<hbm>>) dst(%arg5 : memref<3200xf32, #tpu.memory_space<vmem>>)
      tpu.yield
    }) : () -> ()
    %scan3A_51 = arith.constant 0 : i32
    %scan3A_52 = arith.constant 0 : i32
    %scan3A_53 = arith.constant 200 : i32
    %scan3A_54 = arith.addi %scan3A_52, %scan3A_53 : i32
    %scan3A_55 = arith.constant 1 : i32
    %scan3A_56 = scf.for %scan3A_257 = %scan3A_52 to %scan3A_54 step %scan3A_55 iter_args(%scan3A_258 = %scan3A_51) -> (i32)  : i32 {
      %mul3A_259 = arith.constant 16 : i32
      %mul3A_260 = arith.muli %scan3A_257, %mul3A_259 : i32
      %get3A = arith.index_cast %mul3A_260 : i32 to index
      %get3A_261 = tpu.vector_load %arg4[%get3A] {strides = array<i32>} : memref<3200xf32, #tpu.memory_space<vmem>>, vector<16xf32>,
      %get3A_262 = arith.index_cast %mul3A_260 : i32 to index
      %get3A_263 = tpu.vector_load %arg5[%get3A_262] {strides = array<i32>} : memref<3200xf32, #tpu.memory_space<vmem>>, vector<16xf32>,
      %add3A_264 = arith.addf %get3A_261, %get3A_263 : vector<16xf32>
      %swap3A = arith.index_cast %mul3A_260 : i32 to index
      %swap3A_265 = tpu.vector_load %arg4[%swap3A] {strides = array<i32>} : memref<3200xf32, #tpu.memory_space<vmem>>, vector<16xf32>,
      tpu.vector_store %arg4[%swap3A], %add3A_264 {strides = array<i32>} : memref<3200xf32, #tpu.memory_space<vmem>>, vector<16xf32>,
      %scan3A_266 = arith.constant 0 : i32
      scf.yield %scan3A_266 : i32
    }
    %scan3A_57 = arith.constant 200 : i32
    %run_scoped3A_58 = arith.constant 8 : i32
    "tpu.region"() ({
      %run_scoped3A_257 = tpu.sem_alloc : memref<!tpu.dma_semaphore, #tpu.memory_space<semaphore_mem>>
      %dma_start3A = tpu.memref_slice %arg2[%run_scoped3A_58, %mul3A_2] : memref<32x102416xf32, #tpu.memory_space<hbm>> -> memref<1x3200xf32, #tpu.memory_space<hbm>>
      %dma_start3A_258 = tpu.memref_squeeze %dma_start3A : memref<1x3200xf32, #tpu.memory_space<hbm>> -> memref<3200xf32, #tpu.memory_space<hbm>>
      %dma_start3A_259 = tpu.memref_slice %arg2[%run_scoped3A_58, %mul3A_2] : memref<32x102416xf32, #tpu.memory_space<hbm>> -> memref<1x3200xf32, #tpu.memory_space<hbm>>
      %dma_start3A_260 = tpu.memref_squeeze %dma_start3A_259 : memref<1x3200xf32, #tpu.memory_space<hbm>> -> memref<3200xf32, #tpu.memory_space<hbm>>
      tpu.enqueue_dma source(%dma_start3A_260 : memref<3200xf32, #tpu.memory_space<hbm>>) target(%arg5 : memref<3200xf32, #tpu.memory_space<vmem>>) target_semaphore(%run_scoped3A_257 : memref<!tpu.dma_semaphore, #tpu.memory_space<semaphore_mem>>)
      %dma_wait3A = tpu.memref_slice %arg2[%run_scoped3A_58, %mul3A_2] : memref<32x102416xf32, #tpu.memory_space<hbm>> -> memref<1x3200xf32, #tpu.memory_space<hbm>>
      %dma_wait3A_261 = tpu.memref_squeeze %dma_wait3A : memref<1x3200xf32, #tpu.memory_space<hbm>> -> memref<3200xf32, #tpu.memory_space<hbm>>
      %dma_wait3A_262 = tpu.memref_slice %arg2[%run_scoped3A_58, %mul3A_2] : memref<32x102416xf32, #tpu.memory_space<hbm>> -> memref<1x3200xf32, #tpu.memory_space<hbm>>
      %dma_wait3A_263 = tpu.memref_squeeze %dma_wait3A_262 : memref<1x3200xf32, #tpu.memory_space<hbm>> -> memref<3200xf32, #tpu.memory_space<hbm>>
      tpu.wait_dma2 semaphore(%run_scoped3A_257 : memref<!tpu.dma_semaphore, #tpu.memory_space<semaphore_mem>>) src(%dma_wait3A_263 : memref<3200xf32, #tpu.memory_space<hbm>>) dst(%arg5 : memref<3200xf32, #tpu.memory_space<vmem>>)
      tpu.yield
    }) : () -> ()
    %scan3A_59 = arith.constant 0 : i32
    %scan3A_60 = arith.constant 0 : i32
    %scan3A_61 = arith.constant 200 : i32
    %scan3A_62 = arith.addi %scan3A_60, %scan3A_61 : i32
    %scan3A_63 = arith.constant 1 : i32
    %scan3A_64 = scf.for %scan3A_257 = %scan3A_60 to %scan3A_62 step %scan3A_63 iter_args(%scan3A_258 = %scan3A_59) -> (i32)  : i32 {
      %mul3A_259 = arith.constant 16 : i32
      %mul3A_260 = arith.muli %scan3A_257, %mul3A_259 : i32
      %get3A = arith.index_cast %mul3A_260 : i32 to index
      %get3A_261 = tpu.vector_load %arg4[%get3A] {strides = array<i32>} : memref<3200xf32, #tpu.memory_space<vmem>>, vector<16xf32>,
      %get3A_262 = arith.index_cast %mul3A_260 : i32 to index
      %get3A_263 = tpu.vector_load %arg5[%get3A_262] {strides = array<i32>} : memref<3200xf32, #tpu.memory_space<vmem>>, vector<16xf32>,
      %add3A_264 = arith.addf %get3A_261, %get3A_263 : vector<16xf32>
      %swap3A = arith.index_cast %mul3A_260 : i32 to index
      %swap3A_265 = tpu.vector_load %arg4[%swap3A] {strides = array<i32>} : memref<3200xf32, #tpu.memory_space<vmem>>, vector<16xf32>,
      tpu.vector_store %arg4[%swap3A], %add3A_264 {strides = array<i32>} : memref<3200xf32, #tpu.memory_space<vmem>>, vector<16xf32>,
      %scan3A_266 = arith.constant 0 : i32
      scf.yield %scan3A_266 : i32
    }
    %scan3A_65 = arith.constant 200 : i32
    %run_scoped3A_66 = arith.constant 9 : i32
    "tpu.region"() ({
      %run_scoped3A_257 = tpu.sem_alloc : memref<!tpu.dma_semaphore, #tpu.memory_space<semaphore_mem>>
      %dma_start3A = tpu.memref_slice %arg2[%run_scoped3A_66, %mul3A_2] : memref<32x102416xf32, #tpu.memory_space<hbm>> -> memref<1x3200xf32, #tpu.memory_space<hbm>>
      %dma_start3A_258 = tpu.memref_squeeze %dma_start3A : memref<1x3200xf32, #tpu.memory_space<hbm>> -> memref<3200xf32, #tpu.memory_space<hbm>>
      %dma_start3A_259 = tpu.memref_slice %arg2[%run_scoped3A_66, %mul3A_2] : memref<32x102416xf32, #tpu.memory_space<hbm>> -> memref<1x3200xf32, #tpu.memory_space<hbm>>
      %dma_start3A_260 = tpu.memref_squeeze %dma_start3A_259 : memref<1x3200xf32, #tpu.memory_space<hbm>> -> memref<3200xf32, #tpu.memory_space<hbm>>
      tpu.enqueue_dma source(%dma_start3A_260 : memref<3200xf32, #tpu.memory_space<hbm>>) target(%arg5 : memref<3200xf32, #tpu.memory_space<vmem>>) target_semaphore(%run_scoped3A_257 : memref<!tpu.dma_semaphore, #tpu.memory_space<semaphore_mem>>)
      %dma_wait3A = tpu.memref_slice %arg2[%run_scoped3A_66, %mul3A_2] : memref<32x102416xf32, #tpu.memory_space<hbm>> -> memref<1x3200xf32, #tpu.memory_space<hbm>>
      %dma_wait3A_261 = tpu.memref_squeeze %dma_wait3A : memref<1x3200xf32, #tpu.memory_space<hbm>> -> memref<3200xf32, #tpu.memory_space<hbm>>
      %dma_wait3A_262 = tpu.memref_slice %arg2[%run_scoped3A_66, %mul3A_2] : memref<32x102416xf32, #tpu.memory_space<hbm>> -> memref<1x3200xf32, #tpu.memory_space<hbm>>
      %dma_wait3A_263 = tpu.memref_squeeze %dma_wait3A_262 : memref<1x3200xf32, #tpu.memory_space<hbm>> -> memref<3200xf32, #tpu.memory_space<hbm>>
      tpu.wait_dma2 semaphore(%run_scoped3A_257 : memref<!tpu.dma_semaphore, #tpu.memory_space<semaphore_mem>>) src(%dma_wait3A_263 : memref<3200xf32, #tpu.memory_space<hbm>>) dst(%arg5 : memref<3200xf32, #tpu.memory_space<vmem>>)
      tpu.yield
    }) : () -> ()
    %scan3A_67 = arith.constant 0 : i32
    %scan3A_68 = arith.constant 0 : i32
    %scan3A_69 = arith.constant 200 : i32
    %scan3A_70 = arith.addi %scan3A_68, %scan3A_69 : i32
    %scan3A_71 = arith.constant 1 : i32
    %scan3A_72 = scf.for %scan3A_257 = %scan3A_68 to %scan3A_70 step %scan3A_71 iter_args(%scan3A_258 = %scan3A_67) -> (i32)  : i32 {
      %mul3A_259 = arith.constant 16 : i32
      %mul3A_260 = arith.muli %scan3A_257, %mul3A_259 : i32
      %get3A = arith.index_cast %mul3A_260 : i32 to index
      %get3A_261 = tpu.vector_load %arg4[%get3A] {strides = array<i32>} : memref<3200xf32, #tpu.memory_space<vmem>>, vector<16xf32>,
      %get3A_262 = arith.index_cast %mul3A_260 : i32 to index
      %get3A_263 = tpu.vector_load %arg5[%get3A_262] {strides = array<i32>} : memref<3200xf32, #tpu.memory_space<vmem>>, vector<16xf32>,
      %add3A_264 = arith.addf %get3A_261, %get3A_263 : vector<16xf32>
      %swap3A = arith.index_cast %mul3A_260 : i32 to index
      %swap3A_265 = tpu.vector_load %arg4[%swap3A] {strides = array<i32>} : memref<3200xf32, #tpu.memory_space<vmem>>, vector<16xf32>,
      tpu.vector_store %arg4[%swap3A], %add3A_264 {strides = array<i32>} : memref<3200xf32, #tpu.memory_space<vmem>>, vector<16xf32>,
      %scan3A_266 = arith.constant 0 : i32
      scf.yield %scan3A_266 : i32
    }
    %scan3A_73 = arith.constant 200 : i32
    %run_scoped3A_74 = arith.constant 10 : i32
    "tpu.region"() ({
      %run_scoped3A_257 = tpu.sem_alloc : memref<!tpu.dma_semaphore, #tpu.memory_space<semaphore_mem>>
      %dma_start3A = tpu.memref_slice %arg2[%run_scoped3A_74, %mul3A_2] : memref<32x102416xf32, #tpu.memory_space<hbm>> -> memref<1x3200xf32, #tpu.memory_space<hbm>>
      %dma_start3A_258 = tpu.memref_squeeze %dma_start3A : memref<1x3200xf32, #tpu.memory_space<hbm>> -> memref<3200xf32, #tpu.memory_space<hbm>>
      %dma_start3A_259 = tpu.memref_slice %arg2[%run_scoped3A_74, %mul3A_2] : memref<32x102416xf32, #tpu.memory_space<hbm>> -> memref<1x3200xf32, #tpu.memory_space<hbm>>
      %dma_start3A_260 = tpu.memref_squeeze %dma_start3A_259 : memref<1x3200xf32, #tpu.memory_space<hbm>> -> memref<3200xf32, #tpu.memory_space<hbm>>
      tpu.enqueue_dma source(%dma_start3A_260 : memref<3200xf32, #tpu.memory_space<hbm>>) target(%arg5 : memref<3200xf32, #tpu.memory_space<vmem>>) target_semaphore(%run_scoped3A_257 : memref<!tpu.dma_semaphore, #tpu.memory_space<semaphore_mem>>)
      %dma_wait3A = tpu.memref_slice %arg2[%run_scoped3A_74, %mul3A_2] : memref<32x102416xf32, #tpu.memory_space<hbm>> -> memref<1x3200xf32, #tpu.memory_space<hbm>>
      %dma_wait3A_261 = tpu.memref_squeeze %dma_wait3A : memref<1x3200xf32, #tpu.memory_space<hbm>> -> memref<3200xf32, #tpu.memory_space<hbm>>
      %dma_wait3A_262 = tpu.memref_slice %arg2[%run_scoped3A_74, %mul3A_2] : memref<32x102416xf32, #tpu.memory_space<hbm>> -> memref<1x3200xf32, #tpu.memory_space<hbm>>
      %dma_wait3A_263 = tpu.memref_squeeze %dma_wait3A_262 : memref<1x3200xf32, #tpu.memory_space<hbm>> -> memref<3200xf32, #tpu.memory_space<hbm>>
      tpu.wait_dma2 semaphore(%run_scoped3A_257 : memref<!tpu.dma_semaphore, #tpu.memory_space<semaphore_mem>>) src(%dma_wait3A_263 : memref<3200xf32, #tpu.memory_space<hbm>>) dst(%arg5 : memref<3200xf32, #tpu.memory_space<vmem>>)
      tpu.yield
    }) : () -> ()
    %scan3A_75 = arith.constant 0 : i32
    %scan3A_76 = arith.constant 0 : i32
    %scan3A_77 = arith.constant 200 : i32
    %scan3A_78 = arith.addi %scan3A_76, %scan3A_77 : i32
    %scan3A_79 = arith.constant 1 : i32
    %scan3A_80 = scf.for %scan3A_257 = %scan3A_76 to %scan3A_78 step %scan3A_79 iter_args(%scan3A_258 = %scan3A_75) -> (i32)  : i32 {
      %mul3A_259 = arith.constant 16 : i32
      %mul3A_260 = arith.muli %scan3A_257, %mul3A_259 : i32
      %get3A = arith.index_cast %mul3A_260 : i32 to index
      %get3A_261 = tpu.vector_load %arg4[%get3A] {strides = array<i32>} : memref<3200xf32, #tpu.memory_space<vmem>>, vector<16xf32>,
      %get3A_262 = arith.index_cast %mul3A_260 : i32 to index
      %get3A_263 = tpu.vector_load %arg5[%get3A_262] {strides = array<i32>} : memref<3200xf32, #tpu.memory_space<vmem>>, vector<16xf32>,
      %add3A_264 = arith.addf %get3A_261, %get3A_263 : vector<16xf32>
      %swap3A = arith.index_cast %mul3A_260 : i32 to index
      %swap3A_265 = tpu.vector_load %arg4[%swap3A] {strides = array<i32>} : memref<3200xf32, #tpu.memory_space<vmem>>, vector<16xf32>,
      tpu.vector_store %arg4[%swap3A], %add3A_264 {strides = array<i32>} : memref<3200xf32, #tpu.memory_space<vmem>>, vector<16xf32>,
      %scan3A_266 = arith.constant 0 : i32
      scf.yield %scan3A_266 : i32
    }
    %scan3A_81 = arith.constant 200 : i32
    %run_scoped3A_82 = arith.constant 11 : i32
    "tpu.region"() ({
      %run_scoped3A_257 = tpu.sem_alloc : memref<!tpu.dma_semaphore, #tpu.memory_space<semaphore_mem>>
      %dma_start3A = tpu.memref_slice %arg2[%run_scoped3A_82, %mul3A_2] : memref<32x102416xf32, #tpu.memory_space<hbm>> -> memref<1x3200xf32, #tpu.memory_space<hbm>>
      %dma_start3A_258 = tpu.memref_squeeze %dma_start3A : memref<1x3200xf32, #tpu.memory_space<hbm>> -> memref<3200xf32, #tpu.memory_space<hbm>>
      %dma_start3A_259 = tpu.memref_slice %arg2[%run_scoped3A_82, %mul3A_2] : memref<32x102416xf32, #tpu.memory_space<hbm>> -> memref<1x3200xf32, #tpu.memory_space<hbm>>
      %dma_start3A_260 = tpu.memref_squeeze %dma_start3A_259 : memref<1x3200xf32, #tpu.memory_space<hbm>> -> memref<3200xf32, #tpu.memory_space<hbm>>
      tpu.enqueue_dma source(%dma_start3A_260 : memref<3200xf32, #tpu.memory_space<hbm>>) target(%arg5 : memref<3200xf32, #tpu.memory_space<vmem>>) target_semaphore(%run_scoped3A_257 : memref<!tpu.dma_semaphore, #tpu.memory_space<semaphore_mem>>)
      %dma_wait3A = tpu.memref_slice %arg2[%run_scoped3A_82, %mul3A_2] : memref<32x102416xf32, #tpu.memory_space<hbm>> -> memref<1x3200xf32, #tpu.memory_space<hbm>>
      %dma_wait3A_261 = tpu.memref_squeeze %dma_wait3A : memref<1x3200xf32, #tpu.memory_space<hbm>> -> memref<3200xf32, #tpu.memory_space<hbm>>
      %dma_wait3A_262 = tpu.memref_slice %arg2[%run_scoped3A_82, %mul3A_2] : memref<32x102416xf32, #tpu.memory_space<hbm>> -> memref<1x3200xf32, #tpu.memory_space<hbm>>
      %dma_wait3A_263 = tpu.memref_squeeze %dma_wait3A_262 : memref<1x3200xf32, #tpu.memory_space<hbm>> -> memref<3200xf32, #tpu.memory_space<hbm>>
      tpu.wait_dma2 semaphore(%run_scoped3A_257 : memref<!tpu.dma_semaphore, #tpu.memory_space<semaphore_mem>>) src(%dma_wait3A_263 : memref<3200xf32, #tpu.memory_space<hbm>>) dst(%arg5 : memref<3200xf32, #tpu.memory_space<vmem>>)
      tpu.yield
    }) : () -> ()
    %scan3A_83 = arith.constant 0 : i32
    %scan3A_84 = arith.constant 0 : i32
    %scan3A_85 = arith.constant 200 : i32
    %scan3A_86 = arith.addi %scan3A_84, %scan3A_85 : i32
    %scan3A_87 = arith.constant 1 : i32
    %scan3A_88 = scf.for %scan3A_257 = %scan3A_84 to %scan3A_86 step %scan3A_87 iter_args(%scan3A_258 = %scan3A_83) -> (i32)  : i32 {
      %mul3A_259 = arith.constant 16 : i32
      %mul3A_260 = arith.muli %scan3A_257, %mul3A_259 : i32
      %get3A = arith.index_cast %mul3A_260 : i32 to index
      %get3A_261 = tpu.vector_load %arg4[%get3A] {strides = array<i32>} : memref<3200xf32, #tpu.memory_space<vmem>>, vector<16xf32>,
      %get3A_262 = arith.index_cast %mul3A_260 : i32 to index
      %get3A_263 = tpu.vector_load %arg5[%get3A_262] {strides = array<i32>} : memref<3200xf32, #tpu.memory_space<vmem>>, vector<16xf32>,
      %add3A_264 = arith.addf %get3A_261, %get3A_263 : vector<16xf32>
      %swap3A = arith.index_cast %mul3A_260 : i32 to index
      %swap3A_265 = tpu.vector_load %arg4[%swap3A] {strides = array<i32>} : memref<3200xf32, #tpu.memory_space<vmem>>, vector<16xf32>,
      tpu.vector_store %arg4[%swap3A], %add3A_264 {strides = array<i32>} : memref<3200xf32, #tpu.memory_space<vmem>>, vector<16xf32>,
      %scan3A_266 = arith.constant 0 : i32
      scf.yield %scan3A_266 : i32
    }
    %scan3A_89 = arith.constant 200 : i32
    %run_scoped3A_90 = arith.constant 12 : i32
    "tpu.region"() ({
      %run_scoped3A_257 = tpu.sem_alloc : memref<!tpu.dma_semaphore, #tpu.memory_space<semaphore_mem>>
      %dma_start3A = tpu.memref_slice %arg2[%run_scoped3A_90, %mul3A_2] : memref<32x102416xf32, #tpu.memory_space<hbm>> -> memref<1x3200xf32, #tpu.memory_space<hbm>>
      %dma_start3A_258 = tpu.memref_squeeze %dma_start3A : memref<1x3200xf32, #tpu.memory_space<hbm>> -> memref<3200xf32, #tpu.memory_space<hbm>>
      %dma_start3A_259 = tpu.memref_slice %arg2[%run_scoped3A_90, %mul3A_2] : memref<32x102416xf32, #tpu.memory_space<hbm>> -> memref<1x3200xf32, #tpu.memory_space<hbm>>
      %dma_start3A_260 = tpu.memref_squeeze %dma_start3A_259 : memref<1x3200xf32, #tpu.memory_space<hbm>> -> memref<3200xf32, #tpu.memory_space<hbm>>
      tpu.enqueue_dma source(%dma_start3A_260 : memref<3200xf32, #tpu.memory_space<hbm>>) target(%arg5 : memref<3200xf32, #tpu.memory_space<vmem>>) target_semaphore(%run_scoped3A_257 : memref<!tpu.dma_semaphore, #tpu.memory_space<semaphore_mem>>)
      %dma_wait3A = tpu.memref_slice %arg2[%run_scoped3A_90, %mul3A_2] : memref<32x102416xf32, #tpu.memory_space<hbm>> -> memref<1x3200xf32, #tpu.memory_space<hbm>>
      %dma_wait3A_261 = tpu.memref_squeeze %dma_wait3A : memref<1x3200xf32, #tpu.memory_space<hbm>> -> memref<3200xf32, #tpu.memory_space<hbm>>
      %dma_wait3A_262 = tpu.memref_slice %arg2[%run_scoped3A_90, %mul3A_2] : memref<32x102416xf32, #tpu.memory_space<hbm>> -> memref<1x3200xf32, #tpu.memory_space<hbm>>
      %dma_wait3A_263 = tpu.memref_squeeze %dma_wait3A_262 : memref<1x3200xf32, #tpu.memory_space<hbm>> -> memref<3200xf32, #tpu.memory_space<hbm>>
      tpu.wait_dma2 semaphore(%run_scoped3A_257 : memref<!tpu.dma_semaphore, #tpu.memory_space<semaphore_mem>>) src(%dma_wait3A_263 : memref<3200xf32, #tpu.memory_space<hbm>>) dst(%arg5 : memref<3200xf32, #tpu.memory_space<vmem>>)
      tpu.yield
    }) : () -> ()
    %scan3A_91 = arith.constant 0 : i32
    %scan3A_92 = arith.constant 0 : i32
    %scan3A_93 = arith.constant 200 : i32
    %scan3A_94 = arith.addi %scan3A_92, %scan3A_93 : i32
    %scan3A_95 = arith.constant 1 : i32
    %scan3A_96 = scf.for %scan3A_257 = %scan3A_92 to %scan3A_94 step %scan3A_95 iter_args(%scan3A_258 = %scan3A_91) -> (i32)  : i32 {
      %mul3A_259 = arith.constant 16 : i32
      %mul3A_260 = arith.muli %scan3A_257, %mul3A_259 : i32
      %get3A = arith.index_cast %mul3A_260 : i32 to index
      %get3A_261 = tpu.vector_load %arg4[%get3A] {strides = array<i32>} : memref<3200xf32, #tpu.memory_space<vmem>>, vector<16xf32>,
      %get3A_262 = arith.index_cast %mul3A_260 : i32 to index
      %get3A_263 = tpu.vector_load %arg5[%get3A_262] {strides = array<i32>} : memref<3200xf32, #tpu.memory_space<vmem>>, vector<16xf32>,
      %add3A_264 = arith.addf %get3A_261, %get3A_263 : vector<16xf32>
      %swap3A = arith.index_cast %mul3A_260 : i32 to index
      %swap3A_265 = tpu.vector_load %arg4[%swap3A] {strides = array<i32>} : memref<3200xf32, #tpu.memory_space<vmem>>, vector<16xf32>,
      tpu.vector_store %arg4[%swap3A], %add3A_264 {strides = array<i32>} : memref<3200xf32, #tpu.memory_space<vmem>>, vector<16xf32>,
      %scan3A_266 = arith.constant 0 : i32
      scf.yield %scan3A_266 : i32
    }
    %scan3A_97 = arith.constant 200 : i32
    %run_scoped3A_98 = arith.constant 13 : i32
    "tpu.region"() ({
      %run_scoped3A_257 = tpu.sem_alloc : memref<!tpu.dma_semaphore, #tpu.memory_space<semaphore_mem>>
      %dma_start3A = tpu.memref_slice %arg2[%run_scoped3A_98, %mul3A_2] : memref<32x102416xf32, #tpu.memory_space<hbm>> -> memref<1x3200xf32, #tpu.memory_space<hbm>>
      %dma_start3A_258 = tpu.memref_squeeze %dma_start3A : memref<1x3200xf32, #tpu.memory_space<hbm>> -> memref<3200xf32, #tpu.memory_space<hbm>>
      %dma_start3A_259 = tpu.memref_slice %arg2[%run_scoped3A_98, %mul3A_2] : memref<32x102416xf32, #tpu.memory_space<hbm>> -> memref<1x3200xf32, #tpu.memory_space<hbm>>
      %dma_start3A_260 = tpu.memref_squeeze %dma_start3A_259 : memref<1x3200xf32, #tpu.memory_space<hbm>> -> memref<3200xf32, #tpu.memory_space<hbm>>
      tpu.enqueue_dma source(%dma_start3A_260 : memref<3200xf32, #tpu.memory_space<hbm>>) target(%arg5 : memref<3200xf32, #tpu.memory_space<vmem>>) target_semaphore(%run_scoped3A_257 : memref<!tpu.dma_semaphore, #tpu.memory_space<semaphore_mem>>)
      %dma_wait3A = tpu.memref_slice %arg2[%run_scoped3A_98, %mul3A_2] : memref<32x102416xf32, #tpu.memory_space<hbm>> -> memref<1x3200xf32, #tpu.memory_space<hbm>>
      %dma_wait3A_261 = tpu.memref_squeeze %dma_wait3A : memref<1x3200xf32, #tpu.memory_space<hbm>> -> memref<3200xf32, #tpu.memory_space<hbm>>
      %dma_wait3A_262 = tpu.memref_slice %arg2[%run_scoped3A_98, %mul3A_2] : memref<32x102416xf32, #tpu.memory_space<hbm>> -> memref<1x3200xf32, #tpu.memory_space<hbm>>
      %dma_wait3A_263 = tpu.memref_squeeze %dma_wait3A_262 : memref<1x3200xf32, #tpu.memory_space<hbm>> -> memref<3200xf32, #tpu.memory_space<hbm>>
      tpu.wait_dma2 semaphore(%run_scoped3A_257 : memref<!tpu.dma_semaphore, #tpu.memory_space<semaphore_mem>>) src(%dma_wait3A_263 : memref<3200xf32, #tpu.memory_space<hbm>>) dst(%arg5 : memref<3200xf32, #tpu.memory_space<vmem>>)
      tpu.yield
    }) : () -> ()
    %scan3A_99 = arith.constant 0 : i32
    %scan3A_100 = arith.constant 0 : i32
    %scan3A_101 = arith.constant 200 : i32
    %scan3A_102 = arith.addi %scan3A_100, %scan3A_101 : i32
    %scan3A_103 = arith.constant 1 : i32
    %scan3A_104 = scf.for %scan3A_257 = %scan3A_100 to %scan3A_102 step %scan3A_103 iter_args(%scan3A_258 = %scan3A_99) -> (i32)  : i32 {
      %mul3A_259 = arith.constant 16 : i32
      %mul3A_260 = arith.muli %scan3A_257, %mul3A_259 : i32
      %get3A = arith.index_cast %mul3A_260 : i32 to index
      %get3A_261 = tpu.vector_load %arg4[%get3A] {strides = array<i32>} : memref<3200xf32, #tpu.memory_space<vmem>>, vector<16xf32>,
      %get3A_262 = arith.index_cast %mul3A_260 : i32 to index
      %get3A_263 = tpu.vector_load %arg5[%get3A_262] {strides = array<i32>} : memref<3200xf32, #tpu.memory_space<vmem>>, vector<16xf32>,
      %add3A_264 = arith.addf %get3A_261, %get3A_263 : vector<16xf32>
      %swap3A = arith.index_cast %mul3A_260 : i32 to index
      %swap3A_265 = tpu.vector_load %arg4[%swap3A] {strides = array<i32>} : memref<3200xf32, #tpu.memory_space<vmem>>, vector<16xf32>,
      tpu.vector_store %arg4[%swap3A], %add3A_264 {strides = array<i32>} : memref<3200xf32, #tpu.memory_space<vmem>>, vector<16xf32>,
      %scan3A_266 = arith.constant 0 : i32
      scf.yield %scan3A_266 : i32
    }
    %scan3A_105 = arith.constant 200 : i32
    %run_scoped3A_106 = arith.constant 14 : i32
    "tpu.region"() ({
      %run_scoped3A_257 = tpu.sem_alloc : memref<!tpu.dma_semaphore, #tpu.memory_space<semaphore_mem>>
      %dma_start3A = tpu.memref_slice %arg2[%run_scoped3A_106, %mul3A_2] : memref<32x102416xf32, #tpu.memory_space<hbm>> -> memref<1x3200xf32, #tpu.memory_space<hbm>>
      %dma_start3A_258 = tpu.memref_squeeze %dma_start3A : memref<1x3200xf32, #tpu.memory_space<hbm>> -> memref<3200xf32, #tpu.memory_space<hbm>>
      %dma_start3A_259 = tpu.memref_slice %arg2[%run_scoped3A_106, %mul3A_2] : memref<32x102416xf32, #tpu.memory_space<hbm>> -> memref<1x3200xf32, #tpu.memory_space<hbm>>
      %dma_start3A_260 = tpu.memref_squeeze %dma_start3A_259 : memref<1x3200xf32, #tpu.memory_space<hbm>> -> memref<3200xf32, #tpu.memory_space<hbm>>
      tpu.enqueue_dma source(%dma_start3A_260 : memref<3200xf32, #tpu.memory_space<hbm>>) target(%arg5 : memref<3200xf32, #tpu.memory_space<vmem>>) target_semaphore(%run_scoped3A_257 : memref<!tpu.dma_semaphore, #tpu.memory_space<semaphore_mem>>)
      %dma_wait3A = tpu.memref_slice %arg2[%run_scoped3A_106, %mul3A_2] : memref<32x102416xf32, #tpu.memory_space<hbm>> -> memref<1x3200xf32, #tpu.memory_space<hbm>>
      %dma_wait3A_261 = tpu.memref_squeeze %dma_wait3A : memref<1x3200xf32, #tpu.memory_space<hbm>> -> memref<3200xf32, #tpu.memory_space<hbm>>
      %dma_wait3A_262 = tpu.memref_slice %arg2[%run_scoped3A_106, %mul3A_2] : memref<32x102416xf32, #tpu.memory_space<hbm>> -> memref<1x3200xf32, #tpu.memory_space<hbm>>
      %dma_wait3A_263 = tpu.memref_squeeze %dma_wait3A_262 : memref<1x3200xf32, #tpu.memory_space<hbm>> -> memref<3200xf32, #tpu.memory_space<hbm>>
      tpu.wait_dma2 semaphore(%run_scoped3A_257 : memref<!tpu.dma_semaphore, #tpu.memory_space<semaphore_mem>>) src(%dma_wait3A_263 : memref<3200xf32, #tpu.memory_space<hbm>>) dst(%arg5 : memref<3200xf32, #tpu.memory_space<vmem>>)
      tpu.yield
    }) : () -> ()
    %scan3A_107 = arith.constant 0 : i32
    %scan3A_108 = arith.constant 0 : i32
    %scan3A_109 = arith.constant 200 : i32
    %scan3A_110 = arith.addi %scan3A_108, %scan3A_109 : i32
    %scan3A_111 = arith.constant 1 : i32
    %scan3A_112 = scf.for %scan3A_257 = %scan3A_108 to %scan3A_110 step %scan3A_111 iter_args(%scan3A_258 = %scan3A_107) -> (i32)  : i32 {
      %mul3A_259 = arith.constant 16 : i32
      %mul3A_260 = arith.muli %scan3A_257, %mul3A_259 : i32
      %get3A = arith.index_cast %mul3A_260 : i32 to index
      %get3A_261 = tpu.vector_load %arg4[%get3A] {strides = array<i32>} : memref<3200xf32, #tpu.memory_space<vmem>>, vector<16xf32>,
      %get3A_262 = arith.index_cast %mul3A_260 : i32 to index
      %get3A_263 = tpu.vector_load %arg5[%get3A_262] {strides = array<i32>} : memref<3200xf32, #tpu.memory_space<vmem>>, vector<16xf32>,
      %add3A_264 = arith.addf %get3A_261, %get3A_263 : vector<16xf32>
      %swap3A = arith.index_cast %mul3A_260 : i32 to index
      %swap3A_265 = tpu.vector_load %arg4[%swap3A] {strides = array<i32>} : memref<3200xf32, #tpu.memory_space<vmem>>, vector<16xf32>,
      tpu.vector_store %arg4[%swap3A], %add3A_264 {strides = array<i32>} : memref<3200xf32, #tpu.memory_space<vmem>>, vector<16xf32>,
      %scan3A_266 = arith.constant 0 : i32
      scf.yield %scan3A_266 : i32
    }
    %scan3A_113 = arith.constant 200 : i32
    %run_scoped3A_114 = arith.constant 15 : i32
    "tpu.region"() ({
      %run_scoped3A_257 = tpu.sem_alloc : memref<!tpu.dma_semaphore, #tpu.memory_space<semaphore_mem>>
      %dma_start3A = tpu.memref_slice %arg2[%run_scoped3A_114, %mul3A_2] : memref<32x102416xf32, #tpu.memory_space<hbm>> -> memref<1x3200xf32, #tpu.memory_space<hbm>>
      %dma_start3A_258 = tpu.memref_squeeze %dma_start3A : memref<1x3200xf32, #tpu.memory_space<hbm>> -> memref<3200xf32, #tpu.memory_space<hbm>>
      %dma_start3A_259 = tpu.memref_slice %arg2[%run_scoped3A_114, %mul3A_2] : memref<32x102416xf32, #tpu.memory_space<hbm>> -> memref<1x3200xf32, #tpu.memory_space<hbm>>
      %dma_start3A_260 = tpu.memref_squeeze %dma_start3A_259 : memref<1x3200xf32, #tpu.memory_space<hbm>> -> memref<3200xf32, #tpu.memory_space<hbm>>
      tpu.enqueue_dma source(%dma_start3A_260 : memref<3200xf32, #tpu.memory_space<hbm>>) target(%arg5 : memref<3200xf32, #tpu.memory_space<vmem>>) target_semaphore(%run_scoped3A_257 : memref<!tpu.dma_semaphore, #tpu.memory_space<semaphore_mem>>)
      %dma_wait3A = tpu.memref_slice %arg2[%run_scoped3A_114, %mul3A_2] : memref<32x102416xf32, #tpu.memory_space<hbm>> -> memref<1x3200xf32, #tpu.memory_space<hbm>>
      %dma_wait3A_261 = tpu.memref_squeeze %dma_wait3A : memref<1x3200xf32, #tpu.memory_space<hbm>> -> memref<3200xf32, #tpu.memory_space<hbm>>
      %dma_wait3A_262 = tpu.memref_slice %arg2[%run_scoped3A_114, %mul3A_2] : memref<32x102416xf32, #tpu.memory_space<hbm>> -> memref<1x3200xf32, #tpu.memory_space<hbm>>
      %dma_wait3A_263 = tpu.memref_squeeze %dma_wait3A_262 : memref<1x3200xf32, #tpu.memory_space<hbm>> -> memref<3200xf32, #tpu.memory_space<hbm>>
      tpu.wait_dma2 semaphore(%run_scoped3A_257 : memref<!tpu.dma_semaphore, #tpu.memory_space<semaphore_mem>>) src(%dma_wait3A_263 : memref<3200xf32, #tpu.memory_space<hbm>>) dst(%arg5 : memref<3200xf32, #tpu.memory_space<vmem>>)
      tpu.yield
    }) : () -> ()
    %scan3A_115 = arith.constant 0 : i32
    %scan3A_116 = arith.constant 0 : i32
    %scan3A_117 = arith.constant 200 : i32
    %scan3A_118 = arith.addi %scan3A_116, %scan3A_117 : i32
    %scan3A_119 = arith.constant 1 : i32
    %scan3A_120 = scf.for %scan3A_257 = %scan3A_116 to %scan3A_118 step %scan3A_119 iter_args(%scan3A_258 = %scan3A_115) -> (i32)  : i32 {
      %mul3A_259 = arith.constant 16 : i32
      %mul3A_260 = arith.muli %scan3A_257, %mul3A_259 : i32
      %get3A = arith.index_cast %mul3A_260 : i32 to index
      %get3A_261 = tpu.vector_load %arg4[%get3A] {strides = array<i32>} : memref<3200xf32, #tpu.memory_space<vmem>>, vector<16xf32>,
      %get3A_262 = arith.index_cast %mul3A_260 : i32 to index
      %get3A_263 = tpu.vector_load %arg5[%get3A_262] {strides = array<i32>} : memref<3200xf32, #tpu.memory_space<vmem>>, vector<16xf32>,
      %add3A_264 = arith.addf %get3A_261, %get3A_263 : vector<16xf32>
      %swap3A = arith.index_cast %mul3A_260 : i32 to index
      %swap3A_265 = tpu.vector_load %arg4[%swap3A] {strides = array<i32>} : memref<3200xf32, #tpu.memory_space<vmem>>, vector<16xf32>,
      tpu.vector_store %arg4[%swap3A], %add3A_264 {strides = array<i32>} : memref<3200xf32, #tpu.memory_space<vmem>>, vector<16xf32>,
      %scan3A_266 = arith.constant 0 : i32
      scf.yield %scan3A_266 : i32
    }
    %scan3A_121 = arith.constant 200 : i32
    %run_scoped3A_122 = arith.constant 16 : i32
    "tpu.region"() ({
      %run_scoped3A_257 = tpu.sem_alloc : memref<!tpu.dma_semaphore, #tpu.memory_space<semaphore_mem>>
      %dma_start3A = tpu.memref_slice %arg2[%run_scoped3A_122, %mul3A_2] : memref<32x102416xf32, #tpu.memory_space<hbm>> -> memref<1x3200xf32, #tpu.memory_space<hbm>>
      %dma_start3A_258 = tpu.memref_squeeze %dma_start3A : memref<1x3200xf32, #tpu.memory_space<hbm>> -> memref<3200xf32, #tpu.memory_space<hbm>>
      %dma_start3A_259 = tpu.memref_slice %arg2[%run_scoped3A_122, %mul3A_2] : memref<32x102416xf32, #tpu.memory_space<hbm>> -> memref<1x3200xf32, #tpu.memory_space<hbm>>
      %dma_start3A_260 = tpu.memref_squeeze %dma_start3A_259 : memref<1x3200xf32, #tpu.memory_space<hbm>> -> memref<3200xf32, #tpu.memory_space<hbm>>
      tpu.enqueue_dma source(%dma_start3A_260 : memref<3200xf32, #tpu.memory_space<hbm>>) target(%arg5 : memref<3200xf32, #tpu.memory_space<vmem>>) target_semaphore(%run_scoped3A_257 : memref<!tpu.dma_semaphore, #tpu.memory_space<semaphore_mem>>)
      %dma_wait3A = tpu.memref_slice %arg2[%run_scoped3A_122, %mul3A_2] : memref<32x102416xf32, #tpu.memory_space<hbm>> -> memref<1x3200xf32, #tpu.memory_space<hbm>>
      %dma_wait3A_261 = tpu.memref_squeeze %dma_wait3A : memref<1x3200xf32, #tpu.memory_space<hbm>> -> memref<3200xf32, #tpu.memory_space<hbm>>
      %dma_wait3A_262 = tpu.memref_slice %arg2[%run_scoped3A_122, %mul3A_2] : memref<32x102416xf32, #tpu.memory_space<hbm>> -> memref<1x3200xf32, #tpu.memory_space<hbm>>
      %dma_wait3A_263 = tpu.memref_squeeze %dma_wait3A_262 : memref<1x3200xf32, #tpu.memory_space<hbm>> -> memref<3200xf32, #tpu.memory_space<hbm>>
      tpu.wait_dma2 semaphore(%run_scoped3A_257 : memref<!tpu.dma_semaphore, #tpu.memory_space<semaphore_mem>>) src(%dma_wait3A_263 : memref<3200xf32, #tpu.memory_space<hbm>>) dst(%arg5 : memref<3200xf32, #tpu.memory_space<vmem>>)
      tpu.yield
    }) : () -> ()
    %scan3A_123 = arith.constant 0 : i32
    %scan3A_124 = arith.constant 0 : i32
    %scan3A_125 = arith.constant 200 : i32
    %scan3A_126 = arith.addi %scan3A_124, %scan3A_125 : i32
    %scan3A_127 = arith.constant 1 : i32
    %scan3A_128 = scf.for %scan3A_257 = %scan3A_124 to %scan3A_126 step %scan3A_127 iter_args(%scan3A_258 = %scan3A_123) -> (i32)  : i32 {
      %mul3A_259 = arith.constant 16 : i32
      %mul3A_260 = arith.muli %scan3A_257, %mul3A_259 : i32
      %get3A = arith.index_cast %mul3A_260 : i32 to index
      %get3A_261 = tpu.vector_load %arg4[%get3A] {strides = array<i32>} : memref<3200xf32, #tpu.memory_space<vmem>>, vector<16xf32>,
      %get3A_262 = arith.index_cast %mul3A_260 : i32 to index
      %get3A_263 = tpu.vector_load %arg5[%get3A_262] {strides = array<i32>} : memref<3200xf32, #tpu.memory_space<vmem>>, vector<16xf32>,
      %add3A_264 = arith.addf %get3A_261, %get3A_263 : vector<16xf32>
      %swap3A = arith.index_cast %mul3A_260 : i32 to index
      %swap3A_265 = tpu.vector_load %arg4[%swap3A] {strides = array<i32>} : memref<3200xf32, #tpu.memory_space<vmem>>, vector<16xf32>,
      tpu.vector_store %arg4[%swap3A], %add3A_264 {strides = array<i32>} : memref<3200xf32, #tpu.memory_space<vmem>>, vector<16xf32>,
      %scan3A_266 = arith.constant 0 : i32
      scf.yield %scan3A_266 : i32
    }
    %scan3A_129 = arith.constant 200 : i32
    %run_scoped3A_130 = arith.constant 17 : i32
    "tpu.region"() ({
      %run_scoped3A_257 = tpu.sem_alloc : memref<!tpu.dma_semaphore, #tpu.memory_space<semaphore_mem>>
      %dma_start3A = tpu.memref_slice %arg2[%run_scoped3A_130, %mul3A_2] : memref<32x102416xf32, #tpu.memory_space<hbm>> -> memref<1x3200xf32, #tpu.memory_space<hbm>>
      %dma_start3A_258 = tpu.memref_squeeze %dma_start3A : memref<1x3200xf32, #tpu.memory_space<hbm>> -> memref<3200xf32, #tpu.memory_space<hbm>>
      %dma_start3A_259 = tpu.memref_slice %arg2[%run_scoped3A_130, %mul3A_2] : memref<32x102416xf32, #tpu.memory_space<hbm>> -> memref<1x3200xf32, #tpu.memory_space<hbm>>
      %dma_start3A_260 = tpu.memref_squeeze %dma_start3A_259 : memref<1x3200xf32, #tpu.memory_space<hbm>> -> memref<3200xf32, #tpu.memory_space<hbm>>
      tpu.enqueue_dma source(%dma_start3A_260 : memref<3200xf32, #tpu.memory_space<hbm>>) target(%arg5 : memref<3200xf32, #tpu.memory_space<vmem>>) target_semaphore(%run_scoped3A_257 : memref<!tpu.dma_semaphore, #tpu.memory_space<semaphore_mem>>)
      %dma_wait3A = tpu.memref_slice %arg2[%run_scoped3A_130, %mul3A_2] : memref<32x102416xf32, #tpu.memory_space<hbm>> -> memref<1x3200xf32, #tpu.memory_space<hbm>>
      %dma_wait3A_261 = tpu.memref_squeeze %dma_wait3A : memref<1x3200xf32, #tpu.memory_space<hbm>> -> memref<3200xf32, #tpu.memory_space<hbm>>
      %dma_wait3A_262 = tpu.memref_slice %arg2[%run_scoped3A_130, %mul3A_2] : memref<32x102416xf32, #tpu.memory_space<hbm>> -> memref<1x3200xf32, #tpu.memory_space<hbm>>
      %dma_wait3A_263 = tpu.memref_squeeze %dma_wait3A_262 : memref<1x3200xf32, #tpu.memory_space<hbm>> -> memref<3200xf32, #tpu.memory_space<hbm>>
      tpu.wait_dma2 semaphore(%run_scoped3A_257 : memref<!tpu.dma_semaphore, #tpu.memory_space<semaphore_mem>>) src(%dma_wait3A_263 : memref<3200xf32, #tpu.memory_space<hbm>>) dst(%arg5 : memref<3200xf32, #tpu.memory_space<vmem>>)
      tpu.yield
    }) : () -> ()
    %scan3A_131 = arith.constant 0 : i32
    %scan3A_132 = arith.constant 0 : i32
    %scan3A_133 = arith.constant 200 : i32
    %scan3A_134 = arith.addi %scan3A_132, %scan3A_133 : i32
    %scan3A_135 = arith.constant 1 : i32
    %scan3A_136 = scf.for %scan3A_257 = %scan3A_132 to %scan3A_134 step %scan3A_135 iter_args(%scan3A_258 = %scan3A_131) -> (i32)  : i32 {
      %mul3A_259 = arith.constant 16 : i32
      %mul3A_260 = arith.muli %scan3A_257, %mul3A_259 : i32
      %get3A = arith.index_cast %mul3A_260 : i32 to index
      %get3A_261 = tpu.vector_load %arg4[%get3A] {strides = array<i32>} : memref<3200xf32, #tpu.memory_space<vmem>>, vector<16xf32>,
      %get3A_262 = arith.index_cast %mul3A_260 : i32 to index
      %get3A_263 = tpu.vector_load %arg5[%get3A_262] {strides = array<i32>} : memref<3200xf32, #tpu.memory_space<vmem>>, vector<16xf32>,
      %add3A_264 = arith.addf %get3A_261, %get3A_263 : vector<16xf32>
      %swap3A = arith.index_cast %mul3A_260 : i32 to index
      %swap3A_265 = tpu.vector_load %arg4[%swap3A] {strides = array<i32>} : memref<3200xf32, #tpu.memory_space<vmem>>, vector<16xf32>,
      tpu.vector_store %arg4[%swap3A], %add3A_264 {strides = array<i32>} : memref<3200xf32, #tpu.memory_space<vmem>>, vector<16xf32>,
      %scan3A_266 = arith.constant 0 : i32
      scf.yield %scan3A_266 : i32
    }
    %scan3A_137 = arith.constant 200 : i32
    %run_scoped3A_138 = arith.constant 18 : i32
    "tpu.region"() ({
      %run_scoped3A_257 = tpu.sem_alloc : memref<!tpu.dma_semaphore, #tpu.memory_space<semaphore_mem>>
      %dma_start3A = tpu.memref_slice %arg2[%run_scoped3A_138, %mul3A_2] : memref<32x102416xf32, #tpu.memory_space<hbm>> -> memref<1x3200xf32, #tpu.memory_space<hbm>>
      %dma_start3A_258 = tpu.memref_squeeze %dma_start3A : memref<1x3200xf32, #tpu.memory_space<hbm>> -> memref<3200xf32, #tpu.memory_space<hbm>>
      %dma_start3A_259 = tpu.memref_slice %arg2[%run_scoped3A_138, %mul3A_2] : memref<32x102416xf32, #tpu.memory_space<hbm>> -> memref<1x3200xf32, #tpu.memory_space<hbm>>
      %dma_start3A_260 = tpu.memref_squeeze %dma_start3A_259 : memref<1x3200xf32, #tpu.memory_space<hbm>> -> memref<3200xf32, #tpu.memory_space<hbm>>
      tpu.enqueue_dma source(%dma_start3A_260 : memref<3200xf32, #tpu.memory_space<hbm>>) target(%arg5 : memref<3200xf32, #tpu.memory_space<vmem>>) target_semaphore(%run_scoped3A_257 : memref<!tpu.dma_semaphore, #tpu.memory_space<semaphore_mem>>)
      %dma_wait3A = tpu.memref_slice %arg2[%run_scoped3A_138, %mul3A_2] : memref<32x102416xf32, #tpu.memory_space<hbm>> -> memref<1x3200xf32, #tpu.memory_space<hbm>>
      %dma_wait3A_261 = tpu.memref_squeeze %dma_wait3A : memref<1x3200xf32, #tpu.memory_space<hbm>> -> memref<3200xf32, #tpu.memory_space<hbm>>
      %dma_wait3A_262 = tpu.memref_slice %arg2[%run_scoped3A_138, %mul3A_2] : memref<32x102416xf32, #tpu.memory_space<hbm>> -> memref<1x3200xf32, #tpu.memory_space<hbm>>
      %dma_wait3A_263 = tpu.memref_squeeze %dma_wait3A_262 : memref<1x3200xf32, #tpu.memory_space<hbm>> -> memref<3200xf32, #tpu.memory_space<hbm>>
      tpu.wait_dma2 semaphore(%run_scoped3A_257 : memref<!tpu.dma_semaphore, #tpu.memory_space<semaphore_mem>>) src(%dma_wait3A_263 : memref<3200xf32, #tpu.memory_space<hbm>>) dst(%arg5 : memref<3200xf32, #tpu.memory_space<vmem>>)
      tpu.yield
    }) : () -> ()
    %scan3A_139 = arith.constant 0 : i32
    %scan3A_140 = arith.constant 0 : i32
    %scan3A_141 = arith.constant 200 : i32
    %scan3A_142 = arith.addi %scan3A_140, %scan3A_141 : i32
    %scan3A_143 = arith.constant 1 : i32
    %scan3A_144 = scf.for %scan3A_257 = %scan3A_140 to %scan3A_142 step %scan3A_143 iter_args(%scan3A_258 = %scan3A_139) -> (i32)  : i32 {
      %mul3A_259 = arith.constant 16 : i32
      %mul3A_260 = arith.muli %scan3A_257, %mul3A_259 : i32
      %get3A = arith.index_cast %mul3A_260 : i32 to index
      %get3A_261 = tpu.vector_load %arg4[%get3A] {strides = array<i32>} : memref<3200xf32, #tpu.memory_space<vmem>>, vector<16xf32>,
      %get3A_262 = arith.index_cast %mul3A_260 : i32 to index
      %get3A_263 = tpu.vector_load %arg5[%get3A_262] {strides = array<i32>} : memref<3200xf32, #tpu.memory_space<vmem>>, vector<16xf32>,
      %add3A_264 = arith.addf %get3A_261, %get3A_263 : vector<16xf32>
      %swap3A = arith.index_cast %mul3A_260 : i32 to index
      %swap3A_265 = tpu.vector_load %arg4[%swap3A] {strides = array<i32>} : memref<3200xf32, #tpu.memory_space<vmem>>, vector<16xf32>,
      tpu.vector_store %arg4[%swap3A], %add3A_264 {strides = array<i32>} : memref<3200xf32, #tpu.memory_space<vmem>>, vector<16xf32>,
      %scan3A_266 = arith.constant 0 : i32
      scf.yield %scan3A_266 : i32
    }
    %scan3A_145 = arith.constant 200 : i32
    %run_scoped3A_146 = arith.constant 19 : i32
    "tpu.region"() ({
      %run_scoped3A_257 = tpu.sem_alloc : memref<!tpu.dma_semaphore, #tpu.memory_space<semaphore_mem>>
      %dma_start3A = tpu.memref_slice %arg2[%run_scoped3A_146, %mul3A_2] : memref<32x102416xf32, #tpu.memory_space<hbm>> -> memref<1x3200xf32, #tpu.memory_space<hbm>>
      %dma_start3A_258 = tpu.memref_squeeze %dma_start3A : memref<1x3200xf32, #tpu.memory_space<hbm>> -> memref<3200xf32, #tpu.memory_space<hbm>>
      %dma_start3A_259 = tpu.memref_slice %arg2[%run_scoped3A_146, %mul3A_2] : memref<32x102416xf32, #tpu.memory_space<hbm>> -> memref<1x3200xf32, #tpu.memory_space<hbm>>
      %dma_start3A_260 = tpu.memref_squeeze %dma_start3A_259 : memref<1x3200xf32, #tpu.memory_space<hbm>> -> memref<3200xf32, #tpu.memory_space<hbm>>
      tpu.enqueue_dma source(%dma_start3A_260 : memref<3200xf32, #tpu.memory_space<hbm>>) target(%arg5 : memref<3200xf32, #tpu.memory_space<vmem>>) target_semaphore(%run_scoped3A_257 : memref<!tpu.dma_semaphore, #tpu.memory_space<semaphore_mem>>)
      %dma_wait3A = tpu.memref_slice %arg2[%run_scoped3A_146, %mul3A_2] : memref<32x102416xf32, #tpu.memory_space<hbm>> -> memref<1x3200xf32, #tpu.memory_space<hbm>>
      %dma_wait3A_261 = tpu.memref_squeeze %dma_wait3A : memref<1x3200xf32, #tpu.memory_space<hbm>> -> memref<3200xf32, #tpu.memory_space<hbm>>
      %dma_wait3A_262 = tpu.memref_slice %arg2[%run_scoped3A_146, %mul3A_2] : memref<32x102416xf32, #tpu.memory_space<hbm>> -> memref<1x3200xf32, #tpu.memory_space<hbm>>
      %dma_wait3A_263 = tpu.memref_squeeze %dma_wait3A_262 : memref<1x3200xf32, #tpu.memory_space<hbm>> -> memref<3200xf32, #tpu.memory_space<hbm>>
      tpu.wait_dma2 semaphore(%run_scoped3A_257 : memref<!tpu.dma_semaphore, #tpu.memory_space<semaphore_mem>>) src(%dma_wait3A_263 : memref<3200xf32, #tpu.memory_space<hbm>>) dst(%arg5 : memref<3200xf32, #tpu.memory_space<vmem>>)
      tpu.yield
    }) : () -> ()
    %scan3A_147 = arith.constant 0 : i32
    %scan3A_148 = arith.constant 0 : i32
    %scan3A_149 = arith.constant 200 : i32
    %scan3A_150 = arith.addi %scan3A_148, %scan3A_149 : i32
    %scan3A_151 = arith.constant 1 : i32
    %scan3A_152 = scf.for %scan3A_257 = %scan3A_148 to %scan3A_150 step %scan3A_151 iter_args(%scan3A_258 = %scan3A_147) -> (i32)  : i32 {
      %mul3A_259 = arith.constant 16 : i32
      %mul3A_260 = arith.muli %scan3A_257, %mul3A_259 : i32
      %get3A = arith.index_cast %mul3A_260 : i32 to index
      %get3A_261 = tpu.vector_load %arg4[%get3A] {strides = array<i32>} : memref<3200xf32, #tpu.memory_space<vmem>>, vector<16xf32>,
      %get3A_262 = arith.index_cast %mul3A_260 : i32 to index
      %get3A_263 = tpu.vector_load %arg5[%get3A_262] {strides = array<i32>} : memref<3200xf32, #tpu.memory_space<vmem>>, vector<16xf32>,
      %add3A_264 = arith.addf %get3A_261, %get3A_263 : vector<16xf32>
      %swap3A = arith.index_cast %mul3A_260 : i32 to index
      %swap3A_265 = tpu.vector_load %arg4[%swap3A] {strides = array<i32>} : memref<3200xf32, #tpu.memory_space<vmem>>, vector<16xf32>,
      tpu.vector_store %arg4[%swap3A], %add3A_264 {strides = array<i32>} : memref<3200xf32, #tpu.memory_space<vmem>>, vector<16xf32>,
      %scan3A_266 = arith.constant 0 : i32
      scf.yield %scan3A_266 : i32
    }
    %scan3A_153 = arith.constant 200 : i32
    %run_scoped3A_154 = arith.constant 20 : i32
    "tpu.region"() ({
      %run_scoped3A_257 = tpu.sem_alloc : memref<!tpu.dma_semaphore, #tpu.memory_space<semaphore_mem>>
      %dma_start3A = tpu.memref_slice %arg2[%run_scoped3A_154, %mul3A_2] : memref<32x102416xf32, #tpu.memory_space<hbm>> -> memref<1x3200xf32, #tpu.memory_space<hbm>>
      %dma_start3A_258 = tpu.memref_squeeze %dma_start3A : memref<1x3200xf32, #tpu.memory_space<hbm>> -> memref<3200xf32, #tpu.memory_space<hbm>>
      %dma_start3A_259 = tpu.memref_slice %arg2[%run_scoped3A_154, %mul3A_2] : memref<32x102416xf32, #tpu.memory_space<hbm>> -> memref<1x3200xf32, #tpu.memory_space<hbm>>
      %dma_start3A_260 = tpu.memref_squeeze %dma_start3A_259 : memref<1x3200xf32, #tpu.memory_space<hbm>> -> memref<3200xf32, #tpu.memory_space<hbm>>
      tpu.enqueue_dma source(%dma_start3A_260 : memref<3200xf32, #tpu.memory_space<hbm>>) target(%arg5 : memref<3200xf32, #tpu.memory_space<vmem>>) target_semaphore(%run_scoped3A_257 : memref<!tpu.dma_semaphore, #tpu.memory_space<semaphore_mem>>)
      %dma_wait3A = tpu.memref_slice %arg2[%run_scoped3A_154, %mul3A_2] : memref<32x102416xf32, #tpu.memory_space<hbm>> -> memref<1x3200xf32, #tpu.memory_space<hbm>>
      %dma_wait3A_261 = tpu.memref_squeeze %dma_wait3A : memref<1x3200xf32, #tpu.memory_space<hbm>> -> memref<3200xf32, #tpu.memory_space<hbm>>
      %dma_wait3A_262 = tpu.memref_slice %arg2[%run_scoped3A_154, %mul3A_2] : memref<32x102416xf32, #tpu.memory_space<hbm>> -> memref<1x3200xf32, #tpu.memory_space<hbm>>
      %dma_wait3A_263 = tpu.memref_squeeze %dma_wait3A_262 : memref<1x3200xf32, #tpu.memory_space<hbm>> -> memref<3200xf32, #tpu.memory_space<hbm>>
      tpu.wait_dma2 semaphore(%run_scoped3A_257 : memref<!tpu.dma_semaphore, #tpu.memory_space<semaphore_mem>>) src(%dma_wait3A_263 : memref<3200xf32, #tpu.memory_space<hbm>>) dst(%arg5 : memref<3200xf32, #tpu.memory_space<vmem>>)
      tpu.yield
    }) : () -> ()
    %scan3A_155 = arith.constant 0 : i32
    %scan3A_156 = arith.constant 0 : i32
    %scan3A_157 = arith.constant 200 : i32
    %scan3A_158 = arith.addi %scan3A_156, %scan3A_157 : i32
    %scan3A_159 = arith.constant 1 : i32
    %scan3A_160 = scf.for %scan3A_257 = %scan3A_156 to %scan3A_158 step %scan3A_159 iter_args(%scan3A_258 = %scan3A_155) -> (i32)  : i32 {
      %mul3A_259 = arith.constant 16 : i32
      %mul3A_260 = arith.muli %scan3A_257, %mul3A_259 : i32
      %get3A = arith.index_cast %mul3A_260 : i32 to index
      %get3A_261 = tpu.vector_load %arg4[%get3A] {strides = array<i32>} : memref<3200xf32, #tpu.memory_space<vmem>>, vector<16xf32>,
      %get3A_262 = arith.index_cast %mul3A_260 : i32 to index
      %get3A_263 = tpu.vector_load %arg5[%get3A_262] {strides = array<i32>} : memref<3200xf32, #tpu.memory_space<vmem>>, vector<16xf32>,
      %add3A_264 = arith.addf %get3A_261, %get3A_263 : vector<16xf32>
      %swap3A = arith.index_cast %mul3A_260 : i32 to index
      %swap3A_265 = tpu.vector_load %arg4[%swap3A] {strides = array<i32>} : memref<3200xf32, #tpu.memory_space<vmem>>, vector<16xf32>,
      tpu.vector_store %arg4[%swap3A], %add3A_264 {strides = array<i32>} : memref<3200xf32, #tpu.memory_space<vmem>>, vector<16xf32>,
      %scan3A_266 = arith.constant 0 : i32
      scf.yield %scan3A_266 : i32
    }
    %scan3A_161 = arith.constant 200 : i32
    %run_scoped3A_162 = arith.constant 21 : i32
    "tpu.region"() ({
      %run_scoped3A_257 = tpu.sem_alloc : memref<!tpu.dma_semaphore, #tpu.memory_space<semaphore_mem>>
      %dma_start3A = tpu.memref_slice %arg2[%run_scoped3A_162, %mul3A_2] : memref<32x102416xf32, #tpu.memory_space<hbm>> -> memref<1x3200xf32, #tpu.memory_space<hbm>>
      %dma_start3A_258 = tpu.memref_squeeze %dma_start3A : memref<1x3200xf32, #tpu.memory_space<hbm>> -> memref<3200xf32, #tpu.memory_space<hbm>>
      %dma_start3A_259 = tpu.memref_slice %arg2[%run_scoped3A_162, %mul3A_2] : memref<32x102416xf32, #tpu.memory_space<hbm>> -> memref<1x3200xf32, #tpu.memory_space<hbm>>
      %dma_start3A_260 = tpu.memref_squeeze %dma_start3A_259 : memref<1x3200xf32, #tpu.memory_space<hbm>> -> memref<3200xf32, #tpu.memory_space<hbm>>
      tpu.enqueue_dma source(%dma_start3A_260 : memref<3200xf32, #tpu.memory_space<hbm>>) target(%arg5 : memref<3200xf32, #tpu.memory_space<vmem>>) target_semaphore(%run_scoped3A_257 : memref<!tpu.dma_semaphore, #tpu.memory_space<semaphore_mem>>)
      %dma_wait3A = tpu.memref_slice %arg2[%run_scoped3A_162, %mul3A_2] : memref<32x102416xf32, #tpu.memory_space<hbm>> -> memref<1x3200xf32, #tpu.memory_space<hbm>>
      %dma_wait3A_261 = tpu.memref_squeeze %dma_wait3A : memref<1x3200xf32, #tpu.memory_space<hbm>> -> memref<3200xf32, #tpu.memory_space<hbm>>
      %dma_wait3A_262 = tpu.memref_slice %arg2[%run_scoped3A_162, %mul3A_2] : memref<32x102416xf32, #tpu.memory_space<hbm>> -> memref<1x3200xf32, #tpu.memory_space<hbm>>
      %dma_wait3A_263 = tpu.memref_squeeze %dma_wait3A_262 : memref<1x3200xf32, #tpu.memory_space<hbm>> -> memref<3200xf32, #tpu.memory_space<hbm>>
      tpu.wait_dma2 semaphore(%run_scoped3A_257 : memref<!tpu.dma_semaphore, #tpu.memory_space<semaphore_mem>>) src(%dma_wait3A_263 : memref<3200xf32, #tpu.memory_space<hbm>>) dst(%arg5 : memref<3200xf32, #tpu.memory_space<vmem>>)
      tpu.yield
    }) : () -> ()
    %scan3A_163 = arith.constant 0 : i32
    %scan3A_164 = arith.constant 0 : i32
    %scan3A_165 = arith.constant 200 : i32
    %scan3A_166 = arith.addi %scan3A_164, %scan3A_165 : i32
    %scan3A_167 = arith.constant 1 : i32
    %scan3A_168 = scf.for %scan3A_257 = %scan3A_164 to %scan3A_166 step %scan3A_167 iter_args(%scan3A_258 = %scan3A_163) -> (i32)  : i32 {
      %mul3A_259 = arith.constant 16 : i32
      %mul3A_260 = arith.muli %scan3A_257, %mul3A_259 : i32
      %get3A = arith.index_cast %mul3A_260 : i32 to index
      %get3A_261 = tpu.vector_load %arg4[%get3A] {strides = array<i32>} : memref<3200xf32, #tpu.memory_space<vmem>>, vector<16xf32>,
      %get3A_262 = arith.index_cast %mul3A_260 : i32 to index
      %get3A_263 = tpu.vector_load %arg5[%get3A_262] {strides = array<i32>} : memref<3200xf32, #tpu.memory_space<vmem>>, vector<16xf32>,
      %add3A_264 = arith.addf %get3A_261, %get3A_263 : vector<16xf32>
      %swap3A = arith.index_cast %mul3A_260 : i32 to index
      %swap3A_265 = tpu.vector_load %arg4[%swap3A] {strides = array<i32>} : memref<3200xf32, #tpu.memory_space<vmem>>, vector<16xf32>,
      tpu.vector_store %arg4[%swap3A], %add3A_264 {strides = array<i32>} : memref<3200xf32, #tpu.memory_space<vmem>>, vector<16xf32>,
      %scan3A_266 = arith.constant 0 : i32
      scf.yield %scan3A_266 : i32
    }
    %scan3A_169 = arith.constant 200 : i32
    %run_scoped3A_170 = arith.constant 22 : i32
    "tpu.region"() ({
      %run_scoped3A_257 = tpu.sem_alloc : memref<!tpu.dma_semaphore, #tpu.memory_space<semaphore_mem>>
      %dma_start3A = tpu.memref_slice %arg2[%run_scoped3A_170, %mul3A_2] : memref<32x102416xf32, #tpu.memory_space<hbm>> -> memref<1x3200xf32, #tpu.memory_space<hbm>>
      %dma_start3A_258 = tpu.memref_squeeze %dma_start3A : memref<1x3200xf32, #tpu.memory_space<hbm>> -> memref<3200xf32, #tpu.memory_space<hbm>>
      %dma_start3A_259 = tpu.memref_slice %arg2[%run_scoped3A_170, %mul3A_2] : memref<32x102416xf32, #tpu.memory_space<hbm>> -> memref<1x3200xf32, #tpu.memory_space<hbm>>
      %dma_start3A_260 = tpu.memref_squeeze %dma_start3A_259 : memref<1x3200xf32, #tpu.memory_space<hbm>> -> memref<3200xf32, #tpu.memory_space<hbm>>
      tpu.enqueue_dma source(%dma_start3A_260 : memref<3200xf32, #tpu.memory_space<hbm>>) target(%arg5 : memref<3200xf32, #tpu.memory_space<vmem>>) target_semaphore(%run_scoped3A_257 : memref<!tpu.dma_semaphore, #tpu.memory_space<semaphore_mem>>)
      %dma_wait3A = tpu.memref_slice %arg2[%run_scoped3A_170, %mul3A_2] : memref<32x102416xf32, #tpu.memory_space<hbm>> -> memref<1x3200xf32, #tpu.memory_space<hbm>>
      %dma_wait3A_261 = tpu.memref_squeeze %dma_wait3A : memref<1x3200xf32, #tpu.memory_space<hbm>> -> memref<3200xf32, #tpu.memory_space<hbm>>
      %dma_wait3A_262 = tpu.memref_slice %arg2[%run_scoped3A_170, %mul3A_2] : memref<32x102416xf32, #tpu.memory_space<hbm>> -> memref<1x3200xf32, #tpu.memory_space<hbm>>
      %dma_wait3A_263 = tpu.memref_squeeze %dma_wait3A_262 : memref<1x3200xf32, #tpu.memory_space<hbm>> -> memref<3200xf32, #tpu.memory_space<hbm>>
      tpu.wait_dma2 semaphore(%run_scoped3A_257 : memref<!tpu.dma_semaphore, #tpu.memory_space<semaphore_mem>>) src(%dma_wait3A_263 : memref<3200xf32, #tpu.memory_space<hbm>>) dst(%arg5 : memref<3200xf32, #tpu.memory_space<vmem>>)
      tpu.yield
    }) : () -> ()
    %scan3A_171 = arith.constant 0 : i32
    %scan3A_172 = arith.constant 0 : i32
    %scan3A_173 = arith.constant 200 : i32
    %scan3A_174 = arith.addi %scan3A_172, %scan3A_173 : i32
    %scan3A_175 = arith.constant 1 : i32
    %scan3A_176 = scf.for %scan3A_257 = %scan3A_172 to %scan3A_174 step %scan3A_175 iter_args(%scan3A_258 = %scan3A_171) -> (i32)  : i32 {
      %mul3A_259 = arith.constant 16 : i32
      %mul3A_260 = arith.muli %scan3A_257, %mul3A_259 : i32
      %get3A = arith.index_cast %mul3A_260 : i32 to index
      %get3A_261 = tpu.vector_load %arg4[%get3A] {strides = array<i32>} : memref<3200xf32, #tpu.memory_space<vmem>>, vector<16xf32>,
      %get3A_262 = arith.index_cast %mul3A_260 : i32 to index
      %get3A_263 = tpu.vector_load %arg5[%get3A_262] {strides = array<i32>} : memref<3200xf32, #tpu.memory_space<vmem>>, vector<16xf32>,
      %add3A_264 = arith.addf %get3A_261, %get3A_263 : vector<16xf32>
      %swap3A = arith.index_cast %mul3A_260 : i32 to index
      %swap3A_265 = tpu.vector_load %arg4[%swap3A] {strides = array<i32>} : memref<3200xf32, #tpu.memory_space<vmem>>, vector<16xf32>,
      tpu.vector_store %arg4[%swap3A], %add3A_264 {strides = array<i32>} : memref<3200xf32, #tpu.memory_space<vmem>>, vector<16xf32>,
      %scan3A_266 = arith.constant 0 : i32
      scf.yield %scan3A_266 : i32
    }
    %scan3A_177 = arith.constant 200 : i32
    %run_scoped3A_178 = arith.constant 23 : i32
    "tpu.region"() ({
      %run_scoped3A_257 = tpu.sem_alloc : memref<!tpu.dma_semaphore, #tpu.memory_space<semaphore_mem>>
      %dma_start3A = tpu.memref_slice %arg2[%run_scoped3A_178, %mul3A_2] : memref<32x102416xf32, #tpu.memory_space<hbm>> -> memref<1x3200xf32, #tpu.memory_space<hbm>>
      %dma_start3A_258 = tpu.memref_squeeze %dma_start3A : memref<1x3200xf32, #tpu.memory_space<hbm>> -> memref<3200xf32, #tpu.memory_space<hbm>>
      %dma_start3A_259 = tpu.memref_slice %arg2[%run_scoped3A_178, %mul3A_2] : memref<32x102416xf32, #tpu.memory_space<hbm>> -> memref<1x3200xf32, #tpu.memory_space<hbm>>
      %dma_start3A_260 = tpu.memref_squeeze %dma_start3A_259 : memref<1x3200xf32, #tpu.memory_space<hbm>> -> memref<3200xf32, #tpu.memory_space<hbm>>
      tpu.enqueue_dma source(%dma_start3A_260 : memref<3200xf32, #tpu.memory_space<hbm>>) target(%arg5 : memref<3200xf32, #tpu.memory_space<vmem>>) target_semaphore(%run_scoped3A_257 : memref<!tpu.dma_semaphore, #tpu.memory_space<semaphore_mem>>)
      %dma_wait3A = tpu.memref_slice %arg2[%run_scoped3A_178, %mul3A_2] : memref<32x102416xf32, #tpu.memory_space<hbm>> -> memref<1x3200xf32, #tpu.memory_space<hbm>>
      %dma_wait3A_261 = tpu.memref_squeeze %dma_wait3A : memref<1x3200xf32, #tpu.memory_space<hbm>> -> memref<3200xf32, #tpu.memory_space<hbm>>
      %dma_wait3A_262 = tpu.memref_slice %arg2[%run_scoped3A_178, %mul3A_2] : memref<32x102416xf32, #tpu.memory_space<hbm>> -> memref<1x3200xf32, #tpu.memory_space<hbm>>
      %dma_wait3A_263 = tpu.memref_squeeze %dma_wait3A_262 : memref<1x3200xf32, #tpu.memory_space<hbm>> -> memref<3200xf32, #tpu.memory_space<hbm>>
      tpu.wait_dma2 semaphore(%run_scoped3A_257 : memref<!tpu.dma_semaphore, #tpu.memory_space<semaphore_mem>>) src(%dma_wait3A_263 : memref<3200xf32, #tpu.memory_space<hbm>>) dst(%arg5 : memref<3200xf32, #tpu.memory_space<vmem>>)
      tpu.yield
    }) : () -> ()
    %scan3A_179 = arith.constant 0 : i32
    %scan3A_180 = arith.constant 0 : i32
    %scan3A_181 = arith.constant 200 : i32
    %scan3A_182 = arith.addi %scan3A_180, %scan3A_181 : i32
    %scan3A_183 = arith.constant 1 : i32
    %scan3A_184 = scf.for %scan3A_257 = %scan3A_180 to %scan3A_182 step %scan3A_183 iter_args(%scan3A_258 = %scan3A_179) -> (i32)  : i32 {
      %mul3A_259 = arith.constant 16 : i32
      %mul3A_260 = arith.muli %scan3A_257, %mul3A_259 : i32
      %get3A = arith.index_cast %mul3A_260 : i32 to index
      %get3A_261 = tpu.vector_load %arg4[%get3A] {strides = array<i32>} : memref<3200xf32, #tpu.memory_space<vmem>>, vector<16xf32>,
      %get3A_262 = arith.index_cast %mul3A_260 : i32 to index
      %get3A_263 = tpu.vector_load %arg5[%get3A_262] {strides = array<i32>} : memref<3200xf32, #tpu.memory_space<vmem>>, vector<16xf32>,
      %add3A_264 = arith.addf %get3A_261, %get3A_263 : vector<16xf32>
      %swap3A = arith.index_cast %mul3A_260 : i32 to index
      %swap3A_265 = tpu.vector_load %arg4[%swap3A] {strides = array<i32>} : memref<3200xf32, #tpu.memory_space<vmem>>, vector<16xf32>,
      tpu.vector_store %arg4[%swap3A], %add3A_264 {strides = array<i32>} : memref<3200xf32, #tpu.memory_space<vmem>>, vector<16xf32>,
      %scan3A_266 = arith.constant 0 : i32
      scf.yield %scan3A_266 : i32
    }
    %scan3A_185 = arith.constant 200 : i32
    %run_scoped3A_186 = arith.constant 24 : i32
    "tpu.region"() ({
      %run_scoped3A_257 = tpu.sem_alloc : memref<!tpu.dma_semaphore, #tpu.memory_space<semaphore_mem>>
      %dma_start3A = tpu.memref_slice %arg2[%run_scoped3A_186, %mul3A_2] : memref<32x102416xf32, #tpu.memory_space<hbm>> -> memref<1x3200xf32, #tpu.memory_space<hbm>>
      %dma_start3A_258 = tpu.memref_squeeze %dma_start3A : memref<1x3200xf32, #tpu.memory_space<hbm>> -> memref<3200xf32, #tpu.memory_space<hbm>>
      %dma_start3A_259 = tpu.memref_slice %arg2[%run_scoped3A_186, %mul3A_2] : memref<32x102416xf32, #tpu.memory_space<hbm>> -> memref<1x3200xf32, #tpu.memory_space<hbm>>
      %dma_start3A_260 = tpu.memref_squeeze %dma_start3A_259 : memref<1x3200xf32, #tpu.memory_space<hbm>> -> memref<3200xf32, #tpu.memory_space<hbm>>
      tpu.enqueue_dma source(%dma_start3A_260 : memref<3200xf32, #tpu.memory_space<hbm>>) target(%arg5 : memref<3200xf32, #tpu.memory_space<vmem>>) target_semaphore(%run_scoped3A_257 : memref<!tpu.dma_semaphore, #tpu.memory_space<semaphore_mem>>)
      %dma_wait3A = tpu.memref_slice %arg2[%run_scoped3A_186, %mul3A_2] : memref<32x102416xf32, #tpu.memory_space<hbm>> -> memref<1x3200xf32, #tpu.memory_space<hbm>>
      %dma_wait3A_261 = tpu.memref_squeeze %dma_wait3A : memref<1x3200xf32, #tpu.memory_space<hbm>> -> memref<3200xf32, #tpu.memory_space<hbm>>
      %dma_wait3A_262 = tpu.memref_slice %arg2[%run_scoped3A_186, %mul3A_2] : memref<32x102416xf32, #tpu.memory_space<hbm>> -> memref<1x3200xf32, #tpu.memory_space<hbm>>
      %dma_wait3A_263 = tpu.memref_squeeze %dma_wait3A_262 : memref<1x3200xf32, #tpu.memory_space<hbm>> -> memref<3200xf32, #tpu.memory_space<hbm>>
      tpu.wait_dma2 semaphore(%run_scoped3A_257 : memref<!tpu.dma_semaphore, #tpu.memory_space<semaphore_mem>>) src(%dma_wait3A_263 : memref<3200xf32, #tpu.memory_space<hbm>>) dst(%arg5 : memref<3200xf32, #tpu.memory_space<vmem>>)
      tpu.yield
    }) : () -> ()
    %scan3A_187 = arith.constant 0 : i32
    %scan3A_188 = arith.constant 0 : i32
    %scan3A_189 = arith.constant 200 : i32
    %scan3A_190 = arith.addi %scan3A_188, %scan3A_189 : i32
    %scan3A_191 = arith.constant 1 : i32
    %scan3A_192 = scf.for %scan3A_257 = %scan3A_188 to %scan3A_190 step %scan3A_191 iter_args(%scan3A_258 = %scan3A_187) -> (i32)  : i32 {
      %mul3A_259 = arith.constant 16 : i32
      %mul3A_260 = arith.muli %scan3A_257, %mul3A_259 : i32
      %get3A = arith.index_cast %mul3A_260 : i32 to index
      %get3A_261 = tpu.vector_load %arg4[%get3A] {strides = array<i32>} : memref<3200xf32, #tpu.memory_space<vmem>>, vector<16xf32>,
      %get3A_262 = arith.index_cast %mul3A_260 : i32 to index
      %get3A_263 = tpu.vector_load %arg5[%get3A_262] {strides = array<i32>} : memref<3200xf32, #tpu.memory_space<vmem>>, vector<16xf32>,
      %add3A_264 = arith.addf %get3A_261, %get3A_263 : vector<16xf32>
      %swap3A = arith.index_cast %mul3A_260 : i32 to index
      %swap3A_265 = tpu.vector_load %arg4[%swap3A] {strides = array<i32>} : memref<3200xf32, #tpu.memory_space<vmem>>, vector<16xf32>,
      tpu.vector_store %arg4[%swap3A], %add3A_264 {strides = array<i32>} : memref<3200xf32, #tpu.memory_space<vmem>>, vector<16xf32>,
      %scan3A_266 = arith.constant 0 : i32
      scf.yield %scan3A_266 : i32
    }
    %scan3A_193 = arith.constant 200 : i32
    %run_scoped3A_194 = arith.constant 25 : i32
    "tpu.region"() ({
      %run_scoped3A_257 = tpu.sem_alloc : memref<!tpu.dma_semaphore, #tpu.memory_space<semaphore_mem>>
      %dma_start3A = tpu.memref_slice %arg2[%run_scoped3A_194, %mul3A_2] : memref<32x102416xf32, #tpu.memory_space<hbm>> -> memref<1x3200xf32, #tpu.memory_space<hbm>>
      %dma_start3A_258 = tpu.memref_squeeze %dma_start3A : memref<1x3200xf32, #tpu.memory_space<hbm>> -> memref<3200xf32, #tpu.memory_space<hbm>>
      %dma_start3A_259 = tpu.memref_slice %arg2[%run_scoped3A_194, %mul3A_2] : memref<32x102416xf32, #tpu.memory_space<hbm>> -> memref<1x3200xf32, #tpu.memory_space<hbm>>
      %dma_start3A_260 = tpu.memref_squeeze %dma_start3A_259 : memref<1x3200xf32, #tpu.memory_space<hbm>> -> memref<3200xf32, #tpu.memory_space<hbm>>
      tpu.enqueue_dma source(%dma_start3A_260 : memref<3200xf32, #tpu.memory_space<hbm>>) target(%arg5 : memref<3200xf32, #tpu.memory_space<vmem>>) target_semaphore(%run_scoped3A_257 : memref<!tpu.dma_semaphore, #tpu.memory_space<semaphore_mem>>)
      %dma_wait3A = tpu.memref_slice %arg2[%run_scoped3A_194, %mul3A_2] : memref<32x102416xf32, #tpu.memory_space<hbm>> -> memref<1x3200xf32, #tpu.memory_space<hbm>>
      %dma_wait3A_261 = tpu.memref_squeeze %dma_wait3A : memref<1x3200xf32, #tpu.memory_space<hbm>> -> memref<3200xf32, #tpu.memory_space<hbm>>
      %dma_wait3A_262 = tpu.memref_slice %arg2[%run_scoped3A_194, %mul3A_2] : memref<32x102416xf32, #tpu.memory_space<hbm>> -> memref<1x3200xf32, #tpu.memory_space<hbm>>
      %dma_wait3A_263 = tpu.memref_squeeze %dma_wait3A_262 : memref<1x3200xf32, #tpu.memory_space<hbm>> -> memref<3200xf32, #tpu.memory_space<hbm>>
      tpu.wait_dma2 semaphore(%run_scoped3A_257 : memref<!tpu.dma_semaphore, #tpu.memory_space<semaphore_mem>>) src(%dma_wait3A_263 : memref<3200xf32, #tpu.memory_space<hbm>>) dst(%arg5 : memref<3200xf32, #tpu.memory_space<vmem>>)
      tpu.yield
    }) : () -> ()
    %scan3A_195 = arith.constant 0 : i32
    %scan3A_196 = arith.constant 0 : i32
    %scan3A_197 = arith.constant 200 : i32
    %scan3A_198 = arith.addi %scan3A_196, %scan3A_197 : i32
    %scan3A_199 = arith.constant 1 : i32
    %scan3A_200 = scf.for %scan3A_257 = %scan3A_196 to %scan3A_198 step %scan3A_199 iter_args(%scan3A_258 = %scan3A_195) -> (i32)  : i32 {
      %mul3A_259 = arith.constant 16 : i32
      %mul3A_260 = arith.muli %scan3A_257, %mul3A_259 : i32
      %get3A = arith.index_cast %mul3A_260 : i32 to index
      %get3A_261 = tpu.vector_load %arg4[%get3A] {strides = array<i32>} : memref<3200xf32, #tpu.memory_space<vmem>>, vector<16xf32>,
      %get3A_262 = arith.index_cast %mul3A_260 : i32 to index
      %get3A_263 = tpu.vector_load %arg5[%get3A_262] {strides = array<i32>} : memref<3200xf32, #tpu.memory_space<vmem>>, vector<16xf32>,
      %add3A_264 = arith.addf %get3A_261, %get3A_263 : vector<16xf32>
      %swap3A = arith.index_cast %mul3A_260 : i32 to index
      %swap3A_265 = tpu.vector_load %arg4[%swap3A] {strides = array<i32>} : memref<3200xf32, #tpu.memory_space<vmem>>, vector<16xf32>,
      tpu.vector_store %arg4[%swap3A], %add3A_264 {strides = array<i32>} : memref<3200xf32, #tpu.memory_space<vmem>>, vector<16xf32>,
      %scan3A_266 = arith.constant 0 : i32
      scf.yield %scan3A_266 : i32
    }
    %scan3A_201 = arith.constant 200 : i32
    %run_scoped3A_202 = arith.constant 26 : i32
    "tpu.region"() ({
      %run_scoped3A_257 = tpu.sem_alloc : memref<!tpu.dma_semaphore, #tpu.memory_space<semaphore_mem>>
      %dma_start3A = tpu.memref_slice %arg2[%run_scoped3A_202, %mul3A_2] : memref<32x102416xf32, #tpu.memory_space<hbm>> -> memref<1x3200xf32, #tpu.memory_space<hbm>>
      %dma_start3A_258 = tpu.memref_squeeze %dma_start3A : memref<1x3200xf32, #tpu.memory_space<hbm>> -> memref<3200xf32, #tpu.memory_space<hbm>>
      %dma_start3A_259 = tpu.memref_slice %arg2[%run_scoped3A_202, %mul3A_2] : memref<32x102416xf32, #tpu.memory_space<hbm>> -> memref<1x3200xf32, #tpu.memory_space<hbm>>
      %dma_start3A_260 = tpu.memref_squeeze %dma_start3A_259 : memref<1x3200xf32, #tpu.memory_space<hbm>> -> memref<3200xf32, #tpu.memory_space<hbm>>
      tpu.enqueue_dma source(%dma_start3A_260 : memref<3200xf32, #tpu.memory_space<hbm>>) target(%arg5 : memref<3200xf32, #tpu.memory_space<vmem>>) target_semaphore(%run_scoped3A_257 : memref<!tpu.dma_semaphore, #tpu.memory_space<semaphore_mem>>)
      %dma_wait3A = tpu.memref_slice %arg2[%run_scoped3A_202, %mul3A_2] : memref<32x102416xf32, #tpu.memory_space<hbm>> -> memref<1x3200xf32, #tpu.memory_space<hbm>>
      %dma_wait3A_261 = tpu.memref_squeeze %dma_wait3A : memref<1x3200xf32, #tpu.memory_space<hbm>> -> memref<3200xf32, #tpu.memory_space<hbm>>
      %dma_wait3A_262 = tpu.memref_slice %arg2[%run_scoped3A_202, %mul3A_2] : memref<32x102416xf32, #tpu.memory_space<hbm>> -> memref<1x3200xf32, #tpu.memory_space<hbm>>
      %dma_wait3A_263 = tpu.memref_squeeze %dma_wait3A_262 : memref<1x3200xf32, #tpu.memory_space<hbm>> -> memref<3200xf32, #tpu.memory_space<hbm>>
      tpu.wait_dma2 semaphore(%run_scoped3A_257 : memref<!tpu.dma_semaphore, #tpu.memory_space<semaphore_mem>>) src(%dma_wait3A_263 : memref<3200xf32, #tpu.memory_space<hbm>>) dst(%arg5 : memref<3200xf32, #tpu.memory_space<vmem>>)
      tpu.yield
    }) : () -> ()
    %scan3A_203 = arith.constant 0 : i32
    %scan3A_204 = arith.constant 0 : i32
    %scan3A_205 = arith.constant 200 : i32
    %scan3A_206 = arith.addi %scan3A_204, %scan3A_205 : i32
    %scan3A_207 = arith.constant 1 : i32
    %scan3A_208 = scf.for %scan3A_257 = %scan3A_204 to %scan3A_206 step %scan3A_207 iter_args(%scan3A_258 = %scan3A_203) -> (i32)  : i32 {
      %mul3A_259 = arith.constant 16 : i32
      %mul3A_260 = arith.muli %scan3A_257, %mul3A_259 : i32
      %get3A = arith.index_cast %mul3A_260 : i32 to index
      %get3A_261 = tpu.vector_load %arg4[%get3A] {strides = array<i32>} : memref<3200xf32, #tpu.memory_space<vmem>>, vector<16xf32>,
      %get3A_262 = arith.index_cast %mul3A_260 : i32 to index
      %get3A_263 = tpu.vector_load %arg5[%get3A_262] {strides = array<i32>} : memref<3200xf32, #tpu.memory_space<vmem>>, vector<16xf32>,
      %add3A_264 = arith.addf %get3A_261, %get3A_263 : vector<16xf32>
      %swap3A = arith.index_cast %mul3A_260 : i32 to index
      %swap3A_265 = tpu.vector_load %arg4[%swap3A] {strides = array<i32>} : memref<3200xf32, #tpu.memory_space<vmem>>, vector<16xf32>,
      tpu.vector_store %arg4[%swap3A], %add3A_264 {strides = array<i32>} : memref<3200xf32, #tpu.memory_space<vmem>>, vector<16xf32>,
      %scan3A_266 = arith.constant 0 : i32
      scf.yield %scan3A_266 : i32
    }
    %scan3A_209 = arith.constant 200 : i32
    %run_scoped3A_210 = arith.constant 27 : i32
    "tpu.region"() ({
      %run_scoped3A_257 = tpu.sem_alloc : memref<!tpu.dma_semaphore, #tpu.memory_space<semaphore_mem>>
      %dma_start3A = tpu.memref_slice %arg2[%run_scoped3A_210, %mul3A_2] : memref<32x102416xf32, #tpu.memory_space<hbm>> -> memref<1x3200xf32, #tpu.memory_space<hbm>>
      %dma_start3A_258 = tpu.memref_squeeze %dma_start3A : memref<1x3200xf32, #tpu.memory_space<hbm>> -> memref<3200xf32, #tpu.memory_space<hbm>>
      %dma_start3A_259 = tpu.memref_slice %arg2[%run_scoped3A_210, %mul3A_2] : memref<32x102416xf32, #tpu.memory_space<hbm>> -> memref<1x3200xf32, #tpu.memory_space<hbm>>
      %dma_start3A_260 = tpu.memref_squeeze %dma_start3A_259 : memref<1x3200xf32, #tpu.memory_space<hbm>> -> memref<3200xf32, #tpu.memory_space<hbm>>
      tpu.enqueue_dma source(%dma_start3A_260 : memref<3200xf32, #tpu.memory_space<hbm>>) target(%arg5 : memref<3200xf32, #tpu.memory_space<vmem>>) target_semaphore(%run_scoped3A_257 : memref<!tpu.dma_semaphore, #tpu.memory_space<semaphore_mem>>)
      %dma_wait3A = tpu.memref_slice %arg2[%run_scoped3A_210, %mul3A_2] : memref<32x102416xf32, #tpu.memory_space<hbm>> -> memref<1x3200xf32, #tpu.memory_space<hbm>>
      %dma_wait3A_261 = tpu.memref_squeeze %dma_wait3A : memref<1x3200xf32, #tpu.memory_space<hbm>> -> memref<3200xf32, #tpu.memory_space<hbm>>
      %dma_wait3A_262 = tpu.memref_slice %arg2[%run_scoped3A_210, %mul3A_2] : memref<32x102416xf32, #tpu.memory_space<hbm>> -> memref<1x3200xf32, #tpu.memory_space<hbm>>
      %dma_wait3A_263 = tpu.memref_squeeze %dma_wait3A_262 : memref<1x3200xf32, #tpu.memory_space<hbm>> -> memref<3200xf32, #tpu.memory_space<hbm>>
      tpu.wait_dma2 semaphore(%run_scoped3A_257 : memref<!tpu.dma_semaphore, #tpu.memory_space<semaphore_mem>>) src(%dma_wait3A_263 : memref<3200xf32, #tpu.memory_space<hbm>>) dst(%arg5 : memref<3200xf32, #tpu.memory_space<vmem>>)
      tpu.yield
    }) : () -> ()
    %scan3A_211 = arith.constant 0 : i32
    %scan3A_212 = arith.constant 0 : i32
    %scan3A_213 = arith.constant 200 : i32
    %scan3A_214 = arith.addi %scan3A_212, %scan3A_213 : i32
    %scan3A_215 = arith.constant 1 : i32
    %scan3A_216 = scf.for %scan3A_257 = %scan3A_212 to %scan3A_214 step %scan3A_215 iter_args(%scan3A_258 = %scan3A_211) -> (i32)  : i32 {
      %mul3A_259 = arith.constant 16 : i32
      %mul3A_260 = arith.muli %scan3A_257, %mul3A_259 : i32
      %get3A = arith.index_cast %mul3A_260 : i32 to index
      %get3A_261 = tpu.vector_load %arg4[%get3A] {strides = array<i32>} : memref<3200xf32, #tpu.memory_space<vmem>>, vector<16xf32>,
      %get3A_262 = arith.index_cast %mul3A_260 : i32 to index
      %get3A_263 = tpu.vector_load %arg5[%get3A_262] {strides = array<i32>} : memref<3200xf32, #tpu.memory_space<vmem>>, vector<16xf32>,
      %add3A_264 = arith.addf %get3A_261, %get3A_263 : vector<16xf32>
      %swap3A = arith.index_cast %mul3A_260 : i32 to index
      %swap3A_265 = tpu.vector_load %arg4[%swap3A] {strides = array<i32>} : memref<3200xf32, #tpu.memory_space<vmem>>, vector<16xf32>,
      tpu.vector_store %arg4[%swap3A], %add3A_264 {strides = array<i32>} : memref<3200xf32, #tpu.memory_space<vmem>>, vector<16xf32>,
      %scan3A_266 = arith.constant 0 : i32
      scf.yield %scan3A_266 : i32
    }
    %scan3A_217 = arith.constant 200 : i32
    %run_scoped3A_218 = arith.constant 28 : i32
    "tpu.region"() ({
      %run_scoped3A_257 = tpu.sem_alloc : memref<!tpu.dma_semaphore, #tpu.memory_space<semaphore_mem>>
      %dma_start3A = tpu.memref_slice %arg2[%run_scoped3A_218, %mul3A_2] : memref<32x102416xf32, #tpu.memory_space<hbm>> -> memref<1x3200xf32, #tpu.memory_space<hbm>>
      %dma_start3A_258 = tpu.memref_squeeze %dma_start3A : memref<1x3200xf32, #tpu.memory_space<hbm>> -> memref<3200xf32, #tpu.memory_space<hbm>>
      %dma_start3A_259 = tpu.memref_slice %arg2[%run_scoped3A_218, %mul3A_2] : memref<32x102416xf32, #tpu.memory_space<hbm>> -> memref<1x3200xf32, #tpu.memory_space<hbm>>
      %dma_start3A_260 = tpu.memref_squeeze %dma_start3A_259 : memref<1x3200xf32, #tpu.memory_space<hbm>> -> memref<3200xf32, #tpu.memory_space<hbm>>
      tpu.enqueue_dma source(%dma_start3A_260 : memref<3200xf32, #tpu.memory_space<hbm>>) target(%arg5 : memref<3200xf32, #tpu.memory_space<vmem>>) target_semaphore(%run_scoped3A_257 : memref<!tpu.dma_semaphore, #tpu.memory_space<semaphore_mem>>)
      %dma_wait3A = tpu.memref_slice %arg2[%run_scoped3A_218, %mul3A_2] : memref<32x102416xf32, #tpu.memory_space<hbm>> -> memref<1x3200xf32, #tpu.memory_space<hbm>>
      %dma_wait3A_261 = tpu.memref_squeeze %dma_wait3A : memref<1x3200xf32, #tpu.memory_space<hbm>> -> memref<3200xf32, #tpu.memory_space<hbm>>
      %dma_wait3A_262 = tpu.memref_slice %arg2[%run_scoped3A_218, %mul3A_2] : memref<32x102416xf32, #tpu.memory_space<hbm>> -> memref<1x3200xf32, #tpu.memory_space<hbm>>
      %dma_wait3A_263 = tpu.memref_squeeze %dma_wait3A_262 : memref<1x3200xf32, #tpu.memory_space<hbm>> -> memref<3200xf32, #tpu.memory_space<hbm>>
      tpu.wait_dma2 semaphore(%run_scoped3A_257 : memref<!tpu.dma_semaphore, #tpu.memory_space<semaphore_mem>>) src(%dma_wait3A_263 : memref<3200xf32, #tpu.memory_space<hbm>>) dst(%arg5 : memref<3200xf32, #tpu.memory_space<vmem>>)
      tpu.yield
    }) : () -> ()
    %scan3A_219 = arith.constant 0 : i32
    %scan3A_220 = arith.constant 0 : i32
    %scan3A_221 = arith.constant 200 : i32
    %scan3A_222 = arith.addi %scan3A_220, %scan3A_221 : i32
    %scan3A_223 = arith.constant 1 : i32
    %scan3A_224 = scf.for %scan3A_257 = %scan3A_220 to %scan3A_222 step %scan3A_223 iter_args(%scan3A_258 = %scan3A_219) -> (i32)  : i32 {
      %mul3A_259 = arith.constant 16 : i32
      %mul3A_260 = arith.muli %scan3A_257, %mul3A_259 : i32
      %get3A = arith.index_cast %mul3A_260 : i32 to index
      %get3A_261 = tpu.vector_load %arg4[%get3A] {strides = array<i32>} : memref<3200xf32, #tpu.memory_space<vmem>>, vector<16xf32>,
      %get3A_262 = arith.index_cast %mul3A_260 : i32 to index
      %get3A_263 = tpu.vector_load %arg5[%get3A_262] {strides = array<i32>} : memref<3200xf32, #tpu.memory_space<vmem>>, vector<16xf32>,
      %add3A_264 = arith.addf %get3A_261, %get3A_263 : vector<16xf32>
      %swap3A = arith.index_cast %mul3A_260 : i32 to index
      %swap3A_265 = tpu.vector_load %arg4[%swap3A] {strides = array<i32>} : memref<3200xf32, #tpu.memory_space<vmem>>, vector<16xf32>,
      tpu.vector_store %arg4[%swap3A], %add3A_264 {strides = array<i32>} : memref<3200xf32, #tpu.memory_space<vmem>>, vector<16xf32>,
      %scan3A_266 = arith.constant 0 : i32
      scf.yield %scan3A_266 : i32
    }
    %scan3A_225 = arith.constant 200 : i32
    %run_scoped3A_226 = arith.constant 29 : i32
    "tpu.region"() ({
      %run_scoped3A_257 = tpu.sem_alloc : memref<!tpu.dma_semaphore, #tpu.memory_space<semaphore_mem>>
      %dma_start3A = tpu.memref_slice %arg2[%run_scoped3A_226, %mul3A_2] : memref<32x102416xf32, #tpu.memory_space<hbm>> -> memref<1x3200xf32, #tpu.memory_space<hbm>>
      %dma_start3A_258 = tpu.memref_squeeze %dma_start3A : memref<1x3200xf32, #tpu.memory_space<hbm>> -> memref<3200xf32, #tpu.memory_space<hbm>>
      %dma_start3A_259 = tpu.memref_slice %arg2[%run_scoped3A_226, %mul3A_2] : memref<32x102416xf32, #tpu.memory_space<hbm>> -> memref<1x3200xf32, #tpu.memory_space<hbm>>
      %dma_start3A_260 = tpu.memref_squeeze %dma_start3A_259 : memref<1x3200xf32, #tpu.memory_space<hbm>> -> memref<3200xf32, #tpu.memory_space<hbm>>
      tpu.enqueue_dma source(%dma_start3A_260 : memref<3200xf32, #tpu.memory_space<hbm>>) target(%arg5 : memref<3200xf32, #tpu.memory_space<vmem>>) target_semaphore(%run_scoped3A_257 : memref<!tpu.dma_semaphore, #tpu.memory_space<semaphore_mem>>)
      %dma_wait3A = tpu.memref_slice %arg2[%run_scoped3A_226, %mul3A_2] : memref<32x102416xf32, #tpu.memory_space<hbm>> -> memref<1x3200xf32, #tpu.memory_space<hbm>>
      %dma_wait3A_261 = tpu.memref_squeeze %dma_wait3A : memref<1x3200xf32, #tpu.memory_space<hbm>> -> memref<3200xf32, #tpu.memory_space<hbm>>
      %dma_wait3A_262 = tpu.memref_slice %arg2[%run_scoped3A_226, %mul3A_2] : memref<32x102416xf32, #tpu.memory_space<hbm>> -> memref<1x3200xf32, #tpu.memory_space<hbm>>
      %dma_wait3A_263 = tpu.memref_squeeze %dma_wait3A_262 : memref<1x3200xf32, #tpu.memory_space<hbm>> -> memref<3200xf32, #tpu.memory_space<hbm>>
      tpu.wait_dma2 semaphore(%run_scoped3A_257 : memref<!tpu.dma_semaphore, #tpu.memory_space<semaphore_mem>>) src(%dma_wait3A_263 : memref<3200xf32, #tpu.memory_space<hbm>>) dst(%arg5 : memref<3200xf32, #tpu.memory_space<vmem>>)
      tpu.yield
    }) : () -> ()
    %scan3A_227 = arith.constant 0 : i32
    %scan3A_228 = arith.constant 0 : i32
    %scan3A_229 = arith.constant 200 : i32
    %scan3A_230 = arith.addi %scan3A_228, %scan3A_229 : i32
    %scan3A_231 = arith.constant 1 : i32
    %scan3A_232 = scf.for %scan3A_257 = %scan3A_228 to %scan3A_230 step %scan3A_231 iter_args(%scan3A_258 = %scan3A_227) -> (i32)  : i32 {
      %mul3A_259 = arith.constant 16 : i32
      %mul3A_260 = arith.muli %scan3A_257, %mul3A_259 : i32
      %get3A = arith.index_cast %mul3A_260 : i32 to index
      %get3A_261 = tpu.vector_load %arg4[%get3A] {strides = array<i32>} : memref<3200xf32, #tpu.memory_space<vmem>>, vector<16xf32>,
      %get3A_262 = arith.index_cast %mul3A_260 : i32 to index
      %get3A_263 = tpu.vector_load %arg5[%get3A_262] {strides = array<i32>} : memref<3200xf32, #tpu.memory_space<vmem>>, vector<16xf32>,
      %add3A_264 = arith.addf %get3A_261, %get3A_263 : vector<16xf32>
      %swap3A = arith.index_cast %mul3A_260 : i32 to index
      %swap3A_265 = tpu.vector_load %arg4[%swap3A] {strides = array<i32>} : memref<3200xf32, #tpu.memory_space<vmem>>, vector<16xf32>,
      tpu.vector_store %arg4[%swap3A], %add3A_264 {strides = array<i32>} : memref<3200xf32, #tpu.memory_space<vmem>>, vector<16xf32>,
      %scan3A_266 = arith.constant 0 : i32
      scf.yield %scan3A_266 : i32
    }
    %scan3A_233 = arith.constant 200 : i32
    %run_scoped3A_234 = arith.constant 30 : i32
    "tpu.region"() ({
      %run_scoped3A_257 = tpu.sem_alloc : memref<!tpu.dma_semaphore, #tpu.memory_space<semaphore_mem>>
      %dma_start3A = tpu.memref_slice %arg2[%run_scoped3A_234, %mul3A_2] : memref<32x102416xf32, #tpu.memory_space<hbm>> -> memref<1x3200xf32, #tpu.memory_space<hbm>>
      %dma_start3A_258 = tpu.memref_squeeze %dma_start3A : memref<1x3200xf32, #tpu.memory_space<hbm>> -> memref<3200xf32, #tpu.memory_space<hbm>>
      %dma_start3A_259 = tpu.memref_slice %arg2[%run_scoped3A_234, %mul3A_2] : memref<32x102416xf32, #tpu.memory_space<hbm>> -> memref<1x3200xf32, #tpu.memory_space<hbm>>
      %dma_start3A_260 = tpu.memref_squeeze %dma_start3A_259 : memref<1x3200xf32, #tpu.memory_space<hbm>> -> memref<3200xf32, #tpu.memory_space<hbm>>
      tpu.enqueue_dma source(%dma_start3A_260 : memref<3200xf32, #tpu.memory_space<hbm>>) target(%arg5 : memref<3200xf32, #tpu.memory_space<vmem>>) target_semaphore(%run_scoped3A_257 : memref<!tpu.dma_semaphore, #tpu.memory_space<semaphore_mem>>)
      %dma_wait3A = tpu.memref_slice %arg2[%run_scoped3A_234, %mul3A_2] : memref<32x102416xf32, #tpu.memory_space<hbm>> -> memref<1x3200xf32, #tpu.memory_space<hbm>>
      %dma_wait3A_261 = tpu.memref_squeeze %dma_wait3A : memref<1x3200xf32, #tpu.memory_space<hbm>> -> memref<3200xf32, #tpu.memory_space<hbm>>
      %dma_wait3A_262 = tpu.memref_slice %arg2[%run_scoped3A_234, %mul3A_2] : memref<32x102416xf32, #tpu.memory_space<hbm>> -> memref<1x3200xf32, #tpu.memory_space<hbm>>
      %dma_wait3A_263 = tpu.memref_squeeze %dma_wait3A_262 : memref<1x3200xf32, #tpu.memory_space<hbm>> -> memref<3200xf32, #tpu.memory_space<hbm>>
      tpu.wait_dma2 semaphore(%run_scoped3A_257 : memref<!tpu.dma_semaphore, #tpu.memory_space<semaphore_mem>>) src(%dma_wait3A_263 : memref<3200xf32, #tpu.memory_space<hbm>>) dst(%arg5 : memref<3200xf32, #tpu.memory_space<vmem>>)
      tpu.yield
    }) : () -> ()
    %scan3A_235 = arith.constant 0 : i32
    %scan3A_236 = arith.constant 0 : i32
    %scan3A_237 = arith.constant 200 : i32
    %scan3A_238 = arith.addi %scan3A_236, %scan3A_237 : i32
    %scan3A_239 = arith.constant 1 : i32
    %scan3A_240 = scf.for %scan3A_257 = %scan3A_236 to %scan3A_238 step %scan3A_239 iter_args(%scan3A_258 = %scan3A_235) -> (i32)  : i32 {
      %mul3A_259 = arith.constant 16 : i32
      %mul3A_260 = arith.muli %scan3A_257, %mul3A_259 : i32
      %get3A = arith.index_cast %mul3A_260 : i32 to index
      %get3A_261 = tpu.vector_load %arg4[%get3A] {strides = array<i32>} : memref<3200xf32, #tpu.memory_space<vmem>>, vector<16xf32>,
      %get3A_262 = arith.index_cast %mul3A_260 : i32 to index
      %get3A_263 = tpu.vector_load %arg5[%get3A_262] {strides = array<i32>} : memref<3200xf32, #tpu.memory_space<vmem>>, vector<16xf32>,
      %add3A_264 = arith.addf %get3A_261, %get3A_263 : vector<16xf32>
      %swap3A = arith.index_cast %mul3A_260 : i32 to index
      %swap3A_265 = tpu.vector_load %arg4[%swap3A] {strides = array<i32>} : memref<3200xf32, #tpu.memory_space<vmem>>, vector<16xf32>,
      tpu.vector_store %arg4[%swap3A], %add3A_264 {strides = array<i32>} : memref<3200xf32, #tpu.memory_space<vmem>>, vector<16xf32>,
      %scan3A_266 = arith.constant 0 : i32
      scf.yield %scan3A_266 : i32
    }
    %scan3A_241 = arith.constant 200 : i32
    %run_scoped3A_242 = arith.constant 31 : i32
    "tpu.region"() ({
      %run_scoped3A_257 = tpu.sem_alloc : memref<!tpu.dma_semaphore, #tpu.memory_space<semaphore_mem>>
      %dma_start3A = tpu.memref_slice %arg2[%run_scoped3A_242, %mul3A_2] : memref<32x102416xf32, #tpu.memory_space<hbm>> -> memref<1x3200xf32, #tpu.memory_space<hbm>>
      %dma_start3A_258 = tpu.memref_squeeze %dma_start3A : memref<1x3200xf32, #tpu.memory_space<hbm>> -> memref<3200xf32, #tpu.memory_space<hbm>>
      %dma_start3A_259 = tpu.memref_slice %arg2[%run_scoped3A_242, %mul3A_2] : memref<32x102416xf32, #tpu.memory_space<hbm>> -> memref<1x3200xf32, #tpu.memory_space<hbm>>
      %dma_start3A_260 = tpu.memref_squeeze %dma_start3A_259 : memref<1x3200xf32, #tpu.memory_space<hbm>> -> memref<3200xf32, #tpu.memory_space<hbm>>
      tpu.enqueue_dma source(%dma_start3A_260 : memref<3200xf32, #tpu.memory_space<hbm>>) target(%arg5 : memref<3200xf32, #tpu.memory_space<vmem>>) target_semaphore(%run_scoped3A_257 : memref<!tpu.dma_semaphore, #tpu.memory_space<semaphore_mem>>)
      %dma_wait3A = tpu.memref_slice %arg2[%run_scoped3A_242, %mul3A_2] : memref<32x102416xf32, #tpu.memory_space<hbm>> -> memref<1x3200xf32, #tpu.memory_space<hbm>>
      %dma_wait3A_261 = tpu.memref_squeeze %dma_wait3A : memref<1x3200xf32, #tpu.memory_space<hbm>> -> memref<3200xf32, #tpu.memory_space<hbm>>
      %dma_wait3A_262 = tpu.memref_slice %arg2[%run_scoped3A_242, %mul3A_2] : memref<32x102416xf32, #tpu.memory_space<hbm>> -> memref<1x3200xf32, #tpu.memory_space<hbm>>
      %dma_wait3A_263 = tpu.memref_squeeze %dma_wait3A_262 : memref<1x3200xf32, #tpu.memory_space<hbm>> -> memref<3200xf32, #tpu.memory_space<hbm>>
      tpu.wait_dma2 semaphore(%run_scoped3A_257 : memref<!tpu.dma_semaphore, #tpu.memory_space<semaphore_mem>>) src(%dma_wait3A_263 : memref<3200xf32, #tpu.memory_space<hbm>>) dst(%arg5 : memref<3200xf32, #tpu.memory_space<vmem>>)
      tpu.yield
    }) : () -> ()
    %scan3A_243 = arith.constant 0 : i32
    %scan3A_244 = arith.constant 0 : i32
    %scan3A_245 = arith.constant 200 : i32
    %scan3A_246 = arith.addi %scan3A_244, %scan3A_245 : i32
    %scan3A_247 = arith.constant 1 : i32
    %scan3A_248 = scf.for %scan3A_257 = %scan3A_244 to %scan3A_246 step %scan3A_247 iter_args(%scan3A_258 = %scan3A_243) -> (i32)  : i32 {
      %mul3A_259 = arith.constant 16 : i32
      %mul3A_260 = arith.muli %scan3A_257, %mul3A_259 : i32
      %get3A = arith.index_cast %mul3A_260 : i32 to index
      %get3A_261 = tpu.vector_load %arg4[%get3A] {strides = array<i32>} : memref<3200xf32, #tpu.memory_space<vmem>>, vector<16xf32>,
      %get3A_262 = arith.index_cast %mul3A_260 : i32 to index
      %get3A_263 = tpu.vector_load %arg5[%get3A_262] {strides = array<i32>} : memref<3200xf32, #tpu.memory_space<vmem>>, vector<16xf32>,
      %add3A_264 = arith.addf %get3A_261, %get3A_263 : vector<16xf32>
      %swap3A = arith.index_cast %mul3A_260 : i32 to index
      %swap3A_265 = tpu.vector_load %arg4[%swap3A] {strides = array<i32>} : memref<3200xf32, #tpu.memory_space<vmem>>, vector<16xf32>,
      tpu.vector_store %arg4[%swap3A], %add3A_264 {strides = array<i32>} : memref<3200xf32, #tpu.memory_space<vmem>>, vector<16xf32>,
      %scan3A_266 = arith.constant 0 : i32
      scf.yield %scan3A_266 : i32
    }
    %scan3A_249 = arith.constant 200 : i32
    %scan3A_250 = arith.constant 0 : i32
    %scan3A_251 = arith.constant 0 : i32
    %scan3A_252 = arith.constant 200 : i32
    %scan3A_253 = arith.addi %scan3A_251, %scan3A_252 : i32
    %scan3A_254 = arith.constant 1 : i32
    %scan3A_255 = scf.for %scan3A_257 = %scan3A_251 to %scan3A_253 step %scan3A_254 iter_args(%scan3A_258 = %scan3A_250) -> (i32)  : i32 {
      %mul3A_259 = arith.constant 16 : i32
      %mul3A_260 = arith.muli %scan3A_257, %mul3A_259 : i32
      %get3A = arith.index_cast %mul3A_260 : i32 to index
      %get3A_261 = tpu.vector_load %arg4[%get3A] {strides = array<i32>} : memref<3200xf32, #tpu.memory_space<vmem>>, vector<16xf32>,
      %add3A_262 = arith.constant 1.000000e+00 : f32
      %add3A_263 = vector.broadcast %add3A_262 : f32 to vector<16xf32>
      %add3A_264 = arith.addf %get3A_261, %add3A_263 : vector<16xf32>
      %bitcast3A = vector.bitcast %add3A_264 : vector<16xf32> to vector<16xi32>
      %shift_right_arithmetic3A = arith.constant 1 : i32
      %shift_right_arithmetic3A_265 = vector.broadcast %shift_right_arithmetic3A : i32 to vector<16xi32>
      %shift_right_arithmetic3A_266 = arith.shrsi %bitcast3A, %shift_right_arithmetic3A_265 : vector<16xi32>
      %sub3A = arith.constant 1597463007 : i32
      %sub3A_267 = vector.broadcast %sub3A : i32 to vector<16xi32>
      %sub3A_268 = arith.subi %sub3A_267, %shift_right_arithmetic3A_266 : vector<16xi32>
      %bitcast3A_269 = vector.bitcast %sub3A_268 : vector<16xi32> to vector<16xf32>
      %mul3A_270 = arith.constant 5.000000e-01 : f32
      %mul3A_271 = vector.broadcast %mul3A_270 : f32 to vector<16xf32>
      %mul3A_272 = arith.mulf %mul3A_271, %add3A_264 : vector<16xf32>
      %mul3A_273 = arith.mulf %mul3A_272, %bitcast3A_269 : vector<16xf32>
      %mul3A_274 = arith.mulf %mul3A_273, %bitcast3A_269 : vector<16xf32>
      %sub3A_275 = arith.constant 1.500000e+00 : f32
      %sub3A_276 = vector.broadcast %sub3A_275 : f32 to vector<16xf32>
      %sub3A_277 = arith.subf %sub3A_276, %mul3A_274 : vector<16xf32>
      %mul3A_278 = arith.mulf %bitcast3A_269, %sub3A_277 : vector<16xf32>
      %mul3A_279 = arith.constant 5.000000e-01 : f32
      %mul3A_280 = vector.broadcast %mul3A_279 : f32 to vector<16xf32>
      %mul3A_281 = arith.mulf %mul3A_280, %add3A_264 : vector<16xf32>
      %mul3A_282 = arith.mulf %mul3A_281, %mul3A_278 : vector<16xf32>
      %mul3A_283 = arith.mulf %mul3A_282, %mul3A_278 : vector<16xf32>
      %sub3A_284 = arith.constant 1.500000e+00 : f32
      %sub3A_285 = vector.broadcast %sub3A_284 : f32 to vector<16xf32>
      %sub3A_286 = arith.subf %sub3A_285, %mul3A_283 : vector<16xf32>
      %mul3A_287 = arith.mulf %mul3A_278, %sub3A_286 : vector<16xf32>
      %mul3A_288 = arith.constant 5.000000e-01 : f32
      %mul3A_289 = vector.broadcast %mul3A_288 : f32 to vector<16xf32>
      %mul3A_290 = arith.mulf %mul3A_289, %add3A_264 : vector<16xf32>
      %mul3A_291 = arith.mulf %mul3A_290, %mul3A_287 : vector<16xf32>
      %mul3A_292 = arith.mulf %mul3A_291, %mul3A_287 : vector<16xf32>
      %sub3A_293 = arith.constant 1.500000e+00 : f32
      %sub3A_294 = vector.broadcast %sub3A_293 : f32 to vector<16xf32>
      %sub3A_295 = arith.subf %sub3A_294, %mul3A_292 : vector<16xf32>
      %mul3A_296 = arith.mulf %mul3A_287, %sub3A_295 : vector<16xf32>
      %swap3A = arith.index_cast %mul3A_260 : i32 to index
      %swap3A_297 = tpu.vector_load %arg4[%swap3A] {strides = array<i32>} : memref<3200xf32, #tpu.memory_space<vmem>>, vector<16xf32>,
      tpu.vector_store %arg4[%swap3A], %mul3A_296 {strides = array<i32>} : memref<3200xf32, #tpu.memory_space<vmem>>, vector<16xf32>,
      %scan3A_298 = arith.constant 0 : i32
      scf.yield %scan3A_298 : i32
    }
    %scan3A_256 = arith.constant 200 : i32
    "tpu.region"() ({
      %run_scoped3A_257 = tpu.sem_alloc : memref<!tpu.dma_semaphore, #tpu.memory_space<semaphore_mem>>
      %dma_start3A = tpu.memref_slice %arg3[%mul3A_2] : memref<102400xf32, #tpu.memory_space<hbm>> -> memref<3200xf32, #tpu.memory_space<hbm>>
      %dma_start3A_258 = tpu.memref_slice %arg3[%mul3A_2] : memref<102400xf32, #tpu.memory_space<hbm>> -> memref<3200xf32, #tpu.memory_space<hbm>>
      tpu.enqueue_dma source(%arg4 : memref<3200xf32, #tpu.memory_space<vmem>>) target(%dma_start3A_258 : memref<3200xf32, #tpu.memory_space<hbm>>) target_semaphore(%run_scoped3A_257 : memref<!tpu.dma_semaphore, #tpu.memory_space<semaphore_mem>>)
      %dma_wait3A = tpu.memref_slice %arg3[%mul3A_2] : memref<102400xf32, #tpu.memory_space<hbm>> -> memref<3200xf32, #tpu.memory_space<hbm>>
      %dma_wait3A_259 = tpu.memref_slice %arg3[%mul3A_2] : memref<102400xf32, #tpu.memory_space<hbm>> -> memref<3200xf32, #tpu.memory_space<hbm>>
      tpu.wait_dma2 semaphore(%run_scoped3A_257 : memref<!tpu.dma_semaphore, #tpu.memory_space<semaphore_mem>>) src(%arg4 : memref<3200xf32, #tpu.memory_space<vmem>>) dst(%dma_wait3A_259 : memref<3200xf32, #tpu.memory_space<hbm>>)
      tpu.yield
    }) : () -> ()
    return
  }
}

#map = affine_map<(d0, d1) -> (0, 0)>
#map1 = affine_map<(d0, d1) -> (0)>
module attributes {stable_mosaic.version = 14 : i64} {
  func.func @body(%arg0: i32, %arg1: i32, %arg2: memref<100000x128xf32, #tpu.memory_space<hbm>>, %arg3: memref<1703936xi32, #tpu.memory_space<hbm>>, %arg4: memref<1703936xi32, #tpu.memory_space<hbm>>, %arg5: memref<102400x128xf32, #tpu.memory_space<hbm>>, %arg6: memref<12816x128xf32, #tpu.memory_space<vmem_shared>>, %arg7: memref<2048xi32, #tpu.memory_space<vmem>>, %arg8: memref<2048xi32, #tpu.memory_space<vmem>>, %arg9: memref<2048xi32, #tpu.memory_space<vmem>>, %arg10: memref<2048xi32, #tpu.memory_space<vmem>>, %arg11: memref<128x128xf32, #tpu.memory_space<vmem>>, %arg12: memref<!tpu.dma_semaphore, #tpu.memory_space<semaphore_mem>>) attributes {dimension_semantics = [#tpu.dimension_semantics<core_parallel>, #tpu.dimension_semantics<subcore_parallel>], iteration_bounds = array<i64: 2, 16>, scalar_prefetch = 0 : i64, scratch_operands = 7 : i64, tpu.core_type = #tpu.core_type<sc_vector_subcore>, window_params = [{transform_indices = #map}, {transform_indices = #map1}, {transform_indices = #map1}, {transform_indices = #map}]} {
    %iota3A = tpu.iota {dimensions = array<i32: 0>} : vector<16xi32>
    %broadcast_in_dim3A = arith.constant 0.000000e+00 : f32
    %broadcast_in_dim3A_0 = vector.broadcast %broadcast_in_dim3A : f32 to vector<16xf32>
    %scan3A = arith.constant 0 : i32
    %scan3A_1 = arith.constant 0 : i32
    %scan3A_2 = arith.constant 4 : i32
    %scan3A_3 = arith.addi %scan3A_1, %scan3A_2 : i32
    %scan3A_4 = arith.constant 1 : i32
    %scan3A_5 = scf.for %scan3A_7 = %scan3A_1 to %scan3A_3 step %scan3A_4 iter_args(%scan3A_8 = %scan3A) -> (i32)  : i32 {
      %mul3A = arith.constant 2 : i32
      %mul3A_9 = arith.muli %mul3A, %scan3A_7 : i32
      %add3A = arith.addi %mul3A_9, %arg0 : i32
      %mul3A_10 = arith.constant 12800 : i32
      %mul3A_11 = arith.muli %add3A, %mul3A_10 : i32
      %scan3A_12 = arith.constant 0 : i32
      %scan3A_13 = arith.constant 0 : i32
      %scan3A_14 = arith.constant 1024 : i32
      %scan3A_15 = arith.addi %scan3A_13, %scan3A_14 : i32
      %scan3A_16 = arith.constant 1 : i32
      %scan3A_17 = scf.for %scan3A_64 = %scan3A_13 to %scan3A_15 step %scan3A_16 iter_args(%scan3A_65 = %scan3A_12) -> (i32)  : i32 {
        %shift_right_arithmetic3A = arith.constant 3 : i32
        %shift_right_arithmetic3A_66 = arith.shrsi %scan3A_64, %shift_right_arithmetic3A : i32
        %and3A = arith.constant 7 : i32
        %and3A_67 = arith.andi %scan3A_64, %and3A : i32
        %mul3A_68 = arith.constant 16 : i32
        %mul3A_69 = arith.muli %and3A_67, %mul3A_68 : i32
        %swap3A = arith.index_cast %shift_right_arithmetic3A_66 : i32 to index
        %swap3A_70 = arith.index_cast %mul3A_69 : i32 to index
        %swap3A_71 = tpu.vector_load %arg11[%swap3A, %swap3A_70] {strides = array<i32>} : memref<128x128xf32, #tpu.memory_space<vmem>>, vector<16xf32>,
        tpu.vector_store %arg11[%swap3A, %swap3A_70], %broadcast_in_dim3A_0 {strides = array<i32>} : memref<128x128xf32, #tpu.memory_space<vmem>>, vector<16xf32>,
        %scan3A_72 = arith.constant 0 : i32
        scf.yield %scan3A_72 : i32
      }
      %scan3A_18 = arith.constant 1024 : i32
      %mul3A_19 = arith.constant 800 : i32
      %mul3A_20 = arith.muli %arg1, %mul3A_19 : i32
      %add3A_21 = arith.constant 0 : i32
      %add3A_22 = arith.addi %mul3A_20, %add3A_21 : i32
      "tpu.region"() ({
        %run_scoped3A = tpu.sem_alloc : memref<!tpu.dma_semaphore, #tpu.memory_space<semaphore_mem>>
        %dma_start3A = arith.constant 0 : i32
        %dma_start3A_64 = tpu.memref_slice %arg6[%add3A_22, %dma_start3A] : memref<12816x128xf32, #tpu.memory_space<vmem_shared>> -> memref<128x128xf32, #tpu.memory_space<vmem_shared>>
        %dma_start3A_65 = arith.constant 0 : i32
        %dma_start3A_66 = tpu.memref_slice %arg6[%add3A_22, %dma_start3A_65] : memref<12816x128xf32, #tpu.memory_space<vmem_shared>> -> memref<128x128xf32, #tpu.memory_space<vmem_shared>>
        tpu.enqueue_dma source(%arg11 : memref<128x128xf32, #tpu.memory_space<vmem>>) target(%dma_start3A_66 : memref<128x128xf32, #tpu.memory_space<vmem_shared>>) target_semaphore(%run_scoped3A : memref<!tpu.dma_semaphore, #tpu.memory_space<semaphore_mem>>)
        %dma_wait3A = arith.constant 0 : i32
        %dma_wait3A_67 = tpu.memref_slice %arg6[%add3A_22, %dma_wait3A] : memref<12816x128xf32, #tpu.memory_space<vmem_shared>> -> memref<128x128xf32, #tpu.memory_space<vmem_shared>>
        %dma_wait3A_68 = arith.constant 0 : i32
        %dma_wait3A_69 = tpu.memref_slice %arg6[%add3A_22, %dma_wait3A_68] : memref<12816x128xf32, #tpu.memory_space<vmem_shared>> -> memref<128x128xf32, #tpu.memory_space<vmem_shared>>
        tpu.wait_dma2 semaphore(%run_scoped3A : memref<!tpu.dma_semaphore, #tpu.memory_space<semaphore_mem>>) src(%arg11 : memref<128x128xf32, #tpu.memory_space<vmem>>) dst(%dma_wait3A_69 : memref<128x128xf32, #tpu.memory_space<vmem_shared>>)
        tpu.yield
      }) : () -> ()
      %mul3A_23 = arith.constant 800 : i32
      %mul3A_24 = arith.muli %arg1, %mul3A_23 : i32
      %add3A_25 = arith.constant 128 : i32
      %add3A_26 = arith.addi %mul3A_24, %add3A_25 : i32
      "tpu.region"() ({
        %run_scoped3A = tpu.sem_alloc : memref<!tpu.dma_semaphore, #tpu.memory_space<semaphore_mem>>
        %dma_start3A = arith.constant 0 : i32
        %dma_start3A_64 = tpu.memref_slice %arg6[%add3A_26, %dma_start3A] : memref<12816x128xf32, #tpu.memory_space<vmem_shared>> -> memref<128x128xf32, #tpu.memory_space<vmem_shared>>
        %dma_start3A_65 = arith.constant 0 : i32
        %dma_start3A_66 = tpu.memref_slice %arg6[%add3A_26, %dma_start3A_65] : memref<12816x128xf32, #tpu.memory_space<vmem_shared>> -> memref<128x128xf32, #tpu.memory_space<vmem_shared>>
        tpu.enqueue_dma source(%arg11 : memref<128x128xf32, #tpu.memory_space<vmem>>) target(%dma_start3A_66 : memref<128x128xf32, #tpu.memory_space<vmem_shared>>) target_semaphore(%run_scoped3A : memref<!tpu.dma_semaphore, #tpu.memory_space<semaphore_mem>>)
        %dma_wait3A = arith.constant 0 : i32
        %dma_wait3A_67 = tpu.memref_slice %arg6[%add3A_26, %dma_wait3A] : memref<12816x128xf32, #tpu.memory_space<vmem_shared>> -> memref<128x128xf32, #tpu.memory_space<vmem_shared>>
        %dma_wait3A_68 = arith.constant 0 : i32
        %dma_wait3A_69 = tpu.memref_slice %arg6[%add3A_26, %dma_wait3A_68] : memref<12816x128xf32, #tpu.memory_space<vmem_shared>> -> memref<128x128xf32, #tpu.memory_space<vmem_shared>>
        tpu.wait_dma2 semaphore(%run_scoped3A : memref<!tpu.dma_semaphore, #tpu.memory_space<semaphore_mem>>) src(%arg11 : memref<128x128xf32, #tpu.memory_space<vmem>>) dst(%dma_wait3A_69 : memref<128x128xf32, #tpu.memory_space<vmem_shared>>)
        tpu.yield
      }) : () -> ()
      %mul3A_27 = arith.constant 800 : i32
      %mul3A_28 = arith.muli %arg1, %mul3A_27 : i32
      %add3A_29 = arith.constant 256 : i32
      %add3A_30 = arith.addi %mul3A_28, %add3A_29 : i32
      "tpu.region"() ({
        %run_scoped3A = tpu.sem_alloc : memref<!tpu.dma_semaphore, #tpu.memory_space<semaphore_mem>>
        %dma_start3A = arith.constant 0 : i32
        %dma_start3A_64 = tpu.memref_slice %arg6[%add3A_30, %dma_start3A] : memref<12816x128xf32, #tpu.memory_space<vmem_shared>> -> memref<128x128xf32, #tpu.memory_space<vmem_shared>>
        %dma_start3A_65 = arith.constant 0 : i32
        %dma_start3A_66 = tpu.memref_slice %arg6[%add3A_30, %dma_start3A_65] : memref<12816x128xf32, #tpu.memory_space<vmem_shared>> -> memref<128x128xf32, #tpu.memory_space<vmem_shared>>
        tpu.enqueue_dma source(%arg11 : memref<128x128xf32, #tpu.memory_space<vmem>>) target(%dma_start3A_66 : memref<128x128xf32, #tpu.memory_space<vmem_shared>>) target_semaphore(%run_scoped3A : memref<!tpu.dma_semaphore, #tpu.memory_space<semaphore_mem>>)
        %dma_wait3A = arith.constant 0 : i32
        %dma_wait3A_67 = tpu.memref_slice %arg6[%add3A_30, %dma_wait3A] : memref<12816x128xf32, #tpu.memory_space<vmem_shared>> -> memref<128x128xf32, #tpu.memory_space<vmem_shared>>
        %dma_wait3A_68 = arith.constant 0 : i32
        %dma_wait3A_69 = tpu.memref_slice %arg6[%add3A_30, %dma_wait3A_68] : memref<12816x128xf32, #tpu.memory_space<vmem_shared>> -> memref<128x128xf32, #tpu.memory_space<vmem_shared>>
        tpu.wait_dma2 semaphore(%run_scoped3A : memref<!tpu.dma_semaphore, #tpu.memory_space<semaphore_mem>>) src(%arg11 : memref<128x128xf32, #tpu.memory_space<vmem>>) dst(%dma_wait3A_69 : memref<128x128xf32, #tpu.memory_space<vmem_shared>>)
        tpu.yield
      }) : () -> ()
      %mul3A_31 = arith.constant 800 : i32
      %mul3A_32 = arith.muli %arg1, %mul3A_31 : i32
      %add3A_33 = arith.constant 384 : i32
      %add3A_34 = arith.addi %mul3A_32, %add3A_33 : i32
      "tpu.region"() ({
        %run_scoped3A = tpu.sem_alloc : memref<!tpu.dma_semaphore, #tpu.memory_space<semaphore_mem>>
        %dma_start3A = arith.constant 0 : i32
        %dma_start3A_64 = tpu.memref_slice %arg6[%add3A_34, %dma_start3A] : memref<12816x128xf32, #tpu.memory_space<vmem_shared>> -> memref<128x128xf32, #tpu.memory_space<vmem_shared>>
        %dma_start3A_65 = arith.constant 0 : i32
        %dma_start3A_66 = tpu.memref_slice %arg6[%add3A_34, %dma_start3A_65] : memref<12816x128xf32, #tpu.memory_space<vmem_shared>> -> memref<128x128xf32, #tpu.memory_space<vmem_shared>>
        tpu.enqueue_dma source(%arg11 : memref<128x128xf32, #tpu.memory_space<vmem>>) target(%dma_start3A_66 : memref<128x128xf32, #tpu.memory_space<vmem_shared>>) target_semaphore(%run_scoped3A : memref<!tpu.dma_semaphore, #tpu.memory_space<semaphore_mem>>)
        %dma_wait3A = arith.constant 0 : i32
        %dma_wait3A_67 = tpu.memref_slice %arg6[%add3A_34, %dma_wait3A] : memref<12816x128xf32, #tpu.memory_space<vmem_shared>> -> memref<128x128xf32, #tpu.memory_space<vmem_shared>>
        %dma_wait3A_68 = arith.constant 0 : i32
        %dma_wait3A_69 = tpu.memref_slice %arg6[%add3A_34, %dma_wait3A_68] : memref<12816x128xf32, #tpu.memory_space<vmem_shared>> -> memref<128x128xf32, #tpu.memory_space<vmem_shared>>
        tpu.wait_dma2 semaphore(%run_scoped3A : memref<!tpu.dma_semaphore, #tpu.memory_space<semaphore_mem>>) src(%arg11 : memref<128x128xf32, #tpu.memory_space<vmem>>) dst(%dma_wait3A_69 : memref<128x128xf32, #tpu.memory_space<vmem_shared>>)
        tpu.yield
      }) : () -> ()
      %mul3A_35 = arith.constant 800 : i32
      %mul3A_36 = arith.muli %arg1, %mul3A_35 : i32
      %add3A_37 = arith.constant 512 : i32
      %add3A_38 = arith.addi %mul3A_36, %add3A_37 : i32
      "tpu.region"() ({
        %run_scoped3A = tpu.sem_alloc : memref<!tpu.dma_semaphore, #tpu.memory_space<semaphore_mem>>
        %dma_start3A = arith.constant 0 : i32
        %dma_start3A_64 = tpu.memref_slice %arg6[%add3A_38, %dma_start3A] : memref<12816x128xf32, #tpu.memory_space<vmem_shared>> -> memref<128x128xf32, #tpu.memory_space<vmem_shared>>
        %dma_start3A_65 = arith.constant 0 : i32
        %dma_start3A_66 = tpu.memref_slice %arg6[%add3A_38, %dma_start3A_65] : memref<12816x128xf32, #tpu.memory_space<vmem_shared>> -> memref<128x128xf32, #tpu.memory_space<vmem_shared>>
        tpu.enqueue_dma source(%arg11 : memref<128x128xf32, #tpu.memory_space<vmem>>) target(%dma_start3A_66 : memref<128x128xf32, #tpu.memory_space<vmem_shared>>) target_semaphore(%run_scoped3A : memref<!tpu.dma_semaphore, #tpu.memory_space<semaphore_mem>>)
        %dma_wait3A = arith.constant 0 : i32
        %dma_wait3A_67 = tpu.memref_slice %arg6[%add3A_38, %dma_wait3A] : memref<12816x128xf32, #tpu.memory_space<vmem_shared>> -> memref<128x128xf32, #tpu.memory_space<vmem_shared>>
        %dma_wait3A_68 = arith.constant 0 : i32
        %dma_wait3A_69 = tpu.memref_slice %arg6[%add3A_38, %dma_wait3A_68] : memref<12816x128xf32, #tpu.memory_space<vmem_shared>> -> memref<128x128xf32, #tpu.memory_space<vmem_shared>>
        tpu.wait_dma2 semaphore(%run_scoped3A : memref<!tpu.dma_semaphore, #tpu.memory_space<semaphore_mem>>) src(%arg11 : memref<128x128xf32, #tpu.memory_space<vmem>>) dst(%dma_wait3A_69 : memref<128x128xf32, #tpu.memory_space<vmem_shared>>)
        tpu.yield
      }) : () -> ()
      %mul3A_39 = arith.constant 800 : i32
      %mul3A_40 = arith.muli %arg1, %mul3A_39 : i32
      %add3A_41 = arith.constant 640 : i32
      %add3A_42 = arith.addi %mul3A_40, %add3A_41 : i32
      "tpu.region"() ({
        %run_scoped3A = tpu.sem_alloc : memref<!tpu.dma_semaphore, #tpu.memory_space<semaphore_mem>>
        %dma_start3A = arith.constant 0 : i32
        %dma_start3A_64 = tpu.memref_slice %arg6[%add3A_42, %dma_start3A] : memref<12816x128xf32, #tpu.memory_space<vmem_shared>> -> memref<128x128xf32, #tpu.memory_space<vmem_shared>>
        %dma_start3A_65 = arith.constant 0 : i32
        %dma_start3A_66 = tpu.memref_slice %arg6[%add3A_42, %dma_start3A_65] : memref<12816x128xf32, #tpu.memory_space<vmem_shared>> -> memref<128x128xf32, #tpu.memory_space<vmem_shared>>
        tpu.enqueue_dma source(%arg11 : memref<128x128xf32, #tpu.memory_space<vmem>>) target(%dma_start3A_66 : memref<128x128xf32, #tpu.memory_space<vmem_shared>>) target_semaphore(%run_scoped3A : memref<!tpu.dma_semaphore, #tpu.memory_space<semaphore_mem>>)
        %dma_wait3A = arith.constant 0 : i32
        %dma_wait3A_67 = tpu.memref_slice %arg6[%add3A_42, %dma_wait3A] : memref<12816x128xf32, #tpu.memory_space<vmem_shared>> -> memref<128x128xf32, #tpu.memory_space<vmem_shared>>
        %dma_wait3A_68 = arith.constant 0 : i32
        %dma_wait3A_69 = tpu.memref_slice %arg6[%add3A_42, %dma_wait3A_68] : memref<12816x128xf32, #tpu.memory_space<vmem_shared>> -> memref<128x128xf32, #tpu.memory_space<vmem_shared>>
        tpu.wait_dma2 semaphore(%run_scoped3A : memref<!tpu.dma_semaphore, #tpu.memory_space<semaphore_mem>>) src(%arg11 : memref<128x128xf32, #tpu.memory_space<vmem>>) dst(%dma_wait3A_69 : memref<128x128xf32, #tpu.memory_space<vmem_shared>>)
        tpu.yield
      }) : () -> ()
      %mul3A_43 = arith.constant 800 : i32
      %mul3A_44 = arith.muli %arg1, %mul3A_43 : i32
      %add3A_45 = arith.constant 768 : i32
      %add3A_46 = arith.addi %mul3A_44, %add3A_45 : i32
      "tpu.region"() ({
        %run_scoped3A = tpu.sem_alloc : memref<!tpu.dma_semaphore, #tpu.memory_space<semaphore_mem>>
        %dma_start3A = arith.constant 0 : i32
        %dma_start3A_64 = arith.constant 0 : i32
        %dma_start3A_65 = tpu.memref_slice %arg11[%dma_start3A, %dma_start3A_64] : memref<128x128xf32, #tpu.memory_space<vmem>> -> memref<32x128xf32, #tpu.memory_space<vmem>>
        %dma_start3A_66 = arith.constant 0 : i32
        %dma_start3A_67 = tpu.memref_slice %arg6[%add3A_46, %dma_start3A_66] : memref<12816x128xf32, #tpu.memory_space<vmem_shared>> -> memref<32x128xf32, #tpu.memory_space<vmem_shared>>
        %dma_start3A_68 = arith.constant 0 : i32
        %dma_start3A_69 = tpu.memref_slice %arg6[%add3A_46, %dma_start3A_68] : memref<12816x128xf32, #tpu.memory_space<vmem_shared>> -> memref<32x128xf32, #tpu.memory_space<vmem_shared>>
        %dma_start3A_70 = arith.constant 0 : i32
        %dma_start3A_71 = arith.constant 0 : i32
        %dma_start3A_72 = tpu.memref_slice %arg11[%dma_start3A_70, %dma_start3A_71] : memref<128x128xf32, #tpu.memory_space<vmem>> -> memref<32x128xf32, #tpu.memory_space<vmem>>
        tpu.enqueue_dma source(%dma_start3A_72 : memref<32x128xf32, #tpu.memory_space<vmem>>) target(%dma_start3A_69 : memref<32x128xf32, #tpu.memory_space<vmem_shared>>) target_semaphore(%run_scoped3A : memref<!tpu.dma_semaphore, #tpu.memory_space<semaphore_mem>>)
        %dma_wait3A = arith.constant 0 : i32
        %dma_wait3A_73 = arith.constant 0 : i32
        %dma_wait3A_74 = tpu.memref_slice %arg11[%dma_wait3A, %dma_wait3A_73] : memref<128x128xf32, #tpu.memory_space<vmem>> -> memref<32x128xf32, #tpu.memory_space<vmem>>
        %dma_wait3A_75 = arith.constant 0 : i32
        %dma_wait3A_76 = tpu.memref_slice %arg6[%add3A_46, %dma_wait3A_75] : memref<12816x128xf32, #tpu.memory_space<vmem_shared>> -> memref<32x128xf32, #tpu.memory_space<vmem_shared>>
        %dma_wait3A_77 = arith.constant 0 : i32
        %dma_wait3A_78 = tpu.memref_slice %arg6[%add3A_46, %dma_wait3A_77] : memref<12816x128xf32, #tpu.memory_space<vmem_shared>> -> memref<32x128xf32, #tpu.memory_space<vmem_shared>>
        %dma_wait3A_79 = arith.constant 0 : i32
        %dma_wait3A_80 = arith.constant 0 : i32
        %dma_wait3A_81 = tpu.memref_slice %arg11[%dma_wait3A_79, %dma_wait3A_80] : memref<128x128xf32, #tpu.memory_space<vmem>> -> memref<32x128xf32, #tpu.memory_space<vmem>>
        tpu.wait_dma2 semaphore(%run_scoped3A : memref<!tpu.dma_semaphore, #tpu.memory_space<semaphore_mem>>) src(%dma_wait3A_81 : memref<32x128xf32, #tpu.memory_space<vmem>>) dst(%dma_wait3A_78 : memref<32x128xf32, #tpu.memory_space<vmem_shared>>)
        tpu.yield
      }) : () -> ()
      %eq3A = arith.constant 0 : i32
      %eq3A_47 = arith.cmpi eq, %arg1, %eq3A : i32
      %convert_element_type3A = arith.extui %eq3A_47 : i1 to i32
      %cond3A = arith.constant 0 : i32
      %cond3A_48 = arith.cmpi ne, %convert_element_type3A, %cond3A : i32
      scf.if %cond3A_48 {
        "tpu.region"() ({
          %run_scoped3A = tpu.sem_alloc : memref<!tpu.dma_semaphore, #tpu.memory_space<semaphore_mem>>
          %dma_start3A = arith.constant 0 : i32
          %dma_start3A_64 = arith.constant 0 : i32
          %dma_start3A_65 = tpu.memref_slice %arg11[%dma_start3A, %dma_start3A_64] : memref<128x128xf32, #tpu.memory_space<vmem>> -> memref<16x128xf32, #tpu.memory_space<vmem>>
          %dma_start3A_66 = arith.constant 12800 : i32
          %dma_start3A_67 = arith.constant 0 : i32
          %dma_start3A_68 = tpu.memref_slice %arg6[%dma_start3A_66, %dma_start3A_67] : memref<12816x128xf32, #tpu.memory_space<vmem_shared>> -> memref<16x128xf32, #tpu.memory_space<vmem_shared>>
          %dma_start3A_69 = arith.constant 12800 : i32
          %dma_start3A_70 = arith.constant 0 : i32
          %dma_start3A_71 = tpu.memref_slice %arg6[%dma_start3A_69, %dma_start3A_70] : memref<12816x128xf32, #tpu.memory_space<vmem_shared>> -> memref<16x128xf32, #tpu.memory_space<vmem_shared>>
          %dma_start3A_72 = arith.constant 0 : i32
          %dma_start3A_73 = arith.constant 0 : i32
          %dma_start3A_74 = tpu.memref_slice %arg11[%dma_start3A_72, %dma_start3A_73] : memref<128x128xf32, #tpu.memory_space<vmem>> -> memref<16x128xf32, #tpu.memory_space<vmem>>
          tpu.enqueue_dma source(%dma_start3A_74 : memref<16x128xf32, #tpu.memory_space<vmem>>) target(%dma_start3A_71 : memref<16x128xf32, #tpu.memory_space<vmem_shared>>) target_semaphore(%run_scoped3A : memref<!tpu.dma_semaphore, #tpu.memory_space<semaphore_mem>>)
          %dma_wait3A = arith.constant 0 : i32
          %dma_wait3A_75 = arith.constant 0 : i32
          %dma_wait3A_76 = tpu.memref_slice %arg11[%dma_wait3A, %dma_wait3A_75] : memref<128x128xf32, #tpu.memory_space<vmem>> -> memref<16x128xf32, #tpu.memory_space<vmem>>
          %dma_wait3A_77 = arith.constant 12800 : i32
          %dma_wait3A_78 = arith.constant 0 : i32
          %dma_wait3A_79 = tpu.memref_slice %arg6[%dma_wait3A_77, %dma_wait3A_78] : memref<12816x128xf32, #tpu.memory_space<vmem_shared>> -> memref<16x128xf32, #tpu.memory_space<vmem_shared>>
          %dma_wait3A_80 = arith.constant 12800 : i32
          %dma_wait3A_81 = arith.constant 0 : i32
          %dma_wait3A_82 = tpu.memref_slice %arg6[%dma_wait3A_80, %dma_wait3A_81] : memref<12816x128xf32, #tpu.memory_space<vmem_shared>> -> memref<16x128xf32, #tpu.memory_space<vmem_shared>>
          %dma_wait3A_83 = arith.constant 0 : i32
          %dma_wait3A_84 = arith.constant 0 : i32
          %dma_wait3A_85 = tpu.memref_slice %arg11[%dma_wait3A_83, %dma_wait3A_84] : memref<128x128xf32, #tpu.memory_space<vmem>> -> memref<16x128xf32, #tpu.memory_space<vmem>>
          tpu.wait_dma2 semaphore(%run_scoped3A : memref<!tpu.dma_semaphore, #tpu.memory_space<semaphore_mem>>) src(%dma_wait3A_85 : memref<16x128xf32, #tpu.memory_space<vmem>>) dst(%dma_wait3A_82 : memref<16x128xf32, #tpu.memory_space<vmem_shared>>)
          tpu.yield
        }) : () -> ()
      } else {
      }
      %barrier3A = arith.constant 0 : index
      tpu.barrier barrier_id(%barrier3A)
      %scan3A_49 = arith.constant 0 : i32
      %scan3A_50 = arith.constant 0 : i32
      %scan3A_51 = arith.constant 52 : i32
      %scan3A_52 = arith.addi %scan3A_50, %scan3A_51 : i32
      %scan3A_53 = arith.constant 1 : i32
      %scan3A_54 = scf.for %scan3A_64 = %scan3A_50 to %scan3A_52 step %scan3A_53 iter_args(%scan3A_65 = %scan3A_49) -> (i32)  : i32 {
        %mul3A_66 = arith.constant 106496 : i32
        %mul3A_67 = arith.muli %arg1, %mul3A_66 : i32
        %mul3A_68 = arith.constant 2048 : i32
        %mul3A_69 = arith.muli %scan3A_64, %mul3A_68 : i32
        %add3A_70 = arith.addi %mul3A_67, %mul3A_69 : i32
        "tpu.region"() ({
          %run_scoped3A = tpu.sem_alloc : memref<!tpu.dma_semaphore, #tpu.memory_space<semaphore_mem>>
          %dma_start3A = tpu.memref_slice %arg4[%add3A_70] : memref<1703936xi32, #tpu.memory_space<hbm>> -> memref<2048xi32, #tpu.memory_space<hbm>>
          %dma_start3A_205 = tpu.memref_slice %arg4[%add3A_70] : memref<1703936xi32, #tpu.memory_space<hbm>> -> memref<2048xi32, #tpu.memory_space<hbm>>
          tpu.enqueue_dma source(%dma_start3A_205 : memref<2048xi32, #tpu.memory_space<hbm>>) target(%arg7 : memref<2048xi32, #tpu.memory_space<vmem>>) target_semaphore(%run_scoped3A : memref<!tpu.dma_semaphore, #tpu.memory_space<semaphore_mem>>)
          %dma_wait3A = tpu.memref_slice %arg4[%add3A_70] : memref<1703936xi32, #tpu.memory_space<hbm>> -> memref<2048xi32, #tpu.memory_space<hbm>>
          %dma_wait3A_206 = tpu.memref_slice %arg4[%add3A_70] : memref<1703936xi32, #tpu.memory_space<hbm>> -> memref<2048xi32, #tpu.memory_space<hbm>>
          tpu.wait_dma2 semaphore(%run_scoped3A : memref<!tpu.dma_semaphore, #tpu.memory_space<semaphore_mem>>) src(%dma_wait3A_206 : memref<2048xi32, #tpu.memory_space<hbm>>) dst(%arg7 : memref<2048xi32, #tpu.memory_space<vmem>>)
          tpu.yield
        }) : () -> ()
        "tpu.region"() ({
          %run_scoped3A = tpu.sem_alloc : memref<!tpu.dma_semaphore, #tpu.memory_space<semaphore_mem>>
          %dma_start3A = tpu.memref_slice %arg3[%add3A_70] : memref<1703936xi32, #tpu.memory_space<hbm>> -> memref<2048xi32, #tpu.memory_space<hbm>>
          %dma_start3A_205 = tpu.memref_slice %arg3[%add3A_70] : memref<1703936xi32, #tpu.memory_space<hbm>> -> memref<2048xi32, #tpu.memory_space<hbm>>
          tpu.enqueue_dma source(%dma_start3A_205 : memref<2048xi32, #tpu.memory_space<hbm>>) target(%arg8 : memref<2048xi32, #tpu.memory_space<vmem>>) target_semaphore(%run_scoped3A : memref<!tpu.dma_semaphore, #tpu.memory_space<semaphore_mem>>)
          %dma_wait3A = tpu.memref_slice %arg3[%add3A_70] : memref<1703936xi32, #tpu.memory_space<hbm>> -> memref<2048xi32, #tpu.memory_space<hbm>>
          %dma_wait3A_206 = tpu.memref_slice %arg3[%add3A_70] : memref<1703936xi32, #tpu.memory_space<hbm>> -> memref<2048xi32, #tpu.memory_space<hbm>>
          tpu.wait_dma2 semaphore(%run_scoped3A : memref<!tpu.dma_semaphore, #tpu.memory_space<semaphore_mem>>) src(%dma_wait3A_206 : memref<2048xi32, #tpu.memory_space<hbm>>) dst(%arg8 : memref<2048xi32, #tpu.memory_space<vmem>>)
          tpu.yield
        }) : () -> ()
        %scan3A_71 = arith.constant 0 : i32
        %scan3A_72 = arith.constant 0 : i32
        %scan3A_73 = arith.constant 128 : i32
        %scan3A_74 = arith.addi %scan3A_72, %scan3A_73 : i32
        %scan3A_75 = arith.constant 1 : i32
        %scan3A_76 = scf.for %scan3A_205 = %scan3A_72 to %scan3A_74 step %scan3A_75 iter_args(%scan3A_206 = %scan3A_71) -> (i32)  : i32 {
          %mul3A_207 = arith.constant 16 : i32
          %mul3A_208 = arith.muli %scan3A_205, %mul3A_207 : i32
          %get3A = arith.index_cast %mul3A_208 : i32 to index
          %get3A_209 = tpu.vector_load %arg7[%get3A] {strides = array<i32>} : memref<2048xi32, #tpu.memory_space<vmem>>, vector<16xi32>,
          %mul3A_210 = arith.constant 16 : i32
          %mul3A_211 = arith.muli %scan3A_205, %mul3A_210 : i32
          %get3A_212 = arith.index_cast %mul3A_211 : i32 to index
          %get3A_213 = tpu.vector_load %arg8[%get3A_212] {strides = array<i32>} : memref<2048xi32, #tpu.memory_space<vmem>>, vector<16xi32>,
          %ge3A = vector.broadcast %mul3A_11 : i32 to vector<16xi32>
          %ge3A_214 = arith.cmpi sge, %get3A_209, %ge3A : vector<16xi32>
          %add3A_215 = arith.constant 12800 : i32
          %add3A_216 = arith.addi %mul3A_11, %add3A_215 : i32
          %lt3A_217 = vector.broadcast %add3A_216 : i32 to vector<16xi32>
          %lt3A_218 = arith.cmpi slt, %get3A_209, %lt3A_217 : vector<16xi32>
          %and3A_219 = arith.andi %ge3A_214, %lt3A_218 : vector<16xi1>
          %convert_element_type3A_220 = arith.extui %and3A_219 : vector<16xi1> to vector<16xi32>
          %broadcast_in_dim3A_221 = arith.constant true
          %broadcast_in_dim3A_222 = vector.broadcast %broadcast_in_dim3A_221 : i1 to vector<16xi1>
          %masked_cumsum3A = tpu.scan <sum>, %convert_element_type3A_220 masked %broadcast_in_dim3A_222 : vector<16xi32>, vector<16xi1> -> vector<16xi32>
          %add3A_223 = vector.broadcast %scan3A_206 : i32 to vector<16xi32>
          %add3A_224 = arith.addi %add3A_223, %masked_cumsum3A : vector<16xi32>
          %sub3A_225 = arith.constant 1 : i32
          %sub3A_226 = vector.broadcast %sub3A_225 : i32 to vector<16xi32>
          %sub3A_227 = arith.subi %add3A_224, %sub3A_226 : vector<16xi32>
          tpu.vector_store_idx %arg9[%sub3A_227], %get3A_213 masked %and3A_219 : memref<2048xi32, #tpu.memory_space<vmem>>[vector<16xi32>], vector<16xi32>, vector<16xi1>
          %sub3A_228 = vector.broadcast %mul3A_11 : i32 to vector<16xi32>
          %sub3A_229 = arith.subi %get3A_209, %sub3A_228 : vector<16xi32>
          tpu.vector_store_idx %arg10[%sub3A_227], %sub3A_229 masked %and3A_219 : memref<2048xi32, #tpu.memory_space<vmem>>[vector<16xi32>], vector<16xi32>, vector<16xi1>
          %reduce_sum3A = arith.constant true
          %reduce_sum3A_230 = vector.broadcast %reduce_sum3A : i1 to vector<16xi1>
          %reduce_sum3A_231 = tpu.scan <sum>, %convert_element_type3A_220 masked %reduce_sum3A_230 : vector<16xi32>, vector<16xi1> -> vector<16xi32>
          %reduce_sum3A_232 = vector.extract %reduce_sum3A_231[15] : i32 from vector<16xi32>
          %add3A_233 = arith.addi %scan3A_206, %reduce_sum3A_232 : i32
          scf.yield %add3A_233 : i32
        }
        %scan3A_77 = arith.constant 128 : i32
        %add3A_78 = arith.constant 127 : i32
        %add3A_79 = arith.addi %scan3A_76, %add3A_78 : i32
        %jit3A = arith.constant 128 : i32
        %div3A = arith.divsi %add3A_79, %jit3A : i32
        %sign3A = arith.constant 0 : i32
        %sign3A_80 = arith.cmpi sgt, %add3A_79, %sign3A : i32
        %sign3A_81 = arith.extui %sign3A_80 : i1 to i32
        %sign3A_82 = arith.constant 0 : i32
        %sign3A_83 = arith.cmpi slt, %add3A_79, %sign3A_82 : i32
        %sign3A_84 = arith.extui %sign3A_83 : i1 to i32
        %sign3A_85 = arith.subi %sign3A_81, %sign3A_84 : i32
        %sign3A_86 = arith.constant 0 : i32
        %sign3A_87 = arith.cmpi sgt, %jit3A, %sign3A_86 : i32
        %sign3A_88 = arith.extui %sign3A_87 : i1 to i32
        %sign3A_89 = arith.constant 0 : i32
        %sign3A_90 = arith.cmpi slt, %jit3A, %sign3A_89 : i32
        %sign3A_91 = arith.extui %sign3A_90 : i1 to i32
        %sign3A_92 = arith.subi %sign3A_88, %sign3A_91 : i32
        %ne3A = arith.cmpi ne, %sign3A_85, %sign3A_92 : i32
        %rem3A = arith.remsi %add3A_79, %jit3A : i32
        %ne3A_93 = arith.constant 0 : i32
        %ne3A_94 = arith.cmpi ne, %rem3A, %ne3A_93 : i32
        %and3A = arith.andi %ne3A, %ne3A_94 : i1
        %sub3A = arith.constant 1 : i32
        %sub3A_95 = arith.subi %div3A, %sub3A : i32
        %select_n3A = arith.select %and3A, %sub3A_95, %div3A : i32
        %mul3A_96 = arith.constant 64 : i32
        %mul3A_97 = vector.broadcast %mul3A_96 : i32 to vector<16xi32>
        %mul3A_98 = arith.muli %iota3A, %mul3A_97 : vector<16xi32>
        %mul3A_99 = arith.constant 2 : i32
        %mul3A_100 = arith.muli %arg1, %mul3A_99 : i32
        %add3A_101 = arith.addi %mul3A_100, %arg0 : i32
        %mul3A_102 = arith.constant 16 : i32
        %mul3A_103 = arith.muli %add3A_101, %mul3A_102 : i32
        %add3A_104 = vector.broadcast %mul3A_103 : i32 to vector<16xi32>
        %add3A_105 = arith.addi %mul3A_98, %add3A_104 : vector<16xi32>
        %add3A_106 = arith.constant 0 : i32
        %add3A_107 = arith.addi %scan3A_76, %add3A_106 : i32
        %add3A_108 = vector.broadcast %add3A_107 : i32 to vector<16xi32>
        %add3A_109 = arith.addi %add3A_108, %iota3A : vector<16xi32>
        %mul3A_110 = arith.constant 128 : i32
        %mul3A_111 = arith.muli %select_n3A, %mul3A_110 : i32
        %lt3A = vector.broadcast %mul3A_111 : i32 to vector<16xi32>
        %lt3A_112 = arith.cmpi slt, %add3A_109, %lt3A : vector<16xi32>
        %add3A_113 = arith.constant 12800 : i32
        %add3A_114 = vector.broadcast %add3A_113 : i32 to vector<16xi32>
        %add3A_115 = arith.addi %add3A_114, %iota3A : vector<16xi32>
        tpu.vector_store_idx %arg10[%add3A_109], %add3A_115 masked %lt3A_112 : memref<2048xi32, #tpu.memory_space<vmem>>[vector<16xi32>], vector<16xi32>, vector<16xi1>
        tpu.vector_store_idx %arg9[%add3A_109], %add3A_105 masked %lt3A_112 : memref<2048xi32, #tpu.memory_space<vmem>>[vector<16xi32>], vector<16xi32>, vector<16xi1>
        %add3A_116 = arith.constant 16 : i32
        %add3A_117 = arith.addi %scan3A_76, %add3A_116 : i32
        %add3A_118 = vector.broadcast %add3A_117 : i32 to vector<16xi32>
        %add3A_119 = arith.addi %add3A_118, %iota3A : vector<16xi32>
        %mul3A_120 = arith.constant 128 : i32
        %mul3A_121 = arith.muli %select_n3A, %mul3A_120 : i32
        %lt3A_122 = vector.broadcast %mul3A_121 : i32 to vector<16xi32>
        %lt3A_123 = arith.cmpi slt, %add3A_119, %lt3A_122 : vector<16xi32>
        %add3A_124 = arith.constant 12800 : i32
        %add3A_125 = vector.broadcast %add3A_124 : i32 to vector<16xi32>
        %add3A_126 = arith.addi %add3A_125, %iota3A : vector<16xi32>
        tpu.vector_store_idx %arg10[%add3A_119], %add3A_126 masked %lt3A_123 : memref<2048xi32, #tpu.memory_space<vmem>>[vector<16xi32>], vector<16xi32>, vector<16xi1>
        tpu.vector_store_idx %arg9[%add3A_119], %add3A_105 masked %lt3A_123 : memref<2048xi32, #tpu.memory_space<vmem>>[vector<16xi32>], vector<16xi32>, vector<16xi1>
        %add3A_127 = arith.constant 32 : i32
        %add3A_128 = arith.addi %scan3A_76, %add3A_127 : i32
        %add3A_129 = vector.broadcast %add3A_128 : i32 to vector<16xi32>
        %add3A_130 = arith.addi %add3A_129, %iota3A : vector<16xi32>
        %mul3A_131 = arith.constant 128 : i32
        %mul3A_132 = arith.muli %select_n3A, %mul3A_131 : i32
        %lt3A_133 = vector.broadcast %mul3A_132 : i32 to vector<16xi32>
        %lt3A_134 = arith.cmpi slt, %add3A_130, %lt3A_133 : vector<16xi32>
        %add3A_135 = arith.constant 12800 : i32
        %add3A_136 = vector.broadcast %add3A_135 : i32 to vector<16xi32>
        %add3A_137 = arith.addi %add3A_136, %iota3A : vector<16xi32>
        tpu.vector_store_idx %arg10[%add3A_130], %add3A_137 masked %lt3A_134 : memref<2048xi32, #tpu.memory_space<vmem>>[vector<16xi32>], vector<16xi32>, vector<16xi1>
        tpu.vector_store_idx %arg9[%add3A_130], %add3A_105 masked %lt3A_134 : memref<2048xi32, #tpu.memory_space<vmem>>[vector<16xi32>], vector<16xi32>, vector<16xi1>
        %add3A_138 = arith.constant 48 : i32
        %add3A_139 = arith.addi %scan3A_76, %add3A_138 : i32
        %add3A_140 = vector.broadcast %add3A_139 : i32 to vector<16xi32>
        %add3A_141 = arith.addi %add3A_140, %iota3A : vector<16xi32>
        %mul3A_142 = arith.constant 128 : i32
        %mul3A_143 = arith.muli %select_n3A, %mul3A_142 : i32
        %lt3A_144 = vector.broadcast %mul3A_143 : i32 to vector<16xi32>
        %lt3A_145 = arith.cmpi slt, %add3A_141, %lt3A_144 : vector<16xi32>
        %add3A_146 = arith.constant 12800 : i32
        %add3A_147 = vector.broadcast %add3A_146 : i32 to vector<16xi32>
        %add3A_148 = arith.addi %add3A_147, %iota3A : vector<16xi32>
        tpu.vector_store_idx %arg10[%add3A_141], %add3A_148 masked %lt3A_145 : memref<2048xi32, #tpu.memory_space<vmem>>[vector<16xi32>], vector<16xi32>, vector<16xi1>
        tpu.vector_store_idx %arg9[%add3A_141], %add3A_105 masked %lt3A_145 : memref<2048xi32, #tpu.memory_space<vmem>>[vector<16xi32>], vector<16xi32>, vector<16xi1>
        %add3A_149 = arith.constant 64 : i32
        %add3A_150 = arith.addi %scan3A_76, %add3A_149 : i32
        %add3A_151 = vector.broadcast %add3A_150 : i32 to vector<16xi32>
        %add3A_152 = arith.addi %add3A_151, %iota3A : vector<16xi32>
        %mul3A_153 = arith.constant 128 : i32
        %mul3A_154 = arith.muli %select_n3A, %mul3A_153 : i32
        %lt3A_155 = vector.broadcast %mul3A_154 : i32 to vector<16xi32>
        %lt3A_156 = arith.cmpi slt, %add3A_152, %lt3A_155 : vector<16xi32>
        %add3A_157 = arith.constant 12800 : i32
        %add3A_158 = vector.broadcast %add3A_157 : i32 to vector<16xi32>
        %add3A_159 = arith.addi %add3A_158, %iota3A : vector<16xi32>
        tpu.vector_store_idx %arg10[%add3A_152], %add3A_159 masked %lt3A_156 : memref<2048xi32, #tpu.memory_space<vmem>>[vector<16xi32>], vector<16xi32>, vector<16xi1>
        tpu.vector_store_idx %arg9[%add3A_152], %add3A_105 masked %lt3A_156 : memref<2048xi32, #tpu.memory_space<vmem>>[vector<16xi32>], vector<16xi32>, vector<16xi1>
        %add3A_160 = arith.constant 80 : i32
        %add3A_161 = arith.addi %scan3A_76, %add3A_160 : i32
        %add3A_162 = vector.broadcast %add3A_161 : i32 to vector<16xi32>
        %add3A_163 = arith.addi %add3A_162, %iota3A : vector<16xi32>
        %mul3A_164 = arith.constant 128 : i32
        %mul3A_165 = arith.muli %select_n3A, %mul3A_164 : i32
        %lt3A_166 = vector.broadcast %mul3A_165 : i32 to vector<16xi32>
        %lt3A_167 = arith.cmpi slt, %add3A_163, %lt3A_166 : vector<16xi32>
        %add3A_168 = arith.constant 12800 : i32
        %add3A_169 = vector.broadcast %add3A_168 : i32 to vector<16xi32>
        %add3A_170 = arith.addi %add3A_169, %iota3A : vector<16xi32>
        tpu.vector_store_idx %arg10[%add3A_163], %add3A_170 masked %lt3A_167 : memref<2048xi32, #tpu.memory_space<vmem>>[vector<16xi32>], vector<16xi32>, vector<16xi1>
        tpu.vector_store_idx %arg9[%add3A_163], %add3A_105 masked %lt3A_167 : memref<2048xi32, #tpu.memory_space<vmem>>[vector<16xi32>], vector<16xi32>, vector<16xi1>
        %add3A_171 = arith.constant 96 : i32
        %add3A_172 = arith.addi %scan3A_76, %add3A_171 : i32
        %add3A_173 = vector.broadcast %add3A_172 : i32 to vector<16xi32>
        %add3A_174 = arith.addi %add3A_173, %iota3A : vector<16xi32>
        %mul3A_175 = arith.constant 128 : i32
        %mul3A_176 = arith.muli %select_n3A, %mul3A_175 : i32
        %lt3A_177 = vector.broadcast %mul3A_176 : i32 to vector<16xi32>
        %lt3A_178 = arith.cmpi slt, %add3A_174, %lt3A_177 : vector<16xi32>
        %add3A_179 = arith.constant 12800 : i32
        %add3A_180 = vector.broadcast %add3A_179 : i32 to vector<16xi32>
        %add3A_181 = arith.addi %add3A_180, %iota3A : vector<16xi32>
        tpu.vector_store_idx %arg10[%add3A_174], %add3A_181 masked %lt3A_178 : memref<2048xi32, #tpu.memory_space<vmem>>[vector<16xi32>], vector<16xi32>, vector<16xi1>
        tpu.vector_store_idx %arg9[%add3A_174], %add3A_105 masked %lt3A_178 : memref<2048xi32, #tpu.memory_space<vmem>>[vector<16xi32>], vector<16xi32>, vector<16xi1>
        %add3A_182 = arith.constant 112 : i32
        %add3A_183 = arith.addi %scan3A_76, %add3A_182 : i32
        %add3A_184 = vector.broadcast %add3A_183 : i32 to vector<16xi32>
        %add3A_185 = arith.addi %add3A_184, %iota3A : vector<16xi32>
        %mul3A_186 = arith.constant 128 : i32
        %mul3A_187 = arith.muli %select_n3A, %mul3A_186 : i32
        %lt3A_188 = vector.broadcast %mul3A_187 : i32 to vector<16xi32>
        %lt3A_189 = arith.cmpi slt, %add3A_185, %lt3A_188 : vector<16xi32>
        %add3A_190 = arith.constant 12800 : i32
        %add3A_191 = vector.broadcast %add3A_190 : i32 to vector<16xi32>
        %add3A_192 = arith.addi %add3A_191, %iota3A : vector<16xi32>
        tpu.vector_store_idx %arg10[%add3A_185], %add3A_192 masked %lt3A_189 : memref<2048xi32, #tpu.memory_space<vmem>>[vector<16xi32>], vector<16xi32>, vector<16xi1>
        tpu.vector_store_idx %arg9[%add3A_185], %add3A_105 masked %lt3A_189 : memref<2048xi32, #tpu.memory_space<vmem>>[vector<16xi32>], vector<16xi32>, vector<16xi1>
        %while3A = arith.constant 0 : i32
        %while3A_193 = arith.constant 0 : i32
        %while3A_194 = arith.subi %select_n3A, %while3A : i32
        %while3A_195 = arith.addi %while3A, %while3A_194 : i32
        %while3A_196 = arith.constant 1 : i32
        %while3A_197 = arith.divsi %while3A_194, %while3A_196 : i32
        %while3A_198 = arith.muli %while3A_197, %while3A_196 : i32
        %while3A_199 = arith.addi %while3A, %while3A_198 : i32
        %while3A_200 = arith.constant 1 : i32
        %while3A_201 = scf.for %while3A_205 = %while3A to %while3A_199 step %while3A_200 iter_args(%while3A_206 = %while3A_193) -> (i32)  : i32 {
          %mul3A_207 = arith.constant 128 : i32
          %mul3A_208 = arith.muli %while3A_205, %mul3A_207 : i32
          %dma_start3A = tpu.memref_slice %arg9[%mul3A_208] : memref<2048xi32, #tpu.memory_space<vmem>> -> memref<128xi32, #tpu.memory_space<vmem>>
          %dma_start3A_209 = arith.constant 0 : i32
          %dma_start3A_210 = arith.constant 0 : i32
          %dma_start3A_211 = tpu.memref_slice %arg2[%dma_start3A_209, %dma_start3A_210] : memref<100000x128xf32, #tpu.memory_space<hbm>> -> memref<100000x128xf32, #tpu.memory_space<hbm>>
          tpu.enqueue_indirect_dma source(%dma_start3A_211 : memref<100000x128xf32, #tpu.memory_space<hbm>>) target(%arg11 : memref<128x128xf32, #tpu.memory_space<vmem>>) offsets(%dma_start3A : memref<128xi32, #tpu.memory_space<vmem>>) semaphore(%arg12 : memref<!tpu.dma_semaphore, #tpu.memory_space<semaphore_mem>>)
          %dma_wait3A = tpu.memref_slice %arg9[%mul3A_208] : memref<2048xi32, #tpu.memory_space<vmem>> -> memref<128xi32, #tpu.memory_space<vmem>>
          %dma_wait3A_212 = arith.constant 0 : i32
          %dma_wait3A_213 = arith.constant 0 : i32
          %dma_wait3A_214 = tpu.memref_slice %arg2[%dma_wait3A_212, %dma_wait3A_213] : memref<100000x128xf32, #tpu.memory_space<hbm>> -> memref<100000x128xf32, #tpu.memory_space<hbm>>
          tpu.wait_indirect_dma semaphore(%arg12 : memref<!tpu.dma_semaphore, #tpu.memory_space<semaphore_mem>>) src(%dma_wait3A_214 : memref<100000x128xf32, #tpu.memory_space<hbm>>) dst(%arg11 : memref<128x128xf32, #tpu.memory_space<vmem>>)
          %mul3A_215 = arith.constant 128 : i32
          %mul3A_216 = arith.muli %while3A_205, %mul3A_215 : i32
          "tpu.region"() ({
            %run_scoped3A = tpu.sem_alloc : memref<!tpu.dma_semaphore, #tpu.memory_space<semaphore_mem>>
            %dma_start3A_218 = tpu.memref_slice %arg10[%mul3A_216] : memref<2048xi32, #tpu.memory_space<vmem>> -> memref<128xi32, #tpu.memory_space<vmem>>
            %dma_start3A_219 = arith.constant 0 : i32
            %dma_start3A_220 = arith.constant 0 : i32
            %dma_start3A_221 = tpu.memref_slice %arg6[%dma_start3A_219, %dma_start3A_220] : memref<12816x128xf32, #tpu.memory_space<vmem_shared>> -> memref<12816x128xf32, #tpu.memory_space<vmem_shared>>
            tpu.enqueue_indirect_dma source(%arg11 : memref<128x128xf32, #tpu.memory_space<vmem>>) target(%dma_start3A_221 : memref<12816x128xf32, #tpu.memory_space<vmem_shared>>) offsets(%dma_start3A_218 : memref<128xi32, #tpu.memory_space<vmem>>) semaphore(%run_scoped3A : memref<!tpu.dma_semaphore, #tpu.memory_space<semaphore_mem>>) {add = true}
            %dma_wait3A_222 = tpu.memref_slice %arg10[%mul3A_216] : memref<2048xi32, #tpu.memory_space<vmem>> -> memref<128xi32, #tpu.memory_space<vmem>>
            %dma_wait3A_223 = arith.constant 0 : i32
            %dma_wait3A_224 = arith.constant 0 : i32
            %dma_wait3A_225 = tpu.memref_slice %arg6[%dma_wait3A_223, %dma_wait3A_224] : memref<12816x128xf32, #tpu.memory_space<vmem_shared>> -> memref<12816x128xf32, #tpu.memory_space<vmem_shared>>
            tpu.wait_indirect_dma semaphore(%run_scoped3A : memref<!tpu.dma_semaphore, #tpu.memory_space<semaphore_mem>>) src(%arg11 : memref<128x128xf32, #tpu.memory_space<vmem>>) dst(%dma_wait3A_225 : memref<12816x128xf32, #tpu.memory_space<vmem_shared>>)
            tpu.yield
          }) : () -> ()
          %while3A_217 = arith.constant 0 : i32
          scf.yield %while3A_217 : i32
        }
        %while3A_202 = arith.constant 1 : i32
        %while3A_203 = scf.for %while3A_205 = %while3A_199 to %while3A_195 step %while3A_202 iter_args(%while3A_206 = %while3A_201) -> (i32)  : i32 {
          %mul3A_207 = arith.constant 128 : i32
          %mul3A_208 = arith.muli %while3A_205, %mul3A_207 : i32
          %dma_start3A = tpu.memref_slice %arg9[%mul3A_208] : memref<2048xi32, #tpu.memory_space<vmem>> -> memref<128xi32, #tpu.memory_space<vmem>>
          %dma_start3A_209 = arith.constant 0 : i32
          %dma_start3A_210 = arith.constant 0 : i32
          %dma_start3A_211 = tpu.memref_slice %arg2[%dma_start3A_209, %dma_start3A_210] : memref<100000x128xf32, #tpu.memory_space<hbm>> -> memref<100000x128xf32, #tpu.memory_space<hbm>>
          tpu.enqueue_indirect_dma source(%dma_start3A_211 : memref<100000x128xf32, #tpu.memory_space<hbm>>) target(%arg11 : memref<128x128xf32, #tpu.memory_space<vmem>>) offsets(%dma_start3A : memref<128xi32, #tpu.memory_space<vmem>>) semaphore(%arg12 : memref<!tpu.dma_semaphore, #tpu.memory_space<semaphore_mem>>)
          %dma_wait3A = tpu.memref_slice %arg9[%mul3A_208] : memref<2048xi32, #tpu.memory_space<vmem>> -> memref<128xi32, #tpu.memory_space<vmem>>
          %dma_wait3A_212 = arith.constant 0 : i32
          %dma_wait3A_213 = arith.constant 0 : i32
          %dma_wait3A_214 = tpu.memref_slice %arg2[%dma_wait3A_212, %dma_wait3A_213] : memref<100000x128xf32, #tpu.memory_space<hbm>> -> memref<100000x128xf32, #tpu.memory_space<hbm>>
          tpu.wait_indirect_dma semaphore(%arg12 : memref<!tpu.dma_semaphore, #tpu.memory_space<semaphore_mem>>) src(%dma_wait3A_214 : memref<100000x128xf32, #tpu.memory_space<hbm>>) dst(%arg11 : memref<128x128xf32, #tpu.memory_space<vmem>>)
          %mul3A_215 = arith.constant 128 : i32
          %mul3A_216 = arith.muli %while3A_205, %mul3A_215 : i32
          "tpu.region"() ({
            %run_scoped3A = tpu.sem_alloc : memref<!tpu.dma_semaphore, #tpu.memory_space<semaphore_mem>>
            %dma_start3A_218 = tpu.memref_slice %arg10[%mul3A_216] : memref<2048xi32, #tpu.memory_space<vmem>> -> memref<128xi32, #tpu.memory_space<vmem>>
            %dma_start3A_219 = arith.constant 0 : i32
            %dma_start3A_220 = arith.constant 0 : i32
            %dma_start3A_221 = tpu.memref_slice %arg6[%dma_start3A_219, %dma_start3A_220] : memref<12816x128xf32, #tpu.memory_space<vmem_shared>> -> memref<12816x128xf32, #tpu.memory_space<vmem_shared>>
            tpu.enqueue_indirect_dma source(%arg11 : memref<128x128xf32, #tpu.memory_space<vmem>>) target(%dma_start3A_221 : memref<12816x128xf32, #tpu.memory_space<vmem_shared>>) offsets(%dma_start3A_218 : memref<128xi32, #tpu.memory_space<vmem>>) semaphore(%run_scoped3A : memref<!tpu.dma_semaphore, #tpu.memory_space<semaphore_mem>>) {add = true}
            %dma_wait3A_222 = tpu.memref_slice %arg10[%mul3A_216] : memref<2048xi32, #tpu.memory_space<vmem>> -> memref<128xi32, #tpu.memory_space<vmem>>
            %dma_wait3A_223 = arith.constant 0 : i32
            %dma_wait3A_224 = arith.constant 0 : i32
            %dma_wait3A_225 = tpu.memref_slice %arg6[%dma_wait3A_223, %dma_wait3A_224] : memref<12816x128xf32, #tpu.memory_space<vmem_shared>> -> memref<12816x128xf32, #tpu.memory_space<vmem_shared>>
            tpu.wait_indirect_dma semaphore(%run_scoped3A : memref<!tpu.dma_semaphore, #tpu.memory_space<semaphore_mem>>) src(%arg11 : memref<128x128xf32, #tpu.memory_space<vmem>>) dst(%dma_wait3A_225 : memref<12816x128xf32, #tpu.memory_space<vmem_shared>>)
            tpu.yield
          }) : () -> ()
          %while3A_217 = arith.constant 0 : i32
          scf.yield %while3A_217 : i32
        }
        %scan3A_204 = arith.constant 0 : i32
        scf.yield %scan3A_204 : i32
      }
      %scan3A_55 = arith.constant 52 : i32
      %barrier3A_56 = arith.constant 0 : index
      tpu.barrier barrier_id(%barrier3A_56)
      %mul3A_57 = arith.constant 800 : i32
      %mul3A_58 = arith.muli %arg1, %mul3A_57 : i32
      %mul3A_59 = arith.constant 800 : i32
      %mul3A_60 = arith.muli %arg1, %mul3A_59 : i32
      %add3A_61 = arith.addi %mul3A_11, %mul3A_60 : i32
      "tpu.region"() ({
        %run_scoped3A = tpu.sem_alloc : memref<!tpu.dma_semaphore, #tpu.memory_space<semaphore_mem>>
        %dma_start3A = arith.constant 0 : i32
        %dma_start3A_64 = tpu.memref_slice %arg5[%add3A_61, %dma_start3A] : memref<102400x128xf32, #tpu.memory_space<hbm>> -> memref<800x128xf32, #tpu.memory_space<hbm>>
        %dma_start3A_65 = arith.constant 0 : i32
        %dma_start3A_66 = tpu.memref_slice %arg6[%mul3A_58, %dma_start3A_65] : memref<12816x128xf32, #tpu.memory_space<vmem_shared>> -> memref<800x128xf32, #tpu.memory_space<vmem_shared>>
        tpu.enqueue_dma source(%dma_start3A_66 : memref<800x128xf32, #tpu.memory_space<vmem_shared>>) target(%dma_start3A_64 : memref<800x128xf32, #tpu.memory_space<hbm>>) target_semaphore(%run_scoped3A : memref<!tpu.dma_semaphore, #tpu.memory_space<semaphore_mem>>)
        %dma_wait3A = arith.constant 0 : i32
        %dma_wait3A_67 = tpu.memref_slice %arg5[%add3A_61, %dma_wait3A] : memref<102400x128xf32, #tpu.memory_space<hbm>> -> memref<800x128xf32, #tpu.memory_space<hbm>>
        %dma_wait3A_68 = arith.constant 0 : i32
        %dma_wait3A_69 = tpu.memref_slice %arg6[%mul3A_58, %dma_wait3A_68] : memref<12816x128xf32, #tpu.memory_space<vmem_shared>> -> memref<800x128xf32, #tpu.memory_space<vmem_shared>>
        tpu.wait_dma2 semaphore(%run_scoped3A : memref<!tpu.dma_semaphore, #tpu.memory_space<semaphore_mem>>) src(%dma_wait3A_69 : memref<800x128xf32, #tpu.memory_space<vmem_shared>>) dst(%dma_wait3A_67 : memref<800x128xf32, #tpu.memory_space<hbm>>)
        tpu.yield
      }) : () -> ()
      %barrier3A_62 = arith.constant 0 : index
      tpu.barrier barrier_id(%barrier3A_62)
      %scan3A_63 = arith.constant 0 : i32
      scf.yield %scan3A_63 : i32
    }
    %scan3A_6 = arith.constant 4 : i32
    return
  }
}

module attributes {stable_mosaic.version = 14 : i64} {
  func.func @_g1_body(%arg0: i32, %arg1: memref<1000x8xf32, #tpu.memory_space<vmem>>, %arg2: memref<8x128xf32, #tpu.memory_space<vmem>>, %arg3: memref<1000x1xf32, #tpu.memory_space<vmem>>, %arg4: memref<1000x128xf32, #tpu.memory_space<vmem>>) attributes {dimension_semantics = [#tpu.dimension_semantics<arbitrary>], iteration_bounds = array<i64: 100>, scalar_prefetch = 0 : i64, scratch_operands = 0 : i64, tpu.core_type = #tpu.core_type<tc>, window_params = [{transform_indices = @transform_0, window_bounds = array<i64: 1000, 8>}, {pipeline_mode = #tpu.pipeline_mode<synchronous>, transform_indices = @transform_1, window_bounds = array<i64: 8, 128>}, {transform_indices = @transform_2, window_bounds = array<i64: 1000, 1>}, {transform_indices = @transform_3, window_bounds = array<i64: 1000, 128>}]} {
    %get3A = arith.constant 0 : index
    %get3A_0 = arith.constant 0 : index
    %get3A_1 = vector.load %arg1[%get3A, %get3A_0] : memref<1000x8xf32, #tpu.memory_space<vmem>>, vector<1000x8xf32>
    %get3A_2 = arith.constant 0 : index
    %get3A_3 = arith.constant 0 : index
    %get3A_4 = vector.load %arg2[%get3A_2, %get3A_3] : memref<8x128xf32, #tpu.memory_space<vmem>>, vector<8x128xf32>
    %dot_general3A = arith.constant dense<0.000000e+00> : vector<1000x128xf32>
    %dot_general3A_5 = tpu.matmul %get3A_1, %get3A_4, %dot_general3A {dimension_numbers = #tpu.dot_dimension_numbers<[1], [0], [0], [1], [0, 0, 1, 1], [], []>, transpose_lhs_hint = false} : vector<1000x8xf32>, vector<8x128xf32>, vector<1000x128xf32> -> vector<1000x128xf32>
    %get3A_6 = arith.constant 0 : index
    %get3A_7 = arith.constant 0 : index
    %get3A_8 = vector.load %arg3[%get3A_6, %get3A_7] : memref<1000x1xf32, #tpu.memory_space<vmem>>, vector<1000x1xf32>
    %mul3A = vector.broadcast %get3A_8 : vector<1000x1xf32> to vector<1000x128xf32>
    %mul3A_9 = arith.mulf %dot_general3A_5, %mul3A : vector<1000x128xf32>
    %swap3A = arith.constant 0 : index
    %swap3A_10 = arith.constant 0 : index
    %swap3A_11 = vector.load %arg4[%swap3A, %swap3A_10] : memref<1000x128xf32, #tpu.memory_space<vmem>>, vector<1000x128xf32>
    tpu.vector_store %arg4[%swap3A, %swap3A_10], %mul3A_9 {strides = array<i32>} : memref<1000x128xf32, #tpu.memory_space<vmem>>, vector<1000x128xf32>,
    return
  }
  func.func @transform_0(%arg0: i32) -> (i32, i32) {
    %c0_i32 = arith.constant 0 : i32
    %c0_i32_0 = arith.constant 0 : i32
    return %arg0, %c0_i32 : i32, i32
  }
  func.func @transform_1(%arg0: i32) -> (i32, i32) {
    %c0_i32 = arith.constant 0 : i32
    %c0_i32_0 = arith.constant 0 : i32
    %c0_i32_1 = arith.constant 0 : i32
    return %c0_i32, %c0_i32_0 : i32, i32
  }
  func.func @transform_2(%arg0: i32) -> (i32, i32) {
    %c0_i32 = arith.constant 0 : i32
    %c0_i32_0 = arith.constant 0 : i32
    return %arg0, %c0_i32 : i32, i32
  }
  func.func @transform_3(%arg0: i32) -> (i32, i32) {
    %c0_i32 = arith.constant 0 : i32
    %c0_i32_0 = arith.constant 0 : i32
    return %arg0, %c0_i32 : i32, i32
  }
}

module attributes {stable_mosaic.version = 14 : i64} {
  func.func @_y1g2_body(%arg0: i32, %arg1: memref<1000x128xf32, #tpu.memory_space<vmem>>, %arg2: memref<1000x128xf32, #tpu.memory_space<vmem>>, %arg3: memref<1000x1xf32, #tpu.memory_space<vmem>>, %arg4: memref<1x128xf32, #tpu.memory_space<vmem>>, %arg5: memref<128x128xf32, #tpu.memory_space<vmem>>, %arg6: memref<1000x128xf32, #tpu.memory_space<vmem>>) attributes {dimension_semantics = [#tpu.dimension_semantics<arbitrary>], iteration_bounds = array<i64: 100>, scalar_prefetch = 0 : i64, scratch_operands = 0 : i64, tpu.core_type = #tpu.core_type<tc>, window_params = [{transform_indices = @transform_0, window_bounds = array<i64: 1000, 128>}, {transform_indices = @transform_1, window_bounds = array<i64: 1000, 128>}, {transform_indices = @transform_2, window_bounds = array<i64: 1000, 1>}, {pipeline_mode = #tpu.pipeline_mode<synchronous>, transform_indices = @transform_3, window_bounds = array<i64: 1, 128>}, {pipeline_mode = #tpu.pipeline_mode<synchronous>, transform_indices = @transform_4, window_bounds = array<i64: 128, 128>}, {transform_indices = @transform_5, window_bounds = array<i64: 1000, 128>}]} {
    %get3A = arith.constant 0 : index
    %get3A_0 = arith.constant 0 : index
    %get3A_1 = vector.load %arg3[%get3A, %get3A_0] : memref<1000x1xf32, #tpu.memory_space<vmem>>, vector<1000x1xf32>
    %get3A_2 = arith.constant 0 : index
    %get3A_3 = arith.constant 0 : index
    %get3A_4 = vector.load %arg1[%get3A_2, %get3A_3] : memref<1000x128xf32, #tpu.memory_space<vmem>>, vector<1000x128xf32>
    %get3A_5 = arith.constant 0 : index
    %get3A_6 = arith.constant 0 : index
    %get3A_7 = vector.load %arg2[%get3A_5, %get3A_6] : memref<1000x128xf32, #tpu.memory_space<vmem>>, vector<1000x128xf32>
    %add3A = arith.addf %get3A_4, %get3A_7 : vector<1000x128xf32>
    %mul3A = vector.broadcast %get3A_1 : vector<1000x1xf32> to vector<1000x128xf32>
    %mul3A_8 = arith.mulf %mul3A, %add3A : vector<1000x128xf32>
    %get3A_9 = arith.constant 0 : index
    %get3A_10 = arith.constant 0 : index
    %get3A_11 = vector.load %arg4[%get3A_9, %get3A_10] : memref<1x128xf32, #tpu.memory_space<vmem>>, vector<1x128xf32>
    %add3A_12 = vector.broadcast %get3A_11 : vector<1x128xf32> to vector<1000x128xf32>
    %add3A_13 = arith.addf %mul3A_8, %add3A_12 : vector<1000x128xf32>
    %max3A = arith.constant 0.000000e+00 : f32
    %max3A_14 = vector.broadcast %max3A : f32 to vector<1000x128xf32>
    %max3A_15 = arith.maximumf %add3A_13, %max3A_14 : vector<1000x128xf32>
    %get3A_16 = arith.constant 0 : index
    %get3A_17 = arith.constant 0 : index
    %get3A_18 = vector.load %arg5[%get3A_16, %get3A_17] : memref<128x128xf32, #tpu.memory_space<vmem>>, vector<128x128xf32>
    %dot_general3A = arith.constant dense<0.000000e+00> : vector<1000x128xf32>
    %dot_general3A_19 = tpu.matmul %max3A_15, %get3A_18, %dot_general3A {dimension_numbers = #tpu.dot_dimension_numbers<[1], [0], [0], [1], [0, 0, 1, 1], [], []>, transpose_lhs_hint = false} : vector<1000x128xf32>, vector<128x128xf32>, vector<1000x128xf32> -> vector<1000x128xf32>
    %mul3A_20 = vector.broadcast %get3A_1 : vector<1000x1xf32> to vector<1000x128xf32>
    %mul3A_21 = arith.mulf %dot_general3A_19, %mul3A_20 : vector<1000x128xf32>
    %swap3A = arith.constant 0 : index
    %swap3A_22 = arith.constant 0 : index
    %swap3A_23 = vector.load %arg6[%swap3A, %swap3A_22] : memref<1000x128xf32, #tpu.memory_space<vmem>>, vector<1000x128xf32>
    tpu.vector_store %arg6[%swap3A, %swap3A_22], %mul3A_21 {strides = array<i32>} : memref<1000x128xf32, #tpu.memory_space<vmem>>, vector<1000x128xf32>,
    return
  }
  func.func @transform_0(%arg0: i32) -> (i32, i32) {
    %c0_i32 = arith.constant 0 : i32
    %c0_i32_0 = arith.constant 0 : i32
    return %arg0, %c0_i32 : i32, i32
  }
  func.func @transform_1(%arg0: i32) -> (i32, i32) {
    %c0_i32 = arith.constant 0 : i32
    %c0_i32_0 = arith.constant 0 : i32
    return %arg0, %c0_i32 : i32, i32
  }
  func.func @transform_2(%arg0: i32) -> (i32, i32) {
    %c0_i32 = arith.constant 0 : i32
    %c0_i32_0 = arith.constant 0 : i32
    return %arg0, %c0_i32 : i32, i32
  }
  func.func @transform_3(%arg0: i32) -> (i32, i32) {
    %c0_i32 = arith.constant 0 : i32
    %c0_i32_0 = arith.constant 0 : i32
    %c0_i32_1 = arith.constant 0 : i32
    return %c0_i32, %c0_i32_0 : i32, i32
  }
  func.func @transform_4(%arg0: i32) -> (i32, i32) {
    %c0_i32 = arith.constant 0 : i32
    %c0_i32_0 = arith.constant 0 : i32
    %c0_i32_1 = arith.constant 0 : i32
    return %c0_i32, %c0_i32_0 : i32, i32
  }
  func.func @transform_5(%arg0: i32) -> (i32, i32) {
    %c0_i32 = arith.constant 0 : i32
    %c0_i32_0 = arith.constant 0 : i32
    return %arg0, %c0_i32 : i32, i32
  }
}

module attributes {stable_mosaic.version = 14 : i64} {
  func.func @body(%arg0: i32, %arg1: memref<1000x128xf32, #tpu.memory_space<vmem>>, %arg2: memref<1000x128xf32, #tpu.memory_space<vmem>>, %arg3: memref<1000x1xf32, #tpu.memory_space<vmem>>, %arg4: memref<1x128xf32, #tpu.memory_space<vmem>>, %arg5: memref<1000x1xi32, #tpu.memory_space<vmem>>, %arg6: memref<256x128xf32, #tpu.memory_space<vmem>>, %arg7: memref<256x8xf32, #tpu.memory_space<vmem>>) attributes {dimension_semantics = [#tpu.dimension_semantics<arbitrary>], iteration_bounds = array<i64: 100>, scalar_prefetch = 0 : i64, scratch_operands = 0 : i64, tpu.core_type = #tpu.core_type<tc>, window_params = [{transform_indices = @transform_0, window_bounds = array<i64: 1000, 128>}, {transform_indices = @transform_1, window_bounds = array<i64: 1000, 128>}, {transform_indices = @transform_2, window_bounds = array<i64: 1000, 1>}, {pipeline_mode = #tpu.pipeline_mode<synchronous>, transform_indices = @transform_3, window_bounds = array<i64: 1, 128>}, {transform_indices = @transform_4, window_bounds = array<i64: 1000, 1>}, {pipeline_mode = #tpu.pipeline_mode<synchronous>, transform_indices = @transform_5, window_bounds = array<i64: 256, 128>}, {pipeline_mode = #tpu.pipeline_mode<synchronous>, transform_indices = @transform_6, window_bounds = array<i64: 256, 8>}]} {
    %get3A = arith.constant 0 : index
    %get3A_0 = arith.constant 0 : index
    %get3A_1 = vector.load %arg3[%get3A, %get3A_0] : memref<1000x1xf32, #tpu.memory_space<vmem>>, vector<1000x1xf32>
    %get3A_2 = arith.constant 0 : index
    %get3A_3 = arith.constant 0 : index
    %get3A_4 = vector.load %arg1[%get3A_2, %get3A_3] : memref<1000x128xf32, #tpu.memory_space<vmem>>, vector<1000x128xf32>
    %get3A_5 = arith.constant 0 : index
    %get3A_6 = arith.constant 0 : index
    %get3A_7 = vector.load %arg2[%get3A_5, %get3A_6] : memref<1000x128xf32, #tpu.memory_space<vmem>>, vector<1000x128xf32>
    %add3A = arith.addf %get3A_4, %get3A_7 : vector<1000x128xf32>
    %mul3A = vector.broadcast %get3A_1 : vector<1000x1xf32> to vector<1000x128xf32>
    %mul3A_8 = arith.mulf %mul3A, %add3A : vector<1000x128xf32>
    %get3A_9 = arith.constant 0 : index
    %get3A_10 = arith.constant 0 : index
    %get3A_11 = vector.load %arg4[%get3A_9, %get3A_10] : memref<1x128xf32, #tpu.memory_space<vmem>>, vector<1x128xf32>
    %add3A_12 = vector.broadcast %get3A_11 : vector<1x128xf32> to vector<1000x128xf32>
    %add3A_13 = arith.addf %mul3A_8, %add3A_12 : vector<1000x128xf32>
    %get3A_14 = arith.constant 0 : index
    %get3A_15 = arith.constant 0 : index
    %get3A_16 = vector.load %arg5[%get3A_14, %get3A_15] : memref<1000x1xi32, #tpu.memory_space<vmem>>, vector<1000x1xi32>
    %ge3A = arith.constant 50 : i32
    %ge3A_17 = arith.cmpi sge, %arg0, %ge3A : i32
    %jit3A = arith.constant 128 : i32
    %jit3A_18 = arith.constant 0 : i32
    %select_n3A = arith.select %ge3A_17, %jit3A, %jit3A_18 : i32
    %add3A_19 = vector.broadcast %select_n3A : i32 to vector<1000x1xi32>
    %add3A_20 = arith.addi %get3A_16, %add3A_19 : vector<1000x1xi32>
    %iota3A = tpu.iota {dimensions = array<i32: 1>} : vector<1x256xi32>
    %eq3A = vector.broadcast %add3A_20 : vector<1000x1xi32> to vector<1000x256xi32>
    %eq3A_21 = vector.broadcast %iota3A : vector<1x256xi32> to vector<1000x256xi32>
    %eq3A_22 = arith.cmpi eq, %eq3A, %eq3A_21 : vector<1000x256xi32>
    %convert_element_type3A = arith.extui %eq3A_22 : vector<1000x256xi1> to vector<1000x256xi32>
    %convert_element_type3A_23 = arith.sitofp %convert_element_type3A : vector<1000x256xi32> to vector<1000x256xf32>
    %dot_general3A = arith.constant dense<0.000000e+00> : vector<256x128xf32>
    %dot_general3A_24 = tpu.matmul %convert_element_type3A_23, %add3A_13, %dot_general3A {dimension_numbers = #tpu.dot_dimension_numbers<[0], [0], [1], [1], [0, 1, 1, 1], [], []>, transpose_lhs_hint = false} : vector<1000x256xf32>, vector<1000x128xf32>, vector<256x128xf32> -> vector<256x128xf32>
    %broadcast_in_dim3A = arith.constant 1.000000e+00 : f32
    %broadcast_in_dim3A_25 = vector.broadcast %broadcast_in_dim3A : f32 to vector<1000x8xf32>
    %dot_general3A_26 = arith.constant dense<0.000000e+00> : vector<256x8xf32>
    %dot_general3A_27 = tpu.matmul %convert_element_type3A_23, %broadcast_in_dim3A_25, %dot_general3A_26 {dimension_numbers = #tpu.dot_dimension_numbers<[0], [0], [1], [1], [0, 1, 1, 1], [], []>, transpose_lhs_hint = false} : vector<1000x256xf32>, vector<1000x8xf32>, vector<256x8xf32> -> vector<256x8xf32>
    %eq3A_28 = arith.constant 0 : i32
    %eq3A_29 = arith.cmpi eq, %arg0, %eq3A_28 : i32
    %convert_element_type3A_30 = arith.extui %eq3A_29 : i1 to i32
    %cond3A = arith.constant 0 : i32
    %cond3A_31 = arith.cmpi ne, %convert_element_type3A_30, %cond3A : i32
    scf.if %cond3A_31 {
      %swap3A = arith.constant 0 : index
      %swap3A_36 = arith.constant 0 : index
      %swap3A_37 = vector.load %arg6[%swap3A, %swap3A_36] : memref<256x128xf32, #tpu.memory_space<vmem>>, vector<256x128xf32>
      tpu.vector_store %arg6[%swap3A, %swap3A_36], %dot_general3A_24 {strides = array<i32>} : memref<256x128xf32, #tpu.memory_space<vmem>>, vector<256x128xf32>,
      %swap3A_38 = arith.constant 0 : index
      %swap3A_39 = arith.constant 0 : index
      %swap3A_40 = vector.load %arg7[%swap3A_38, %swap3A_39] : memref<256x8xf32, #tpu.memory_space<vmem>>, vector<256x8xf32>
      tpu.vector_store %arg7[%swap3A_38, %swap3A_39], %dot_general3A_27 {strides = array<i32>} : memref<256x8xf32, #tpu.memory_space<vmem>>, vector<256x8xf32>,
    } else {
    }
    %gt3A = arith.constant 0 : i32
    %gt3A_32 = arith.cmpi sgt, %arg0, %gt3A : i32
    %convert_element_type3A_33 = arith.extui %gt3A_32 : i1 to i32
    %cond3A_34 = arith.constant 0 : i32
    %cond3A_35 = arith.cmpi ne, %convert_element_type3A_33, %cond3A_34 : i32
    scf.if %cond3A_35 {
      %get3A_36 = arith.constant 0 : index
      %get3A_37 = arith.constant 0 : index
      %get3A_38 = vector.load %arg6[%get3A_36, %get3A_37] : memref<256x128xf32, #tpu.memory_space<vmem>>, vector<256x128xf32>
      %add3A_39 = arith.addf %get3A_38, %dot_general3A_24 : vector<256x128xf32>
      %swap3A = arith.constant 0 : index
      %swap3A_40 = arith.constant 0 : index
      %swap3A_41 = vector.load %arg6[%swap3A, %swap3A_40] : memref<256x128xf32, #tpu.memory_space<vmem>>, vector<256x128xf32>
      tpu.vector_store %arg6[%swap3A, %swap3A_40], %add3A_39 {strides = array<i32>} : memref<256x128xf32, #tpu.memory_space<vmem>>, vector<256x128xf32>,
      %get3A_42 = arith.constant 0 : index
      %get3A_43 = arith.constant 0 : index
      %get3A_44 = vector.load %arg7[%get3A_42, %get3A_43] : memref<256x8xf32, #tpu.memory_space<vmem>>, vector<256x8xf32>
      %add3A_45 = arith.addf %get3A_44, %dot_general3A_27 : vector<256x8xf32>
      %swap3A_46 = arith.constant 0 : index
      %swap3A_47 = arith.constant 0 : index
      %swap3A_48 = vector.load %arg7[%swap3A_46, %swap3A_47] : memref<256x8xf32, #tpu.memory_space<vmem>>, vector<256x8xf32>
      tpu.vector_store %arg7[%swap3A_46, %swap3A_47], %add3A_45 {strides = array<i32>} : memref<256x8xf32, #tpu.memory_space<vmem>>, vector<256x8xf32>,
    } else {
    }
    return
  }
  func.func @transform_0(%arg0: i32) -> (i32, i32) {
    %c0_i32 = arith.constant 0 : i32
    %c0_i32_0 = arith.constant 0 : i32
    return %arg0, %c0_i32 : i32, i32
  }
  func.func @transform_1(%arg0: i32) -> (i32, i32) {
    %c0_i32 = arith.constant 0 : i32
    %c0_i32_0 = arith.constant 0 : i32
    return %arg0, %c0_i32 : i32, i32
  }
  func.func @transform_2(%arg0: i32) -> (i32, i32) {
    %c0_i32 = arith.constant 0 : i32
    %c0_i32_0 = arith.constant 0 : i32
    return %arg0, %c0_i32 : i32, i32
  }
  func.func @transform_3(%arg0: i32) -> (i32, i32) {
    %c0_i32 = arith.constant 0 : i32
    %c0_i32_0 = arith.constant 0 : i32
    %c0_i32_1 = arith.constant 0 : i32
    return %c0_i32, %c0_i32_0 : i32, i32
  }
  func.func @transform_4(%arg0: i32) -> (i32, i32) {
    %c0_i32 = arith.constant 0 : i32
    %c0_i32_0 = arith.constant 0 : i32
    return %arg0, %c0_i32 : i32, i32
  }
  func.func @transform_5(%arg0: i32) -> (i32, i32) {
    %c0_i32 = arith.constant 0 : i32
    %c0_i32_0 = arith.constant 0 : i32
    %c0_i32_1 = arith.constant 0 : i32
    return %c0_i32, %c0_i32_0 : i32, i32
  }
  func.func @transform_6(%arg0: i32) -> (i32, i32) {
    %c0_i32 = arith.constant 0 : i32
    %c0_i32_0 = arith.constant 0 : i32
    %c0_i32_1 = arith.constant 0 : i32
    return %c0_i32, %c0_i32_0 : i32, i32
  }
}

module attributes {stable_mosaic.version = 14 : i64} {
  func.func @_mlp_body(%arg0: i32, %arg1: memref<256x128xf32, #tpu.memory_space<vmem>>, %arg2: memref<256x8xf32, #tpu.memory_space<vmem>>, %arg3: memref<256x128xf32, #tpu.memory_space<vmem>>, %arg4: memref<1x128xf32, #tpu.memory_space<vmem>>, %arg5: memref<128x1xf32, #tpu.memory_space<vmem>>, %arg6: memref<1x1xf32, #tpu.memory_space<vmem>>, %arg7: memref<128x1xf32, #tpu.memory_space<vmem>>) attributes {dimension_semantics = [#tpu.dimension_semantics<arbitrary>], iteration_bounds = array<i64: 1>, scalar_prefetch = 0 : i64, scratch_operands = 0 : i64, tpu.core_type = #tpu.core_type<tc>, window_params = [{pipeline_mode = #tpu.pipeline_mode<synchronous>, transform_indices = @transform_0, window_bounds = array<i64: 256, 128>}, {pipeline_mode = #tpu.pipeline_mode<synchronous>, transform_indices = @transform_1, window_bounds = array<i64: 256, 8>}, {pipeline_mode = #tpu.pipeline_mode<synchronous>, transform_indices = @transform_2, window_bounds = array<i64: 256, 128>}, {pipeline_mode = #tpu.pipeline_mode<synchronous>, transform_indices = @transform_3, window_bounds = array<i64: 1, 128>}, {pipeline_mode = #tpu.pipeline_mode<synchronous>, transform_indices = @transform_4, window_bounds = array<i64: 128, 1>}, {pipeline_mode = #tpu.pipeline_mode<synchronous>, transform_indices = @transform_5, window_bounds = array<i64: 1, 1>}, {pipeline_mode = #tpu.pipeline_mode<synchronous>, transform_indices = @transform_6, window_bounds = array<i64: 128, 1>}]} {
    %get3A = arith.constant 0 : index
    %get3A_0 = arith.constant 0 : index
    %get3A_1 = vector.load %arg2[%get3A, %get3A_0] : memref<256x8xf32, #tpu.memory_space<vmem>>, vector<256x8xf32>
    %slice3A = vector.extract_strided_slice %get3A_1 {offsets = [0, 0], sizes = [256, 1], strides = [1, 1]} : vector<256x8xf32> to vector<256x1xf32>
    %max3A = arith.constant 1.000000e+00 : f32
    %max3A_2 = vector.broadcast %max3A : f32 to vector<256x1xf32>
    %max3A_3 = arith.maximumf %slice3A, %max3A_2 : vector<256x1xf32>
    %get3A_4 = arith.constant 0 : index
    %get3A_5 = arith.constant 0 : index
    %get3A_6 = vector.load %arg1[%get3A_4, %get3A_5] : memref<256x128xf32, #tpu.memory_space<vmem>>, vector<256x128xf32>
    %div3A = vector.broadcast %max3A_3 : vector<256x1xf32> to vector<256x128xf32>
    %div3A_7 = arith.divf %get3A_6, %div3A : vector<256x128xf32>
    %slice3A_8 = vector.extract_strided_slice %div3A_7 {offsets = [0, 0], sizes = [128, 128], strides = [1, 1]} : vector<256x128xf32> to vector<128x128xf32>
    %slice3A_9 = vector.extract_strided_slice %div3A_7 {offsets = [128, 0], sizes = [128, 128], strides = [1, 1]} : vector<256x128xf32> to vector<128x128xf32>
    %concatenate3A = tpu.concatenate %slice3A_8, %slice3A_9 in 1 : vector<128x128xf32>, vector<128x128xf32> -> vector<128x256xf32>
    %get3A_10 = arith.constant 0 : index
    %get3A_11 = arith.constant 0 : index
    %get3A_12 = vector.load %arg3[%get3A_10, %get3A_11] : memref<256x128xf32, #tpu.memory_space<vmem>>, vector<256x128xf32>
    %dot_general3A = arith.constant dense<0.000000e+00> : vector<128x128xf32>
    %dot_general3A_13 = tpu.matmul %concatenate3A, %get3A_12, %dot_general3A {dimension_numbers = #tpu.dot_dimension_numbers<[1], [0], [0], [1], [0, 0, 1, 1], [], []>, transpose_lhs_hint = false} : vector<128x256xf32>, vector<256x128xf32>, vector<128x128xf32> -> vector<128x128xf32>
    %get3A_14 = arith.constant 0 : index
    %get3A_15 = arith.constant 0 : index
    %get3A_16 = vector.load %arg4[%get3A_14, %get3A_15] : memref<1x128xf32, #tpu.memory_space<vmem>>, vector<1x128xf32>
    %add3A = vector.broadcast %get3A_16 : vector<1x128xf32> to vector<128x128xf32>
    %add3A_17 = arith.addf %dot_general3A_13, %add3A : vector<128x128xf32>
    %max3A_18 = arith.constant 0.000000e+00 : f32
    %max3A_19 = vector.broadcast %max3A_18 : f32 to vector<128x128xf32>
    %max3A_20 = arith.maximumf %add3A_17, %max3A_19 : vector<128x128xf32>
    %get3A_21 = arith.constant 0 : index
    %get3A_22 = arith.constant 0 : index
    %get3A_23 = vector.load %arg5[%get3A_21, %get3A_22] : memref<128x1xf32, #tpu.memory_space<vmem>>, vector<128x1xf32>
    %dot_general3A_24 = arith.constant dense<0.000000e+00> : vector<128x1xf32>
    %dot_general3A_25 = tpu.matmul %max3A_20, %get3A_23, %dot_general3A_24 {dimension_numbers = #tpu.dot_dimension_numbers<[1], [0], [0], [1], [0, 0, 1, 1], [], []>, transpose_lhs_hint = false} : vector<128x128xf32>, vector<128x1xf32>, vector<128x1xf32> -> vector<128x1xf32>
    %get3A_26 = arith.constant 0 : index
    %get3A_27 = arith.constant 0 : index
    %get3A_28 = vector.load %arg6[%get3A_26, %get3A_27] : memref<1x1xf32, #tpu.memory_space<vmem>>, vector<1x1xf32>
    %add3A_29 = vector.broadcast %get3A_28 : vector<1x1xf32> to vector<128x1xf32>
    %add3A_30 = arith.addf %dot_general3A_25, %add3A_29 : vector<128x1xf32>
    %swap3A = arith.constant 0 : index
    %swap3A_31 = arith.constant 0 : index
    %swap3A_32 = vector.load %arg7[%swap3A, %swap3A_31] : memref<128x1xf32, #tpu.memory_space<vmem>>, vector<128x1xf32>
    tpu.vector_store %arg7[%swap3A, %swap3A_31], %add3A_30 {strides = array<i32>} : memref<128x1xf32, #tpu.memory_space<vmem>>, vector<128x1xf32>,
    return
  }
  func.func @transform_0(%arg0: i32) -> (i32, i32) {
    %c0_i32 = arith.constant 0 : i32
    %c0_i32_0 = arith.constant 0 : i32
    %c0_i32_1 = arith.constant 0 : i32
    return %c0_i32, %c0_i32_0 : i32, i32
  }
  func.func @transform_1(%arg0: i32) -> (i32, i32) {
    %c0_i32 = arith.constant 0 : i32
    %c0_i32_0 = arith.constant 0 : i32
    %c0_i32_1 = arith.constant 0 : i32
    return %c0_i32, %c0_i32_0 : i32, i32
  }
  func.func @transform_2(%arg0: i32) -> (i32, i32) {
    %c0_i32 = arith.constant 0 : i32
    %c0_i32_0 = arith.constant 0 : i32
    %c0_i32_1 = arith.constant 0 : i32
    return %c0_i32, %c0_i32_0 : i32, i32
  }
  func.func @transform_3(%arg0: i32) -> (i32, i32) {
    %c0_i32 = arith.constant 0 : i32
    %c0_i32_0 = arith.constant 0 : i32
    %c0_i32_1 = arith.constant 0 : i32
    return %c0_i32, %c0_i32_0 : i32, i32
  }
  func.func @transform_4(%arg0: i32) -> (i32, i32) {
    %c0_i32 = arith.constant 0 : i32
    %c0_i32_0 = arith.constant 0 : i32
    %c0_i32_1 = arith.constant 0 : i32
    return %c0_i32, %c0_i32_0 : i32, i32
  }
  func.func @transform_5(%arg0: i32) -> (i32, i32) {
    %c0_i32 = arith.constant 0 : i32
    %c0_i32_0 = arith.constant 0 : i32
    %c0_i32_1 = arith.constant 0 : i32
    return %c0_i32, %c0_i32_0 : i32, i32
  }
  func.func @transform_6(%arg0: i32) -> (i32, i32) {
    %c0_i32 = arith.constant 0 : i32
    %c0_i32_0 = arith.constant 0 : i32
    %c0_i32_1 = arith.constant 0 : i32
    return %c0_i32, %c0_i32_0 : i32, i32
  }
}

</mosaic_0001>

<sc_bundles>
// kernel: kernel.10.cloned.1.call-start
scs
__scs_entry_jumppad:
0x0: {  	(pc) =	sbr.rel $0x88, $3  }
0x1: {  	(tag) =	ssettag $0x0;
	lr =	simm.s32 $0x1  }
0x2: {  	[smem:$0x3F93] =	sst lr;
	_ =	strace $0xD0000000  }
0x3: {  	_ = 	snop  }
0x4: {  	_ = 	snop  }
0x5: {  	_ = 	snop  }
0x6: {  	_ = 	snop  }
0x7: {  	_ = 	snop  }
__scs_overlays_trampoline_lowered:
0x8: {  	[smem:$0x3FA2] =	sst s0  }
0x9: {  	[smem:$0x3FA3] =	sst s1  }
0xa: {  	[smem:$0x3FA4] =	sst s2  }
0xb: {  	[smem:$0x3FA5] =	sst s3  }
0xc: {  	[smem:$0x3FA6] =	sst s4  }
0xd: {  	[smem:$0x3FA7] =	sst s5  }
0xe: {  	[smem:$0x3FA8] =	sst s6  }
0xf: {  	[smem:$0x3FA9] =	sst s7  }
0x10: {  	[smem:$0x3FAA] =	sst s8  }
0x11: {  	[smem:$0x3FAB] =	sst s9;
	s0 =	simm.s32 @!p0 $0x0  }
0x12: {  	s1 =	sld [smem:$0x3F91];
	s0 =	simm.s32 @p0 $0x1  }
0x13: {  	[smem:$0x3FAC] =	sst s0;
	s0 =	simm.s32 @!p1 $0x0  }
0x14: {  	s2 =	sld [smem:$0x3F90];
	s0 =	simm.s32 @p1 $0x1  }
0x15: {  	[smem:$0x3FAD] =	sst s0;
	s0 =	simm.s32 @!p2 $0x0  }
0x16: {  	s3 =	sld [smem:$0x3FDB];
	s0 =	simm.s32 @p2 $0x1  }
0x17: {  	s4 =	simm.s32 $0x1BF5;
	[smem:$0x3FAF] =	sst s0  }
0x18: {  	s0 =	sld [smem:$0x3F92];
	_ =	swait.ge [sflag:s4], $0x0  }
0x19: {  	s7 =	sld [smem:$0x3F93]  }
0x1a: {  	s8 =	sadd.s32 $0xFFFFE003, lr  }
0x1b: {  	s9 =	sadd.s32 $0xFFFFFEF7, lr;
	s5 =	simm.s32 $0xFFFFFFFF;
	p2 =	slt.u32 s8, $0xFFFFF086  }
0x1c: {  	p1 =	slt.u32 s9, $0xF7A;
	s5 =	simm.s32 @!p2 $0x0  }
0x1d: {  	s5 =	simm.s32 @p1 $0x1;
	p0 =	seq.s32 s7, s2  }
0x1e: {  	s7 =	smul.u32 @!p0 $0xF7A, s2;
	p2 =	seq.s32 @!p0 s5, $0x0  }
0x1f: {  	s9 =	smul.u32 $0xF7A, s1;
	s8 =	simm.s32 @!p0 $0x1BF5;
	p2 =	por !p2, p0  }
0x20: {  	[sflag:s8] =	ssyncset.s32 @!p0 $0xFFFFF086;
	s6 =	sadd.s32 @!p0 s3, s7;
	s7 =	simm.s32 @!p0 $0x108  }
0x21: {  	s3 =	sadd.s32 s3, s9;
	s6 =	sadd.s32 @!p0 $0x88, s6;
	s7 =	simm.s32 @p2 $0x1082  }
0x22: {  	[simem:s7], [sflag:s8] =	dma.local @!p0 [hbm:s6], $0xF7A  }
0x23: {  	s9 =	sor.u32 $0xD0000000, s2;
	s6 =	simm.s32 $0x108;
	_ =	swait.ge @!p0 [sflag:s8], $0x0  }
0x24: {  	s3 =	sadd.s32 $0x88, s3;
	s6 =	simm.s32 @!p1 $0x1082;
	[sflag:s4] =	ssyncset.s32 $0xFFFFF086  }
0x25: {  	[simem:s6], [sflag:s4] =	dma.local [hbm:s3], $0xF7A  }
0x26: {  	[smem:$0x3F93] =	sst s1;
	(tag) =	ssettag s2;
	_ =	strace s9  }
0x27: {  	s1 =	sld [smem:$0x3FA3]  }
0x28: {  	s2 =	sld [smem:$0x3FA4]  }
0x29: {  	s4 =	sld [smem:$0x3FA6]  }
0x2a: {  	p0 =	seq.s32 s5, $0x0;
	s5 =	sld [smem:$0x3FA7]  }
0x2b: {  	s6 =	sld [smem:$0x3FA8]  }
0x2c: {  	s7 =	sld [smem:$0x3FA9]  }
0x2d: {  	s3 =	simm.s32 $0x108;
	s8 =	sld [smem:$0x3FAA]  }
0x2e: {  	s3 =	simm.s32 @!p0 $0x1082;
	s9 =	sld [smem:$0x3FAB]  }
0x2f: {  	lr =	sadd.s32 s0, s3;
	s0 =	sld [smem:$0x3FA2]  }
0x30: {  	s3 =	sld [smem:$0x3FA5]  }
0x31: {  	[smem:$0x3FAE] =	sst s10  }
0x32: {  	s10 =	sld [smem:$0x3FAC];
	_ =	sdelay $0x3  }
0x33: {  	p0 =	seq.s32 s10, $0x1;
	s10 =	sld [smem:$0x3FAE];
	_ =	sdelay $0x3  }
0x34: {  	[smem:$0x3FAE] =	sst s10  }
0x35: {  	s10 =	sld [smem:$0x3FAD];
	_ =	sdelay $0x3  }
0x36: {  	p1 =	seq.s32 s10, $0x1;
	s10 =	sld [smem:$0x3FAE];
	_ =	sdelay $0x3  }
0x37: {  	[smem:$0x3FAE] =	sst s10  }
0x38: {  	s10 =	sld [smem:$0x3FAF]  }
0x39: {  	_ = 	snop;
	(pc) =	sbr.ind lr, $3  }
0x3a: {  	_ = 	snop  }
0x3b: {  	_ = 	snop  }
0x3c: {  	p2 =	seq.s32 s10, $0x1;
	s10 =	sld [smem:$0x3FAE]  }
0x3d: {  	_ =	shalt  }
0x3e: {  	_ =	shalt  }
0x3f: {  	_ =	shalt  }
0x40: {  	_ =	shalt  }
0x41: {  	_ =	shalt  }
0x42: {  	_ =	shalt  }
0x43: {  	_ =	shalt  }
0x44: {  	_ =	shalt  }
0x45: {  	_ =	shalt  }
0x46: {  	_ =	shalt  }
0x47: {  	_ =	shalt  }
0x48: {  	_ =	shalt  }
0x49: {  	_ =	shalt  }
0x4a: {  	_ =	shalt  }
0x4b: {  	_ =	shalt  }
0x4c: {  	_ =	shalt  }
0x4d: {  	_ =	shalt  }
0x4e: {  	_ =	shalt  }
0x4f: {  	_ =	shalt  }
0x50: {  	_ =	shalt  }
0x51: {  	_ =	shalt  }
0x52: {  	_ =	shalt  }
0x53: {  	_ =	shalt  }
0x54: {  	_ =	shalt  }
0x55: {  	_ =	shalt  }
0x56: {  	_ =	shalt  }
0x57: {  	_ =	shalt  }
0x58: {  	_ =	shalt  }
0x59: {  	_ =	shalt  }
0x5a: {  	_ =	shalt  }
0x5b: {  	_ =	shalt  }
0x5c: {  	_ =	shalt  }
0x5d: {  	_ =	shalt  }
0x5e: {  	_ =	shalt  }
0x5f: {  	_ =	shalt  }
0x60: {  	_ =	shalt  }
0x61: {  	_ =	shalt  }
0x62: {  	_ =	shalt  }
0x63: {  	_ =	shalt  }
0x64: {  	_ =	shalt  }
0x65: {  	_ =	shalt  }
0x66: {  	_ =	shalt  }
0x67: {  	_ =	shalt  }
0x68: {  	_ =	shalt  }
0x69: {  	_ =	shalt  }
0x6a: {  	_ =	shalt  }
0x6b: {  	_ =	shalt  }
0x6c: {  	_ =	shalt  }
0x6d: {  	_ =	shalt  }
0x6e: {  	_ =	shalt  }
0x6f: {  	_ =	shalt  }
0x70: {  	_ =	shalt  }
0x71: {  	_ =	shalt  }
0x72: {  	_ =	shalt  }
0x73: {  	_ =	shalt  }
0x74: {  	_ =	shalt  }
0x75: {  	_ =	shalt  }
0x76: {  	_ =	shalt  }
0x77: {  	_ =	shalt  }
0x78: {  	_ =	shalt  }
0x79: {  	_ =	shalt  }
0x7a: {  	_ =	shalt  }
0x7b: {  	_ =	shalt  }
0x7c: {  	_ =	shalt  }
0x7d: {  	_ =	shalt  }
0x7e: {  	_ =	shalt  }
0x7f: {  	_ =	shalt  }
0x80: {  	_ =	shalt  }
0x81: {  	_ =	shalt  }
0x82: {  	_ =	shalt  }
0x83: {  	_ =	shalt  }
0x84: {  	_ =	shalt  }
0x85: {  	_ =	shalt  }
0x86: {  	_ =	shalt  }
0x87: {  	_ =	shalt  }
.Lfunc_end0:
.L_simem_size_0:
called_computation_lowered:
.L_overlay_start_0:
0x88: {  	s2 =	sld [smem:$0x3FD9]  }
0x89: {  	s3 =	sld [smem:$0x3FFE];
	_ =	sdelay $0x1  }
0x8a: {  	s1 =	srdreg.scid  }
0x8b: {  	s0 =	sand.u32 $0x1, s1  }
0x8c: {  	s16 =	sshll.u32 s0, $0xA;
	s2 =	sadd.s32 s3, s2  }
0x8d: {  	s2 =	sadd.s32 s2, s16  }
0x8e: {  	[smem:$0x3FBA] =	sst s2  }
0x8f: {  	_ = 	snop  }
0x90: {  	(tm) =	ssettm $0x1  }
0x91: {  	s17 =	sld [smem:$0x3FFB];
	_ =	sdelay $0x3  }
0x92: {  	_ =	strace s17  }
0x93: {  	s2 =	sld [smem:$0x3FFC];
	_ =	sdelay $0x3  }
0x94: {  	_ =	strace s2  }
0x95: {  	s2 =	sld [smem:$0x3FFD];
	_ =	sdelay $0x3  }
0x96: {  	_ =	strace s2  }
0x97: {  	_ =	strace $0x8FFFFFFF  }
0x98: {  	s18 =	sld [smem:$0x3FDB];
	_ =	sdelay $0x1  }
0x99: {  	s19 =	simm.s32 $_scs_section_size  }
0x9a: {  	s4 =	simm.s32 $_size__tile_overlayer_lowered;
	s5 =	simm.s32 $_tile_overlayer_lowered  }
0x9b: {  	s22 =	simm.s32 $0x1BFF;
	s21 =	sshll.u32 s5, $0x1;
	s2 =	sadd.s32 s19, s18  }
0x9c: {  	s6 =	simm.s32 $0x0;
	s20 =	sshll.u32 s4, $0x1;
	s4 =	sadd.s32 s21, s2  }
0x9d: {  	[timem:s6], [sflag:s22] =	dma.local [hbm:s4], s20  }
0x9e: {  	_ =	swait.ge [sflag:s22], s20  }
0x9f: {  	s3 =	ssub.s32 $0x0, s20;
	[sflag:s22] =	ssyncset.done $0x0  }
0xa0: {  	[sflag:s22] =	ssyncadd.s32 s3;
	_ =	sdelay $0x1  }
0xa1: {  	s23 =	simm.s32 $0x1B8B  }
0xa2: {  	_ =	swait.ge [sflag:s23], $0x1  }
0xa3: {  	[sflag:s23] =	ssyncset.done $0x0  }
0xa4: {  	s25 =	simm.s32 $0x1B8E;
	s24 =	sld [smem:$0x3FFE];
	[sflag:s23] =	ssyncadd.s32 $0xFFFFFFFF  }
0xa5: {  	s26 =	simm.s32 $execute0_lowered;
	[smem:$0x3FD2] =	sst s25  }
0xa6: {  	s4 =	sshll.u32 s26, $0x1;
	_ =	strace $0x80000046;
	[dreg:$0x1] =	wrdreg $0xFFFFFFFF  }
0xa7: {  	s28 =	simm.s32 $_size_execute0_lowered;
	s2 =	sadd.s32 s2, s4;
	[dreg:$0x0] =	wrdreg $0x0  }
0xa8: {  	s4 =	sshll.u32 s28, $0x1;
	[dreg:$0x2] =	wrdreg s2  }
0xa9: {  	[dreg:$0x3] =	wrdreg s4  }
0xaa: {  	[dreg:$0x4] =	wrdreg $0xC0  }
0xab: {  	_ =	task [dreg:s6], $0x5FFFF  }
0xac: {  	[dreg:$0x1] =	wrdreg $0xFFFFFFFF  }
0xad: {  	[dreg:$0x0] =	wrdreg $0x60  }
0xae: {  	[dreg:$0x2] =	wrdreg s24  }
0xaf: {  	[dreg:$0x3] =	wrdreg $0x9  }
0xb0: {  	_ =	task.clear_ibuf [dreg:s6], $0x4FFFF;
	_ =	strace $0x90000046  }
0xb1: {  	s29 =	simm.s32 $0x9;
	_ =	strace $0x80000048  }
0xb2: {  	_ =	swait.ge [sflag:s29], $0x1  }
0xb3: {  	[sflag:s29] =	ssyncadd.s32 $0xFFFFFFFF  }
0xb4: {  	_ =	strace $0x90000048  }
0xb5: {  	_ =	sfence  }
0xb6: {  	s30 =	sld [smem:$0x0];
	_ =	sdelay $0x2  }
0xb7: {  	s31 =	sshll.u32 s1, $0xD;
	s1 =	sshrl.u32 s1, $0x2  }
0xb8: {  	s3 =	sand.u32 $0x4000, s31;
	s1 =	sadd.s32 s1, s30  }
0xb9: {  	s0 =	sor.u32 s3, s0;
	s1 =	sshll.u32 s1, $0x11  }
0xba: {  	s0 =	sor.u32 s1, s0  }
0xbb: {  	s0 =	sadd.s32 $0x8F2B, s0  }
0xbc: {  	[sflag:s0] =	ssyncadd.remote.s32 $0x1  }
0xbd: {  	_ =	sfence.sel $0xFFFF  }
0xbe: {  	[dreg:$0x0] =	wrdreg $0xFFFFFFFF;
	(pc) =	sbr.abs _section_cstart, $3  }
0xbf: {  	[dreg:$0x1] =	wrdreg $0xFFFFFFFF  }
0xc0: {  	_ =	task.clear_ibuf [dreg:s6], $0x2FFFF;
	_ =	strace $0x9FFFFFFF  }
0xc1: {  	(tm) =	ssettm $0x7FFFFFFF  }
tec
execute0_lowered:
.L_overlay_start_1:
0x0: {  	(tag) =	ssettag $0x1  }
0x1: {  	s1 =	srdreg.scid;
	s0 =	stileid.u32  }
0x2: {  	s5 =	rddreg [dreg:$0x0];
	s2 =	simm.s32 $0x0;
	s8 =	simm.s32 $0x1  }
0x3: {  	v1 =	vimm.s32 $0xEDCBA987;
	s9 =	simm.s32 $0x80;
	s3 =	sand.u32 $0x1, s1;
	s28 =	sshll.u32 s0, $0x1  }
0x4: {  	v0 =	vimm.s32 $0x65432100;
	s10 =	simm.s32 $0x400;
	s29 =	sshrl.u32 s0, $0x2;
	v1 =	vunpack.c.l.s4.s8 v1;
	s4 =	sor.u32 s3, s28  }
0x5: {  	v2 =	vimm.s32 $0xFFEDCBA9;
	v3 =	vimm.s32 $0x87654321;
	s1 =	rddreg [dreg:$0x1];
	v0 =	vunpack.c.l.s4.s8 v0;
	s6 =	smul.u32 $0xC8400, s29;
	s7 =	sshll.u32 s4, $0x7  }
0x6: {  	s11 =	simm.s32 $0x0;
	[smem:$0x7FF] =	sst s2;
	v2 =	vunpack.c.l.s4.s8 v2;
	v3 =	vunpack.c.l.s4.s8 v3;
	v1 =	vunpack.c.0.s8.s32 v1;
	s7 =	sand.u32 $0x380, s7  }
0x7: {  	vm0 =	vcmask $0x3F3C;
	_ =	strace $0x80000047;
	s30 =	ssub.s32 $0x2, s3;
	v4 =	vunpack.c.0.s8.s32 v0;
	s6 =	sor.u32 s6, s7  }
0x8: {  	s3 =	sadd.s32 $0x2000, s5;
	s31 =	sshrl.u32 s30, $0x1;
	v2 =	vunpack.c.0.s8.s32 v2;
	v3 =	vunpack.c.0.s8.s32 v3;
	v1 =	vand.u32 $0xF, v1;
	s6 =	sshrl.u32 s6, $0x3  }
0x9: {  	s4 =	smul.u32 $0xD000, s4;
	v0 =	vimm.f32 $0.0e+00;
	v1 =	vcombine.low v4, v1;
	v4 =	vlaneseq.u32;
	s5 =	sadd.s32 s6, s5;
	s6 =	ssub.s32 s30, s31  }
0xa: {  	s7 =	simm.s32 $0x19080;
	v2 =	vcombine.low v3, v2;
	v3 =	vor.u32 $0x80000000, v4;
	v4 =	vadd.s32 $0x1, v4;
	s5 =	sadd.s32 $0x6A000, s5;
	s6 =	smax.u32 s6, $0x1  }
.LBB2_1:
0xb: {  	s12 =	simm.s32 $0x40;
	s13 =	simm.s32 $0x0  }
.LBB2_2:
0xc: {  	p0 =	sne.s32 s12, $0x64000;
	[tilespmem:s13+$0x0] =	vst v0;
	s13 =	smov.u32 s12;
	s12 =	sadd.s32 $0x40, s12  }
.Ltmp0:
0xd: {  	(pc) =	sbr.rel @p0 .LBB2_2-.Ltmp0, $2  }
0xe: {  	_ =	sdelay $0x2  }
0xf: {  	s13 =	sshra.s32 s13, $0x2  }
0x10: {  	[tilespmem:s13+$0x0] =	vst v0;
	s12 =	simm.s32 $0x0;
	s13 =	simm.s32 $0x0  }
.LBB2_4:
0x11: {  	s14 =	sshll.u32 s13, $0xB  }
0x12: {  	s14 =	sadd.s32 s4, s14  }
0x13: {  	s14 =	sshrl.u32 s14, $0x3  }
0x14: {  	s14 =	sadd.s32 s3, s14  }
0x15: {  	[tilespmem:s7], [sflag:$0x1] =	stream.linear.gather [hbm4b:s14+s12], $0x800, $0x38;
	[tilespmem:$0x19880] =	vst v63  }
0x16: {  	_ =	swait.ge [sflag:s8], $0x800  }
0x17: {  	[sflag:s8] =	ssyncset.done $0x0  }
0x18: {  	s15 =	simm.s32 $0x0;
	s14 =	simm.s32 $0x40;
	[sflag:s8] =	ssyncadd.s32 $0xFFFFF800  }
.LBB2_5:
0x19: {  	p0 =	sne.s32 s14, $0x1FC0;
	v5 =	vld [tilespmem:s15+$0x19080];
	_ =	sdelay $0x4  }
0x1a: {  	(xrf1) =	vsort.ascd.msk.u32 $0xffff, v5, v5;
	_ =	sdelay $0xd  }
0x1b: {  	v5, _, _ =	vpop (xrf1)  }
0x1c: {  	v6 =	vperm.xlane v5, v1;
	_ =	sdelay $0x1  }
0x1d: {  	vm1 =	veq.s32 v5, v6  }
0x1e: {  	v6 =	vsel vm1, $0x80000000, v3  }
0x1f: {  	(xrf0) =	vmax.scan.msk.u32 $0xffff, v6;
	_ =	sdelay $0x1  }
0x20: {  	v6 =	vperm.xlane v5, v2;
	_ =	sdelay $0x1  }
0x21: {  	vm1 =	vne.s32 v5, v6  }
0x22: {  	vm1 =	vmor vm1, vm0  }
0x23: {  	v6, _, _ =	vpop (xrf0)  }
.Ltmp1:
0x24: {  	v6 =	vxor.u32 $0x80000000, v6;
	(pc) =	sbr.rel @p0 .LBB2_5-.Ltmp1, $3  }
0x25: {  	v6 =	vsub.s32 v4, v6  }
0x26: {  	v6 =	vcvt.s32.f32 v6;
	_ =	sdelay $0x1  }
0x27: {  	s15 =	sshra.s32 s14, $0x2;
	s14 =	sadd.s32 $0x40, s14;
	[tilespmem:v5+s2+$0x0] =	vst.idx.add.f32.msk vm1, v6  }
0x28: {  	v5 =	vld [tilespmem:s15+$0x19080];
	_ =	sdelay $0x4  }
0x29: {  	(xrf1) =	vsort.ascd.msk.u32 $0xffff, v5, v5;
	_ =	sdelay $0xd  }
0x2a: {  	v5, _, _ =	vpop (xrf1)  }
0x2b: {  	v6 =	vperm.xlane v5, v1;
	_ =	sdelay $0x1  }
0x2c: {  	vm1 =	veq.s32 v5, v6  }
0x2d: {  	v6 =	vsel vm1, $0x80000000, v3  }
0x2e: {  	(xrf0) =	vmax.scan.msk.u32 $0xffff, v6;
	_ =	sdelay $0x1  }
0x2f: {  	v6 =	vperm.xlane v5, v2;
	_ =	sdelay $0x1  }
0x30: {  	vm1 =	vne.s32 v5, v6  }
0x31: {  	s13 =	sadd.s32 $0x1, s13;
	vm1 =	vmor vm1, vm0  }
0x32: {  	p0 =	sne.s32 s13, $0x1A;
	v6, _, _ =	vpop (xrf0)  }
.Ltmp2:
0x33: {  	v6 =	vxor.u32 $0x80000000, v6;
	(pc) =	sbr.rel @p0 .LBB2_4-.Ltmp2, $3  }
0x34: {  	v6 =	vsub.s32 v4, v6  }
0x35: {  	v6 =	vcvt.s32.f32 v6;
	_ =	sdelay $0x1  }
0x36: {  	[tilespmem:v5+s2+$0x0] =	vst.idx.add.f32.msk vm1, v6  }
0x37: {  	s11 =	sadd.s32 $0x1, s11  }
0x38: {  	p0 =	sne.s32 s11, s6  }
.Ltmp3:
0x39: {  	_ = 	snop;
	(pc) =	sbr.rel @p0 .LBB2_1-.Ltmp3, $4  }
0x3a: {  	[hbm4b:s5+s9] =	stream.strided.scatter [tilespmem:s2], [sflag:$0x1], $0x19080, s10, s9, $0x38;
	[tilespmem:$0x19880] =	vst v63  }
0x3b: {  	_ =	swait.ge [sflag:s8], $0x19080  }
0x3c: {  	[sflag:s8] =	ssyncset.done $0x0  }
0x3d: {  	[sflag:s8] =	ssyncadd.s32 $0xFFFE6F80  }
0x3e: {  	_ =	sfence.sel $0x180000  }
0x3f: {  	[bflag:$0x0] =	sbarrier.arrive $0xFFFF  }
0x40: {  	p0 =	sne.s32 s0, $0x0;
	_ =	strace $0x90000047  }
0x41: {  	s0 =	sadd.s32 @!p0 $0x100000, s1;
	[bflag:$0x2] =	sbarrier.arrive $0xFFFF  }
0x42: {  	[sflag:s0] =	ssyncadd.tile.s32 @!p0 $0x1;
	_ =	shalt  }
.Lfunc_end2:
_tile_overlayer_lowered:
.L_overlay_start_2:
0x43: {  	(tag) =	ssettag $0x2  }
0x44: {  	s0 =	rddreg [dreg:$0x0];
	s2 =	stileid.u32  }
0x45: {  	s1 =	rddreg [dreg:$0x1];
	p0 =	sne.s32 s2, $0x0  }
0x46: {  	s3 =	rddreg [dreg:$0x2];
	[bflag:$0x3] =	sbarrier.arrive $0xFFFF;
	s2 =	simm.s32 @!p0 $0x1C01  }
0x47: {  	[timem:s3], [sflag:s2] =	dma.local @!p0 [hbm:s0], s1  }
0x48: {  	s0 =	simm.s32 @!p0 $0x1  }
0x49: {  	_ =	swait.ge @!p0 [sflag:s0], s1  }
0x4a: {  	s1 =	ssub.s32 @!p0 $0x0, s1;
	[sflag:s0] =	ssyncset.done @!p0 $0x0  }
0x4b: {  	[sflag:s0] =	ssyncadd.s32 @!p0 s1  }
0x4c: {  	[bflag:$0x3] =	sbarrier.arrive $0xFFFF  }
0x4d: {  	_ =	shalt  }

// kernel: kernel.13.cloned.1.call-start
scs
__scs_entry_jumppad:
0x0: {  	(pc) =	sbr.rel $0x88, $3  }
0x1: {  	(tag) =	ssettag $0x0;
	lr =	simm.s32 $0x1  }
0x2: {  	[smem:$0x3F93] =	sst lr;
	_ =	strace $0xD0000000  }
0x3: {  	_ = 	snop  }
0x4: {  	_ = 	snop  }
0x5: {  	_ = 	snop  }
0x6: {  	_ = 	snop  }
0x7: {  	_ = 	snop  }
__scs_overlays_trampoline_lowered:
0x8: {  	[smem:$0x3FA2] =	sst s0  }
0x9: {  	[smem:$0x3FA3] =	sst s1  }
0xa: {  	[smem:$0x3FA4] =	sst s2  }
0xb: {  	[smem:$0x3FA5] =	sst s3  }
0xc: {  	[smem:$0x3FA6] =	sst s4  }
0xd: {  	[smem:$0x3FA7] =	sst s5  }
0xe: {  	[smem:$0x3FA8] =	sst s6  }
0xf: {  	[smem:$0x3FA9] =	sst s7  }
0x10: {  	[smem:$0x3FAA] =	sst s8  }
0x11: {  	[smem:$0x3FAB] =	sst s9;
	s0 =	simm.s32 @!p0 $0x0  }
0x12: {  	s1 =	sld [smem:$0x3F91];
	s0 =	simm.s32 @p0 $0x1  }
0x13: {  	[smem:$0x3FAC] =	sst s0;
	s0 =	simm.s32 @!p1 $0x0  }
0x14: {  	s2 =	sld [smem:$0x3F90];
	s0 =	simm.s32 @p1 $0x1  }
0x15: {  	[smem:$0x3FAD] =	sst s0;
	s0 =	simm.s32 @!p2 $0x0  }
0x16: {  	s3 =	sld [smem:$0x3FDB];
	s0 =	simm.s32 @p2 $0x1  }
0x17: {  	s4 =	simm.s32 $0x1BF5;
	[smem:$0x3FAF] =	sst s0  }
0x18: {  	s0 =	sld [smem:$0x3F92];
	_ =	swait.ge [sflag:s4], $0x0  }
0x19: {  	s7 =	sld [smem:$0x3F93]  }
0x1a: {  	s8 =	sadd.s32 $0xFFFFE003, lr  }
0x1b: {  	s9 =	sadd.s32 $0xFFFFFEF7, lr;
	s5 =	simm.s32 $0xFFFFFFFF;
	p2 =	slt.u32 s8, $0xFFFFF086  }
0x1c: {  	p1 =	slt.u32 s9, $0xF7A;
	s5 =	simm.s32 @!p2 $0x0  }
0x1d: {  	s5 =	simm.s32 @p1 $0x1;
	p0 =	seq.s32 s7, s2  }
0x1e: {  	s7 =	smul.u32 @!p0 $0xF7A, s2;
	p2 =	seq.s32 @!p0 s5, $0x0  }
0x1f: {  	s9 =	smul.u32 $0xF7A, s1;
	s8 =	simm.s32 @!p0 $0x1BF5;
	p2 =	por !p2, p0  }
0x20: {  	[sflag:s8] =	ssyncset.s32 @!p0 $0xFFFFF086;
	s6 =	sadd.s32 @!p0 s3, s7;
	s7 =	simm.s32 @!p0 $0x108  }
0x21: {  	s3 =	sadd.s32 s3, s9;
	s6 =	sadd.s32 @!p0 $0x88, s6;
	s7 =	simm.s32 @p2 $0x1082  }
0x22: {  	[simem:s7], [sflag:s8] =	dma.local @!p0 [hbm:s6], $0xF7A  }
0x23: {  	s9 =	sor.u32 $0xD0000000, s2;
	s6 =	simm.s32 $0x108;
	_ =	swait.ge @!p0 [sflag:s8], $0x0  }
0x24: {  	s3 =	sadd.s32 $0x88, s3;
	s6 =	simm.s32 @!p1 $0x1082;
	[sflag:s4] =	ssyncset.s32 $0xFFFFF086  }
0x25: {  	[simem:s6], [sflag:s4] =	dma.local [hbm:s3], $0xF7A  }
0x26: {  	[smem:$0x3F93] =	sst s1;
	(tag) =	ssettag s2;
	_ =	strace s9  }
0x27: {  	s1 =	sld [smem:$0x3FA3]  }
0x28: {  	s2 =	sld [smem:$0x3FA4]  }
0x29: {  	s4 =	sld [smem:$0x3FA6]  }
0x2a: {  	p0 =	seq.s32 s5, $0x0;
	s5 =	sld [smem:$0x3FA7]  }
0x2b: {  	s6 =	sld [smem:$0x3FA8]  }
0x2c: {  	s7 =	sld [smem:$0x3FA9]  }
0x2d: {  	s3 =	simm.s32 $0x108;
	s8 =	sld [smem:$0x3FAA]  }
0x2e: {  	s3 =	simm.s32 @!p0 $0x1082;
	s9 =	sld [smem:$0x3FAB]  }
0x2f: {  	lr =	sadd.s32 s0, s3;
	s0 =	sld [smem:$0x3FA2]  }
0x30: {  	s3 =	sld [smem:$0x3FA5]  }
0x31: {  	[smem:$0x3FAE] =	sst s10  }
0x32: {  	s10 =	sld [smem:$0x3FAC];
	_ =	sdelay $0x3  }
0x33: {  	p0 =	seq.s32 s10, $0x1;
	s10 =	sld [smem:$0x3FAE];
	_ =	sdelay $0x3  }
0x34: {  	[smem:$0x3FAE] =	sst s10  }
0x35: {  	s10 =	sld [smem:$0x3FAD];
	_ =	sdelay $0x3  }
0x36: {  	p1 =	seq.s32 s10, $0x1;
	s10 =	sld [smem:$0x3FAE];
	_ =	sdelay $0x3  }
0x37: {  	[smem:$0x3FAE] =	sst s10  }
0x38: {  	s10 =	sld [smem:$0x3FAF]  }
0x39: {  	_ = 	snop;
	(pc) =	sbr.ind lr, $3  }
0x3a: {  	_ = 	snop  }
0x3b: {  	_ = 	snop  }
0x3c: {  	p2 =	seq.s32 s10, $0x1;
	s10 =	sld [smem:$0x3FAE]  }
0x3d: {  	_ =	shalt  }
0x3e: {  	_ =	shalt  }
0x3f: {  	_ =	shalt  }
0x40: {  	_ =	shalt  }
0x41: {  	_ =	shalt  }
0x42: {  	_ =	shalt  }
0x43: {  	_ =	shalt  }
0x44: {  	_ =	shalt  }
0x45: {  	_ =	shalt  }
0x46: {  	_ =	shalt  }
0x47: {  	_ =	shalt  }
0x48: {  	_ =	shalt  }
0x49: {  	_ =	shalt  }
0x4a: {  	_ =	shalt  }
0x4b: {  	_ =	shalt  }
0x4c: {  	_ =	shalt  }
0x4d: {  	_ =	shalt  }
0x4e: {  	_ =	shalt  }
0x4f: {  	_ =	shalt  }
0x50: {  	_ =	shalt  }
0x51: {  	_ =	shalt  }
0x52: {  	_ =	shalt  }
0x53: {  	_ =	shalt  }
0x54: {  	_ =	shalt  }
0x55: {  	_ =	shalt  }
0x56: {  	_ =	shalt  }
0x57: {  	_ =	shalt  }
0x58: {  	_ =	shalt  }
0x59: {  	_ =	shalt  }
0x5a: {  	_ =	shalt  }
0x5b: {  	_ =	shalt  }
0x5c: {  	_ =	shalt  }
0x5d: {  	_ =	shalt  }
0x5e: {  	_ =	shalt  }
0x5f: {  	_ =	shalt  }
0x60: {  	_ =	shalt  }
0x61: {  	_ =	shalt  }
0x62: {  	_ =	shalt  }
0x63: {  	_ =	shalt  }
0x64: {  	_ =	shalt  }
0x65: {  	_ =	shalt  }
0x66: {  	_ =	shalt  }
0x67: {  	_ =	shalt  }
0x68: {  	_ =	shalt  }
0x69: {  	_ =	shalt  }
0x6a: {  	_ =	shalt  }
0x6b: {  	_ =	shalt  }
0x6c: {  	_ =	shalt  }
0x6d: {  	_ =	shalt  }
0x6e: {  	_ =	shalt  }
0x6f: {  	_ =	shalt  }
0x70: {  	_ =	shalt  }
0x71: {  	_ =	shalt  }
0x72: {  	_ =	shalt  }
0x73: {  	_ =	shalt  }
0x74: {  	_ =	shalt  }
0x75: {  	_ =	shalt  }
0x76: {  	_ =	shalt  }
0x77: {  	_ =	shalt  }
0x78: {  	_ =	shalt  }
0x79: {  	_ =	shalt  }
0x7a: {  	_ =	shalt  }
0x7b: {  	_ =	shalt  }
0x7c: {  	_ =	shalt  }
0x7d: {  	_ =	shalt  }
0x7e: {  	_ =	shalt  }
0x7f: {  	_ =	shalt  }
0x80: {  	_ =	shalt  }
0x81: {  	_ =	shalt  }
0x82: {  	_ =	shalt  }
0x83: {  	_ =	shalt  }
0x84: {  	_ =	shalt  }
0x85: {  	_ =	shalt  }
0x86: {  	_ =	shalt  }
0x87: {  	_ =	shalt  }
.Lfunc_end0:
.L_simem_size_0:
called_computation.1_lowered:
.L_overlay_start_0:
0x88: {  	s2 =	sld [smem:$0x3FD9]  }
0x89: {  	s3 =	sld [smem:$0x3FFE];
	_ =	sdelay $0x1  }
0x8a: {  	s1 =	srdreg.scid  }
0x8b: {  	s0 =	sand.u32 $0x1, s1  }
0x8c: {  	s16 =	sshll.u32 s0, $0xA;
	s2 =	sadd.s32 s3, s2  }
0x8d: {  	s2 =	sadd.s32 s2, s16  }
0x8e: {  	[smem:$0x3FBA] =	sst s2  }
0x8f: {  	_ = 	snop  }
0x90: {  	(tm) =	ssettm $0x1  }
0x91: {  	s17 =	sld [smem:$0x3FFB];
	_ =	sdelay $0x3  }
0x92: {  	_ =	strace s17  }
0x93: {  	s2 =	sld [smem:$0x3FFC];
	_ =	sdelay $0x3  }
0x94: {  	_ =	strace s2  }
0x95: {  	s2 =	sld [smem:$0x3FFD];
	_ =	sdelay $0x3  }
0x96: {  	_ =	strace s2  }
0x97: {  	_ =	strace $0x8FFFFFFF  }
0x98: {  	s18 =	sld [smem:$0x3FDB];
	_ =	sdelay $0x1  }
0x99: {  	s19 =	simm.s32 $_scs_section_size  }
0x9a: {  	s4 =	simm.s32 $_size__tile_overlayer_lowered;
	s5 =	simm.s32 $_tile_overlayer_lowered  }
0x9b: {  	s22 =	simm.s32 $0x1BFF;
	s21 =	sshll.u32 s5, $0x1;
	s2 =	sadd.s32 s19, s18  }
0x9c: {  	s6 =	simm.s32 $0x0;
	s20 =	sshll.u32 s4, $0x1;
	s4 =	sadd.s32 s21, s2  }
0x9d: {  	[timem:s6], [sflag:s22] =	dma.local [hbm:s4], s20  }
0x9e: {  	_ =	swait.ge [sflag:s22], s20  }
0x9f: {  	s3 =	ssub.s32 $0x0, s20;
	[sflag:s22] =	ssyncset.done $0x0  }
0xa0: {  	[sflag:s22] =	ssyncadd.s32 s3;
	_ =	sdelay $0x1  }
0xa1: {  	s23 =	simm.s32 $0x1B8B  }
0xa2: {  	_ =	swait.ge [sflag:s23], $0x1  }
0xa3: {  	[sflag:s23] =	ssyncset.done $0x0  }
0xa4: {  	s25 =	simm.s32 $0x1B8E;
	s24 =	sld [smem:$0x3FFE];
	[sflag:s23] =	ssyncadd.s32 $0xFFFFFFFF  }
0xa5: {  	s26 =	simm.s32 $execute0_lowered;
	[smem:$0x3FD2] =	sst s25  }
0xa6: {  	s4 =	sshll.u32 s26, $0x1;
	_ =	strace $0x80000049;
	[dreg:$0x1] =	wrdreg $0xFFFFFFFF  }
0xa7: {  	s28 =	simm.s32 $_size_execute0_lowered;
	s2 =	sadd.s32 s2, s4;
	[dreg:$0x0] =	wrdreg $0x0  }
0xa8: {  	s4 =	sshll.u32 s28, $0x1;
	[dreg:$0x2] =	wrdreg s2  }
0xa9: {  	[dreg:$0x3] =	wrdreg s4  }
0xaa: {  	[dreg:$0x4] =	wrdreg $0xC0  }
0xab: {  	_ =	task [dreg:s6], $0x5FFFF  }
0xac: {  	[dreg:$0x1] =	wrdreg $0xFFFFFFFF  }
0xad: {  	[dreg:$0x0] =	wrdreg $0x60  }
0xae: {  	[dreg:$0x2] =	wrdreg s24  }
0xaf: {  	[dreg:$0x3] =	wrdreg $0x9  }
0xb0: {  	_ =	task.clear_ibuf [dreg:s6], $0x4FFFF;
	_ =	strace $0x90000049  }
0xb1: {  	s29 =	simm.s32 $0x9;
	_ =	strace $0x8000004B  }
0xb2: {  	_ =	swait.ge [sflag:s29], $0x1  }
0xb3: {  	[sflag:s29] =	ssyncadd.s32 $0xFFFFFFFF  }
0xb4: {  	_ =	strace $0x9000004B  }
0xb5: {  	_ =	sfence  }
0xb6: {  	s30 =	sld [smem:$0x0];
	_ =	sdelay $0x2  }
0xb7: {  	s31 =	sshll.u32 s1, $0xD;
	s1 =	sshrl.u32 s1, $0x2  }
0xb8: {  	s3 =	sand.u32 $0x4000, s31;
	s1 =	sadd.s32 s1, s30  }
0xb9: {  	s0 =	sor.u32 s3, s0;
	s1 =	sshll.u32 s1, $0x11  }
0xba: {  	s0 =	sor.u32 s1, s0  }
0xbb: {  	s0 =	sadd.s32 $0x8F2B, s0  }
0xbc: {  	[sflag:s0] =	ssyncadd.remote.s32 $0x1  }
0xbd: {  	_ =	sfence.sel $0xFFFF  }
0xbe: {  	[dreg:$0x0] =	wrdreg $0xFFFFFFFF;
	(pc) =	sbr.abs _section_cstart, $3  }
0xbf: {  	[dreg:$0x1] =	wrdreg $0xFFFFFFFF  }
0xc0: {  	_ =	task.clear_ibuf [dreg:s6], $0x2FFFF;
	_ =	strace $0x9FFFFFFF  }
0xc1: {  	(tm) =	ssettm $0x7FFFFFFF  }
tec
execute0_lowered:
.L_overlay_start_1:
0x0: {  	(tag) =	ssettag $0x1  }
0x1: {  	s0 =	srdreg.scid;
	s1 =	stileid.u32  }
0x2: {  	s0 =	sand.u32 $0x1, s0;
	s1 =	sshll.u32 s1, $0x1  }
0x3: {  	s1 =	sor.u32 s0, s1  }
0x4: {  	s2 =	rddreg [dreg:$0x0];
	s11 =	simm.s32 $0x0;
	s3 =	smul.u32 $0x6400, s1  }
0x5: {  	s7 =	simm.s32 $0x400;
	s8 =	simm.s32 $0x1;
	s9 =	simm.s32 $0xC80  }
0x6: {  	s10 =	simm.s32 $0x0;
	[smem:$0x7FF] =	sst s11;
	s3 =	sshrl.u32 s3, $0x3  }
0x7: {  	s0 =	ssub.s32 $0x2, s0;
	_ =	strace $0x8000004A;
	s3 =	sadd.s32 s3, s2  }
0x8: {  	s1 =	smul.u32 $0x190, s1;
	s4 =	sshrl.u32 s0, $0x1;
	s15 =	sadd.s32 $0x6A000, s3  }
0x9: {  	s6 =	ssub.s32 s0, s4;
	s16 =	sadd.s32 $0x6A010, s3;
	[dreg:$0x2] =	wrdreg s15  }
0xa: {  	s5 =	sadd.s32 s1, s2;
	s17 =	sadd.s32 $0x6A020, s3;
	[dreg:$0x3] =	wrdreg s16  }
0xb: {  	s4 =	sadd.s32 $0xCE200, s5;
	s18 =	sadd.s32 $0x6A030, s3;
	[dreg:$0x4] =	wrdreg s17  }
0xc: {  	s5 =	smax.u32 s6, $0x1;
	s19 =	sadd.s32 $0x6A040, s3;
	[dreg:$0x5] =	wrdreg s18  }
0xd: {  	s6 =	simm.s32 $0x80;
	s20 =	sadd.s32 $0x6A050, s3;
	[dreg:$0x6] =	wrdreg s19  }
0xe: {  	s21 =	sadd.s32 $0x6A060, s3;
	s22 =	sadd.s32 $0x6A070, s3;
	[dreg:$0x7] =	wrdreg s20  }
0xf: {  	s23 =	sadd.s32 $0x83080, s3;
	s24 =	sadd.s32 $0x83090, s3;
	[dreg:$0x8] =	wrdreg s21  }
0x10: {  	s25 =	sadd.s32 $0x830A0, s3;
	s26 =	sadd.s32 $0x830B0, s3;
	[dreg:$0x9] =	wrdreg s22  }
0x11: {  	s28 =	sadd.s32 $0xB5180, s3;
	s29 =	sadd.s32 $0xB5190, s3;
	[dreg:$0xa] =	wrdreg s23  }
0x12: {  	s30 =	sadd.s32 $0xB51A0, s3;
	s31 =	sadd.s32 $0xB51B0, s3;
	[dreg:$0xb] =	wrdreg s24  }
0x13: {  	s1 =	sadd.s32 $0xB51C0, s3;
	s0 =	sadd.s32 $0xB51D0, s3;
	[dreg:$0xc] =	wrdreg s25  }
0x14: {  	s2 =	sadd.s32 $0xB51E0, s3;
	[dreg:$0xd] =	wrdreg s26;
	s15 =	sadd.s32 $0x830C0, s3  }
0x15: {  	s16 =	sadd.s32 $0x830D0, s3;
	s17 =	sadd.s32 $0x830E0, s3;
	s18 =	sadd.s32 $0x830F0, s3  }
0x16: {  	s19 =	sadd.s32 $0x9C100, s3;
	s20 =	sadd.s32 $0x9C110, s3;
	s21 =	sadd.s32 $0x9C120, s3  }
0x17: {  	s22 =	sadd.s32 $0x9C130, s3;
	s23 =	sadd.s32 $0x9C140, s3;
	s24 =	sadd.s32 $0x9C150, s3  }
0x18: {  	s25 =	sadd.s32 $0x9C160, s3;
	s26 =	sadd.s32 $0x9C170, s3;
	s3 =	sadd.s32 $0xB51F0, s3  }
.LBB2_1:
0x19: {  	s12 =	rddreg [dreg:$0x2]  }
0x1a: {  	[tilespmem:s11], [sflag:$0x1] =	stream.strided.gather [hbm4b:s12+s6], $0xC80, s7, s6, $0x38;
	[tilespmem:$0x1900] =	vst v63  }
0x1b: {  	_ =	swait.ge [sflag:s8], $0xC80  }
0x1c: {  	[sflag:s8] =	ssyncset.done $0x0  }
0x1d: {  	s14 =	rddreg [dreg:$0x3];
	[sflag:s8] =	ssyncadd.s32 $0xFFFFF380  }
0x1e: {  	[tilespmem:s9], [sflag:$0x1] =	stream.strided.gather [hbm4b:s14+s6], $0xC80, s7, s6, $0x38;
	[tilespmem:$0x1900] =	vst v63  }
0x1f: {  	_ =	swait.ge [sflag:s8], $0xC80  }
0x20: {  	[sflag:s8] =	ssyncset.done $0x0  }
0x21: {  	s11 =	simm.s32 $0x0;
	[sflag:s8] =	ssyncadd.s32 $0xFFFFF380  }
0x22: {  	s12 =	simm.s32 $0x40;
	v0 =	vld [tilespmem:s11+$0xC80]  }
.LBB2_2:
0x23: {  	p0 =	sne.s32 s12, $0x31C0;
	v1 =	vld [tilespmem:s11+$0x0];
	_ =	sdelay $0x2  }
.Ltmp0:
0x24: {  	(pc) =	sbr.rel @p0 .LBB2_2-.Ltmp0, $4  }
0x25: {  	_ = 	snop  }
0x26: {  	v1 =	vadd.f32 v0, v1  }
0x27: {  	s13 =	sshra.s32 s12, $0x2  }
0x28: {  	s12 =	sadd.s32 $0x40, s12;
	v0 =	vld [tilespmem:s13+$0xC80];
	[tilespmem:s11+$0x0] =	vst v1;
	s11 =	smov.u32 s13  }
0x29: {  	v1 =	vld [tilespmem:s11+$0x0];
	_ =	sdelay $0x4  }
0x2a: {  	v0 =	vadd.f32 v0, v1;
	_ =	sdelay $0x1  }
0x2b: {  	s14 =	rddreg [dreg:$0x4];
	[tilespmem:s11+$0x0] =	vst v0  }
0x2c: {  	[tilespmem:s9], [sflag:$0x1] =	stream.strided.gather [hbm4b:s14+s6], $0xC80, s7, s6, $0x38;
	[tilespmem:$0x1900] =	vst v63  }
0x2d: {  	_ =	swait.ge [sflag:s8], $0xC80  }
0x2e: {  	[sflag:s8] =	ssyncset.done $0x0  }
0x2f: {  	s11 =	simm.s32 $0x0;
	[sflag:s8] =	ssyncadd.s32 $0xFFFFF380  }
0x30: {  	s12 =	simm.s32 $0x40;
	v0 =	vld [tilespmem:s11+$0xC80]  }
.LBB2_4:
0x31: {  	p0 =	sne.s32 s12, $0x31C0;
	v1 =	vld [tilespmem:s11+$0x0];
	_ =	sdelay $0x2  }
.Ltmp1:
0x32: {  	(pc) =	sbr.rel @p0 .LBB2_4-.Ltmp1, $4  }
0x33: {  	_ = 	snop  }
0x34: {  	v1 =	vadd.f32 v0, v1  }
0x35: {  	s13 =	sshra.s32 s12, $0x2  }
0x36: {  	s12 =	sadd.s32 $0x40, s12;
	v0 =	vld [tilespmem:s13+$0xC80];
	[tilespmem:s11+$0x0] =	vst v1;
	s11 =	smov.u32 s13  }
0x37: {  	v1 =	vld [tilespmem:s11+$0x0];
	_ =	sdelay $0x4  }
0x38: {  	v0 =	vadd.f32 v0, v1;
	_ =	sdelay $0x1  }
0x39: {  	s14 =	rddreg [dreg:$0x5];
	[tilespmem:s11+$0x0] =	vst v0  }
0x3a: {  	[tilespmem:s9], [sflag:$0x1] =	stream.strided.gather [hbm4b:s14+s6], $0xC80, s7, s6, $0x38;
	[tilespmem:$0x1900] =	vst v63  }
0x3b: {  	_ =	swait.ge [sflag:s8], $0xC80  }
0x3c: {  	[sflag:s8] =	ssyncset.done $0x0  }
0x3d: {  	s11 =	simm.s32 $0x0;
	[sflag:s8] =	ssyncadd.s32 $0xFFFFF380  }
0x3e: {  	s12 =	simm.s32 $0x40;
	v0 =	vld [tilespmem:s11+$0xC80]  }
.LBB2_6:
0x3f: {  	p0 =	sne.s32 s12, $0x31C0;
	v1 =	vld [tilespmem:s11+$0x0];
	_ =	sdelay $0x2  }
.Ltmp2:
0x40: {  	(pc) =	sbr.rel @p0 .LBB2_6-.Ltmp2, $4  }
0x41: {  	_ = 	snop  }
0x42: {  	v1 =	vadd.f32 v0, v1  }
0x43: {  	s13 =	sshra.s32 s12, $0x2  }
0x44: {  	s12 =	sadd.s32 $0x40, s12;
	v0 =	vld [tilespmem:s13+$0xC80];
	[tilespmem:s11+$0x0] =	vst v1;
	s11 =	smov.u32 s13  }
0x45: {  	v1 =	vld [tilespmem:s11+$0x0];
	_ =	sdelay $0x4  }
0x46: {  	v0 =	vadd.f32 v0, v1;
	_ =	sdelay $0x1  }
0x47: {  	s14 =	rddreg [dreg:$0x6];
	[tilespmem:s11+$0x0] =	vst v0  }
0x48: {  	[tilespmem:s9], [sflag:$0x1] =	stream.strided.gather [hbm4b:s14+s6], $0xC80, s7, s6, $0x38;
	[tilespmem:$0x1900] =	vst v63  }
0x49: {  	_ =	swait.ge [sflag:s8], $0xC80  }
0x4a: {  	[sflag:s8] =	ssyncset.done $0x0  }
0x4b: {  	s11 =	simm.s32 $0x0;
	[sflag:s8] =	ssyncadd.s32 $0xFFFFF380  }
0x4c: {  	s12 =	simm.s32 $0x40;
	v0 =	vld [tilespmem:s11+$0xC80]  }
.LBB2_8:
0x4d: {  	p0 =	sne.s32 s12, $0x31C0;
	v1 =	vld [tilespmem:s11+$0x0];
	_ =	sdelay $0x2  }
.Ltmp3:
0x4e: {  	(pc) =	sbr.rel @p0 .LBB2_8-.Ltmp3, $4  }
0x4f: {  	_ = 	snop  }
0x50: {  	v1 =	vadd.f32 v0, v1  }
0x51: {  	s13 =	sshra.s32 s12, $0x2  }
0x52: {  	s12 =	sadd.s32 $0x40, s12;
	v0 =	vld [tilespmem:s13+$0xC80];
	[tilespmem:s11+$0x0] =	vst v1;
	s11 =	smov.u32 s13  }
0x53: {  	v1 =	vld [tilespmem:s11+$0x0];
	_ =	sdelay $0x4  }
0x54: {  	v0 =	vadd.f32 v0, v1;
	_ =	sdelay $0x1  }
0x55: {  	s14 =	rddreg [dreg:$0x7];
	[tilespmem:s11+$0x0] =	vst v0  }
0x56: {  	[tilespmem:s9], [sflag:$0x1] =	stream.strided.gather [hbm4b:s14+s6], $0xC80, s7, s6, $0x38;
	[tilespmem:$0x1900] =	vst v63  }
0x57: {  	_ =	swait.ge [sflag:s8], $0xC80  }
0x58: {  	[sflag:s8] =	ssyncset.done $0x0  }
0x59: {  	s11 =	simm.s32 $0x0;
	[sflag:s8] =	ssyncadd.s32 $0xFFFFF380  }
0x5a: {  	s12 =	simm.s32 $0x40;
	v0 =	vld [tilespmem:s11+$0xC80]  }
.LBB2_10:
0x5b: {  	p0 =	sne.s32 s12, $0x31C0;
	v1 =	vld [tilespmem:s11+$0x0];
	_ =	sdelay $0x2  }
.Ltmp4:
0x5c: {  	(pc) =	sbr.rel @p0 .LBB2_10-.Ltmp4, $4  }
0x5d: {  	_ = 	snop  }
0x5e: {  	v1 =	vadd.f32 v0, v1  }
0x5f: {  	s13 =	sshra.s32 s12, $0x2  }
0x60: {  	s12 =	sadd.s32 $0x40, s12;
	v0 =	vld [tilespmem:s13+$0xC80];
	[tilespmem:s11+$0x0] =	vst v1;
	s11 =	smov.u32 s13  }
0x61: {  	v1 =	vld [tilespmem:s11+$0x0];
	_ =	sdelay $0x4  }
0x62: {  	v0 =	vadd.f32 v0, v1;
	_ =	sdelay $0x1  }
0x63: {  	s14 =	rddreg [dreg:$0x8];
	[tilespmem:s11+$0x0] =	vst v0  }
0x64: {  	[tilespmem:s9], [sflag:$0x1] =	stream.strided.gather [hbm4b:s14+s6], $0xC80, s7, s6, $0x38;
	[tilespmem:$0x1900] =	vst v63  }
0x65: {  	_ =	swait.ge [sflag:s8], $0xC80  }
0x66: {  	[sflag:s8] =	ssyncset.done $0x0  }
0x67: {  	s11 =	simm.s32 $0x0;
	[sflag:s8] =	ssyncadd.s32 $0xFFFFF380  }
0x68: {  	s12 =	simm.s32 $0x40;
	v0 =	vld [tilespmem:s11+$0xC80]  }
.LBB2_12:
0x69: {  	p0 =	sne.s32 s12, $0x31C0;
	v1 =	vld [tilespmem:s11+$0x0];
	_ =	sdelay $0x2  }
.Ltmp5:
0x6a: {  	(pc) =	sbr.rel @p0 .LBB2_12-.Ltmp5, $4  }
0x6b: {  	_ = 	snop  }
0x6c: {  	v1 =	vadd.f32 v0, v1  }
0x6d: {  	s13 =	sshra.s32 s12, $0x2  }
0x6e: {  	s12 =	sadd.s32 $0x40, s12;
	v0 =	vld [tilespmem:s13+$0xC80];
	[tilespmem:s11+$0x0] =	vst v1;
	s11 =	smov.u32 s13  }
0x6f: {  	v1 =	vld [tilespmem:s11+$0x0];
	_ =	sdelay $0x4  }
0x70: {  	v0 =	vadd.f32 v0, v1;
	_ =	sdelay $0x1  }
0x71: {  	s14 =	rddreg [dreg:$0x9];
	[tilespmem:s11+$0x0] =	vst v0  }
0x72: {  	[tilespmem:s9], [sflag:$0x1] =	stream.strided.gather [hbm4b:s14+s6], $0xC80, s7, s6, $0x38;
	[tilespmem:$0x1900] =	vst v63  }
0x73: {  	_ =	swait.ge [sflag:s8], $0xC80  }
0x74: {  	[sflag:s8] =	ssyncset.done $0x0  }
0x75: {  	s11 =	simm.s32 $0x0;
	[sflag:s8] =	ssyncadd.s32 $0xFFFFF380  }
0x76: {  	s12 =	simm.s32 $0x40;
	v0 =	vld [tilespmem:s11+$0xC80]  }
.LBB2_14:
0x77: {  	p0 =	sne.s32 s12, $0x31C0;
	v1 =	vld [tilespmem:s11+$0x0];
	_ =	sdelay $0x2  }
.Ltmp6:
0x78: {  	(pc) =	sbr.rel @p0 .LBB2_14-.Ltmp6, $4  }
0x79: {  	_ = 	snop  }
0x7a: {  	v1 =	vadd.f32 v0, v1  }
0x7b: {  	s13 =	sshra.s32 s12, $0x2  }
0x7c: {  	s12 =	sadd.s32 $0x40, s12;
	v0 =	vld [tilespmem:s13+$0xC80];
	[tilespmem:s11+$0x0] =	vst v1;
	s11 =	smov.u32 s13  }
0x7d: {  	v1 =	vld [tilespmem:s11+$0x0];
	_ =	sdelay $0x4  }
0x7e: {  	v0 =	vadd.f32 v0, v1;
	_ =	sdelay $0x1  }
0x7f: {  	s14 =	rddreg [dreg:$0xa];
	[tilespmem:s11+$0x0] =	vst v0  }
0x80: {  	[tilespmem:s9], [sflag:$0x1] =	stream.strided.gather [hbm4b:s14+s6], $0xC80, s7, s6, $0x38;
	[tilespmem:$0x1900] =	vst v63  }
0x81: {  	_ =	swait.ge [sflag:s8], $0xC80  }
0x82: {  	[sflag:s8] =	ssyncset.done $0x0  }
0x83: {  	s11 =	simm.s32 $0x0;
	[sflag:s8] =	ssyncadd.s32 $0xFFFFF380  }
0x84: {  	s12 =	simm.s32 $0x40;
	v0 =	vld [tilespmem:s11+$0xC80]  }
.LBB2_16:
0x85: {  	p0 =	sne.s32 s12, $0x31C0;
	v1 =	vld [tilespmem:s11+$0x0];
	_ =	sdelay $0x2  }
.Ltmp7:
0x86: {  	(pc) =	sbr.rel @p0 .LBB2_16-.Ltmp7, $4  }
0x87: {  	_ = 	snop  }
0x88: {  	v1 =	vadd.f32 v0, v1  }
0x89: {  	s13 =	sshra.s32 s12, $0x2  }
0x8a: {  	s12 =	sadd.s32 $0x40, s12;
	v0 =	vld [tilespmem:s13+$0xC80];
	[tilespmem:s11+$0x0] =	vst v1;
	s11 =	smov.u32 s13  }
0x8b: {  	v1 =	vld [tilespmem:s11+$0x0];
	_ =	sdelay $0x4  }
0x8c: {  	v0 =	vadd.f32 v0, v1;
	_ =	sdelay $0x1  }
0x8d: {  	s14 =	rddreg [dreg:$0xb];
	[tilespmem:s11+$0x0] =	vst v0  }
0x8e: {  	[tilespmem:s9], [sflag:$0x1] =	stream.strided.gather [hbm4b:s14+s6], $0xC80, s7, s6, $0x38;
	[tilespmem:$0x1900] =	vst v63  }
0x8f: {  	_ =	swait.ge [sflag:s8], $0xC80  }
0x90: {  	[sflag:s8] =	ssyncset.done $0x0  }
0x91: {  	s11 =	simm.s32 $0x0;
	[sflag:s8] =	ssyncadd.s32 $0xFFFFF380  }
0x92: {  	s12 =	simm.s32 $0x40;
	v0 =	vld [tilespmem:s11+$0xC80]  }
.LBB2_18:
0x93: {  	p0 =	sne.s32 s12, $0x31C0;
	v1 =	vld [tilespmem:s11+$0x0];
	_ =	sdelay $0x2  }
.Ltmp8:
0x94: {  	(pc) =	sbr.rel @p0 .LBB2_18-.Ltmp8, $4  }
0x95: {  	_ = 	snop  }
0x96: {  	v1 =	vadd.f32 v0, v1  }
0x97: {  	s13 =	sshra.s32 s12, $0x2  }
0x98: {  	s12 =	sadd.s32 $0x40, s12;
	v0 =	vld [tilespmem:s13+$0xC80];
	[tilespmem:s11+$0x0] =	vst v1;
	s11 =	smov.u32 s13  }
0x99: {  	v1 =	vld [tilespmem:s11+$0x0];
	_ =	sdelay $0x4  }
0x9a: {  	v0 =	vadd.f32 v0, v1;
	_ =	sdelay $0x1  }
0x9b: {  	s14 =	rddreg [dreg:$0xc];
	[tilespmem:s11+$0x0] =	vst v0  }
0x9c: {  	[tilespmem:s9], [sflag:$0x1] =	stream.strided.gather [hbm4b:s14+s6], $0xC80, s7, s6, $0x38;
	[tilespmem:$0x1900] =	vst v63  }
0x9d: {  	_ =	swait.ge [sflag:s8], $0xC80  }
0x9e: {  	[sflag:s8] =	ssyncset.done $0x0  }
0x9f: {  	s11 =	simm.s32 $0x0;
	[sflag:s8] =	ssyncadd.s32 $0xFFFFF380  }
0xa0: {  	s12 =	simm.s32 $0x40;
	v0 =	vld [tilespmem:s11+$0xC80]  }
.LBB2_20:
0xa1: {  	p0 =	sne.s32 s12, $0x31C0;
	v1 =	vld [tilespmem:s11+$0x0];
	_ =	sdelay $0x2  }
.Ltmp9:
0xa2: {  	(pc) =	sbr.rel @p0 .LBB2_20-.Ltmp9, $4  }
0xa3: {  	_ = 	snop  }
0xa4: {  	v1 =	vadd.f32 v0, v1  }
0xa5: {  	s13 =	sshra.s32 s12, $0x2  }
0xa6: {  	s12 =	sadd.s32 $0x40, s12;
	v0 =	vld [tilespmem:s13+$0xC80];
	[tilespmem:s11+$0x0] =	vst v1;
	s11 =	smov.u32 s13  }
0xa7: {  	v1 =	vld [tilespmem:s11+$0x0];
	_ =	sdelay $0x4  }
0xa8: {  	v0 =	vadd.f32 v0, v1;
	_ =	sdelay $0x1  }
0xa9: {  	s14 =	rddreg [dreg:$0xd];
	[tilespmem:s11+$0x0] =	vst v0  }
0xaa: {  	[tilespmem:s9], [sflag:$0x1] =	stream.strided.gather [hbm4b:s14+s6], $0xC80, s7, s6, $0x38;
	[tilespmem:$0x1900] =	vst v63  }
0xab: {  	_ =	swait.ge [sflag:s8], $0xC80  }
0xac: {  	[sflag:s8] =	ssyncset.done $0x0  }
0xad: {  	s11 =	simm.s32 $0x0;
	[sflag:s8] =	ssyncadd.s32 $0xFFFFF380  }
0xae: {  	s12 =	simm.s32 $0x40;
	v0 =	vld [tilespmem:s11+$0xC80]  }
.LBB2_22:
0xaf: {  	p0 =	sne.s32 s12, $0x31C0;
	v1 =	vld [tilespmem:s11+$0x0];
	_ =	sdelay $0x2  }
.Ltmp10:
0xb0: {  	(pc) =	sbr.rel @p0 .LBB2_22-.Ltmp10, $4  }
0xb1: {  	_ = 	snop  }
0xb2: {  	v1 =	vadd.f32 v0, v1  }
0xb3: {  	s13 =	sshra.s32 s12, $0x2  }
0xb4: {  	s12 =	sadd.s32 $0x40, s12;
	v0 =	vld [tilespmem:s13+$0xC80];
	[tilespmem:s11+$0x0] =	vst v1;
	s11 =	smov.u32 s13  }
0xb5: {  	v1 =	vld [tilespmem:s11+$0x0];
	_ =	sdelay $0x4  }
0xb6: {  	v0 =	vadd.f32 v0, v1;
	_ =	sdelay $0x1  }
0xb7: {  	[tilespmem:s11+$0x0] =	vst v0  }
0xb8: {  	[tilespmem:s9], [sflag:$0x1] =	stream.strided.gather [hbm4b:s15+s6], $0xC80, s7, s6, $0x38;
	[tilespmem:$0x1900] =	vst v63  }
0xb9: {  	_ =	swait.ge [sflag:s8], $0xC80  }
0xba: {  	[sflag:s8] =	ssyncset.done $0x0  }
0xbb: {  	s11 =	simm.s32 $0x0;
	[sflag:s8] =	ssyncadd.s32 $0xFFFFF380  }
0xbc: {  	s12 =	simm.s32 $0x40;
	v0 =	vld [tilespmem:s11+$0xC80]  }
.LBB2_24:
0xbd: {  	p0 =	sne.s32 s12, $0x31C0;
	v1 =	vld [tilespmem:s11+$0x0];
	_ =	sdelay $0x2  }
.Ltmp11:
0xbe: {  	(pc) =	sbr.rel @p0 .LBB2_24-.Ltmp11, $4  }
0xbf: {  	_ = 	snop  }
0xc0: {  	v1 =	vadd.f32 v0, v1  }
0xc1: {  	s13 =	sshra.s32 s12, $0x2  }
0xc2: {  	s12 =	sadd.s32 $0x40, s12;
	v0 =	vld [tilespmem:s13+$0xC80];
	[tilespmem:s11+$0x0] =	vst v1;
	s11 =	smov.u32 s13  }
0xc3: {  	v1 =	vld [tilespmem:s11+$0x0];
	_ =	sdelay $0x4  }
0xc4: {  	v0 =	vadd.f32 v0, v1;
	_ =	sdelay $0x1  }
0xc5: {  	[tilespmem:s11+$0x0] =	vst v0  }
0xc6: {  	[tilespmem:s9], [sflag:$0x1] =	stream.strided.gather [hbm4b:s16+s6], $0xC80, s7, s6, $0x38;
	[tilespmem:$0x1900] =	vst v63  }
0xc7: {  	_ =	swait.ge [sflag:s8], $0xC80  }
0xc8: {  	[sflag:s8] =	ssyncset.done $0x0  }
0xc9: {  	s11 =	simm.s32 $0x0;
	[sflag:s8] =	ssyncadd.s32 $0xFFFFF380  }
0xca: {  	s12 =	simm.s32 $0x40;
	v0 =	vld [tilespmem:s11+$0xC80]  }
.LBB2_26:
0xcb: {  	p0 =	sne.s32 s12, $0x31C0;
	v1 =	vld [tilespmem:s11+$0x0];
	_ =	sdelay $0x2  }
.Ltmp12:
0xcc: {  	(pc) =	sbr.rel @p0 .LBB2_26-.Ltmp12, $4  }
0xcd: {  	_ = 	snop  }
0xce: {  	v1 =	vadd.f32 v0, v1  }
0xcf: {  	s13 =	sshra.s32 s12, $0x2  }
0xd0: {  	s12 =	sadd.s32 $0x40, s12;
	v0 =	vld [tilespmem:s13+$0xC80];
	[tilespmem:s11+$0x0] =	vst v1;
	s11 =	smov.u32 s13  }
0xd1: {  	v1 =	vld [tilespmem:s11+$0x0];
	_ =	sdelay $0x4  }
0xd2: {  	v0 =	vadd.f32 v0, v1;
	_ =	sdelay $0x1  }
0xd3: {  	[tilespmem:s11+$0x0] =	vst v0  }
0xd4: {  	[tilespmem:s9], [sflag:$0x1] =	stream.strided.gather [hbm4b:s17+s6], $0xC80, s7, s6, $0x38;
	[tilespmem:$0x1900] =	vst v63  }
0xd5: {  	_ =	swait.ge [sflag:s8], $0xC80  }
0xd6: {  	[sflag:s8] =	ssyncset.done $0x0  }
0xd7: {  	s11 =	simm.s32 $0x0;
	[sflag:s8] =	ssyncadd.s32 $0xFFFFF380  }
0xd8: {  	s12 =	simm.s32 $0x40;
	v0 =	vld [tilespmem:s11+$0xC80]  }
.LBB2_28:
0xd9: {  	p0 =	sne.s32 s12, $0x31C0;
	v1 =	vld [tilespmem:s11+$0x0];
	_ =	sdelay $0x2  }
.Ltmp13:
0xda: {  	(pc) =	sbr.rel @p0 .LBB2_28-.Ltmp13, $4  }
0xdb: {  	_ = 	snop  }
0xdc: {  	v1 =	vadd.f32 v0, v1  }
0xdd: {  	s13 =	sshra.s32 s12, $0x2  }
0xde: {  	s12 =	sadd.s32 $0x40, s12;
	v0 =	vld [tilespmem:s13+$0xC80];
	[tilespmem:s11+$0x0] =	vst v1;
	s11 =	smov.u32 s13  }
0xdf: {  	v1 =	vld [tilespmem:s11+$0x0];
	_ =	sdelay $0x4  }
0xe0: {  	v0 =	vadd.f32 v0, v1;
	_ =	sdelay $0x1  }
0xe1: {  	[tilespmem:s11+$0x0] =	vst v0  }
0xe2: {  	[tilespmem:s9], [sflag:$0x1] =	stream.strided.gather [hbm4b:s18+s6], $0xC80, s7, s6, $0x38;
	[tilespmem:$0x1900] =	vst v63  }
0xe3: {  	_ =	swait.ge [sflag:s8], $0xC80  }
0xe4: {  	[sflag:s8] =	ssyncset.done $0x0  }
0xe5: {  	s11 =	simm.s32 $0x0;
	[sflag:s8] =	ssyncadd.s32 $0xFFFFF380  }
0xe6: {  	s12 =	simm.s32 $0x40;
	v0 =	vld [tilespmem:s11+$0xC80]  }
.LBB2_30:
0xe7: {  	p0 =	sne.s32 s12, $0x31C0;
	v1 =	vld [tilespmem:s11+$0x0];
	_ =	sdelay $0x2  }
.Ltmp14:
0xe8: {  	(pc) =	sbr.rel @p0 .LBB2_30-.Ltmp14, $4  }
0xe9: {  	_ = 	snop  }
0xea: {  	v1 =	vadd.f32 v0, v1  }
0xeb: {  	s13 =	sshra.s32 s12, $0x2  }
0xec: {  	s12 =	sadd.s32 $0x40, s12;
	v0 =	vld [tilespmem:s13+$0xC80];
	[tilespmem:s11+$0x0] =	vst v1;
	s11 =	smov.u32 s13  }
0xed: {  	v1 =	vld [tilespmem:s11+$0x0];
	_ =	sdelay $0x4  }
0xee: {  	v0 =	vadd.f32 v0, v1;
	_ =	sdelay $0x1  }
0xef: {  	[tilespmem:s11+$0x0] =	vst v0  }
0xf0: {  	[tilespmem:s9], [sflag:$0x1] =	stream.strided.gather [hbm4b:s19+s6], $0xC80, s7, s6, $0x38;
	[tilespmem:$0x1900] =	vst v63  }
0xf1: {  	_ =	swait.ge [sflag:s8], $0xC80  }
0xf2: {  	[sflag:s8] =	ssyncset.done $0x0  }
0xf3: {  	s11 =	simm.s32 $0x0;
	[sflag:s8] =	ssyncadd.s32 $0xFFFFF380  }
0xf4: {  	s12 =	simm.s32 $0x40;
	v0 =	vld [tilespmem:s11+$0xC80]  }
.LBB2_32:
0xf5: {  	p0 =	sne.s32 s12, $0x31C0;
	v1 =	vld [tilespmem:s11+$0x0];
	_ =	sdelay $0x2  }
.Ltmp15:
0xf6: {  	(pc) =	sbr.rel @p0 .LBB2_32-.Ltmp15, $4  }
0xf7: {  	_ = 	snop  }
0xf8: {  	v1 =	vadd.f32 v0, v1  }
0xf9: {  	s13 =	sshra.s32 s12, $0x2  }
0xfa: {  	s12 =	sadd.s32 $0x40, s12;
	v0 =	vld [tilespmem:s13+$0xC80];
	[tilespmem:s11+$0x0] =	vst v1;
	s11 =	smov.u32 s13  }
0xfb: {  	v1 =	vld [tilespmem:s11+$0x0];
	_ =	sdelay $0x4  }
0xfc: {  	v0 =	vadd.f32 v0, v1;
	_ =	sdelay $0x1  }
0xfd: {  	[tilespmem:s11+$0x0] =	vst v0  }
0xfe: {  	[tilespmem:s9], [sflag:$0x1] =	stream.strided.gather [hbm4b:s20+s6], $0xC80, s7, s6, $0x38;
	[tilespmem:$0x1900] =	vst v63  }
0xff: {  	_ =	swait.ge [sflag:s8], $0xC80  }
0x100: {  	[sflag:s8] =	ssyncset.done $0x0  }
0x101: {  	s11 =	simm.s32 $0x0;
	[sflag:s8] =	ssyncadd.s32 $0xFFFFF380  }
0x102: {  	s12 =	simm.s32 $0x40;
	v0 =	vld [tilespmem:s11+$0xC80]  }
.LBB2_34:
0x103: {  	p0 =	sne.s32 s12, $0x31C0;
	v1 =	vld [tilespmem:s11+$0x0];
	_ =	sdelay $0x2  }
.Ltmp16:
0x104: {  	(pc) =	sbr.rel @p0 .LBB2_34-.Ltmp16, $4  }
0x105: {  	_ = 	snop  }
0x106: {  	v1 =	vadd.f32 v0, v1  }
0x107: {  	s13 =	sshra.s32 s12, $0x2  }
0x108: {  	s12 =	sadd.s32 $0x40, s12;
	v0 =	vld [tilespmem:s13+$0xC80];
	[tilespmem:s11+$0x0] =	vst v1;
	s11 =	smov.u32 s13  }
0x109: {  	v1 =	vld [tilespmem:s11+$0x0];
	_ =	sdelay $0x4  }
0x10a: {  	v0 =	vadd.f32 v0, v1;
	_ =	sdelay $0x1  }
0x10b: {  	[tilespmem:s11+$0x0] =	vst v0  }
0x10c: {  	[tilespmem:s9], [sflag:$0x1] =	stream.strided.gather [hbm4b:s21+s6], $0xC80, s7, s6, $0x38;
	[tilespmem:$0x1900] =	vst v63  }
0x10d: {  	_ =	swait.ge [sflag:s8], $0xC80  }
0x10e: {  	[sflag:s8] =	ssyncset.done $0x0  }
0x10f: {  	s11 =	simm.s32 $0x0;
	[sflag:s8] =	ssyncadd.s32 $0xFFFFF380  }
0x110: {  	s12 =	simm.s32 $0x40;
	v0 =	vld [tilespmem:s11+$0xC80]  }
.LBB2_36:
0x111: {  	p0 =	sne.s32 s12, $0x31C0;
	v1 =	vld [tilespmem:s11+$0x0];
	_ =	sdelay $0x2  }
.Ltmp17:
0x112: {  	(pc) =	sbr.rel @p0 .LBB2_36-.Ltmp17, $4  }
0x113: {  	_ = 	snop  }
0x114: {  	v1 =	vadd.f32 v0, v1  }
0x115: {  	s13 =	sshra.s32 s12, $0x2  }
0x116: {  	s12 =	sadd.s32 $0x40, s12;
	v0 =	vld [tilespmem:s13+$0xC80];
	[tilespmem:s11+$0x0] =	vst v1;
	s11 =	smov.u32 s13  }
0x117: {  	v1 =	vld [tilespmem:s11+$0x0];
	_ =	sdelay $0x4  }
0x118: {  	v0 =	vadd.f32 v0, v1;
	_ =	sdelay $0x1  }
0x119: {  	[tilespmem:s11+$0x0] =	vst v0  }
0x11a: {  	[tilespmem:s9], [sflag:$0x1] =	stream.strided.gather [hbm4b:s22+s6], $0xC80, s7, s6, $0x38;
	[tilespmem:$0x1900] =	vst v63  }
0x11b: {  	_ =	swait.ge [sflag:s8], $0xC80  }
0x11c: {  	[sflag:s8] =	ssyncset.done $0x0  }
0x11d: {  	s11 =	simm.s32 $0x0;
	[sflag:s8] =	ssyncadd.s32 $0xFFFFF380  }
0x11e: {  	s12 =	simm.s32 $0x40;
	v0 =	vld [tilespmem:s11+$0xC80]  }
.LBB2_38:
0x11f: {  	p0 =	sne.s32 s12, $0x31C0;
	v1 =	vld [tilespmem:s11+$0x0];
	_ =	sdelay $0x2  }
.Ltmp18:
0x120: {  	(pc) =	sbr.rel @p0 .LBB2_38-.Ltmp18, $4  }
0x121: {  	_ = 	snop  }
0x122: {  	v1 =	vadd.f32 v0, v1  }
0x123: {  	s13 =	sshra.s32 s12, $0x2  }
0x124: {  	s12 =	sadd.s32 $0x40, s12;
	v0 =	vld [tilespmem:s13+$0xC80];
	[tilespmem:s11+$0x0] =	vst v1;
	s11 =	smov.u32 s13  }
0x125: {  	v1 =	vld [tilespmem:s11+$0x0];
	_ =	sdelay $0x4  }
0x126: {  	v0 =	vadd.f32 v0, v1;
	_ =	sdelay $0x1  }
0x127: {  	[tilespmem:s11+$0x0] =	vst v0  }
0x128: {  	[tilespmem:s9], [sflag:$0x1] =	stream.strided.gather [hbm4b:s23+s6], $0xC80, s7, s6, $0x38;
	[tilespmem:$0x1900] =	vst v63  }
0x129: {  	_ =	swait.ge [sflag:s8], $0xC80  }
0x12a: {  	[sflag:s8] =	ssyncset.done $0x0  }
0x12b: {  	s11 =	simm.s32 $0x0;
	[sflag:s8] =	ssyncadd.s32 $0xFFFFF380  }
0x12c: {  	s12 =	simm.s32 $0x40;
	v0 =	vld [tilespmem:s11+$0xC80]  }
.LBB2_40:
0x12d: {  	p0 =	sne.s32 s12, $0x31C0;
	v1 =	vld [tilespmem:s11+$0x0];
	_ =	sdelay $0x2  }
.Ltmp19:
0x12e: {  	(pc) =	sbr.rel @p0 .LBB2_40-.Ltmp19, $4  }
0x12f: {  	_ = 	snop  }
0x130: {  	v1 =	vadd.f32 v0, v1  }
0x131: {  	s13 =	sshra.s32 s12, $0x2  }
0x132: {  	s12 =	sadd.s32 $0x40, s12;
	v0 =	vld [tilespmem:s13+$0xC80];
	[tilespmem:s11+$0x0] =	vst v1;
	s11 =	smov.u32 s13  }
0x133: {  	v1 =	vld [tilespmem:s11+$0x0];
	_ =	sdelay $0x4  }
0x134: {  	v0 =	vadd.f32 v0, v1;
	_ =	sdelay $0x1  }
0x135: {  	[tilespmem:s11+$0x0] =	vst v0  }
0x136: {  	[tilespmem:s9], [sflag:$0x1] =	stream.strided.gather [hbm4b:s24+s6], $0xC80, s7, s6, $0x38;
	[tilespmem:$0x1900] =	vst v63  }
0x137: {  	_ =	swait.ge [sflag:s8], $0xC80  }
0x138: {  	[sflag:s8] =	ssyncset.done $0x0  }
0x139: {  	s11 =	simm.s32 $0x0;
	[sflag:s8] =	ssyncadd.s32 $0xFFFFF380  }
0x13a: {  	s12 =	simm.s32 $0x40;
	v0 =	vld [tilespmem:s11+$0xC80]  }
.LBB2_42:
0x13b: {  	p0 =	sne.s32 s12, $0x31C0;
	v1 =	vld [tilespmem:s11+$0x0];
	_ =	sdelay $0x2  }
.Ltmp20:
0x13c: {  	(pc) =	sbr.rel @p0 .LBB2_42-.Ltmp20, $4  }
0x13d: {  	_ = 	snop  }
0x13e: {  	v1 =	vadd.f32 v0, v1  }
0x13f: {  	s13 =	sshra.s32 s12, $0x2  }
0x140: {  	s12 =	sadd.s32 $0x40, s12;
	v0 =	vld [tilespmem:s13+$0xC80];
	[tilespmem:s11+$0x0] =	vst v1;
	s11 =	smov.u32 s13  }
0x141: {  	v1 =	vld [tilespmem:s11+$0x0];
	_ =	sdelay $0x4  }
0x142: {  	v0 =	vadd.f32 v0, v1;
	_ =	sdelay $0x1  }
0x143: {  	[tilespmem:s11+$0x0] =	vst v0  }
0x144: {  	[tilespmem:s9], [sflag:$0x1] =	stream.strided.gather [hbm4b:s25+s6], $0xC80, s7, s6, $0x38;
	[tilespmem:$0x1900] =	vst v63  }
0x145: {  	_ =	swait.ge [sflag:s8], $0xC80  }
0x146: {  	[sflag:s8] =	ssyncset.done $0x0  }
0x147: {  	s11 =	simm.s32 $0x0;
	[sflag:s8] =	ssyncadd.s32 $0xFFFFF380  }
0x148: {  	s12 =	simm.s32 $0x40;
	v0 =	vld [tilespmem:s11+$0xC80]  }
.LBB2_44:
0x149: {  	p0 =	sne.s32 s12, $0x31C0;
	v1 =	vld [tilespmem:s11+$0x0];
	_ =	sdelay $0x2  }
.Ltmp21:
0x14a: {  	(pc) =	sbr.rel @p0 .LBB2_44-.Ltmp21, $4  }
0x14b: {  	_ = 	snop  }
0x14c: {  	v1 =	vadd.f32 v0, v1  }
0x14d: {  	s13 =	sshra.s32 s12, $0x2  }
0x14e: {  	s12 =	sadd.s32 $0x40, s12;
	v0 =	vld [tilespmem:s13+$0xC80];
	[tilespmem:s11+$0x0] =	vst v1;
	s11 =	smov.u32 s13  }
0x14f: {  	v1 =	vld [tilespmem:s11+$0x0];
	_ =	sdelay $0x4  }
0x150: {  	v0 =	vadd.f32 v0, v1;
	_ =	sdelay $0x1  }
0x151: {  	[tilespmem:s11+$0x0] =	vst v0  }
0x152: {  	[tilespmem:s9], [sflag:$0x1] =	stream.strided.gather [hbm4b:s26+s6], $0xC80, s7, s6, $0x38;
	[tilespmem:$0x1900] =	vst v63  }
0x153: {  	_ =	swait.ge [sflag:s8], $0xC80  }
0x154: {  	[sflag:s8] =	ssyncset.done $0x0  }
0x155: {  	s11 =	simm.s32 $0x0;
	[sflag:s8] =	ssyncadd.s32 $0xFFFFF380  }
0x156: {  	s12 =	simm.s32 $0x40;
	v0 =	vld [tilespmem:s11+$0xC80]  }
.LBB2_46:
0x157: {  	p0 =	sne.s32 s12, $0x31C0;
	v1 =	vld [tilespmem:s11+$0x0];
	_ =	sdelay $0x2  }
.Ltmp22:
0x158: {  	(pc) =	sbr.rel @p0 .LBB2_46-.Ltmp22, $4  }
0x159: {  	_ = 	snop  }
0x15a: {  	v1 =	vadd.f32 v0, v1  }
0x15b: {  	s13 =	sshra.s32 s12, $0x2  }
0x15c: {  	s12 =	sadd.s32 $0x40, s12;
	v0 =	vld [tilespmem:s13+$0xC80];
	[tilespmem:s11+$0x0] =	vst v1;
	s11 =	smov.u32 s13  }
0x15d: {  	v1 =	vld [tilespmem:s11+$0x0];
	_ =	sdelay $0x4  }
0x15e: {  	v0 =	vadd.f32 v0, v1;
	_ =	sdelay $0x1  }
0x15f: {  	[tilespmem:s11+$0x0] =	vst v0  }
0x160: {  	[tilespmem:s9], [sflag:$0x1] =	stream.strided.gather [hbm4b:s28+s6], $0xC80, s7, s6, $0x38;
	[tilespmem:$0x1900] =	vst v63  }
0x161: {  	_ =	swait.ge [sflag:s8], $0xC80  }
0x162: {  	[sflag:s8] =	ssyncset.done $0x0  }
0x163: {  	s11 =	simm.s32 $0x0;
	[sflag:s8] =	ssyncadd.s32 $0xFFFFF380  }
0x164: {  	s12 =	simm.s32 $0x40;
	v0 =	vld [tilespmem:s11+$0xC80]  }
.LBB2_48:
0x165: {  	p0 =	sne.s32 s12, $0x31C0;
	v1 =	vld [tilespmem:s11+$0x0];
	_ =	sdelay $0x2  }
.Ltmp23:
0x166: {  	(pc) =	sbr.rel @p0 .LBB2_48-.Ltmp23, $4  }
0x167: {  	_ = 	snop  }
0x168: {  	v1 =	vadd.f32 v0, v1  }
0x169: {  	s13 =	sshra.s32 s12, $0x2  }
0x16a: {  	s12 =	sadd.s32 $0x40, s12;
	v0 =	vld [tilespmem:s13+$0xC80];
	[tilespmem:s11+$0x0] =	vst v1;
	s11 =	smov.u32 s13  }
0x16b: {  	v1 =	vld [tilespmem:s11+$0x0];
	_ =	sdelay $0x4  }
0x16c: {  	v0 =	vadd.f32 v0, v1;
	_ =	sdelay $0x1  }
0x16d: {  	[tilespmem:s11+$0x0] =	vst v0  }
0x16e: {  	[tilespmem:s9], [sflag:$0x1] =	stream.strided.gather [hbm4b:s29+s6], $0xC80, s7, s6, $0x38;
	[tilespmem:$0x1900] =	vst v63  }
0x16f: {  	_ =	swait.ge [sflag:s8], $0xC80  }
0x170: {  	[sflag:s8] =	ssyncset.done $0x0  }
0x171: {  	s11 =	simm.s32 $0x0;
	[sflag:s8] =	ssyncadd.s32 $0xFFFFF380  }
0x172: {  	s12 =	simm.s32 $0x40;
	v0 =	vld [tilespmem:s11+$0xC80]  }
.LBB2_50:
0x173: {  	p0 =	sne.s32 s12, $0x31C0;
	v1 =	vld [tilespmem:s11+$0x0];
	_ =	sdelay $0x2  }
.Ltmp24:
0x174: {  	(pc) =	sbr.rel @p0 .LBB2_50-.Ltmp24, $4  }
0x175: {  	_ = 	snop  }
0x176: {  	v1 =	vadd.f32 v0, v1  }
0x177: {  	s13 =	sshra.s32 s12, $0x2  }
0x178: {  	s12 =	sadd.s32 $0x40, s12;
	v0 =	vld [tilespmem:s13+$0xC80];
	[tilespmem:s11+$0x0] =	vst v1;
	s11 =	smov.u32 s13  }
0x179: {  	v1 =	vld [tilespmem:s11+$0x0];
	_ =	sdelay $0x4  }
0x17a: {  	v0 =	vadd.f32 v0, v1;
	_ =	sdelay $0x1  }
0x17b: {  	[tilespmem:s11+$0x0] =	vst v0  }
0x17c: {  	[tilespmem:s9], [sflag:$0x1] =	stream.strided.gather [hbm4b:s30+s6], $0xC80, s7, s6, $0x38;
	[tilespmem:$0x1900] =	vst v63  }
0x17d: {  	_ =	swait.ge [sflag:s8], $0xC80  }
0x17e: {  	[sflag:s8] =	ssyncset.done $0x0  }
0x17f: {  	s11 =	simm.s32 $0x0;
	[sflag:s8] =	ssyncadd.s32 $0xFFFFF380  }
0x180: {  	s12 =	simm.s32 $0x40;
	v0 =	vld [tilespmem:s11+$0xC80]  }
.LBB2_52:
0x181: {  	p0 =	sne.s32 s12, $0x31C0;
	v1 =	vld [tilespmem:s11+$0x0];
	_ =	sdelay $0x2  }
.Ltmp25:
0x182: {  	(pc) =	sbr.rel @p0 .LBB2_52-.Ltmp25, $4  }
0x183: {  	_ = 	snop  }
0x184: {  	v1 =	vadd.f32 v0, v1  }
0x185: {  	s13 =	sshra.s32 s12, $0x2  }
0x186: {  	s12 =	sadd.s32 $0x40, s12;
	v0 =	vld [tilespmem:s13+$0xC80];
	[tilespmem:s11+$0x0] =	vst v1;
	s11 =	smov.u32 s13  }
0x187: {  	v1 =	vld [tilespmem:s11+$0x0];
	_ =	sdelay $0x4  }
0x188: {  	v0 =	vadd.f32 v0, v1;
	_ =	sdelay $0x1  }
0x189: {  	[tilespmem:s11+$0x0] =	vst v0  }
0x18a: {  	[tilespmem:s9], [sflag:$0x1] =	stream.strided.gather [hbm4b:s31+s6], $0xC80, s7, s6, $0x38;
	[tilespmem:$0x1900] =	vst v63  }
0x18b: {  	_ =	swait.ge [sflag:s8], $0xC80  }
0x18c: {  	[sflag:s8] =	ssyncset.done $0x0  }
0x18d: {  	s11 =	simm.s32 $0x0;
	[sflag:s8] =	ssyncadd.s32 $0xFFFFF380  }
0x18e: {  	s12 =	simm.s32 $0x40;
	v0 =	vld [tilespmem:s11+$0xC80]  }
.LBB2_54:
0x18f: {  	p0 =	sne.s32 s12, $0x31C0;
	v1 =	vld [tilespmem:s11+$0x0];
	_ =	sdelay $0x2  }
.Ltmp26:
0x190: {  	(pc) =	sbr.rel @p0 .LBB2_54-.Ltmp26, $4  }
0x191: {  	_ = 	snop  }
0x192: {  	v1 =	vadd.f32 v0, v1  }
0x193: {  	s13 =	sshra.s32 s12, $0x2  }
0x194: {  	s12 =	sadd.s32 $0x40, s12;
	v0 =	vld [tilespmem:s13+$0xC80];
	[tilespmem:s11+$0x0] =	vst v1;
	s11 =	smov.u32 s13  }
0x195: {  	v1 =	vld [tilespmem:s11+$0x0];
	_ =	sdelay $0x4  }
0x196: {  	v0 =	vadd.f32 v0, v1;
	_ =	sdelay $0x1  }
0x197: {  	[tilespmem:s11+$0x0] =	vst v0  }
0x198: {  	[tilespmem:s9], [sflag:$0x1] =	stream.strided.gather [hbm4b:s1+s6], $0xC80, s7, s6, $0x38;
	[tilespmem:$0x1900] =	vst v63  }
0x199: {  	_ =	swait.ge [sflag:s8], $0xC80  }
0x19a: {  	[sflag:s8] =	ssyncset.done $0x0  }
0x19b: {  	s11 =	simm.s32 $0x0;
	[sflag:s8] =	ssyncadd.s32 $0xFFFFF380  }
0x19c: {  	s12 =	simm.s32 $0x40;
	v0 =	vld [tilespmem:s11+$0xC80]  }
.LBB2_56:
0x19d: {  	p0 =	sne.s32 s12, $0x31C0;
	v1 =	vld [tilespmem:s11+$0x0];
	_ =	sdelay $0x2  }
.Ltmp27:
0x19e: {  	(pc) =	sbr.rel @p0 .LBB2_56-.Ltmp27, $4  }
0x19f: {  	_ = 	snop  }
0x1a0: {  	v1 =	vadd.f32 v0, v1  }
0x1a1: {  	s13 =	sshra.s32 s12, $0x2  }
0x1a2: {  	s12 =	sadd.s32 $0x40, s12;
	v0 =	vld [tilespmem:s13+$0xC80];
	[tilespmem:s11+$0x0] =	vst v1;
	s11 =	smov.u32 s13  }
0x1a3: {  	v1 =	vld [tilespmem:s11+$0x0];
	_ =	sdelay $0x4  }
0x1a4: {  	v0 =	vadd.f32 v0, v1;
	_ =	sdelay $0x1  }
0x1a5: {  	[tilespmem:s11+$0x0] =	vst v0  }
0x1a6: {  	[tilespmem:s9], [sflag:$0x1] =	stream.strided.gather [hbm4b:s0+s6], $0xC80, s7, s6, $0x38;
	[tilespmem:$0x1900] =	vst v63  }
0x1a7: {  	_ =	swait.ge [sflag:s8], $0xC80  }
0x1a8: {  	[sflag:s8] =	ssyncset.done $0x0  }
0x1a9: {  	s11 =	simm.s32 $0x0;
	[sflag:s8] =	ssyncadd.s32 $0xFFFFF380  }
0x1aa: {  	s12 =	simm.s32 $0x40;
	v0 =	vld [tilespmem:s11+$0xC80]  }
.LBB2_58:
0x1ab: {  	p0 =	sne.s32 s12, $0x31C0;
	v1 =	vld [tilespmem:s11+$0x0];
	_ =	sdelay $0x2  }
.Ltmp28:
0x1ac: {  	(pc) =	sbr.rel @p0 .LBB2_58-.Ltmp28, $4  }
0x1ad: {  	_ = 	snop  }
0x1ae: {  	v1 =	vadd.f32 v0, v1  }
0x1af: {  	s13 =	sshra.s32 s12, $0x2  }
0x1b0: {  	s12 =	sadd.s32 $0x40, s12;
	v0 =	vld [tilespmem:s13+$0xC80];
	[tilespmem:s11+$0x0] =	vst v1;
	s11 =	smov.u32 s13  }
0x1b1: {  	v1 =	vld [tilespmem:s11+$0x0];
	_ =	sdelay $0x4  }
0x1b2: {  	v0 =	vadd.f32 v0, v1;
	_ =	sdelay $0x1  }
0x1b3: {  	[tilespmem:s11+$0x0] =	vst v0  }
0x1b4: {  	[tilespmem:s9], [sflag:$0x1] =	stream.strided.gather [hbm4b:s2+s6], $0xC80, s7, s6, $0x38;
	[tilespmem:$0x1900] =	vst v63  }
0x1b5: {  	_ =	swait.ge [sflag:s8], $0xC80  }
0x1b6: {  	[sflag:s8] =	ssyncset.done $0x0  }
0x1b7: {  	s11 =	simm.s32 $0x0;
	[sflag:s8] =	ssyncadd.s32 $0xFFFFF380  }
0x1b8: {  	s12 =	simm.s32 $0x40;
	v0 =	vld [tilespmem:s11+$0xC80]  }
.LBB2_60:
0x1b9: {  	p0 =	sne.s32 s12, $0x31C0;
	v1 =	vld [tilespmem:s11+$0x0];
	_ =	sdelay $0x2  }
.Ltmp29:
0x1ba: {  	(pc) =	sbr.rel @p0 .LBB2_60-.Ltmp29, $4  }
0x1bb: {  	_ = 	snop  }
0x1bc: {  	v1 =	vadd.f32 v0, v1  }
0x1bd: {  	s13 =	sshra.s32 s12, $0x2  }
0x1be: {  	s12 =	sadd.s32 $0x40, s12;
	v0 =	vld [tilespmem:s13+$0xC80];
	[tilespmem:s11+$0x0] =	vst v1;
	s11 =	smov.u32 s13  }
0x1bf: {  	v1 =	vld [tilespmem:s11+$0x0];
	_ =	sdelay $0x4  }
0x1c0: {  	v0 =	vadd.f32 v0, v1;
	_ =	sdelay $0x1  }
0x1c1: {  	[tilespmem:s11+$0x0] =	vst v0  }
0x1c2: {  	[tilespmem:s9], [sflag:$0x1] =	stream.strided.gather [hbm4b:s3+s6], $0xC80, s7, s6, $0x38;
	[tilespmem:$0x1900] =	vst v63  }
0x1c3: {  	_ =	swait.ge [sflag:s8], $0xC80  }
0x1c4: {  	[sflag:s8] =	ssyncset.done $0x0  }
0x1c5: {  	s11 =	simm.s32 $0x0;
	[sflag:s8] =	ssyncadd.s32 $0xFFFFF380  }
0x1c6: {  	s13 =	simm.s32 $0x40;
	s12 =	simm.s32 $0x0;
	v0 =	vld [tilespmem:s11+$0xC80]  }
.LBB2_62:
0x1c7: {  	p0 =	sne.s32 s13, $0x31C0;
	v1 =	vld [tilespmem:s12+$0x0];
	_ =	sdelay $0x2  }
.Ltmp30:
0x1c8: {  	(pc) =	sbr.rel @p0 .LBB2_62-.Ltmp30, $4  }
0x1c9: {  	_ = 	snop  }
0x1ca: {  	v1 =	vadd.f32 v0, v1  }
0x1cb: {  	s14 =	sshra.s32 s13, $0x2  }
0x1cc: {  	s13 =	sadd.s32 $0x40, s13;
	v0 =	vld [tilespmem:s14+$0xC80];
	[tilespmem:s12+$0x0] =	vst v1;
	s12 =	smov.u32 s14  }
0x1cd: {  	v1 =	vld [tilespmem:s12+$0x0];
	_ =	sdelay $0x4  }
0x1ce: {  	v0 =	vadd.f32 v0, v1;
	_ =	sdelay $0x1  }
0x1cf: {  	[tilespmem:s12+$0x0] =	vst v0;
	s12 =	simm.s32 $0x40  }
.LBB2_64:
0x1d0: {  	p0 =	sne.s32 s12, $0x31C0;
	v0 =	vld [tilespmem:s11+$0x0];
	_ =	sdelay $0x4  }
0x1d1: {  	v0 =	vadd.f32 $1.000000000e+00, v0;
	_ =	sdelay $0x1  }
0x1d2: {  	v1 =	vshra.s32 v0, $0x1;
	v0 =	vmul.f32 $5.000000000e-01, v0  }
0x1d3: {  	v1 =	vsub.s32 $0x5F3759DF, v1  }
0x1d4: {  	v2 =	vmul.f32 v1, v0;
	_ =	sdelay $0x1  }
0x1d5: {  	v2 =	vmul.f32 v1, v2;
	_ =	sdelay $0x1  }
0x1d6: {  	v2 =	vsub.f32 $1.500000000e+00, v2;
	_ =	sdelay $0x1  }
0x1d7: {  	v1 =	vmul.f32 v1, v2;
	_ =	sdelay $0x1  }
0x1d8: {  	v2 =	vmul.f32 v1, v0;
	_ =	sdelay $0x1  }
0x1d9: {  	v2 =	vmul.f32 v2, v1;
	_ =	sdelay $0x1  }
0x1da: {  	v2 =	vsub.f32 $1.500000000e+00, v2;
	_ =	sdelay $0x1  }
0x1db: {  	v1 =	vmul.f32 v2, v1;
	_ =	sdelay $0x1  }
0x1dc: {  	v0 =	vmul.f32 v1, v0;
	_ =	sdelay $0x1  }
0x1dd: {  	v0 =	vmul.f32 v0, v1;
	_ =	sdelay $0x1  }
.Ltmp31:
0x1de: {  	v0 =	vsub.f32 $1.500000000e+00, v0;
	(pc) =	sbr.rel @p0 .LBB2_64-.Ltmp31, $3  }
0x1df: {  	_ = 	snop  }
0x1e0: {  	v0 =	vmul.f32 v0, v1;
	_ =	sdelay $0x1  }
0x1e1: {  	[tilespmem:s11+$0x0] =	vst v0;
	s11 =	sshra.s32 s12, $0x2;
	s12 =	sadd.s32 $0x40, s12  }
0x1e2: {  	v0 =	vld [tilespmem:s11+$0x0];
	_ =	sdelay $0x4  }
0x1e3: {  	v0 =	vadd.f32 $1.000000000e+00, v0;
	_ =	sdelay $0x1  }
0x1e4: {  	v1 =	vshra.s32 v0, $0x1;
	v0 =	vmul.f32 $5.000000000e-01, v0  }
0x1e5: {  	v1 =	vsub.s32 $0x5F3759DF, v1  }
0x1e6: {  	v2 =	vmul.f32 v1, v0;
	_ =	sdelay $0x1  }
0x1e7: {  	v2 =	vmul.f32 v1, v2;
	_ =	sdelay $0x1  }
0x1e8: {  	v2 =	vsub.f32 $1.500000000e+00, v2;
	_ =	sdelay $0x1  }
0x1e9: {  	v1 =	vmul.f32 v1, v2;
	_ =	sdelay $0x1  }
0x1ea: {  	v2 =	vmul.f32 v1, v0;
	_ =	sdelay $0x1  }
0x1eb: {  	v2 =	vmul.f32 v2, v1;
	_ =	sdelay $0x1  }
0x1ec: {  	v2 =	vsub.f32 $1.500000000e+00, v2;
	_ =	sdelay $0x1  }
0x1ed: {  	v1 =	vmul.f32 v2, v1;
	_ =	sdelay $0x1  }
0x1ee: {  	v0 =	vmul.f32 v1, v0;
	_ =	sdelay $0x1  }
0x1ef: {  	v0 =	vmul.f32 v0, v1;
	_ =	sdelay $0x1  }
0x1f0: {  	v0 =	vsub.f32 $1.500000000e+00, v0;
	_ =	sdelay $0x1  }
0x1f1: {  	s10 =	sadd.s32 $0x1, s10;
	v0 =	vmul.f32 v0, v1  }
0x1f2: {  	p0 =	sne.s32 s10, s5  }
.Ltmp32:
0x1f3: {  	[tilespmem:s11+$0x0] =	vst v0;
	s11 =	simm.s32 $0x0;
	(pc) =	sbr.rel @p0 .LBB2_1-.Ltmp32, $4  }
0x1f4: {  	[hbm4b:s4+s11] =	stream.linear.scatter [tilespmem:s11], [sflag:$0x1], $0xC80, $0x38;
	[tilespmem:$0x1900] =	vst v63  }
0x1f5: {  	_ =	swait.ge [sflag:s8], $0xC80  }
0x1f6: {  	[sflag:s8] =	ssyncset.done $0x0  }
0x1f7: {  	[sflag:s8] =	ssyncadd.s32 $0xFFFFF380  }
0x1f8: {  	_ =	sfence.sel $0x180000  }
0x1f9: {  	[bflag:$0x0] =	sbarrier.arrive $0xFFFF  }
0x1fa: {  	_ =	strace $0x9000004A  }
0x1fb: {  	s0 =	stileid.u32;
	[bflag:$0x2] =	sbarrier.arrive $0xFFFF  }
0x1fc: {  	p0 =	sne.s32 s0, $0x0;
	s0 =	rddreg [dreg:$0x1]  }
0x1fd: {  	s0 =	sadd.s32 @!p0 $0x100000, s0  }
0x1fe: {  	[sflag:s0] =	ssyncadd.tile.s32 @!p0 $0x1;
	_ =	shalt  }
.Lfunc_end2:
_tile_overlayer_lowered:
.L_overlay_start_2:
0x1ff: {  	(tag) =	ssettag $0x2  }
0x200: {  	s0 =	rddreg [dreg:$0x0];
	s2 =	stileid.u32  }
0x201: {  	s1 =	rddreg [dreg:$0x1];
	p0 =	sne.s32 s2, $0x0  }
0x202: {  	s3 =	rddreg [dreg:$0x2];
	[bflag:$0x3] =	sbarrier.arrive $0xFFFF;
	s2 =	simm.s32 @!p0 $0x1C01  }
0x203: {  	[timem:s3], [sflag:s2] =	dma.local @!p0 [hbm:s0], s1  }
0x204: {  	s0 =	simm.s32 @!p0 $0x1  }
0x205: {  	_ =	swait.ge @!p0 [sflag:s0], s1  }
0x206: {  	s1 =	ssub.s32 @!p0 $0x0, s1;
	[sflag:s0] =	ssyncset.done @!p0 $0x0  }
0x207: {  	[sflag:s0] =	ssyncadd.s32 @!p0 s1  }
0x208: {  	[bflag:$0x3] =	sbarrier.arrive $0xFFFF  }
0x209: {  	_ =	shalt  }

// kernel: kernel.16.cloned.1.call-start
scs
__scs_entry_jumppad:
0x0: {  	(pc) =	sbr.rel $0x88, $3  }
0x1: {  	(tag) =	ssettag $0x0;
	lr =	simm.s32 $0x1  }
0x2: {  	[smem:$0x3F93] =	sst lr;
	_ =	strace $0xD0000000  }
0x3: {  	_ = 	snop  }
0x4: {  	_ = 	snop  }
0x5: {  	_ = 	snop  }
0x6: {  	_ = 	snop  }
0x7: {  	_ = 	snop  }
__scs_overlays_trampoline_lowered:
0x8: {  	[smem:$0x3FA2] =	sst s0  }
0x9: {  	[smem:$0x3FA3] =	sst s1  }
0xa: {  	[smem:$0x3FA4] =	sst s2  }
0xb: {  	[smem:$0x3FA5] =	sst s3  }
0xc: {  	[smem:$0x3FA6] =	sst s4  }
0xd: {  	[smem:$0x3FA7] =	sst s5  }
0xe: {  	[smem:$0x3FA8] =	sst s6  }
0xf: {  	[smem:$0x3FA9] =	sst s7  }
0x10: {  	[smem:$0x3FAA] =	sst s8  }
0x11: {  	[smem:$0x3FAB] =	sst s9;
	s0 =	simm.s32 @!p0 $0x0  }
0x12: {  	s1 =	sld [smem:$0x3F91];
	s0 =	simm.s32 @p0 $0x1  }
0x13: {  	[smem:$0x3FAC] =	sst s0;
	s0 =	simm.s32 @!p1 $0x0  }
0x14: {  	s2 =	sld [smem:$0x3F90];
	s0 =	simm.s32 @p1 $0x1  }
0x15: {  	[smem:$0x3FAD] =	sst s0;
	s0 =	simm.s32 @!p2 $0x0  }
0x16: {  	s3 =	sld [smem:$0x3FDB];
	s0 =	simm.s32 @p2 $0x1  }
0x17: {  	s4 =	simm.s32 $0x1BF5;
	[smem:$0x3FAF] =	sst s0  }
0x18: {  	s0 =	sld [smem:$0x3F92];
	_ =	swait.ge [sflag:s4], $0x0  }
0x19: {  	s7 =	sld [smem:$0x3F93]  }
0x1a: {  	s8 =	sadd.s32 $0xFFFFE003, lr  }
0x1b: {  	s9 =	sadd.s32 $0xFFFFFEF7, lr;
	s5 =	simm.s32 $0xFFFFFFFF;
	p2 =	slt.u32 s8, $0xFFFFF086  }
0x1c: {  	p1 =	slt.u32 s9, $0xF7A;
	s5 =	simm.s32 @!p2 $0x0  }
0x1d: {  	s5 =	simm.s32 @p1 $0x1;
	p0 =	seq.s32 s7, s2  }
0x1e: {  	s7 =	smul.u32 @!p0 $0xF7A, s2;
	p2 =	seq.s32 @!p0 s5, $0x0  }
0x1f: {  	s9 =	smul.u32 $0xF7A, s1;
	s8 =	simm.s32 @!p0 $0x1BF5;
	p2 =	por !p2, p0  }
0x20: {  	[sflag:s8] =	ssyncset.s32 @!p0 $0xFFFFF086;
	s6 =	sadd.s32 @!p0 s3, s7;
	s7 =	simm.s32 @!p0 $0x108  }
0x21: {  	s3 =	sadd.s32 s3, s9;
	s6 =	sadd.s32 @!p0 $0x88, s6;
	s7 =	simm.s32 @p2 $0x1082  }
0x22: {  	[simem:s7], [sflag:s8] =	dma.local @!p0 [hbm:s6], $0xF7A  }
0x23: {  	s9 =	sor.u32 $0xD0000000, s2;
	s6 =	simm.s32 $0x108;
	_ =	swait.ge @!p0 [sflag:s8], $0x0  }
0x24: {  	s3 =	sadd.s32 $0x88, s3;
	s6 =	simm.s32 @!p1 $0x1082;
	[sflag:s4] =	ssyncset.s32 $0xFFFFF086  }
0x25: {  	[simem:s6], [sflag:s4] =	dma.local [hbm:s3], $0xF7A  }
0x26: {  	[smem:$0x3F93] =	sst s1;
	(tag) =	ssettag s2;
	_ =	strace s9  }
0x27: {  	s1 =	sld [smem:$0x3FA3]  }
0x28: {  	s2 =	sld [smem:$0x3FA4]  }
0x29: {  	s4 =	sld [smem:$0x3FA6]  }
0x2a: {  	p0 =	seq.s32 s5, $0x0;
	s5 =	sld [smem:$0x3FA7]  }
0x2b: {  	s6 =	sld [smem:$0x3FA8]  }
0x2c: {  	s7 =	sld [smem:$0x3FA9]  }
0x2d: {  	s3 =	simm.s32 $0x108;
	s8 =	sld [smem:$0x3FAA]  }
0x2e: {  	s3 =	simm.s32 @!p0 $0x1082;
	s9 =	sld [smem:$0x3FAB]  }
0x2f: {  	lr =	sadd.s32 s0, s3;
	s0 =	sld [smem:$0x3FA2]  }
0x30: {  	s3 =	sld [smem:$0x3FA5]  }
0x31: {  	[smem:$0x3FAE] =	sst s10  }
0x32: {  	s10 =	sld [smem:$0x3FAC];
	_ =	sdelay $0x3  }
0x33: {  	p0 =	seq.s32 s10, $0x1;
	s10 =	sld [smem:$0x3FAE];
	_ =	sdelay $0x3  }
0x34: {  	[smem:$0x3FAE] =	sst s10  }
0x35: {  	s10 =	sld [smem:$0x3FAD];
	_ =	sdelay $0x3  }
0x36: {  	p1 =	seq.s32 s10, $0x1;
	s10 =	sld [smem:$0x3FAE];
	_ =	sdelay $0x3  }
0x37: {  	[smem:$0x3FAE] =	sst s10  }
0x38: {  	s10 =	sld [smem:$0x3FAF]  }
0x39: {  	_ = 	snop;
	(pc) =	sbr.ind lr, $3  }
0x3a: {  	_ = 	snop  }
0x3b: {  	_ = 	snop  }
0x3c: {  	p2 =	seq.s32 s10, $0x1;
	s10 =	sld [smem:$0x3FAE]  }
0x3d: {  	_ =	shalt  }
0x3e: {  	_ =	shalt  }
0x3f: {  	_ =	shalt  }
0x40: {  	_ =	shalt  }
0x41: {  	_ =	shalt  }
0x42: {  	_ =	shalt  }
0x43: {  	_ =	shalt  }
0x44: {  	_ =	shalt  }
0x45: {  	_ =	shalt  }
0x46: {  	_ =	shalt  }
0x47: {  	_ =	shalt  }
0x48: {  	_ =	shalt  }
0x49: {  	_ =	shalt  }
0x4a: {  	_ =	shalt  }
0x4b: {  	_ =	shalt  }
0x4c: {  	_ =	shalt  }
0x4d: {  	_ =	shalt  }
0x4e: {  	_ =	shalt  }
0x4f: {  	_ =	shalt  }
0x50: {  	_ =	shalt  }
0x51: {  	_ =	shalt  }
0x52: {  	_ =	shalt  }
0x53: {  	_ =	shalt  }
0x54: {  	_ =	shalt  }
0x55: {  	_ =	shalt  }
0x56: {  	_ =	shalt  }
0x57: {  	_ =	shalt  }
0x58: {  	_ =	shalt  }
0x59: {  	_ =	shalt  }
0x5a: {  	_ =	shalt  }
0x5b: {  	_ =	shalt  }
0x5c: {  	_ =	shalt  }
0x5d: {  	_ =	shalt  }
0x5e: {  	_ =	shalt  }
0x5f: {  	_ =	shalt  }
0x60: {  	_ =	shalt  }
0x61: {  	_ =	shalt  }
0x62: {  	_ =	shalt  }
0x63: {  	_ =	shalt  }
0x64: {  	_ =	shalt  }
0x65: {  	_ =	shalt  }
0x66: {  	_ =	shalt  }
0x67: {  	_ =	shalt  }
0x68: {  	_ =	shalt  }
0x69: {  	_ =	shalt  }
0x6a: {  	_ =	shalt  }
0x6b: {  	_ =	shalt  }
0x6c: {  	_ =	shalt  }
0x6d: {  	_ =	shalt  }
0x6e: {  	_ =	shalt  }
0x6f: {  	_ =	shalt  }
0x70: {  	_ =	shalt  }
0x71: {  	_ =	shalt  }
0x72: {  	_ =	shalt  }
0x73: {  	_ =	shalt  }
0x74: {  	_ =	shalt  }
0x75: {  	_ =	shalt  }
0x76: {  	_ =	shalt  }
0x77: {  	_ =	shalt  }
0x78: {  	_ =	shalt  }
0x79: {  	_ =	shalt  }
0x7a: {  	_ =	shalt  }
0x7b: {  	_ =	shalt  }
0x7c: {  	_ =	shalt  }
0x7d: {  	_ =	shalt  }
0x7e: {  	_ =	shalt  }
0x7f: {  	_ =	shalt  }
0x80: {  	_ =	shalt  }
0x81: {  	_ =	shalt  }
0x82: {  	_ =	shalt  }
0x83: {  	_ =	shalt  }
0x84: {  	_ =	shalt  }
0x85: {  	_ =	shalt  }
0x86: {  	_ =	shalt  }
0x87: {  	_ =	shalt  }
.Lfunc_end0:
.L_simem_size_0:
called_computation.2_lowered:
.L_overlay_start_0:
0x88: {  	s2 =	sld [smem:$0x3FD9]  }
0x89: {  	s3 =	sld [smem:$0x3FFE];
	_ =	sdelay $0x1  }
0x8a: {  	s1 =	srdreg.scid  }
0x8b: {  	s0 =	sand.u32 $0x1, s1  }
0x8c: {  	s16 =	sshll.u32 s0, $0xA;
	s2 =	sadd.s32 s3, s2  }
0x8d: {  	s2 =	sadd.s32 s2, s16  }
0x8e: {  	[smem:$0x3FBA] =	sst s2  }
0x8f: {  	_ = 	snop  }
0x90: {  	(tm) =	ssettm $0x1  }
0x91: {  	s17 =	sld [smem:$0x3FFB];
	_ =	sdelay $0x3  }
0x92: {  	_ =	strace s17  }
0x93: {  	s2 =	sld [smem:$0x3FFC];
	_ =	sdelay $0x3  }
0x94: {  	_ =	strace s2  }
0x95: {  	s2 =	sld [smem:$0x3FFD];
	_ =	sdelay $0x3  }
0x96: {  	_ =	strace s2  }
0x97: {  	_ =	strace $0x8FFFFFFF  }
0x98: {  	s18 =	sld [smem:$0x3FDB];
	_ =	sdelay $0x1  }
0x99: {  	s19 =	simm.s32 $_scs_section_size  }
0x9a: {  	s4 =	simm.s32 $_size__tile_overlayer_lowered;
	s5 =	simm.s32 $_tile_overlayer_lowered  }
0x9b: {  	s22 =	simm.s32 $0x1BFF;
	s21 =	sshll.u32 s5, $0x1;
	s2 =	sadd.s32 s19, s18  }
0x9c: {  	s6 =	simm.s32 $0x0;
	s20 =	sshll.u32 s4, $0x1;
	s4 =	sadd.s32 s21, s2  }
0x9d: {  	[timem:s6], [sflag:s22] =	dma.local [hbm:s4], s20  }
0x9e: {  	_ =	swait.ge [sflag:s22], s20  }
0x9f: {  	s3 =	ssub.s32 $0x0, s20;
	[sflag:s22] =	ssyncset.done $0x0  }
0xa0: {  	[sflag:s22] =	ssyncadd.s32 s3;
	_ =	sdelay $0x1  }
0xa1: {  	s23 =	simm.s32 $0x1B8B  }
0xa2: {  	_ =	swait.ge [sflag:s23], $0x1  }
0xa3: {  	[sflag:s23] =	ssyncset.done $0x0  }
0xa4: {  	s25 =	simm.s32 $0x1B8E;
	s24 =	sld [smem:$0x3FFE];
	[sflag:s23] =	ssyncadd.s32 $0xFFFFFFFF  }
0xa5: {  	s26 =	simm.s32 $execute0_lowered;
	[smem:$0x3FD2] =	sst s25  }
0xa6: {  	s4 =	sshll.u32 s26, $0x1;
	_ =	strace $0x8000004C;
	[dreg:$0x1] =	wrdreg $0xFFFFFFFF  }
0xa7: {  	s28 =	simm.s32 $_size_execute0_lowered;
	s2 =	sadd.s32 s2, s4;
	[dreg:$0x0] =	wrdreg $0x0  }
0xa8: {  	s4 =	sshll.u32 s28, $0x1;
	[dreg:$0x2] =	wrdreg s2  }
0xa9: {  	[dreg:$0x3] =	wrdreg s4  }
0xaa: {  	[dreg:$0x4] =	wrdreg $0xC0  }
0xab: {  	_ =	task [dreg:s6], $0x5FFFF  }
0xac: {  	[dreg:$0x1] =	wrdreg $0xFFFFFFFF  }
0xad: {  	[dreg:$0x0] =	wrdreg $0x60  }
0xae: {  	[dreg:$0x2] =	wrdreg s24  }
0xaf: {  	[dreg:$0x3] =	wrdreg $0x0  }
0xb0: {  	[dreg:$0x4] =	wrdreg $0x9  }
0xb1: {  	_ =	task.clear_ibuf [dreg:s6], $0x5FFFF;
	_ =	strace $0x9000004C  }
0xb2: {  	s29 =	simm.s32 $0x9;
	_ =	strace $0x8000004E  }
0xb3: {  	_ =	swait.ge [sflag:s29], $0x1  }
0xb4: {  	[sflag:s29] =	ssyncadd.s32 $0xFFFFFFFF  }
0xb5: {  	_ =	strace $0x9000004E  }
0xb6: {  	_ =	sfence  }
0xb7: {  	s30 =	sld [smem:$0x0];
	_ =	sdelay $0x2  }
0xb8: {  	s31 =	sshll.u32 s1, $0xD;
	s1 =	sshrl.u32 s1, $0x2  }
0xb9: {  	s3 =	sand.u32 $0x4000, s31;
	s1 =	sadd.s32 s1, s30  }
0xba: {  	s0 =	sor.u32 s3, s0;
	s1 =	sshll.u32 s1, $0x11  }
0xbb: {  	s0 =	sor.u32 s1, s0  }
0xbc: {  	s0 =	sadd.s32 $0x8F2B, s0  }
0xbd: {  	[sflag:s0] =	ssyncadd.remote.s32 $0x1  }
0xbe: {  	_ =	sfence.sel $0xFFFF  }
0xbf: {  	[dreg:$0x0] =	wrdreg $0xFFFFFFFF;
	(pc) =	sbr.abs _section_cstart, $3  }
0xc0: {  	[dreg:$0x1] =	wrdreg $0xFFFFFFFF  }
0xc1: {  	_ =	task.clear_ibuf [dreg:s6], $0x2FFFF;
	_ =	strace $0x9FFFFFFF  }
0xc2: {  	(tm) =	ssettm $0x7FFFFFFF  }
0xc3: {  	_ =	shalt  }
tec
execute0_lowered:
.L_overlay_start_1:
0x0: {  	(tag) =	ssettag $0x1  }
0x1: {  	s0 =	rddreg [dreg:$0x0]  }
0x2: {  	s1 =	rddreg [dreg:$0x1]  }
0x3: {  	s5 =	simm.s32 $0x0;
	s2 =	srdreg.scid;
	s8 =	stileid.u32  }
0x4: {  	s20 =	simm.s32 $0x1B080;
	s21 =	simm.s32 $0x2;
	s22 =	simm.s32 $0x19080  }
0x5: {  	s23 =	simm.s32 $0x19880;
	s28 =	simm.s32 $0x80;
	s31 =	simm.s32 $0x0  }
0x6: {  	[smem:$0x7FF] =	sst s5;
	s4 =	sadd.s32 $0x6A000, s0;
	s9 =	sand.u32 $0x1, s2  }
0x7: {  	s24 =	smul.u32 $0x64000, s8;
	s6 =	sadd.s32 $0x36000, s0;
	s7 =	sadd.s32 $0x2000, s0  }
0x8: {  	s0 =	sadd.s32 $0x1F0A00, s0;
	s26 =	smul.u32 $0x320, s8;
	s17 =	sadd.s32 $0x190000, s1  }
0x9: {  	s29 =	sshll.u32 s8, $0x5;
	s18 =	smul.u32 $0x1A000, s8;
	p0 =	sne.s32 s8, $0x0  }
0xa: {  	_ =	strace $0x8000004D;
	s3 =	ssub.s32 $0x2, s9;
	[dreg:$0x4] =	wrdreg s0  }
0xb: {  	s11 =	smov.u32 s9;
	s30 =	sshll.u32 s9, $0x4;
	s25 =	sshrl.u32 s3, $0x1  }
0xc: {  	s2 =	sshrl.u32 s24, $0x2;
	[dreg:$0x5] =	wrdreg s26;
	s24 =	simm.s32 $0x1A080  }
.Ltmp0:
0xd: {  	s26 =	simm.s32 $0x1;
	s10 =	sadd.s32 s2, s1;
	(pc) =	sbr.rel .LBB2_1-.Ltmp0, $4  }
0xe: {  	v0 =	vlaneseq.u32;
	s0 =	ssub.s32 s3, s25;
	s25 =	simm.s32 $0x1A880;
	s2 =	sadd.s32 $0x4000, s10  }
0xf: {  	v1 =	vmul.u32 $0x40, v0;
	s12 =	sadd.s32 $0x8000, s10;
	s13 =	sadd.s32 $0xC000, s10;
	s14 =	sadd.s32 $0x10000, s10  }
0x10: {  	v2 =	vimm.f32 $0.0e+00;
	s0 =	smax.u32 s0, $0x1;
	[dreg:$0x6] =	wrdreg s2;
	s2 =	sor.u32 s30, s29  }
0x11: {  	v3 =	vimm.s32 $0x0;
	v4 =	vor.u32 $0x3200, v0;
	s15 =	sadd.s32 $0x14000, s10;
	s16 =	sadd.s32 $0x18000, s10;
	[dreg:$0x7] =	wrdreg s0;
	v1 =	vadd.s32 s2, v1  }
.LBB2_13:
0x12: {  	s5 =	rddreg [dreg:$0x3]  }
0x13: {  	s0 =	rddreg [dreg:$0x7];
	s5 =	sadd.s32 $0x1, s5  }
0x14: {  	p1 =	sne.s32 s5, s0  }
.Ltmp1:
0x15: {  	_ = 	snop;
	(pc) =	sbr.rel @!p1 .LBB2_14-.Ltmp1, $1  }
0x16: {  	_ =	sdelay $0x3  }
.LBB2_1:
.Ltmp2:
0x17: {  	(pc) =	sbr.rel .LBB2_2-.Ltmp2, $2  }
0x18: {  	_ =	sdelay $0x2  }
0x19: {  	[dreg:$0x3] =	wrdreg s5;
	s29 =	simm.s32 $0x0  }
.LBB2_12:
0x1a: {  	s0 =	rddreg [dreg:$0x5];
	[bflag:$0x0] =	sbarrier.arrive $0xFFFF;
	s2 =	stileid.u32  }
0x1b: {  	s29 =	sadd.s32 $0x1, s29;
	s0 =	sadd.s32 s0, s30;
	s2 =	sshll.u32 s2, $0x6  }
0x1c: {  	s3 =	rddreg [dreg:$0x4];
	s30 =	sshrl.u32 s10, $0x3;
	s0 =	sshll.u32 s0, $0x4  }
0x1d: {  	p1 =	sne.s32 s29, $0x4;
	s2 =	sor.u32 $0x1C02, s2;
	s0 =	sadd.s32 s3, s0  }
0x1e: {  	[hbm:s0], [sflag:s2] =	dma.local [spmem:s30], $0x3200  }
.Ltmp3:
0x1f: {  	_ =	swait.ge [sflag:s21], $0x3200;
	(pc) =	sbr.rel @!p1 .LBB2_13-.Ltmp3, $3  }
0x20: {  	[sflag:s21] =	ssyncset.done $0x0  }
0x21: {  	[sflag:s21] =	ssyncadd.s32 $0xFFFFCE00  }
0x22: {  	[bflag:$0x0] =	sbarrier.arrive $0xFFFF;
	_ =	sdelay $0x1  }
.LBB2_2:
0x23: {  	s2 =	simm.s32 $0x0  }
0x24: {  	s0 =	simm.s32 $0x10;
	s2 =	sand.u32 $0x3FF0, s2  }
.LBB2_3:
0x25: {  	p1 =	sne.s32 s0, $0x3FF0;
	[tilespmem:s2+$0x1B080] =	vst v2;
	s2 =	smov.u32 s0;
	s0 =	sadd.s32 $0x10, s0  }
.Ltmp4:
0x26: {  	(pc) =	sbr.rel @p1 .LBB2_3-.Ltmp4, $2  }
0x27: {  	_ =	sdelay $0x2  }
0x28: {  	s2 =	sand.u32 $0x3FF0, s2  }
0x29: {  	[tilespmem:s2+$0x1B080] =	vst v2  }
0x2a: {  	[spmem:s10] =	stream.linear.scatter [tilespmem:s20], [sflag:$0x2], $0x4000, $0x38;
	[tilespmem:$0x1F080] =	vst v63  }
0x2b: {  	_ =	swait.ge [sflag:s21], $0x4000  }
0x2c: {  	[sflag:s21] =	ssyncset.done $0x0  }
0x2d: {  	s0 =	rddreg [dreg:$0x6];
	[sflag:s21] =	ssyncadd.s32 $0xFFFFC000  }
0x2e: {  	[spmem:s0] =	stream.linear.scatter [tilespmem:s20], [sflag:$0x2], $0x4000, $0x38;
	[tilespmem:$0x1F080] =	vst v63  }
0x2f: {  	_ =	swait.ge [sflag:s21], $0x4000  }
0x30: {  	[sflag:s21] =	ssyncset.done $0x0  }
0x31: {  	[sflag:s21] =	ssyncadd.s32 $0xFFFFC000  }
0x32: {  	[spmem:s12] =	stream.linear.scatter [tilespmem:s20], [sflag:$0x2], $0x4000, $0x38;
	[tilespmem:$0x1F080] =	vst v63  }
0x33: {  	_ =	swait.ge [sflag:s21], $0x4000  }
0x34: {  	[sflag:s21] =	ssyncset.done $0x0  }
0x35: {  	[sflag:s21] =	ssyncadd.s32 $0xFFFFC000  }
0x36: {  	[spmem:s13] =	stream.linear.scatter [tilespmem:s20], [sflag:$0x2], $0x4000, $0x38;
	[tilespmem:$0x1F080] =	vst v63  }
0x37: {  	_ =	swait.ge [sflag:s21], $0x4000  }
0x38: {  	[sflag:s21] =	ssyncset.done $0x0  }
0x39: {  	[sflag:s21] =	ssyncadd.s32 $0xFFFFC000  }
0x3a: {  	[spmem:s14] =	stream.linear.scatter [tilespmem:s20], [sflag:$0x2], $0x4000, $0x38;
	[tilespmem:$0x1F080] =	vst v63  }
0x3b: {  	_ =	swait.ge [sflag:s21], $0x4000  }
0x3c: {  	[sflag:s21] =	ssyncset.done $0x0  }
0x3d: {  	[sflag:s21] =	ssyncadd.s32 $0xFFFFC000  }
0x3e: {  	[spmem:s15] =	stream.linear.scatter [tilespmem:s20], [sflag:$0x2], $0x4000, $0x38;
	[tilespmem:$0x1F080] =	vst v63  }
0x3f: {  	_ =	swait.ge [sflag:s21], $0x4000  }
0x40: {  	[sflag:s21] =	ssyncset.done $0x0  }
0x41: {  	[sflag:s21] =	ssyncadd.s32 $0xFFFFC000  }
0x42: {  	[spmem:s16] =	stream.linear.scatter [tilespmem:s20], [sflag:$0x2], $0x1000, $0x38;
	[tilespmem:$0x1F080] =	vst v63  }
0x43: {  	_ =	swait.ge [sflag:s21], $0x1000  }
0x44: {  	[sflag:s21] =	ssyncset.done $0x0  }
0x45: {  	s2 =	simm.s32 @!p0 $0x1B080;
	[sflag:s21] =	ssyncadd.s32 $0xFFFFF000  }
0x46: {  	[spmem:s17] =	stream.linear.scatter @!p0 [tilespmem:s2], [sflag:$0x2], $0x800, $0x38;
	[tilespmem:$0x1F080] =	vst v63  }
0x47: {  	s19 =	sshll.u32 s29, $0x1;
	s2 =	simm.s32 @!p0 $0x2  }
.Ltmp5:
0x48: {  	s0 =	sor.u32 s11, s19;
	_ =	swait.ge @!p0 [sflag:s2], $0x800;
	(pc) =	sbr.rel .LBB2_5-.Ltmp5, $4  }
0x49: {  	s30 =	smul.u32 $0x3200, s0;
	[sflag:s2] =	ssyncset.done @!p0 $0x0  }
0x4a: {  	[sflag:s2] =	ssyncadd.s32 @!p0 $0xFFFFF800  }
0x4b: {  	s0 =	sadd.s32 $0x3200, s30;
	[bflag:$0x0] =	sbarrier.arrive $0xFFFF  }
0x4c: {  	v5 =	vmov s30;
	v6 =	vmov s0;
	s0 =	simm.s32 $0x0  }
.LBB2_10:
0x4d: {  	[sflag:s21] =	ssyncadd.s32 $0xFFFFC000  }
.LBB2_11:
0x4e: {  	s0 =	sadd.s32 $0x1, s0  }
0x4f: {  	p1 =	sne.s32 s0, $0x34  }
.Ltmp6:
0x50: {  	_ = 	snop;
	(pc) =	sbr.rel @!p1 .LBB2_12-.Ltmp6, $1  }
0x51: {  	_ =	sdelay $0x3  }
.LBB2_5:
0x52: {  	s2 =	sshll.u32 s0, $0xB  }
0x53: {  	s2 =	sadd.s32 s18, s2  }
0x54: {  	s2 =	sshrl.u32 s2, $0x3  }
0x55: {  	s3 =	sadd.s32 s7, s2  }
0x56: {  	[tilespmem:s22], [sflag:$0x2] =	stream.linear.gather [hbm4b:s3+s31], $0x800, $0x38;
	[tilespmem:$0x1F080] =	vst v63  }
0x57: {  	_ =	swait.ge [sflag:s21], $0x800  }
0x58: {  	[sflag:s21] =	ssyncset.done $0x0  }
0x59: {  	s2 =	sadd.s32 s6, s2;
	[sflag:s21] =	ssyncadd.s32 $0xFFFFF800  }
0x5a: {  	[tilespmem:s23], [sflag:$0x2] =	stream.linear.gather [hbm4b:s2+s31], $0x800, $0x38;
	[tilespmem:$0x1F080] =	vst v63  }
0x5b: {  	_ =	swait.ge [sflag:s21], $0x800  }
0x5c: {  	[sflag:s21] =	ssyncset.done $0x0  }
0x5d: {  	s19 =	simm.s32 $0x0;
	[sflag:s21] =	ssyncadd.s32 $0xFFFFF800  }
0x5e: {  	v7 =	vld [tilespmem:s19+$0x19080];
	_ =	sdelay $0x4  }
0x5f: {  	vm0 =	vge.s32 v7, v5;
	vm1 =	vlt.s32 v7, v6  }
0x60: {  	vm0 =	vmand vm0, vm1  }
0x61: {  	v8 =	vsel vm0, $0x1, v3  }
0x62: {  	(xrf0) =	vadd.scan.msk.s32 $0xffff, v8;
	_ =	sdelay $0x2  }
0x63: {  	v8 =	vmov s31  }
0x64: {  	v8 =	vadd.s32 $0xFFFFFFFF, v8  }
0x65: {  	v8 =	vbroadcast v8, $0x0  }
0x66: {  	v9, _, _ =	vpop (xrf0)  }
0x67: {  	v10 =	vld [tilespmem:s19+$0x19880];
	v8 =	vadd.s32 v9, v8;
	(v2sf) =	vpush v9, $0xF;
	_ =	sdelay $0x4  }
0x68: {  	v7 =	vsub.s32 v7, v5;
	[tilespmem:v8+s24+$0x0] =	vst.idx.msk vm0, v10  }
0x69: {  	s3 =	simm.s32 $0x80;
	s2 =	simm.s32 $0x0;
	s19 =	simm.s32 $0x10;
	[tilespmem:v8+s25+$0x0] =	vst.idx.msk vm0, v7  }
.LBB2_6:
0x6a: {  	p1 =	sne.s32 s3, $0x1FC0;
	v7 =	vld [tilespmem:s19+$0x19080];
	_ =	sdelay $0x4  }
0x6b: {  	vm0 =	vge.s32 v7, v5;
	vm1 =	vlt.s32 v7, v6;
	v7 =	vsub.s32 v7, v5  }
0x6c: {  	vm0 =	vmand vm0, vm1  }
0x6d: {  	v8 =	vsel vm0, $0x1, v3  }
0x6e: {  	(xrf0) =	vadd.scan.msk.s32 $0xffff, v8;
	s5 =	spop (v2sf)  }
0x6f: {  	s2 =	sadd.s32 s2, s5  }
0x70: {  	v8 =	vmov s2  }
0x71: {  	v8 =	vadd.s32 $0xFFFFFFFF, v8  }
0x72: {  	v8 =	vbroadcast v8, $0x0;
	_ =	sdelay $0x1  }
0x73: {  	v9, _, _ =	vpop (xrf0)  }
0x74: {  	v10 =	vld [tilespmem:s19+$0x19880];
	v8 =	vadd.s32 v9, v8;
	(v2sf) =	vpush v9, $0xF;
	_ =	sdelay $0x1  }
.Ltmp7:
0x75: {  	(pc) =	sbr.rel @p1 .LBB2_6-.Ltmp7, $3  }
0x76: {  	_ =	sdelay $0x1  }
0x77: {  	[tilespmem:v8+s24+$0x0] =	vst.idx.msk vm0, v10  }
0x78: {  	s19 =	sshra.s32 s3, $0x2;
	s3 =	sadd.s32 $0x40, s3;
	[tilespmem:v8+s25+$0x0] =	vst.idx.msk vm0, v7  }
0x79: {  	v7 =	vld [tilespmem:s19+$0x19080];
	_ =	sdelay $0x4  }
0x7a: {  	vm0 =	vge.s32 v7, v5;
	vm1 =	vlt.s32 v7, v6  }
0x7b: {  	vm0 =	vmand vm0, vm1  }
0x7c: {  	v8 =	vsel vm0, $0x1, v3  }
0x7d: {  	(xrf0) =	vadd.scan.msk.s32 $0xffff, v8;
	_ =	sdelay $0x5  }
0x7e: {  	v8, _, _ =	vpop (xrf0)  }
0x7f: {  	(v2sf) =	vpush v8, $0xF;
	_ =	sdelay $0xd  }
0x80: {  	s3 =	spop (v2sf)  }
0x81: {  	s2 =	sadd.s32 s2, s3;
	s5 =	spop (v2sf)  }
0x82: {  	s5 =	sadd.s32 s2, s5  }
0x83: {  	s3 =	sadd.s32 $0x7F, s5  }
0x84: {  	s8 =	sand.u32 $0x7F, s3  }
0x85: {  	s9 =	sshra.s32 s3, $0x1F;
	p1 =	slt.s32 s3, $0x1;
	p2 =	sne.s32 s8, $0x0  }
0x86: {  	v9 =	vmov s2;
	s8 =	sshrl.u32 s9, $0x19;
	p1 =	por !p1, !p2  }
0x87: {  	v9 =	vadd.s32 $0xFFFFFFFF, v9;
	s2 =	sadd.s32 s8, s3;
	s3 =	simm.s32 $0x1;
	p1 =	por !p1, !p1  }
0x88: {  	v9 =	vbroadcast v9, $0x0;
	s2 =	sshra.s32 s2, $0x7;
	s3 =	simm.s32 @!p1 $0x0  }
0x89: {  	s3 =	ssub.s32 s2, s3  }
0x8a: {  	v10 =	vld [tilespmem:s19+$0x19880];
	v8 =	vadd.s32 v8, v9;
	v61 =	vadd.s32 s5, v0;
	s8 =	sshll.u32 s3, $0x7  }
0x8b: {  	s9 =	sadd.s32 $0x10, s5;
	vm10 =	vlt.s32 v61, s8  }
0x8c: {  	v11 =	vadd.s32 s9, v0  }
0x8d: {  	s19 =	sadd.s32 $0x20, s5;
	vm2 =	vlt.s32 v11, s8  }
0x8e: {  	v12 =	vadd.s32 s19, v0  }
0x8f: {  	v7 =	vsub.s32 v7, v5;
	[tilespmem:v8+s24+$0x0] =	vst.idx.msk vm0, v10;
	s9 =	sadd.s32 $0x30, s5;
	vm3 =	vlt.s32 v12, s8  }
0x90: {  	[tilespmem:v8+s25+$0x0] =	vst.idx.msk vm0, v7;
	s19 =	simm.s32 $0x1A880;
	v7 =	vadd.s32 s9, v0  }
0x91: {  	s9 =	sadd.s32 $0x40, s5;
	s2 =	simm.s32 $0x1A080;
	vm11 =	vlt.s32 v7, s8;
	[tilespmem:v61+s19+$0x0] =	vst.idx.msk vm10, v4  }
0x92: {  	v8 =	vadd.s32 s9, v0;
	[tilespmem:v61+s2+$0x0] =	vst.idx.msk vm10, v1  }
0x93: {  	s9 =	sadd.s32 $0x50, s5;
	vm12 =	vlt.s32 v8, s8;
	[tilespmem:v11+s19+$0x0] =	vst.idx.msk vm2, v4  }
0x94: {  	v62 =	vadd.s32 s9, v0;
	[tilespmem:v11+s2+$0x0] =	vst.idx.msk vm2, v1  }
0x95: {  	s9 =	sadd.s32 $0x60, s5;
	vm13 =	vlt.s32 v62, s8;
	[tilespmem:v12+s19+$0x0] =	vst.idx.msk vm3, v4  }
0x96: {  	v63 =	vadd.s32 s9, v0;
	[tilespmem:v12+s2+$0x0] =	vst.idx.msk vm3, v1  }
0x97: {  	s5 =	sadd.s32 $0x70, s5;
	vm14 =	vlt.s32 v63, s8;
	[tilespmem:v7+s19+$0x0] =	vst.idx.msk vm11, v4  }
0x98: {  	[tilespmem:v7+s2+$0x0] =	vst.idx.msk vm11, v1;
	v7 =	vadd.s32 s5, v0  }
0x99: {  	[tilespmem:v8+s19+$0x0] =	vst.idx.msk vm12, v4;
	vm15 =	vlt.s32 v7, s8  }
0x9a: {  	[tilespmem:v8+s2+$0x0] =	vst.idx.msk vm12, v1  }
0x9b: {  	p1 =	slt.s32 s3, $0x1;
	[tilespmem:v62+s19+$0x0] =	vst.idx.msk vm13, v4  }
.Ltmp8:
0x9c: {  	[tilespmem:v62+s2+$0x0] =	vst.idx.msk vm13, v1;
	(pc) =	sbr.rel @p1 .LBB2_11-.Ltmp8, $4  }
0x9d: {  	[tilespmem:v63+s19+$0x0] =	vst.idx.msk vm14, v4  }
0x9e: {  	[tilespmem:v63+s2+$0x0] =	vst.idx.msk vm14, v1  }
0x9f: {  	[tilespmem:v7+s19+$0x0] =	vst.idx.msk vm15, v4  }
0xa0: {  	[tilespmem:v7+s2+$0x0] =	vst.idx.msk vm15, v1  }
0xa1: {  	[tilespmem:s20], [sflag:$0x1] =	stream.indirect.gather [hbm4b:s4+s28], $0x80, s2, s28, $0xb8;
	[tilespmem:$0x1F080] =	vst v63  }
0xa2: {  	p1 =	sne.s32 s3, $0x1;
	_ =	swait.ge [sflag:s26], $0x4000  }
.Ltmp9:
0xa3: {  	[sflag:s26] =	ssyncset.done $0x0;
	(pc) =	sbr.rel @!p1 .LBB2_10-.Ltmp9, $4  }
0xa4: {  	[sflag:s26] =	ssyncadd.s32 $0xFFFFC000  }
0xa5: {  	[spmem:s1] =	stream.indirect.scatter.add.f32 [tilespmem:s20], [sflag:$0x2], $0x80, s19, s28, $0xb8;
	[tilespmem:$0x1F080] =	vst v63  }
0xa6: {  	_ =	swait.ge [sflag:s21], $0x4000  }
0xa7: {  	s3 =	sadd.s32 $0xFFFFFFFF, s3;
	[sflag:s21] =	ssyncset.done $0x0  }
.LBB2_9:
0xa8: {  	[sflag:s21] =	ssyncadd.s32 $0xFFFFC000;
	s2 =	sadd.s32 $0x80, s2;
	s19 =	sadd.s32 $0x80, s19  }
0xa9: {  	[tilespmem:s20], [sflag:$0x1] =	stream.indirect.gather [hbm4b:s4+s28], $0x80, s2, s28, $0xb8;
	[tilespmem:$0x1F080] =	vst v63  }
0xaa: {  	p1 =	sne.s32 s3, $0x1;
	s3 =	sadd.s32 $0xFFFFFFFF, s3;
	_ =	swait.ge [sflag:s26], $0x4000  }
.Ltmp10:
0xab: {  	[sflag:s26] =	ssyncset.done $0x0;
	(pc) =	sbr.rel @p1 .LBB2_9-.Ltmp10, $4  }
0xac: {  	[sflag:s26] =	ssyncadd.s32 $0xFFFFC000  }
0xad: {  	[spmem:s1] =	stream.indirect.scatter.add.f32 [tilespmem:s20], [sflag:$0x2], $0x80, s19, s28, $0xb8;
	[tilespmem:$0x1F080] =	vst v63  }
0xae: {  	_ =	swait.ge [sflag:s21], $0x4000  }
0xaf: {  	[sflag:s21] =	ssyncset.done $0x0  }
.Ltmp11:
0xb0: {  	_ = 	snop;
	(pc) =	sbr.rel .LBB2_10-.Ltmp11, $1  }
0xb1: {  	_ =	sdelay $0x3  }
.LBB2_14:
0xb2: {  	_ =	sfence.sel $0x180000  }
0xb3: {  	[bflag:$0x0] =	sbarrier.arrive $0xFFFF  }
0xb4: {  	_ =	strace $0x9000004D  }
0xb5: {  	[bflag:$0x2] =	sbarrier.arrive $0xFFFF  }
0xb6: {  	s0 =	rddreg [dreg:$0x2]  }
0xb7: {  	s0 =	sadd.s32 @!p0 $0x100000, s0  }
0xb8: {  	[sflag:s0] =	ssyncadd.tile.s32 @!p0 $0x1;
	_ =	shalt  }
.Lfunc_end2:
_tile_overlayer_lowered:
.L_overlay_start_2:
0xb9: {  	(tag) =	ssettag $0x2  }
0xba: {  	s0 =	rddreg [dreg:$0x0];
	s2 =	stileid.u32  }
0xbb: {  	s1 =	rddreg [dreg:$0x1];
	p0 =	sne.s32 s2, $0x0  }
0xbc: {  	s3 =	rddreg [dreg:$0x2];
	[bflag:$0x3] =	sbarrier.arrive $0xFFFF;
	s2 =	simm.s32 @!p0 $0x1C02  }
0xbd: {  	[timem:s3], [sflag:s2] =	dma.local @!p0 [hbm:s0], s1  }
0xbe: {  	s0 =	simm.s32 @!p0 $0x2  }
0xbf: {  	_ =	swait.ge @!p0 [sflag:s0], s1  }
0xc0: {  	s1 =	ssub.s32 @!p0 $0x0, s1;
	[sflag:s0] =	ssyncset.done @!p0 $0x0  }
0xc1: {  	[sflag:s0] =	ssyncadd.s32 @!p0 s1  }
0xc2: {  	[bflag:$0x3] =	sbarrier.arrive $0xFFFF  }
0xc3: {  	_ =	shalt  }

// kernel: kernel.19.cloned.1.call-start
scs
__scs_entry_jumppad:
0x0: {  	(pc) =	sbr.rel $0x88, $3  }
0x1: {  	(tag) =	ssettag $0x0;
	lr =	simm.s32 $0x1  }
0x2: {  	[smem:$0x3F93] =	sst lr;
	_ =	strace $0xD0000000  }
0x3: {  	_ = 	snop  }
0x4: {  	_ = 	snop  }
0x5: {  	_ = 	snop  }
0x6: {  	_ = 	snop  }
0x7: {  	_ = 	snop  }
__scs_overlays_trampoline_lowered:
0x8: {  	[smem:$0x3FA2] =	sst s0  }
0x9: {  	[smem:$0x3FA3] =	sst s1  }
0xa: {  	[smem:$0x3FA4] =	sst s2  }
0xb: {  	[smem:$0x3FA5] =	sst s3  }
0xc: {  	[smem:$0x3FA6] =	sst s4  }
0xd: {  	[smem:$0x3FA7] =	sst s5  }
0xe: {  	[smem:$0x3FA8] =	sst s6  }
0xf: {  	[smem:$0x3FA9] =	sst s7  }
0x10: {  	[smem:$0x3FAA] =	sst s8  }
0x11: {  	[smem:$0x3FAB] =	sst s9;
	s0 =	simm.s32 @!p0 $0x0  }
0x12: {  	s1 =	sld [smem:$0x3F91];
	s0 =	simm.s32 @p0 $0x1  }
0x13: {  	[smem:$0x3FAC] =	sst s0;
	s0 =	simm.s32 @!p1 $0x0  }
0x14: {  	s2 =	sld [smem:$0x3F90];
	s0 =	simm.s32 @p1 $0x1  }
0x15: {  	[smem:$0x3FAD] =	sst s0;
	s0 =	simm.s32 @!p2 $0x0  }
0x16: {  	s3 =	sld [smem:$0x3FDB];
	s0 =	simm.s32 @p2 $0x1  }
0x17: {  	s4 =	simm.s32 $0x1BF5;
	[smem:$0x3FAF] =	sst s0  }
0x18: {  	s0 =	sld [smem:$0x3F92];
	_ =	swait.ge [sflag:s4], $0x0  }
0x19: {  	s7 =	sld [smem:$0x3F93]  }
0x1a: {  	s8 =	sadd.s32 $0xFFFFE003, lr  }
0x1b: {  	s9 =	sadd.s32 $0xFFFFFEF7, lr;
	s5 =	simm.s32 $0xFFFFFFFF;
	p2 =	slt.u32 s8, $0xFFFFF086  }
0x1c: {  	p1 =	slt.u32 s9, $0xF7A;
	s5 =	simm.s32 @!p2 $0x0  }
0x1d: {  	s5 =	simm.s32 @p1 $0x1;
	p0 =	seq.s32 s7, s2  }
0x1e: {  	s7 =	smul.u32 @!p0 $0xF7A, s2;
	p2 =	seq.s32 @!p0 s5, $0x0  }
0x1f: {  	s9 =	smul.u32 $0xF7A, s1;
	s8 =	simm.s32 @!p0 $0x1BF5;
	p2 =	por !p2, p0  }
0x20: {  	[sflag:s8] =	ssyncset.s32 @!p0 $0xFFFFF086;
	s6 =	sadd.s32 @!p0 s3, s7;
	s7 =	simm.s32 @!p0 $0x108  }
0x21: {  	s3 =	sadd.s32 s3, s9;
	s6 =	sadd.s32 @!p0 $0x88, s6;
	s7 =	simm.s32 @p2 $0x1082  }
0x22: {  	[simem:s7], [sflag:s8] =	dma.local @!p0 [hbm:s6], $0xF7A  }
0x23: {  	s9 =	sor.u32 $0xD0000000, s2;
	s6 =	simm.s32 $0x108;
	_ =	swait.ge @!p0 [sflag:s8], $0x0  }
0x24: {  	s3 =	sadd.s32 $0x88, s3;
	s6 =	simm.s32 @!p1 $0x1082;
	[sflag:s4] =	ssyncset.s32 $0xFFFFF086  }
0x25: {  	[simem:s6], [sflag:s4] =	dma.local [hbm:s3], $0xF7A  }
0x26: {  	[smem:$0x3F93] =	sst s1;
	(tag) =	ssettag s2;
	_ =	strace s9  }
0x27: {  	s1 =	sld [smem:$0x3FA3]  }
0x28: {  	s2 =	sld [smem:$0x3FA4]  }
0x29: {  	s4 =	sld [smem:$0x3FA6]  }
0x2a: {  	p0 =	seq.s32 s5, $0x0;
	s5 =	sld [smem:$0x3FA7]  }
0x2b: {  	s6 =	sld [smem:$0x3FA8]  }
0x2c: {  	s7 =	sld [smem:$0x3FA9]  }
0x2d: {  	s3 =	simm.s32 $0x108;
	s8 =	sld [smem:$0x3FAA]  }
0x2e: {  	s3 =	simm.s32 @!p0 $0x1082;
	s9 =	sld [smem:$0x3FAB]  }
0x2f: {  	lr =	sadd.s32 s0, s3;
	s0 =	sld [smem:$0x3FA2]  }
0x30: {  	s3 =	sld [smem:$0x3FA5]  }
0x31: {  	[smem:$0x3FAE] =	sst s10  }
0x32: {  	s10 =	sld [smem:$0x3FAC];
	_ =	sdelay $0x3  }
0x33: {  	p0 =	seq.s32 s10, $0x1;
	s10 =	sld [smem:$0x3FAE];
	_ =	sdelay $0x3  }
0x34: {  	[smem:$0x3FAE] =	sst s10  }
0x35: {  	s10 =	sld [smem:$0x3FAD];
	_ =	sdelay $0x3  }
0x36: {  	p1 =	seq.s32 s10, $0x1;
	s10 =	sld [smem:$0x3FAE];
	_ =	sdelay $0x3  }
0x37: {  	[smem:$0x3FAE] =	sst s10  }
0x38: {  	s10 =	sld [smem:$0x3FAF]  }
0x39: {  	_ = 	snop;
	(pc) =	sbr.ind lr, $3  }
0x3a: {  	_ = 	snop  }
0x3b: {  	_ = 	snop  }
0x3c: {  	p2 =	seq.s32 s10, $0x1;
	s10 =	sld [smem:$0x3FAE]  }
0x3d: {  	_ =	shalt  }
0x3e: {  	_ =	shalt  }
0x3f: {  	_ =	shalt  }
0x40: {  	_ =	shalt  }
0x41: {  	_ =	shalt  }
0x42: {  	_ =	shalt  }
0x43: {  	_ =	shalt  }
0x44: {  	_ =	shalt  }
0x45: {  	_ =	shalt  }
0x46: {  	_ =	shalt  }
0x47: {  	_ =	shalt  }
0x48: {  	_ =	shalt  }
0x49: {  	_ =	shalt  }
0x4a: {  	_ =	shalt  }
0x4b: {  	_ =	shalt  }
0x4c: {  	_ =	shalt  }
0x4d: {  	_ =	shalt  }
0x4e: {  	_ =	shalt  }
0x4f: {  	_ =	shalt  }
0x50: {  	_ =	shalt  }
0x51: {  	_ =	shalt  }
0x52: {  	_ =	shalt  }
0x53: {  	_ =	shalt  }
0x54: {  	_ =	shalt  }
0x55: {  	_ =	shalt  }
0x56: {  	_ =	shalt  }
0x57: {  	_ =	shalt  }
0x58: {  	_ =	shalt  }
0x59: {  	_ =	shalt  }
0x5a: {  	_ =	shalt  }
0x5b: {  	_ =	shalt  }
0x5c: {  	_ =	shalt  }
0x5d: {  	_ =	shalt  }
0x5e: {  	_ =	shalt  }
0x5f: {  	_ =	shalt  }
0x60: {  	_ =	shalt  }
0x61: {  	_ =	shalt  }
0x62: {  	_ =	shalt  }
0x63: {  	_ =	shalt  }
0x64: {  	_ =	shalt  }
0x65: {  	_ =	shalt  }
0x66: {  	_ =	shalt  }
0x67: {  	_ =	shalt  }
0x68: {  	_ =	shalt  }
0x69: {  	_ =	shalt  }
0x6a: {  	_ =	shalt  }
0x6b: {  	_ =	shalt  }
0x6c: {  	_ =	shalt  }
0x6d: {  	_ =	shalt  }
0x6e: {  	_ =	shalt  }
0x6f: {  	_ =	shalt  }
0x70: {  	_ =	shalt  }
0x71: {  	_ =	shalt  }
0x72: {  	_ =	shalt  }
0x73: {  	_ =	shalt  }
0x74: {  	_ =	shalt  }
0x75: {  	_ =	shalt  }
0x76: {  	_ =	shalt  }
0x77: {  	_ =	shalt  }
0x78: {  	_ =	shalt  }
0x79: {  	_ =	shalt  }
0x7a: {  	_ =	shalt  }
0x7b: {  	_ =	shalt  }
0x7c: {  	_ =	shalt  }
0x7d: {  	_ =	shalt  }
0x7e: {  	_ =	shalt  }
0x7f: {  	_ =	shalt  }
0x80: {  	_ =	shalt  }
0x81: {  	_ =	shalt  }
0x82: {  	_ =	shalt  }
0x83: {  	_ =	shalt  }
0x84: {  	_ =	shalt  }
0x85: {  	_ =	shalt  }
0x86: {  	_ =	shalt  }
0x87: {  	_ =	shalt  }
.Lfunc_end0:
.L_simem_size_0:
called_computation.3_lowered:
.L_overlay_start_0:
0x88: {  	s2 =	sld [smem:$0x3FD9]  }
0x89: {  	s3 =	sld [smem:$0x3FFE];
	_ =	sdelay $0x1  }
0x8a: {  	s1 =	srdreg.scid  }
0x8b: {  	s0 =	sand.u32 $0x1, s1  }
0x8c: {  	s16 =	sshll.u32 s0, $0xA;
	s2 =	sadd.s32 s3, s2  }
0x8d: {  	s2 =	sadd.s32 s2, s16  }
0x8e: {  	[smem:$0x3FBA] =	sst s2  }
0x8f: {  	_ = 	snop  }
0x90: {  	(tm) =	ssettm $0x1  }
0x91: {  	s17 =	sld [smem:$0x3FFB];
	_ =	sdelay $0x3  }
0x92: {  	_ =	strace s17  }
0x93: {  	s2 =	sld [smem:$0x3FFC];
	_ =	sdelay $0x3  }
0x94: {  	_ =	strace s2  }
0x95: {  	s2 =	sld [smem:$0x3FFD];
	_ =	sdelay $0x3  }
0x96: {  	_ =	strace s2  }
0x97: {  	_ =	strace $0x8FFFFFFF  }
0x98: {  	s18 =	sld [smem:$0x3FDB];
	_ =	sdelay $0x1  }
0x99: {  	s19 =	simm.s32 $_scs_section_size  }
0x9a: {  	s4 =	simm.s32 $_size__tile_overlayer_lowered;
	s5 =	simm.s32 $_tile_overlayer_lowered  }
0x9b: {  	s22 =	simm.s32 $0x1BFF;
	s21 =	sshll.u32 s5, $0x1;
	s2 =	sadd.s32 s19, s18  }
0x9c: {  	s6 =	simm.s32 $0x0;
	s20 =	sshll.u32 s4, $0x1;
	s4 =	sadd.s32 s21, s2  }
0x9d: {  	[timem:s6], [sflag:s22] =	dma.local [hbm:s4], s20  }
0x9e: {  	_ =	swait.ge [sflag:s22], s20  }
0x9f: {  	s3 =	ssub.s32 $0x0, s20;
	[sflag:s22] =	ssyncset.done $0x0  }
0xa0: {  	[sflag:s22] =	ssyncadd.s32 s3;
	_ =	sdelay $0x1  }
0xa1: {  	s23 =	simm.s32 $0x1B8B  }
0xa2: {  	_ =	swait.ge [sflag:s23], $0x1  }
0xa3: {  	[sflag:s23] =	ssyncset.done $0x0  }
0xa4: {  	s25 =	simm.s32 $0x1B8E;
	s24 =	sld [smem:$0x3FFE];
	[sflag:s23] =	ssyncadd.s32 $0xFFFFFFFF  }
0xa5: {  	s26 =	simm.s32 $execute0_lowered;
	[smem:$0x3FD2] =	sst s25  }
0xa6: {  	s4 =	sshll.u32 s26, $0x1;
	_ =	strace $0x8000004F;
	[dreg:$0x1] =	wrdreg $0xFFFFFFFF  }
0xa7: {  	s28 =	simm.s32 $_size_execute0_lowered;
	s2 =	sadd.s32 s2, s4;
	[dreg:$0x0] =	wrdreg $0x0  }
0xa8: {  	s4 =	sshll.u32 s28, $0x1;
	[dreg:$0x2] =	wrdreg s2  }
0xa9: {  	[dreg:$0x3] =	wrdreg s4  }
0xaa: {  	[dreg:$0x4] =	wrdreg $0xC0  }
0xab: {  	_ =	task [dreg:s6], $0x5FFFF  }
0xac: {  	[dreg:$0x1] =	wrdreg $0xFFFFFFFF  }
0xad: {  	[dreg:$0x0] =	wrdreg $0x60  }
0xae: {  	[dreg:$0x2] =	wrdreg s24  }
0xaf: {  	[dreg:$0x3] =	wrdreg $0x0  }
0xb0: {  	[dreg:$0x4] =	wrdreg $0x9  }
0xb1: {  	_ =	task.clear_ibuf [dreg:s6], $0x5FFFF;
	_ =	strace $0x9000004F  }
0xb2: {  	s29 =	simm.s32 $0x9;
	_ =	strace $0x80000051  }
0xb3: {  	_ =	swait.ge [sflag:s29], $0x1  }
0xb4: {  	[sflag:s29] =	ssyncadd.s32 $0xFFFFFFFF  }
0xb5: {  	_ =	strace $0x90000051  }
0xb6: {  	_ =	sfence  }
0xb7: {  	s30 =	sld [smem:$0x0];
	_ =	sdelay $0x2  }
0xb8: {  	s31 =	sshll.u32 s1, $0xD;
	s1 =	sshrl.u32 s1, $0x2  }
0xb9: {  	s3 =	sand.u32 $0x4000, s31;
	s1 =	sadd.s32 s1, s30  }
0xba: {  	s0 =	sor.u32 s3, s0;
	s1 =	sshll.u32 s1, $0x11  }
0xbb: {  	s0 =	sor.u32 s1, s0  }
0xbc: {  	s0 =	sadd.s32 $0x8F2B, s0  }
0xbd: {  	[sflag:s0] =	ssyncadd.remote.s32 $0x1  }
0xbe: {  	_ =	sfence.sel $0xFFFF  }
0xbf: {  	[dreg:$0x0] =	wrdreg $0xFFFFFFFF;
	(pc) =	sbr.abs _section_cstart, $3  }
0xc0: {  	[dreg:$0x1] =	wrdreg $0xFFFFFFFF  }
0xc1: {  	_ =	task.clear_ibuf [dreg:s6], $0x2FFFF;
	_ =	strace $0x9FFFFFFF  }
0xc2: {  	(tm) =	ssettm $0x7FFFFFFF  }
0xc3: {  	_ =	shalt  }
tec
execute0_lowered:
.L_overlay_start_1:
0x0: {  	(tag) =	ssettag $0x1  }
0x1: {  	s0 =	rddreg [dreg:$0x0]  }
0x2: {  	s1 =	rddreg [dreg:$0x1]  }
0x3: {  	s5 =	simm.s32 $0x0;
	s2 =	srdreg.scid;
	s8 =	stileid.u32  }
0x4: {  	s20 =	simm.s32 $0x1B080;
	s21 =	simm.s32 $0x2;
	s22 =	simm.s32 $0x19080  }
0x5: {  	s23 =	simm.s32 $0x19880;
	s28 =	simm.s32 $0x80;
	s31 =	simm.s32 $0x0  }
0x6: {  	[smem:$0x7FF] =	sst s5;
	s4 =	sadd.s32 $0x56E800, s0;
	s9 =	sand.u32 $0x1, s2  }
0x7: {  	s24 =	smul.u32 $0x64000, s8;
	s6 =	sadd.s32 $0x36000, s0;
	s7 =	sadd.s32 $0x2000, s0  }
0x8: {  	s0 =	sadd.s32 $0x6A000, s0;
	s26 =	smul.u32 $0x320, s8;
	s17 =	sadd.s32 $0x190000, s1  }
0x9: {  	s29 =	sshll.u32 s8, $0x5;
	s18 =	smul.u32 $0x1A000, s8;
	p0 =	sne.s32 s8, $0x0  }
0xa: {  	_ =	strace $0x80000050;
	s3 =	ssub.s32 $0x2, s9;
	[dreg:$0x4] =	wrdreg s0  }
0xb: {  	s11 =	smov.u32 s9;
	s30 =	sshll.u32 s9, $0x4;
	s25 =	sshrl.u32 s3, $0x1  }
0xc: {  	s2 =	sshrl.u32 s24, $0x2;
	[dreg:$0x5] =	wrdreg s26;
	s24 =	simm.s32 $0x1A080  }
.Ltmp0:
0xd: {  	s26 =	simm.s32 $0x1;
	s10 =	sadd.s32 s2, s1;
	(pc) =	sbr.rel .LBB2_1-.Ltmp0, $4  }
0xe: {  	v0 =	vlaneseq.u32;
	s0 =	ssub.s32 s3, s25;
	s25 =	simm.s32 $0x1A880;
	s2 =	sadd.s32 $0x4000, s10  }
0xf: {  	v1 =	vmul.u32 $0x40, v0;
	s12 =	sadd.s32 $0x8000, s10;
	s13 =	sadd.s32 $0xC000, s10;
	s14 =	sadd.s32 $0x10000, s10  }
0x10: {  	v2 =	vimm.f32 $0.0e+00;
	s0 =	smax.u32 s0, $0x1;
	[dreg:$0x6] =	wrdreg s2;
	s2 =	sor.u32 s30, s29  }
0x11: {  	v3 =	vimm.s32 $0x0;
	v4 =	vor.u32 $0x3200, v0;
	s15 =	sadd.s32 $0x14000, s10;
	s16 =	sadd.s32 $0x18000, s10;
	[dreg:$0x7] =	wrdreg s0;
	v1 =	vadd.s32 s2, v1  }
.LBB2_13:
0x12: {  	s5 =	rddreg [dreg:$0x3]  }
0x13: {  	s0 =	rddreg [dreg:$0x7];
	s5 =	sadd.s32 $0x1, s5  }
0x14: {  	p1 =	sne.s32 s5, s0  }
.Ltmp1:
0x15: {  	_ = 	snop;
	(pc) =	sbr.rel @!p1 .LBB2_14-.Ltmp1, $1  }
0x16: {  	_ =	sdelay $0x3  }
.LBB2_1:
.Ltmp2:
0x17: {  	(pc) =	sbr.rel .LBB2_2-.Ltmp2, $2  }
0x18: {  	_ =	sdelay $0x2  }
0x19: {  	[dreg:$0x3] =	wrdreg s5;
	s29 =	simm.s32 $0x0  }
.LBB2_12:
0x1a: {  	s0 =	rddreg [dreg:$0x5];
	[bflag:$0x0] =	sbarrier.arrive $0xFFFF;
	s2 =	stileid.u32  }
0x1b: {  	s29 =	sadd.s32 $0x1, s29;
	s0 =	sadd.s32 s0, s30;
	s2 =	sshll.u32 s2, $0x6  }
0x1c: {  	s3 =	rddreg [dreg:$0x4];
	s30 =	sshrl.u32 s10, $0x3;
	s0 =	sshll.u32 s0, $0x4  }
0x1d: {  	p1 =	sne.s32 s29, $0x4;
	s2 =	sor.u32 $0x1C02, s2;
	s0 =	sadd.s32 s3, s0  }
0x1e: {  	[hbm:s0], [sflag:s2] =	dma.local [spmem:s30], $0x3200  }
.Ltmp3:
0x1f: {  	_ =	swait.ge [sflag:s21], $0x3200;
	(pc) =	sbr.rel @!p1 .LBB2_13-.Ltmp3, $3  }
0x20: {  	[sflag:s21] =	ssyncset.done $0x0  }
0x21: {  	[sflag:s21] =	ssyncadd.s32 $0xFFFFCE00  }
0x22: {  	[bflag:$0x0] =	sbarrier.arrive $0xFFFF;
	_ =	sdelay $0x1  }
.LBB2_2:
0x23: {  	s2 =	simm.s32 $0x0  }
0x24: {  	s0 =	simm.s32 $0x10;
	s2 =	sand.u32 $0x3FF0, s2  }
.LBB2_3:
0x25: {  	p1 =	sne.s32 s0, $0x3FF0;
	[tilespmem:s2+$0x1B080] =	vst v2;
	s2 =	smov.u32 s0;
	s0 =	sadd.s32 $0x10, s0  }
.Ltmp4:
0x26: {  	(pc) =	sbr.rel @p1 .LBB2_3-.Ltmp4, $2  }
0x27: {  	_ =	sdelay $0x2  }
0x28: {  	s2 =	sand.u32 $0x3FF0, s2  }
0x29: {  	[tilespmem:s2+$0x1B080] =	vst v2  }
0x2a: {  	[spmem:s10] =	stream.linear.scatter [tilespmem:s20], [sflag:$0x2], $0x4000, $0x38;
	[tilespmem:$0x1F080] =	vst v63  }
0x2b: {  	_ =	swait.ge [sflag:s21], $0x4000  }
0x2c: {  	[sflag:s21] =	ssyncset.done $0x0  }
0x2d: {  	s0 =	rddreg [dreg:$0x6];
	[sflag:s21] =	ssyncadd.s32 $0xFFFFC000  }
0x2e: {  	[spmem:s0] =	stream.linear.scatter [tilespmem:s20], [sflag:$0x2], $0x4000, $0x38;
	[tilespmem:$0x1F080] =	vst v63  }
0x2f: {  	_ =	swait.ge [sflag:s21], $0x4000  }
0x30: {  	[sflag:s21] =	ssyncset.done $0x0  }
0x31: {  	[sflag:s21] =	ssyncadd.s32 $0xFFFFC000  }
0x32: {  	[spmem:s12] =	stream.linear.scatter [tilespmem:s20], [sflag:$0x2], $0x4000, $0x38;
	[tilespmem:$0x1F080] =	vst v63  }
0x33: {  	_ =	swait.ge [sflag:s21], $0x4000  }
0x34: {  	[sflag:s21] =	ssyncset.done $0x0  }
0x35: {  	[sflag:s21] =	ssyncadd.s32 $0xFFFFC000  }
0x36: {  	[spmem:s13] =	stream.linear.scatter [tilespmem:s20], [sflag:$0x2], $0x4000, $0x38;
	[tilespmem:$0x1F080] =	vst v63  }
0x37: {  	_ =	swait.ge [sflag:s21], $0x4000  }
0x38: {  	[sflag:s21] =	ssyncset.done $0x0  }
0x39: {  	[sflag:s21] =	ssyncadd.s32 $0xFFFFC000  }
0x3a: {  	[spmem:s14] =	stream.linear.scatter [tilespmem:s20], [sflag:$0x2], $0x4000, $0x38;
	[tilespmem:$0x1F080] =	vst v63  }
0x3b: {  	_ =	swait.ge [sflag:s21], $0x4000  }
0x3c: {  	[sflag:s21] =	ssyncset.done $0x0  }
0x3d: {  	[sflag:s21] =	ssyncadd.s32 $0xFFFFC000  }
0x3e: {  	[spmem:s15] =	stream.linear.scatter [tilespmem:s20], [sflag:$0x2], $0x4000, $0x38;
	[tilespmem:$0x1F080] =	vst v63  }
0x3f: {  	_ =	swait.ge [sflag:s21], $0x4000  }
0x40: {  	[sflag:s21] =	ssyncset.done $0x0  }
0x41: {  	[sflag:s21] =	ssyncadd.s32 $0xFFFFC000  }
0x42: {  	[spmem:s16] =	stream.linear.scatter [tilespmem:s20], [sflag:$0x2], $0x1000, $0x38;
	[tilespmem:$0x1F080] =	vst v63  }
0x43: {  	_ =	swait.ge [sflag:s21], $0x1000  }
0x44: {  	[sflag:s21] =	ssyncset.done $0x0  }
0x45: {  	s2 =	simm.s32 @!p0 $0x1B080;
	[sflag:s21] =	ssyncadd.s32 $0xFFFFF000  }
0x46: {  	[spmem:s17] =	stream.linear.scatter @!p0 [tilespmem:s2], [sflag:$0x2], $0x800, $0x38;
	[tilespmem:$0x1F080] =	vst v63  }
0x47: {  	s19 =	sshll.u32 s29, $0x1;
	s2 =	simm.s32 @!p0 $0x2  }
.Ltmp5:
0x48: {  	s0 =	sor.u32 s11, s19;
	_ =	swait.ge @!p0 [sflag:s2], $0x800;
	(pc) =	sbr.rel .LBB2_5-.Ltmp5, $4  }
0x49: {  	s30 =	smul.u32 $0x3200, s0;
	[sflag:s2] =	ssyncset.done @!p0 $0x0  }
0x4a: {  	[sflag:s2] =	ssyncadd.s32 @!p0 $0xFFFFF800  }
0x4b: {  	s0 =	sadd.s32 $0x3200, s30;
	[bflag:$0x0] =	sbarrier.arrive $0xFFFF  }
0x4c: {  	v5 =	vmov s30;
	v6 =	vmov s0;
	s0 =	simm.s32 $0x0  }
.LBB2_10:
0x4d: {  	[sflag:s21] =	ssyncadd.s32 $0xFFFFC000  }
.LBB2_11:
0x4e: {  	s0 =	sadd.s32 $0x1, s0  }
0x4f: {  	p1 =	sne.s32 s0, $0x34  }
.Ltmp6:
0x50: {  	_ = 	snop;
	(pc) =	sbr.rel @!p1 .LBB2_12-.Ltmp6, $1  }
0x51: {  	_ =	sdelay $0x3  }
.LBB2_5:
0x52: {  	s2 =	sshll.u32 s0, $0xB  }
0x53: {  	s2 =	sadd.s32 s18, s2  }
0x54: {  	s2 =	sshrl.u32 s2, $0x3  }
0x55: {  	s3 =	sadd.s32 s7, s2  }
0x56: {  	[tilespmem:s22], [sflag:$0x2] =	stream.linear.gather [hbm4b:s3+s31], $0x800, $0x38;
	[tilespmem:$0x1F080] =	vst v63  }
0x57: {  	_ =	swait.ge [sflag:s21], $0x800  }
0x58: {  	[sflag:s21] =	ssyncset.done $0x0  }
0x59: {  	s2 =	sadd.s32 s6, s2;
	[sflag:s21] =	ssyncadd.s32 $0xFFFFF800  }
0x5a: {  	[tilespmem:s23], [sflag:$0x2] =	stream.linear.gather [hbm4b:s2+s31], $0x800, $0x38;
	[tilespmem:$0x1F080] =	vst v63  }
0x5b: {  	_ =	swait.ge [sflag:s21], $0x800  }
0x5c: {  	[sflag:s21] =	ssyncset.done $0x0  }
0x5d: {  	s19 =	simm.s32 $0x0;
	[sflag:s21] =	ssyncadd.s32 $0xFFFFF800  }
0x5e: {  	v7 =	vld [tilespmem:s19+$0x19080];
	_ =	sdelay $0x4  }
0x5f: {  	vm0 =	vge.s32 v7, v5;
	vm1 =	vlt.s32 v7, v6  }
0x60: {  	vm0 =	vmand vm0, vm1  }
0x61: {  	v8 =	vsel vm0, $0x1, v3  }
0x62: {  	(xrf0) =	vadd.scan.msk.s32 $0xffff, v8;
	_ =	sdelay $0x2  }
0x63: {  	v8 =	vmov s31  }
0x64: {  	v8 =	vadd.s32 $0xFFFFFFFF, v8  }
0x65: {  	v8 =	vbroadcast v8, $0x0  }
0x66: {  	v9, _, _ =	vpop (xrf0)  }
0x67: {  	v10 =	vld [tilespmem:s19+$0x19880];
	v8 =	vadd.s32 v9, v8;
	(v2sf) =	vpush v9, $0xF;
	_ =	sdelay $0x4  }
0x68: {  	v7 =	vsub.s32 v7, v5;
	[tilespmem:v8+s24+$0x0] =	vst.idx.msk vm0, v10  }
0x69: {  	s3 =	simm.s32 $0x80;
	s2 =	simm.s32 $0x0;
	s19 =	simm.s32 $0x10;
	[tilespmem:v8+s25+$0x0] =	vst.idx.msk vm0, v7  }
.LBB2_6:
0x6a: {  	p1 =	sne.s32 s3, $0x1FC0;
	v7 =	vld [tilespmem:s19+$0x19080];
	_ =	sdelay $0x4  }
0x6b: {  	vm0 =	vge.s32 v7, v5;
	vm1 =	vlt.s32 v7, v6;
	v7 =	vsub.s32 v7, v5  }
0x6c: {  	vm0 =	vmand vm0, vm1  }
0x6d: {  	v8 =	vsel vm0, $0x1, v3  }
0x6e: {  	(xrf0) =	vadd.scan.msk.s32 $0xffff, v8;
	s5 =	spop (v2sf)  }
0x6f: {  	s2 =	sadd.s32 s2, s5  }
0x70: {  	v8 =	vmov s2  }
0x71: {  	v8 =	vadd.s32 $0xFFFFFFFF, v8  }
0x72: {  	v8 =	vbroadcast v8, $0x0;
	_ =	sdelay $0x1  }
0x73: {  	v9, _, _ =	vpop (xrf0)  }
0x74: {  	v10 =	vld [tilespmem:s19+$0x19880];
	v8 =	vadd.s32 v9, v8;
	(v2sf) =	vpush v9, $0xF;
	_ =	sdelay $0x1  }
.Ltmp7:
0x75: {  	(pc) =	sbr.rel @p1 .LBB2_6-.Ltmp7, $3  }
0x76: {  	_ =	sdelay $0x1  }
0x77: {  	[tilespmem:v8+s24+$0x0] =	vst.idx.msk vm0, v10  }
0x78: {  	s19 =	sshra.s32 s3, $0x2;
	s3 =	sadd.s32 $0x40, s3;
	[tilespmem:v8+s25+$0x0] =	vst.idx.msk vm0, v7  }
0x79: {  	v7 =	vld [tilespmem:s19+$0x19080];
	_ =	sdelay $0x4  }
0x7a: {  	vm0 =	vge.s32 v7, v5;
	vm1 =	vlt.s32 v7, v6  }
0x7b: {  	vm0 =	vmand vm0, vm1  }
0x7c: {  	v8 =	vsel vm0, $0x1, v3  }
0x7d: {  	(xrf0) =	vadd.scan.msk.s32 $0xffff, v8;
	_ =	sdelay $0x5  }
0x7e: {  	v8, _, _ =	vpop (xrf0)  }
0x7f: {  	(v2sf) =	vpush v8, $0xF;
	_ =	sdelay $0xd  }
0x80: {  	s3 =	spop (v2sf)  }
0x81: {  	s2 =	sadd.s32 s2, s3;
	s5 =	spop (v2sf)  }
0x82: {  	s5 =	sadd.s32 s2, s5  }
0x83: {  	s3 =	sadd.s32 $0x7F, s5  }
0x84: {  	s8 =	sand.u32 $0x7F, s3  }
0x85: {  	s9 =	sshra.s32 s3, $0x1F;
	p1 =	slt.s32 s3, $0x1;
	p2 =	sne.s32 s8, $0x0  }
0x86: {  	v9 =	vmov s2;
	s8 =	sshrl.u32 s9, $0x19;
	p1 =	por !p1, !p2  }
0x87: {  	v9 =	vadd.s32 $0xFFFFFFFF, v9;
	s2 =	sadd.s32 s8, s3;
	s3 =	simm.s32 $0x1;
	p1 =	por !p1, !p1  }
0x88: {  	v9 =	vbroadcast v9, $0x0;
	s2 =	sshra.s32 s2, $0x7;
	s3 =	simm.s32 @!p1 $0x0  }
0x89: {  	s3 =	ssub.s32 s2, s3  }
0x8a: {  	v10 =	vld [tilespmem:s19+$0x19880];
	v8 =	vadd.s32 v8, v9;
	v61 =	vadd.s32 s5, v0;
	s8 =	sshll.u32 s3, $0x7  }
0x8b: {  	s9 =	sadd.s32 $0x10, s5;
	vm10 =	vlt.s32 v61, s8  }
0x8c: {  	v11 =	vadd.s32 s9, v0  }
0x8d: {  	s19 =	sadd.s32 $0x20, s5;
	vm2 =	vlt.s32 v11, s8  }
0x8e: {  	v12 =	vadd.s32 s19, v0  }
0x8f: {  	v7 =	vsub.s32 v7, v5;
	[tilespmem:v8+s24+$0x0] =	vst.idx.msk vm0, v10;
	s9 =	sadd.s32 $0x30, s5;
	vm3 =	vlt.s32 v12, s8  }
0x90: {  	[tilespmem:v8+s25+$0x0] =	vst.idx.msk vm0, v7;
	s19 =	simm.s32 $0x1A880;
	v7 =	vadd.s32 s9, v0  }
0x91: {  	s9 =	sadd.s32 $0x40, s5;
	s2 =	simm.s32 $0x1A080;
	vm11 =	vlt.s32 v7, s8;
	[tilespmem:v61+s19+$0x0] =	vst.idx.msk vm10, v4  }
0x92: {  	v8 =	vadd.s32 s9, v0;
	[tilespmem:v61+s2+$0x0] =	vst.idx.msk vm10, v1  }
0x93: {  	s9 =	sadd.s32 $0x50, s5;
	vm12 =	vlt.s32 v8, s8;
	[tilespmem:v11+s19+$0x0] =	vst.idx.msk vm2, v4  }
0x94: {  	v62 =	vadd.s32 s9, v0;
	[tilespmem:v11+s2+$0x0] =	vst.idx.msk vm2, v1  }
0x95: {  	s9 =	sadd.s32 $0x60, s5;
	vm13 =	vlt.s32 v62, s8;
	[tilespmem:v12+s19+$0x0] =	vst.idx.msk vm3, v4  }
0x96: {  	v63 =	vadd.s32 s9, v0;
	[tilespmem:v12+s2+$0x0] =	vst.idx.msk vm3, v1  }
0x97: {  	s5 =	sadd.s32 $0x70, s5;
	vm14 =	vlt.s32 v63, s8;
	[tilespmem:v7+s19+$0x0] =	vst.idx.msk vm11, v4  }
0x98: {  	[tilespmem:v7+s2+$0x0] =	vst.idx.msk vm11, v1;
	v7 =	vadd.s32 s5, v0  }
0x99: {  	[tilespmem:v8+s19+$0x0] =	vst.idx.msk vm12, v4;
	vm15 =	vlt.s32 v7, s8  }
0x9a: {  	[tilespmem:v8+s2+$0x0] =	vst.idx.msk vm12, v1  }
0x9b: {  	p1 =	slt.s32 s3, $0x1;
	[tilespmem:v62+s19+$0x0] =	vst.idx.msk vm13, v4  }
.Ltmp8:
0x9c: {  	[tilespmem:v62+s2+$0x0] =	vst.idx.msk vm13, v1;
	(pc) =	sbr.rel @p1 .LBB2_11-.Ltmp8, $4  }
0x9d: {  	[tilespmem:v63+s19+$0x0] =	vst.idx.msk vm14, v4  }
0x9e: {  	[tilespmem:v63+s2+$0x0] =	vst.idx.msk vm14, v1  }
0x9f: {  	[tilespmem:v7+s19+$0x0] =	vst.idx.msk vm15, v4  }
0xa0: {  	[tilespmem:v7+s2+$0x0] =	vst.idx.msk vm15, v1  }
0xa1: {  	[tilespmem:s20], [sflag:$0x1] =	stream.indirect.gather [hbm4b:s4+s28], $0x80, s2, s28, $0xb8;
	[tilespmem:$0x1F080] =	vst v63  }
0xa2: {  	p1 =	sne.s32 s3, $0x1;
	_ =	swait.ge [sflag:s26], $0x4000  }
.Ltmp9:
0xa3: {  	[sflag:s26] =	ssyncset.done $0x0;
	(pc) =	sbr.rel @!p1 .LBB2_10-.Ltmp9, $4  }
0xa4: {  	[sflag:s26] =	ssyncadd.s32 $0xFFFFC000  }
0xa5: {  	[spmem:s1] =	stream.indirect.scatter.add.f32 [tilespmem:s20], [sflag:$0x2], $0x80, s19, s28, $0xb8;
	[tilespmem:$0x1F080] =	vst v63  }
0xa6: {  	_ =	swait.ge [sflag:s21], $0x4000  }
0xa7: {  	s3 =	sadd.s32 $0xFFFFFFFF, s3;
	[sflag:s21] =	ssyncset.done $0x0  }
.LBB2_9:
0xa8: {  	[sflag:s21] =	ssyncadd.s32 $0xFFFFC000;
	s2 =	sadd.s32 $0x80, s2;
	s19 =	sadd.s32 $0x80, s19  }
0xa9: {  	[tilespmem:s20], [sflag:$0x1] =	stream.indirect.gather [hbm4b:s4+s28], $0x80, s2, s28, $0xb8;
	[tilespmem:$0x1F080] =	vst v63  }
0xaa: {  	p1 =	sne.s32 s3, $0x1;
	s3 =	sadd.s32 $0xFFFFFFFF, s3;
	_ =	swait.ge [sflag:s26], $0x4000  }
.Ltmp10:
0xab: {  	[sflag:s26] =	ssyncset.done $0x0;
	(pc) =	sbr.rel @p1 .LBB2_9-.Ltmp10, $4  }
0xac: {  	[sflag:s26] =	ssyncadd.s32 $0xFFFFC000  }
0xad: {  	[spmem:s1] =	stream.indirect.scatter.add.f32 [tilespmem:s20], [sflag:$0x2], $0x80, s19, s28, $0xb8;
	[tilespmem:$0x1F080] =	vst v63  }
0xae: {  	_ =	swait.ge [sflag:s21], $0x4000  }
0xaf: {  	[sflag:s21] =	ssyncset.done $0x0  }
.Ltmp11:
0xb0: {  	_ = 	snop;
	(pc) =	sbr.rel .LBB2_10-.Ltmp11, $1  }
0xb1: {  	_ =	sdelay $0x3  }
.LBB2_14:
0xb2: {  	_ =	sfence.sel $0x180000  }
0xb3: {  	[bflag:$0x0] =	sbarrier.arrive $0xFFFF  }
0xb4: {  	_ =	strace $0x90000050  }
0xb5: {  	[bflag:$0x2] =	sbarrier.arrive $0xFFFF  }
0xb6: {  	s0 =	rddreg [dreg:$0x2]  }
0xb7: {  	s0 =	sadd.s32 @!p0 $0x100000, s0  }
0xb8: {  	[sflag:s0] =	ssyncadd.tile.s32 @!p0 $0x1;
	_ =	shalt  }
.Lfunc_end2:
_tile_overlayer_lowered:
.L_overlay_start_2:
0xb9: {  	(tag) =	ssettag $0x2  }
0xba: {  	s0 =	rddreg [dreg:$0x0];
	s2 =	stileid.u32  }
0xbb: {  	s1 =	rddreg [dreg:$0x1];
	p0 =	sne.s32 s2, $0x0  }
0xbc: {  	s3 =	rddreg [dreg:$0x2];
	[bflag:$0x3] =	sbarrier.arrive $0xFFFF;
	s2 =	simm.s32 @!p0 $0x1C02  }
0xbd: {  	[timem:s3], [sflag:s2] =	dma.local @!p0 [hbm:s0], s1  }
0xbe: {  	s0 =	simm.s32 @!p0 $0x2  }
0xbf: {  	_ =	swait.ge @!p0 [sflag:s0], s1  }
0xc0: {  	s1 =	ssub.s32 @!p0 $0x0, s1;
	[sflag:s0] =	ssyncset.done @!p0 $0x0  }
0xc1: {  	[sflag:s0] =	ssyncadd.s32 @!p0 s1  }
0xc2: {  	[bflag:$0x3] =	sbarrier.arrive $0xFFFF  }
0xc3: {  	_ =	shalt  }

</sc_bundles>
